<compile_context>
chip_gen: v7x
topology: tpu7x:2x2x1
jax: 0.10.2.dev20260603
libtpu: 0.0.44.dev20260713+nightly
codegen_flags: <defaults>
</compile_context>

<pallas_src>
import functools

import jax
import jax.numpy as jnp
from jax import lax
from jax.experimental import pallas as pl
from jax.experimental.pallas import tpu as pltpu
from jax.experimental.pallas import tpu_sc as plsc

N = 10000
E = 320000
F = 128
H = 128
C = 40
CP = 48

NC = 2
NS = 16

B = 80
CHUNKS = 250
EPT = CHUNKS * B
NPAD = 10112
RPT = NPAD // NS

_MESH = plsc.VectorSubcoreMesh(
    core_axis_name="c", subcore_axis_name="s", num_cores=NC, num_subcores=NS
)
_SC_PARAMS = pltpu.CompilerParams(use_tc_tiling_on_sc=False)


DEG_CHUNKS = CHUNKS // NC


@functools.partial(
    pl.kernel,
    out_type=jax.ShapeDtypeStruct((NC * NPAD,), jnp.float32),
    mesh=_MESH,
    compiler_params=_SC_PARAMS,
    scratch_types=[
        pltpu.VMEM((DEG_CHUNKS, B), jnp.int32),
        pltpu.VMEM((B,), jnp.float32),
        pltpu.VMEM((640,), jnp.float32),
        pltpu.VMEM_SHARED((NPAD,), jnp.float32),
        pltpu.SemaphoreType.DMA,
    ],
)
def _sc_degree(er_hbm, out_hbm, dstb, onesv, zb, acc, dsem):
    c = lax.axis_index("c")
    s = lax.axis_index("s")

    pltpu.sync_copy(er_hbm.at[1, s, pl.ds(c * DEG_CHUNKS, DEG_CHUNKS)], dstb)
    for j in range(640 // 16):
        zb[pl.ds(j * 16, 16)] = jnp.zeros((16,), jnp.float32)
    for j in range(B // 16):
        onesv[pl.ds(j * 16, 16)] = jnp.ones((16,), jnp.float32)

    pltpu.sync_copy(zb.at[pl.ds(0, RPT)], acc.at[pl.ds(s * RPT, RPT)])
    plsc.subcore_barrier()

    def body(i, carry):
        pltpu.async_copy(onesv, acc.at[dstb.at[i]], dsem, add=True)
        return carry

    lax.fori_loop(0, DEG_CHUNKS, body, 0)

    def drain(i, carry):
        pltpu.make_async_copy(onesv, acc.at[dstb.at[i]], dsem).wait()
        return carry

    lax.fori_loop(0, DEG_CHUNKS, drain, 0)
    plsc.subcore_barrier()
    pltpu.sync_copy(acc.at[pl.ds(s * RPT, RPT)], zb.at[pl.ds(0, RPT)])
    pltpu.sync_copy(zb.at[pl.ds(0, RPT)], out_hbm.at[pl.ds(c * NPAD + s * RPT, RPT)])


NBUF = 5
PFD = 4
OUTCH = 4


def _make_prop(fwh):
    @functools.partial(
        pl.kernel,
        out_type=jax.ShapeDtypeStruct((NPAD, 2 * fwh), jnp.float32),
        mesh=_MESH,
        compiler_params=_SC_PARAMS,
        scratch_types=[
            pltpu.VMEM((CHUNKS, B), jnp.int32),
            pltpu.VMEM((CHUNKS, B), jnp.int32),
            [pltpu.VMEM((B, fwh), jnp.float32) for _ in range(NBUF)],
            pltpu.VMEM((RPT // OUTCH, fwh), jnp.float32),
            pltpu.VMEM_SHARED((NPAD, fwh), jnp.float32),
            [pltpu.SemaphoreType.DMA for _ in range(NBUF)],
            [pltpu.SemaphoreType.DMA for _ in range(NBUF)],
            pltpu.SemaphoreType.DMA,
        ],
    )
    def _prop(er_hbm, g_hbm, out_hbm, srcb, dstb, rows, stg, acc,
              gsem, ssem, zsem):
        c = lax.axis_index("c")
        s = lax.axis_index("s")

        pltpu.sync_copy(er_hbm.at[0, s], srcb)
        pltpu.sync_copy(er_hbm.at[1, s], dstb)

        for r in range(8):
            for j in range(fwh // 16):
                stg[r, pl.ds(j * 16, 16)] = jnp.zeros((16,), jnp.float32)

        def zinit(i, carry):
            pltpu.async_copy(
                stg.at[pl.ds(0, 8)], acc.at[pl.ds(s * RPT + i * 8, 8)], zsem
            )
            return carry

        lax.fori_loop(0, RPT // 8, zinit, 0)
        pltpu.make_async_copy(
            out_hbm.at[pl.ds(s * RPT, RPT), pl.ds(c * fwh, fwh)],
            acc.at[pl.ds(s * RPT, RPT)],
            zsem,
        ).wait()
        plsc.subcore_barrier()

        gtab = g_hbm.at[c]

        def _gather_start(i, k):
            pltpu.async_copy(gtab.at[srcb.at[i]], rows[k], gsem[k])

        def _gather_wait(i, k):
            pltpu.make_async_copy(gtab.at[srcb.at[i]], rows[k], gsem[k]).wait()

        def _scat_start(i, k):
            pltpu.async_copy(rows[k], acc.at[dstb.at[i]], ssem[k], add=True)

        def _scat_wait(i, k):
            pltpu.make_async_copy(rows[k], acc.at[dstb.at[i]], ssem[k]).wait()

        for k in range(PFD):
            _gather_start(k, k)

        def body(jj, carry):
            for k in range(NBUF):
                i = jj * NBUF + k
                _gather_wait(i, k)
                _scat_start(i, k)
                kp = (k + PFD) % NBUF
                ip = i + PFD
                if k + PFD < NBUF:
                    @pl.when(jj > 0)
                    def _():
                        _scat_wait(ip - NBUF, kp)
                        _gather_start(ip, kp)

                    @pl.when(jj == 0)
                    def _():
                        _gather_start(ip, kp)
                else:

                    @pl.when(ip < CHUNKS)
                    def _():
                        _scat_wait(ip - NBUF, kp)
                        _gather_start(ip, kp)

            return carry

        lax.fori_loop(0, CHUNKS // NBUF, body, 0)
        for k in range(NBUF):
            i = CHUNKS - NBUF + k
            _scat_wait(i, k)

        plsc.subcore_barrier()
        ocr = RPT // OUTCH
        for j in range(OUTCH):
            r0 = s * RPT + j * ocr
            pltpu.sync_copy(acc.at[pl.ds(r0, ocr)], stg)
            pltpu.sync_copy(
                stg, out_hbm.at[pl.ds(r0, ocr), pl.ds(c * fwh, fwh)]
            )

    return _prop


_prop_h = _make_prop(H // 2)
_prop_c = _make_prop(CP // 2)


RB = 2000
GRID = N // RB


def _tc1_body(degt_ref, x_ref, w_ref, dinv_ref, g_ref):
    deg = degt_ref[:, 0:1] + degt_ref[:, 1:2] + 1.0
    dinv = lax.rsqrt(deg)
    dinv_ref[...] = dinv
    z = dinv * jnp.dot(x_ref[...], w_ref[...], preferred_element_type=jnp.float32)
    g_ref[0] = z[:, : H // 2]
    g_ref[1] = z[:, H // 2 :]


def _tc1(degt, x, w1):
    return pl.pallas_call(
        _tc1_body,
        grid=(GRID,),
        in_specs=[
            pl.BlockSpec((RB, 2), lambda i: (i, 0)),
            pl.BlockSpec((RB, F), lambda i: (i, 0)),
            pl.BlockSpec((F, H), lambda i: (0, 0)),
        ],
        out_specs=[
            pl.BlockSpec((RB, 1), lambda i: (i, 0)),
            pl.BlockSpec((NC, RB, H // 2), lambda i: (0, i, 0)),
        ],
        out_shape=[
            jax.ShapeDtypeStruct((N, 1), jnp.float32),
            jax.ShapeDtypeStruct((NC, N, H // 2), jnp.float32),
        ],
    )(degt, x, w1)


def _tc_mid_body(s_ref, g_ref, dinv_ref, b_ref, w_ref, out_ref):
    fo2 = out_ref.shape[2]
    dinv = dinv_ref[...]
    g = jnp.concatenate([g_ref[0], g_ref[1]], axis=1)
    h = jnp.maximum(dinv * (s_ref[...] + g) + b_ref[...], 0.0)
    z = dinv * jnp.dot(h, w_ref[...], preferred_element_type=jnp.float32)
    out_ref[0] = z[:, :fo2]
    out_ref[1] = z[:, fo2:]


def _tc_mid(s, g, dinv, b, w, fout):
    fin = 2 * g.shape[2]
    return pl.pallas_call(
        _tc_mid_body,
        grid=(GRID,),
        in_specs=[
            pl.BlockSpec((RB, fin), lambda i: (i, 0)),
            pl.BlockSpec((NC, RB, fin // 2), lambda i: (0, i, 0)),
            pl.BlockSpec((RB, 1), lambda i: (i, 0)),
            pl.BlockSpec((1, fin), lambda i: (0, 0)),
            pl.BlockSpec((fin, fout), lambda i: (0, 0)),
        ],
        out_specs=pl.BlockSpec((NC, RB, fout // 2), lambda i: (0, i, 0)),
        out_shape=jax.ShapeDtypeStruct((NC, N, fout // 2), jnp.float32),
    )(s, g, dinv, b, w)


def _tc_out_body(s_ref, g_ref, dinv_ref, b_ref, out_ref):
    g = jnp.concatenate([g_ref[0], g_ref[1]], axis=1)
    o = dinv_ref[...] * (s_ref[...] + g) + b_ref[...]
    col = lax.broadcasted_iota(jnp.int32, (RB, CP), 1)
    o = jnp.where(col < C, o, -jnp.inf)
    m = jnp.max(o, axis=1, keepdims=True)
    e = o - m
    lse = jnp.log(jnp.sum(jnp.exp(e), axis=1, keepdims=True))
    out_ref[...] = (e - lse)[:, :C]


def _tc_out(s, g, dinv, b):
    return pl.pallas_call(
        _tc_out_body,
        grid=(GRID,),
        in_specs=[
            pl.BlockSpec((RB, CP), lambda i: (i, 0)),
            pl.BlockSpec((NC, RB, CP // 2), lambda i: (0, i, 0)),
            pl.BlockSpec((RB, 1), lambda i: (i, 0)),
            pl.BlockSpec((1, CP), lambda i: (0, 0)),
        ],
        out_specs=pl.BlockSpec((RB, C), lambda i: (i, 0)),
        out_shape=jax.ShapeDtypeStruct((N, C), jnp.float32),
    )(s, g, dinv, b)


def kernel(x, edge_index, W1, b1, W2, b2, W3, b3):
    er = edge_index.reshape(2, NS, CHUNKS, B)

    deg = _sc_degree(er).reshape(NC, NPAD)
    degt = jnp.transpose(deg)[:N]

    dinv, g1 = _tc1(degt, x, W1)
    s1 = _prop_h(er, g1)
    g2 = _tc_mid(s1, g1, dinv, b1.reshape(1, H), W2, H)
    s2 = _prop_h(er, g2)
    w3p = jnp.pad(W3, ((0, 0), (0, CP - C)))
    b3p = jnp.pad(b3, (0, CP - C))
    g3 = _tc_mid(s2, g2, dinv, b2.reshape(1, H), w3p, CP)
    s3 = _prop_c(er, g3)
    return _tc_out(s3, g3, dinv, b3p.reshape(1, CP))

# --- scband reference (transcript-rebuilt; emitter-appended) ---
"""Pipeline reference for scband-gcnmodel-51642686767945 (READ-ONLY COPY).

The authoritative reference and input builder live on the scoring server;
editing this copy changes nothing except your own understanding.
"""

import jax, jax.numpy as jnp
import numpy as np


def gcn_conv(x, edge_index, W, b):
    n = x.shape[0]
    loop = jnp.arange(n, dtype=edge_index.dtype)
    src = jnp.concatenate([edge_index[0], loop])
    dst = jnp.concatenate([edge_index[1], loop])
    deg = jnp.zeros((n,), x.dtype).at[dst].add(1.0)
    dinv = jnp.where(deg > 0, jax.lax.rsqrt(deg), 0.0)
    norm = (dinv[src] * dinv[dst])[:, None]
    h = x @ W
    out = jax.ops.segment_sum(h[src] * norm, dst, num_segments=n)
    return out + b


def setup_inputs(seed: int = 0):
    key = jax.random.key(seed)
    ks = jax.random.split(key, 8)
    N, E, F, H, C = 10000, 320000, 128, 128, 40
    x = jax.random.normal(ks[0], (N, F), jnp.float32)
    edge_index = jax.random.randint(ks[1], (2, E), 0, N, jnp.int32)
    W1 = jax.random.normal(ks[2], (F, H), jnp.float32) * 0.05
    b1 = jnp.zeros((H,), jnp.float32)
    W2 = jax.random.normal(ks[3], (H, H), jnp.float32) * 0.05
    b2 = jnp.zeros((H,), jnp.float32)
    W3 = jax.random.normal(ks[4], (H, C), jnp.float32) * 0.05
    b3 = jnp.zeros((C,), jnp.float32)
    return {"x": x, "edge_index": edge_index, "W1": W1, "b1": b1, "W2": W2, "b2": b2, "W3": W3, "b3": b3}


def reference(x, edge_index, W1, b1, W2, b2, W3, b3):
    h = jax.nn.relu(gcn_conv(x, edge_index, W1, b1))
    h = jax.nn.relu(gcn_conv(h, edge_index, W2, b2))
    h = gcn_conv(h, edge_index, W3, b3)
    return jax.nn.log_softmax(h, axis=1)

if __name__ == "__main__":
    import jax
    _d = setup_inputs()
    print(jax.jit(kernel)(*tuple(_d.values())))

</pallas_src>

<mosaic_0001>
#map = affine_map<(d0, d1) -> (0, 0, 0, 0)>
#map1 = affine_map<(d0, d1) -> (0)>
module attributes {stable_mosaic.version = 14 : i64} {
  func.func @_sc_degree(%arg0: i32, %arg1: i32, %arg2: memref<2x16x250x80xi32, #tpu.memory_space<hbm>>, %arg3: memref<20224xf32, #tpu.memory_space<hbm>>, %arg4: memref<125x80xi32, #tpu.memory_space<vmem>>, %arg5: memref<80xf32, #tpu.memory_space<vmem>>, %arg6: memref<640xf32, #tpu.memory_space<vmem>>, %arg7: memref<10112xf32, #tpu.memory_space<vmem_shared>>, %arg8: memref<!tpu.dma_semaphore, #tpu.memory_space<semaphore_mem>>) attributes {dimension_semantics = [#tpu.dimension_semantics<core_parallel>, #tpu.dimension_semantics<subcore_parallel>], iteration_bounds = array<i64: 2, 16>, scalar_prefetch = 0 : i64, scratch_operands = 5 : i64, tpu.core_type = #tpu.core_type<sc_vector_subcore>, window_params = [{transform_indices = #map}, {transform_indices = #map1}]} {
    %mul3A = arith.constant 125 : i32
    %mul3A_0 = arith.muli %arg0, %mul3A : i32
    %run_scoped3A = arith.constant 1 : i32
    "tpu.region"() ({
      %run_scoped3A_289 = tpu.sem_alloc : memref<!tpu.dma_semaphore, #tpu.memory_space<semaphore_mem>>
      %dma_start3A = arith.constant 0 : i32
      %dma_start3A_290 = tpu.memref_slice %arg2[%run_scoped3A, %arg1, %mul3A_0, %dma_start3A] : memref<2x16x250x80xi32, #tpu.memory_space<hbm>> -> memref<1x1x125x80xi32, #tpu.memory_space<hbm>>
      %dma_start3A_291 = tpu.memref_squeeze %dma_start3A_290 : memref<1x1x125x80xi32, #tpu.memory_space<hbm>> -> memref<125x80xi32, #tpu.memory_space<hbm>>
      %dma_start3A_292 = arith.constant 0 : i32
      %dma_start3A_293 = tpu.memref_slice %arg2[%run_scoped3A, %arg1, %mul3A_0, %dma_start3A_292] : memref<2x16x250x80xi32, #tpu.memory_space<hbm>> -> memref<1x1x125x80xi32, #tpu.memory_space<hbm>>
      %dma_start3A_294 = tpu.memref_squeeze %dma_start3A_293 : memref<1x1x125x80xi32, #tpu.memory_space<hbm>> -> memref<125x80xi32, #tpu.memory_space<hbm>>
      tpu.enqueue_dma source(%dma_start3A_294 : memref<125x80xi32, #tpu.memory_space<hbm>>) target(%arg4 : memref<125x80xi32, #tpu.memory_space<vmem>>) target_semaphore(%run_scoped3A_289 : memref<!tpu.dma_semaphore, #tpu.memory_space<semaphore_mem>>)
      %dma_wait3A = arith.constant 0 : i32
      %dma_wait3A_295 = tpu.memref_slice %arg2[%run_scoped3A, %arg1, %mul3A_0, %dma_wait3A] : memref<2x16x250x80xi32, #tpu.memory_space<hbm>> -> memref<1x1x125x80xi32, #tpu.memory_space<hbm>>
      %dma_wait3A_296 = tpu.memref_squeeze %dma_wait3A_295 : memref<1x1x125x80xi32, #tpu.memory_space<hbm>> -> memref<125x80xi32, #tpu.memory_space<hbm>>
      %dma_wait3A_297 = arith.constant 0 : i32
      %dma_wait3A_298 = tpu.memref_slice %arg2[%run_scoped3A, %arg1, %mul3A_0, %dma_wait3A_297] : memref<2x16x250x80xi32, #tpu.memory_space<hbm>> -> memref<1x1x125x80xi32, #tpu.memory_space<hbm>>
      %dma_wait3A_299 = tpu.memref_squeeze %dma_wait3A_298 : memref<1x1x125x80xi32, #tpu.memory_space<hbm>> -> memref<125x80xi32, #tpu.memory_space<hbm>>
      tpu.wait_dma2 semaphore(%run_scoped3A_289 : memref<!tpu.dma_semaphore, #tpu.memory_space<semaphore_mem>>) src(%dma_wait3A_299 : memref<125x80xi32, #tpu.memory_space<hbm>>) dst(%arg4 : memref<125x80xi32, #tpu.memory_space<vmem>>)
      tpu.yield
    }) : () -> ()
    %broadcast_in_dim3A = arith.constant 0.000000e+00 : f32
    %broadcast_in_dim3A_1 = vector.broadcast %broadcast_in_dim3A : f32 to vector<16xf32>
    %swap3A = arith.constant 0 : index
    %swap3A_2 = tpu.vector_load %arg6[%swap3A] {strides = array<i32>} : memref<640xf32, #tpu.memory_space<vmem>>, vector<16xf32>,
    %swap3A_3 = vector.shape_cast %swap3A_2 : vector<16xf32> to vector<16xf32>
    %swap3A_4 = vector.shape_cast %broadcast_in_dim3A_1 : vector<16xf32> to vector<16xf32>
    tpu.vector_store %arg6[%swap3A], %swap3A_4 {strides = array<i32>} : memref<640xf32, #tpu.memory_space<vmem>>, vector<16xf32>,
    %broadcast_in_dim3A_5 = arith.constant 0.000000e+00 : f32
    %broadcast_in_dim3A_6 = vector.broadcast %broadcast_in_dim3A_5 : f32 to vector<16xf32>
    %swap3A_7 = arith.constant 16 : index
    %swap3A_8 = tpu.vector_load %arg6[%swap3A_7] {strides = array<i32>} : memref<640xf32, #tpu.memory_space<vmem>>, vector<16xf32>,
    %swap3A_9 = vector.shape_cast %swap3A_8 : vector<16xf32> to vector<16xf32>
    %swap3A_10 = vector.shape_cast %broadcast_in_dim3A_6 : vector<16xf32> to vector<16xf32>
    tpu.vector_store %arg6[%swap3A_7], %swap3A_10 {strides = array<i32>} : memref<640xf32, #tpu.memory_space<vmem>>, vector<16xf32>,
    %broadcast_in_dim3A_11 = arith.constant 0.000000e+00 : f32
    %broadcast_in_dim3A_12 = vector.broadcast %broadcast_in_dim3A_11 : f32 to vector<16xf32>
    %swap3A_13 = arith.constant 32 : index
    %swap3A_14 = tpu.vector_load %arg6[%swap3A_13] {strides = array<i32>} : memref<640xf32, #tpu.memory_space<vmem>>, vector<16xf32>,
    %swap3A_15 = vector.shape_cast %swap3A_14 : vector<16xf32> to vector<16xf32>
    %swap3A_16 = vector.shape_cast %broadcast_in_dim3A_12 : vector<16xf32> to vector<16xf32>
    tpu.vector_store %arg6[%swap3A_13], %swap3A_16 {strides = array<i32>} : memref<640xf32, #tpu.memory_space<vmem>>, vector<16xf32>,
    %broadcast_in_dim3A_17 = arith.constant 0.000000e+00 : f32
    %broadcast_in_dim3A_18 = vector.broadcast %broadcast_in_dim3A_17 : f32 to vector<16xf32>
    %swap3A_19 = arith.constant 48 : index
    %swap3A_20 = tpu.vector_load %arg6[%swap3A_19] {strides = array<i32>} : memref<640xf32, #tpu.memory_space<vmem>>, vector<16xf32>,
    %swap3A_21 = vector.shape_cast %swap3A_20 : vector<16xf32> to vector<16xf32>
    %swap3A_22 = vector.shape_cast %broadcast_in_dim3A_18 : vector<16xf32> to vector<16xf32>
    tpu.vector_store %arg6[%swap3A_19], %swap3A_22 {strides = array<i32>} : memref<640xf32, #tpu.memory_space<vmem>>, vector<16xf32>,
    %broadcast_in_dim3A_23 = arith.constant 0.000000e+00 : f32
    %broadcast_in_dim3A_24 = vector.broadcast %broadcast_in_dim3A_23 : f32 to vector<16xf32>
    %swap3A_25 = arith.constant 64 : index
    %swap3A_26 = tpu.vector_load %arg6[%swap3A_25] {strides = array<i32>} : memref<640xf32, #tpu.memory_space<vmem>>, vector<16xf32>,
    %swap3A_27 = vector.shape_cast %swap3A_26 : vector<16xf32> to vector<16xf32>
    %swap3A_28 = vector.shape_cast %broadcast_in_dim3A_24 : vector<16xf32> to vector<16xf32>
    tpu.vector_store %arg6[%swap3A_25], %swap3A_28 {strides = array<i32>} : memref<640xf32, #tpu.memory_space<vmem>>, vector<16xf32>,
    %broadcast_in_dim3A_29 = arith.constant 0.000000e+00 : f32
    %broadcast_in_dim3A_30 = vector.broadcast %broadcast_in_dim3A_29 : f32 to vector<16xf32>
    %swap3A_31 = arith.constant 80 : index
    %swap3A_32 = tpu.vector_load %arg6[%swap3A_31] {strides = array<i32>} : memref<640xf32, #tpu.memory_space<vmem>>, vector<16xf32>,
    %swap3A_33 = vector.shape_cast %swap3A_32 : vector<16xf32> to vector<16xf32>
    %swap3A_34 = vector.shape_cast %broadcast_in_dim3A_30 : vector<16xf32> to vector<16xf32>
    tpu.vector_store %arg6[%swap3A_31], %swap3A_34 {strides = array<i32>} : memref<640xf32, #tpu.memory_space<vmem>>, vector<16xf32>,
    %broadcast_in_dim3A_35 = arith.constant 0.000000e+00 : f32
    %broadcast_in_dim3A_36 = vector.broadcast %broadcast_in_dim3A_35 : f32 to vector<16xf32>
    %swap3A_37 = arith.constant 96 : index
    %swap3A_38 = tpu.vector_load %arg6[%swap3A_37] {strides = array<i32>} : memref<640xf32, #tpu.memory_space<vmem>>, vector<16xf32>,
    %swap3A_39 = vector.shape_cast %swap3A_38 : vector<16xf32> to vector<16xf32>
    %swap3A_40 = vector.shape_cast %broadcast_in_dim3A_36 : vector<16xf32> to vector<16xf32>
    tpu.vector_store %arg6[%swap3A_37], %swap3A_40 {strides = array<i32>} : memref<640xf32, #tpu.memory_space<vmem>>, vector<16xf32>,
    %broadcast_in_dim3A_41 = arith.constant 0.000000e+00 : f32
    %broadcast_in_dim3A_42 = vector.broadcast %broadcast_in_dim3A_41 : f32 to vector<16xf32>
    %swap3A_43 = arith.constant 112 : index
    %swap3A_44 = tpu.vector_load %arg6[%swap3A_43] {strides = array<i32>} : memref<640xf32, #tpu.memory_space<vmem>>, vector<16xf32>,
    %swap3A_45 = vector.shape_cast %swap3A_44 : vector<16xf32> to vector<16xf32>
    %swap3A_46 = vector.shape_cast %broadcast_in_dim3A_42 : vector<16xf32> to vector<16xf32>
    tpu.vector_store %arg6[%swap3A_43], %swap3A_46 {strides = array<i32>} : memref<640xf32, #tpu.memory_space<vmem>>, vector<16xf32>,
    %broadcast_in_dim3A_47 = arith.constant 0.000000e+00 : f32
    %broadcast_in_dim3A_48 = vector.broadcast %broadcast_in_dim3A_47 : f32 to vector<16xf32>
    %swap3A_49 = arith.constant 128 : index
    %swap3A_50 = tpu.vector_load %arg6[%swap3A_49] {strides = array<i32>} : memref<640xf32, #tpu.memory_space<vmem>>, vector<16xf32>,
    %swap3A_51 = vector.shape_cast %swap3A_50 : vector<16xf32> to vector<16xf32>
    %swap3A_52 = vector.shape_cast %broadcast_in_dim3A_48 : vector<16xf32> to vector<16xf32>
    tpu.vector_store %arg6[%swap3A_49], %swap3A_52 {strides = array<i32>} : memref<640xf32, #tpu.memory_space<vmem>>, vector<16xf32>,
    %broadcast_in_dim3A_53 = arith.constant 0.000000e+00 : f32
    %broadcast_in_dim3A_54 = vector.broadcast %broadcast_in_dim3A_53 : f32 to vector<16xf32>
    %swap3A_55 = arith.constant 144 : index
    %swap3A_56 = tpu.vector_load %arg6[%swap3A_55] {strides = array<i32>} : memref<640xf32, #tpu.memory_space<vmem>>, vector<16xf32>,
    %swap3A_57 = vector.shape_cast %swap3A_56 : vector<16xf32> to vector<16xf32>
    %swap3A_58 = vector.shape_cast %broadcast_in_dim3A_54 : vector<16xf32> to vector<16xf32>
    tpu.vector_store %arg6[%swap3A_55], %swap3A_58 {strides = array<i32>} : memref<640xf32, #tpu.memory_space<vmem>>, vector<16xf32>,
    %broadcast_in_dim3A_59 = arith.constant 0.000000e+00 : f32
    %broadcast_in_dim3A_60 = vector.broadcast %broadcast_in_dim3A_59 : f32 to vector<16xf32>
    %swap3A_61 = arith.constant 160 : index
    %swap3A_62 = tpu.vector_load %arg6[%swap3A_61] {strides = array<i32>} : memref<640xf32, #tpu.memory_space<vmem>>, vector<16xf32>,
    %swap3A_63 = vector.shape_cast %swap3A_62 : vector<16xf32> to vector<16xf32>
    %swap3A_64 = vector.shape_cast %broadcast_in_dim3A_60 : vector<16xf32> to vector<16xf32>
    tpu.vector_store %arg6[%swap3A_61], %swap3A_64 {strides = array<i32>} : memref<640xf32, #tpu.memory_space<vmem>>, vector<16xf32>,
    %broadcast_in_dim3A_65 = arith.constant 0.000000e+00 : f32
    %broadcast_in_dim3A_66 = vector.broadcast %broadcast_in_dim3A_65 : f32 to vector<16xf32>
    %swap3A_67 = arith.constant 176 : index
    %swap3A_68 = tpu.vector_load %arg6[%swap3A_67] {strides = array<i32>} : memref<640xf32, #tpu.memory_space<vmem>>, vector<16xf32>,
    %swap3A_69 = vector.shape_cast %swap3A_68 : vector<16xf32> to vector<16xf32>
    %swap3A_70 = vector.shape_cast %broadcast_in_dim3A_66 : vector<16xf32> to vector<16xf32>
    tpu.vector_store %arg6[%swap3A_67], %swap3A_70 {strides = array<i32>} : memref<640xf32, #tpu.memory_space<vmem>>, vector<16xf32>,
    %broadcast_in_dim3A_71 = arith.constant 0.000000e+00 : f32
    %broadcast_in_dim3A_72 = vector.broadcast %broadcast_in_dim3A_71 : f32 to vector<16xf32>
    %swap3A_73 = arith.constant 192 : index
    %swap3A_74 = tpu.vector_load %arg6[%swap3A_73] {strides = array<i32>} : memref<640xf32, #tpu.memory_space<vmem>>, vector<16xf32>,
    %swap3A_75 = vector.shape_cast %swap3A_74 : vector<16xf32> to vector<16xf32>
    %swap3A_76 = vector.shape_cast %broadcast_in_dim3A_72 : vector<16xf32> to vector<16xf32>
    tpu.vector_store %arg6[%swap3A_73], %swap3A_76 {strides = array<i32>} : memref<640xf32, #tpu.memory_space<vmem>>, vector<16xf32>,
    %broadcast_in_dim3A_77 = arith.constant 0.000000e+00 : f32
    %broadcast_in_dim3A_78 = vector.broadcast %broadcast_in_dim3A_77 : f32 to vector<16xf32>
    %swap3A_79 = arith.constant 208 : index
    %swap3A_80 = tpu.vector_load %arg6[%swap3A_79] {strides = array<i32>} : memref<640xf32, #tpu.memory_space<vmem>>, vector<16xf32>,
    %swap3A_81 = vector.shape_cast %swap3A_80 : vector<16xf32> to vector<16xf32>
    %swap3A_82 = vector.shape_cast %broadcast_in_dim3A_78 : vector<16xf32> to vector<16xf32>
    tpu.vector_store %arg6[%swap3A_79], %swap3A_82 {strides = array<i32>} : memref<640xf32, #tpu.memory_space<vmem>>, vector<16xf32>,
    %broadcast_in_dim3A_83 = arith.constant 0.000000e+00 : f32
    %broadcast_in_dim3A_84 = vector.broadcast %broadcast_in_dim3A_83 : f32 to vector<16xf32>
    %swap3A_85 = arith.constant 224 : index
    %swap3A_86 = tpu.vector_load %arg6[%swap3A_85] {strides = array<i32>} : memref<640xf32, #tpu.memory_space<vmem>>, vector<16xf32>,
    %swap3A_87 = vector.shape_cast %swap3A_86 : vector<16xf32> to vector<16xf32>
    %swap3A_88 = vector.shape_cast %broadcast_in_dim3A_84 : vector<16xf32> to vector<16xf32>
    tpu.vector_store %arg6[%swap3A_85], %swap3A_88 {strides = array<i32>} : memref<640xf32, #tpu.memory_space<vmem>>, vector<16xf32>,
    %broadcast_in_dim3A_89 = arith.constant 0.000000e+00 : f32
    %broadcast_in_dim3A_90 = vector.broadcast %broadcast_in_dim3A_89 : f32 to vector<16xf32>
    %swap3A_91 = arith.constant 240 : index
    %swap3A_92 = tpu.vector_load %arg6[%swap3A_91] {strides = array<i32>} : memref<640xf32, #tpu.memory_space<vmem>>, vector<16xf32>,
    %swap3A_93 = vector.shape_cast %swap3A_92 : vector<16xf32> to vector<16xf32>
    %swap3A_94 = vector.shape_cast %broadcast_in_dim3A_90 : vector<16xf32> to vector<16xf32>
    tpu.vector_store %arg6[%swap3A_91], %swap3A_94 {strides = array<i32>} : memref<640xf32, #tpu.memory_space<vmem>>, vector<16xf32>,
    %broadcast_in_dim3A_95 = arith.constant 0.000000e+00 : f32
    %broadcast_in_dim3A_96 = vector.broadcast %broadcast_in_dim3A_95 : f32 to vector<16xf32>
    %swap3A_97 = arith.constant 256 : index
    %swap3A_98 = tpu.vector_load %arg6[%swap3A_97] {strides = array<i32>} : memref<640xf32, #tpu.memory_space<vmem>>, vector<16xf32>,
    %swap3A_99 = vector.shape_cast %swap3A_98 : vector<16xf32> to vector<16xf32>
    %swap3A_100 = vector.shape_cast %broadcast_in_dim3A_96 : vector<16xf32> to vector<16xf32>
    tpu.vector_store %arg6[%swap3A_97], %swap3A_100 {strides = array<i32>} : memref<640xf32, #tpu.memory_space<vmem>>, vector<16xf32>,
    %broadcast_in_dim3A_101 = arith.constant 0.000000e+00 : f32
    %broadcast_in_dim3A_102 = vector.broadcast %broadcast_in_dim3A_101 : f32 to vector<16xf32>
    %swap3A_103 = arith.constant 272 : index
    %swap3A_104 = tpu.vector_load %arg6[%swap3A_103] {strides = array<i32>} : memref<640xf32, #tpu.memory_space<vmem>>, vector<16xf32>,
    %swap3A_105 = vector.shape_cast %swap3A_104 : vector<16xf32> to vector<16xf32>
    %swap3A_106 = vector.shape_cast %broadcast_in_dim3A_102 : vector<16xf32> to vector<16xf32>
    tpu.vector_store %arg6[%swap3A_103], %swap3A_106 {strides = array<i32>} : memref<640xf32, #tpu.memory_space<vmem>>, vector<16xf32>,
    %broadcast_in_dim3A_107 = arith.constant 0.000000e+00 : f32
    %broadcast_in_dim3A_108 = vector.broadcast %broadcast_in_dim3A_107 : f32 to vector<16xf32>
    %swap3A_109 = arith.constant 288 : index
    %swap3A_110 = tpu.vector_load %arg6[%swap3A_109] {strides = array<i32>} : memref<640xf32, #tpu.memory_space<vmem>>, vector<16xf32>,
    %swap3A_111 = vector.shape_cast %swap3A_110 : vector<16xf32> to vector<16xf32>
    %swap3A_112 = vector.shape_cast %broadcast_in_dim3A_108 : vector<16xf32> to vector<16xf32>
    tpu.vector_store %arg6[%swap3A_109], %swap3A_112 {strides = array<i32>} : memref<640xf32, #tpu.memory_space<vmem>>, vector<16xf32>,
    %broadcast_in_dim3A_113 = arith.constant 0.000000e+00 : f32
    %broadcast_in_dim3A_114 = vector.broadcast %broadcast_in_dim3A_113 : f32 to vector<16xf32>
    %swap3A_115 = arith.constant 304 : index
    %swap3A_116 = tpu.vector_load %arg6[%swap3A_115] {strides = array<i32>} : memref<640xf32, #tpu.memory_space<vmem>>, vector<16xf32>,
    %swap3A_117 = vector.shape_cast %swap3A_116 : vector<16xf32> to vector<16xf32>
    %swap3A_118 = vector.shape_cast %broadcast_in_dim3A_114 : vector<16xf32> to vector<16xf32>
    tpu.vector_store %arg6[%swap3A_115], %swap3A_118 {strides = array<i32>} : memref<640xf32, #tpu.memory_space<vmem>>, vector<16xf32>,
    %broadcast_in_dim3A_119 = arith.constant 0.000000e+00 : f32
    %broadcast_in_dim3A_120 = vector.broadcast %broadcast_in_dim3A_119 : f32 to vector<16xf32>
    %swap3A_121 = arith.constant 320 : index
    %swap3A_122 = tpu.vector_load %arg6[%swap3A_121] {strides = array<i32>} : memref<640xf32, #tpu.memory_space<vmem>>, vector<16xf32>,
    %swap3A_123 = vector.shape_cast %swap3A_122 : vector<16xf32> to vector<16xf32>
    %swap3A_124 = vector.shape_cast %broadcast_in_dim3A_120 : vector<16xf32> to vector<16xf32>
    tpu.vector_store %arg6[%swap3A_121], %swap3A_124 {strides = array<i32>} : memref<640xf32, #tpu.memory_space<vmem>>, vector<16xf32>,
    %broadcast_in_dim3A_125 = arith.constant 0.000000e+00 : f32
    %broadcast_in_dim3A_126 = vector.broadcast %broadcast_in_dim3A_125 : f32 to vector<16xf32>
    %swap3A_127 = arith.constant 336 : index
    %swap3A_128 = tpu.vector_load %arg6[%swap3A_127] {strides = array<i32>} : memref<640xf32, #tpu.memory_space<vmem>>, vector<16xf32>,
    %swap3A_129 = vector.shape_cast %swap3A_128 : vector<16xf32> to vector<16xf32>
    %swap3A_130 = vector.shape_cast %broadcast_in_dim3A_126 : vector<16xf32> to vector<16xf32>
    tpu.vector_store %arg6[%swap3A_127], %swap3A_130 {strides = array<i32>} : memref<640xf32, #tpu.memory_space<vmem>>, vector<16xf32>,
    %broadcast_in_dim3A_131 = arith.constant 0.000000e+00 : f32
    %broadcast_in_dim3A_132 = vector.broadcast %broadcast_in_dim3A_131 : f32 to vector<16xf32>
    %swap3A_133 = arith.constant 352 : index
    %swap3A_134 = tpu.vector_load %arg6[%swap3A_133] {strides = array<i32>} : memref<640xf32, #tpu.memory_space<vmem>>, vector<16xf32>,
    %swap3A_135 = vector.shape_cast %swap3A_134 : vector<16xf32> to vector<16xf32>
    %swap3A_136 = vector.shape_cast %broadcast_in_dim3A_132 : vector<16xf32> to vector<16xf32>
    tpu.vector_store %arg6[%swap3A_133], %swap3A_136 {strides = array<i32>} : memref<640xf32, #tpu.memory_space<vmem>>, vector<16xf32>,
    %broadcast_in_dim3A_137 = arith.constant 0.000000e+00 : f32
    %broadcast_in_dim3A_138 = vector.broadcast %broadcast_in_dim3A_137 : f32 to vector<16xf32>
    %swap3A_139 = arith.constant 368 : index
    %swap3A_140 = tpu.vector_load %arg6[%swap3A_139] {strides = array<i32>} : memref<640xf32, #tpu.memory_space<vmem>>, vector<16xf32>,
    %swap3A_141 = vector.shape_cast %swap3A_140 : vector<16xf32> to vector<16xf32>
    %swap3A_142 = vector.shape_cast %broadcast_in_dim3A_138 : vector<16xf32> to vector<16xf32>
    tpu.vector_store %arg6[%swap3A_139], %swap3A_142 {strides = array<i32>} : memref<640xf32, #tpu.memory_space<vmem>>, vector<16xf32>,
    %broadcast_in_dim3A_143 = arith.constant 0.000000e+00 : f32
    %broadcast_in_dim3A_144 = vector.broadcast %broadcast_in_dim3A_143 : f32 to vector<16xf32>
    %swap3A_145 = arith.constant 384 : index
    %swap3A_146 = tpu.vector_load %arg6[%swap3A_145] {strides = array<i32>} : memref<640xf32, #tpu.memory_space<vmem>>, vector<16xf32>,
    %swap3A_147 = vector.shape_cast %swap3A_146 : vector<16xf32> to vector<16xf32>
    %swap3A_148 = vector.shape_cast %broadcast_in_dim3A_144 : vector<16xf32> to vector<16xf32>
    tpu.vector_store %arg6[%swap3A_145], %swap3A_148 {strides = array<i32>} : memref<640xf32, #tpu.memory_space<vmem>>, vector<16xf32>,
    %broadcast_in_dim3A_149 = arith.constant 0.000000e+00 : f32
    %broadcast_in_dim3A_150 = vector.broadcast %broadcast_in_dim3A_149 : f32 to vector<16xf32>
    %swap3A_151 = arith.constant 400 : index
    %swap3A_152 = tpu.vector_load %arg6[%swap3A_151] {strides = array<i32>} : memref<640xf32, #tpu.memory_space<vmem>>, vector<16xf32>,
    %swap3A_153 = vector.shape_cast %swap3A_152 : vector<16xf32> to vector<16xf32>
    %swap3A_154 = vector.shape_cast %broadcast_in_dim3A_150 : vector<16xf32> to vector<16xf32>
    tpu.vector_store %arg6[%swap3A_151], %swap3A_154 {strides = array<i32>} : memref<640xf32, #tpu.memory_space<vmem>>, vector<16xf32>,
    %broadcast_in_dim3A_155 = arith.constant 0.000000e+00 : f32
    %broadcast_in_dim3A_156 = vector.broadcast %broadcast_in_dim3A_155 : f32 to vector<16xf32>
    %swap3A_157 = arith.constant 416 : index
    %swap3A_158 = tpu.vector_load %arg6[%swap3A_157] {strides = array<i32>} : memref<640xf32, #tpu.memory_space<vmem>>, vector<16xf32>,
    %swap3A_159 = vector.shape_cast %swap3A_158 : vector<16xf32> to vector<16xf32>
    %swap3A_160 = vector.shape_cast %broadcast_in_dim3A_156 : vector<16xf32> to vector<16xf32>
    tpu.vector_store %arg6[%swap3A_157], %swap3A_160 {strides = array<i32>} : memref<640xf32, #tpu.memory_space<vmem>>, vector<16xf32>,
    %broadcast_in_dim3A_161 = arith.constant 0.000000e+00 : f32
    %broadcast_in_dim3A_162 = vector.broadcast %broadcast_in_dim3A_161 : f32 to vector<16xf32>
    %swap3A_163 = arith.constant 432 : index
    %swap3A_164 = tpu.vector_load %arg6[%swap3A_163] {strides = array<i32>} : memref<640xf32, #tpu.memory_space<vmem>>, vector<16xf32>,
    %swap3A_165 = vector.shape_cast %swap3A_164 : vector<16xf32> to vector<16xf32>
    %swap3A_166 = vector.shape_cast %broadcast_in_dim3A_162 : vector<16xf32> to vector<16xf32>
    tpu.vector_store %arg6[%swap3A_163], %swap3A_166 {strides = array<i32>} : memref<640xf32, #tpu.memory_space<vmem>>, vector<16xf32>,
    %broadcast_in_dim3A_167 = arith.constant 0.000000e+00 : f32
    %broadcast_in_dim3A_168 = vector.broadcast %broadcast_in_dim3A_167 : f32 to vector<16xf32>
    %swap3A_169 = arith.constant 448 : index
    %swap3A_170 = tpu.vector_load %arg6[%swap3A_169] {strides = array<i32>} : memref<640xf32, #tpu.memory_space<vmem>>, vector<16xf32>,
    %swap3A_171 = vector.shape_cast %swap3A_170 : vector<16xf32> to vector<16xf32>
    %swap3A_172 = vector.shape_cast %broadcast_in_dim3A_168 : vector<16xf32> to vector<16xf32>
    tpu.vector_store %arg6[%swap3A_169], %swap3A_172 {strides = array<i32>} : memref<640xf32, #tpu.memory_space<vmem>>, vector<16xf32>,
    %broadcast_in_dim3A_173 = arith.constant 0.000000e+00 : f32
    %broadcast_in_dim3A_174 = vector.broadcast %broadcast_in_dim3A_173 : f32 to vector<16xf32>
    %swap3A_175 = arith.constant 464 : index
    %swap3A_176 = tpu.vector_load %arg6[%swap3A_175] {strides = array<i32>} : memref<640xf32, #tpu.memory_space<vmem>>, vector<16xf32>,
    %swap3A_177 = vector.shape_cast %swap3A_176 : vector<16xf32> to vector<16xf32>
    %swap3A_178 = vector.shape_cast %broadcast_in_dim3A_174 : vector<16xf32> to vector<16xf32>
    tpu.vector_store %arg6[%swap3A_175], %swap3A_178 {strides = array<i32>} : memref<640xf32, #tpu.memory_space<vmem>>, vector<16xf32>,
    %broadcast_in_dim3A_179 = arith.constant 0.000000e+00 : f32
    %broadcast_in_dim3A_180 = vector.broadcast %broadcast_in_dim3A_179 : f32 to vector<16xf32>
    %swap3A_181 = arith.constant 480 : index
    %swap3A_182 = tpu.vector_load %arg6[%swap3A_181] {strides = array<i32>} : memref<640xf32, #tpu.memory_space<vmem>>, vector<16xf32>,
    %swap3A_183 = vector.shape_cast %swap3A_182 : vector<16xf32> to vector<16xf32>
    %swap3A_184 = vector.shape_cast %broadcast_in_dim3A_180 : vector<16xf32> to vector<16xf32>
    tpu.vector_store %arg6[%swap3A_181], %swap3A_184 {strides = array<i32>} : memref<640xf32, #tpu.memory_space<vmem>>, vector<16xf32>,
    %broadcast_in_dim3A_185 = arith.constant 0.000000e+00 : f32
    %broadcast_in_dim3A_186 = vector.broadcast %broadcast_in_dim3A_185 : f32 to vector<16xf32>
    %swap3A_187 = arith.constant 496 : index
    %swap3A_188 = tpu.vector_load %arg6[%swap3A_187] {strides = array<i32>} : memref<640xf32, #tpu.memory_space<vmem>>, vector<16xf32>,
    %swap3A_189 = vector.shape_cast %swap3A_188 : vector<16xf32> to vector<16xf32>
    %swap3A_190 = vector.shape_cast %broadcast_in_dim3A_186 : vector<16xf32> to vector<16xf32>
    tpu.vector_store %arg6[%swap3A_187], %swap3A_190 {strides = array<i32>} : memref<640xf32, #tpu.memory_space<vmem>>, vector<16xf32>,
    %broadcast_in_dim3A_191 = arith.constant 0.000000e+00 : f32
    %broadcast_in_dim3A_192 = vector.broadcast %broadcast_in_dim3A_191 : f32 to vector<16xf32>
    %swap3A_193 = arith.constant 512 : index
    %swap3A_194 = tpu.vector_load %arg6[%swap3A_193] {strides = array<i32>} : memref<640xf32, #tpu.memory_space<vmem>>, vector<16xf32>,
    %swap3A_195 = vector.shape_cast %swap3A_194 : vector<16xf32> to vector<16xf32>
    %swap3A_196 = vector.shape_cast %broadcast_in_dim3A_192 : vector<16xf32> to vector<16xf32>
    tpu.vector_store %arg6[%swap3A_193], %swap3A_196 {strides = array<i32>} : memref<640xf32, #tpu.memory_space<vmem>>, vector<16xf32>,
    %broadcast_in_dim3A_197 = arith.constant 0.000000e+00 : f32
    %broadcast_in_dim3A_198 = vector.broadcast %broadcast_in_dim3A_197 : f32 to vector<16xf32>
    %swap3A_199 = arith.constant 528 : index
    %swap3A_200 = tpu.vector_load %arg6[%swap3A_199] {strides = array<i32>} : memref<640xf32, #tpu.memory_space<vmem>>, vector<16xf32>,
    %swap3A_201 = vector.shape_cast %swap3A_200 : vector<16xf32> to vector<16xf32>
    %swap3A_202 = vector.shape_cast %broadcast_in_dim3A_198 : vector<16xf32> to vector<16xf32>
    tpu.vector_store %arg6[%swap3A_199], %swap3A_202 {strides = array<i32>} : memref<640xf32, #tpu.memory_space<vmem>>, vector<16xf32>,
    %broadcast_in_dim3A_203 = arith.constant 0.000000e+00 : f32
    %broadcast_in_dim3A_204 = vector.broadcast %broadcast_in_dim3A_203 : f32 to vector<16xf32>
    %swap3A_205 = arith.constant 544 : index
    %swap3A_206 = tpu.vector_load %arg6[%swap3A_205] {strides = array<i32>} : memref<640xf32, #tpu.memory_space<vmem>>, vector<16xf32>,
    %swap3A_207 = vector.shape_cast %swap3A_206 : vector<16xf32> to vector<16xf32>
    %swap3A_208 = vector.shape_cast %broadcast_in_dim3A_204 : vector<16xf32> to vector<16xf32>
    tpu.vector_store %arg6[%swap3A_205], %swap3A_208 {strides = array<i32>} : memref<640xf32, #tpu.memory_space<vmem>>, vector<16xf32>,
    %broadcast_in_dim3A_209 = arith.constant 0.000000e+00 : f32
    %broadcast_in_dim3A_210 = vector.broadcast %broadcast_in_dim3A_209 : f32 to vector<16xf32>
    %swap3A_211 = arith.constant 560 : index
    %swap3A_212 = tpu.vector_load %arg6[%swap3A_211] {strides = array<i32>} : memref<640xf32, #tpu.memory_space<vmem>>, vector<16xf32>,
    %swap3A_213 = vector.shape_cast %swap3A_212 : vector<16xf32> to vector<16xf32>
    %swap3A_214 = vector.shape_cast %broadcast_in_dim3A_210 : vector<16xf32> to vector<16xf32>
    tpu.vector_store %arg6[%swap3A_211], %swap3A_214 {strides = array<i32>} : memref<640xf32, #tpu.memory_space<vmem>>, vector<16xf32>,
    %broadcast_in_dim3A_215 = arith.constant 0.000000e+00 : f32
    %broadcast_in_dim3A_216 = vector.broadcast %broadcast_in_dim3A_215 : f32 to vector<16xf32>
    %swap3A_217 = arith.constant 576 : index
    %swap3A_218 = tpu.vector_load %arg6[%swap3A_217] {strides = array<i32>} : memref<640xf32, #tpu.memory_space<vmem>>, vector<16xf32>,
    %swap3A_219 = vector.shape_cast %swap3A_218 : vector<16xf32> to vector<16xf32>
    %swap3A_220 = vector.shape_cast %broadcast_in_dim3A_216 : vector<16xf32> to vector<16xf32>
    tpu.vector_store %arg6[%swap3A_217], %swap3A_220 {strides = array<i32>} : memref<640xf32, #tpu.memory_space<vmem>>, vector<16xf32>,
    %broadcast_in_dim3A_221 = arith.constant 0.000000e+00 : f32
    %broadcast_in_dim3A_222 = vector.broadcast %broadcast_in_dim3A_221 : f32 to vector<16xf32>
    %swap3A_223 = arith.constant 592 : index
    %swap3A_224 = tpu.vector_load %arg6[%swap3A_223] {strides = array<i32>} : memref<640xf32, #tpu.memory_space<vmem>>, vector<16xf32>,
    %swap3A_225 = vector.shape_cast %swap3A_224 : vector<16xf32> to vector<16xf32>
    %swap3A_226 = vector.shape_cast %broadcast_in_dim3A_222 : vector<16xf32> to vector<16xf32>
    tpu.vector_store %arg6[%swap3A_223], %swap3A_226 {strides = array<i32>} : memref<640xf32, #tpu.memory_space<vmem>>, vector<16xf32>,
    %broadcast_in_dim3A_227 = arith.constant 0.000000e+00 : f32
    %broadcast_in_dim3A_228 = vector.broadcast %broadcast_in_dim3A_227 : f32 to vector<16xf32>
    %swap3A_229 = arith.constant 608 : index
    %swap3A_230 = tpu.vector_load %arg6[%swap3A_229] {strides = array<i32>} : memref<640xf32, #tpu.memory_space<vmem>>, vector<16xf32>,
    %swap3A_231 = vector.shape_cast %swap3A_230 : vector<16xf32> to vector<16xf32>
    %swap3A_232 = vector.shape_cast %broadcast_in_dim3A_228 : vector<16xf32> to vector<16xf32>
    tpu.vector_store %arg6[%swap3A_229], %swap3A_232 {strides = array<i32>} : memref<640xf32, #tpu.memory_space<vmem>>, vector<16xf32>,
    %broadcast_in_dim3A_233 = arith.constant 0.000000e+00 : f32
    %broadcast_in_dim3A_234 = vector.broadcast %broadcast_in_dim3A_233 : f32 to vector<16xf32>
    %swap3A_235 = arith.constant 624 : index
    %swap3A_236 = tpu.vector_load %arg6[%swap3A_235] {strides = array<i32>} : memref<640xf32, #tpu.memory_space<vmem>>, vector<16xf32>,
    %swap3A_237 = vector.shape_cast %swap3A_236 : vector<16xf32> to vector<16xf32>
    %swap3A_238 = vector.shape_cast %broadcast_in_dim3A_234 : vector<16xf32> to vector<16xf32>
    tpu.vector_store %arg6[%swap3A_235], %swap3A_238 {strides = array<i32>} : memref<640xf32, #tpu.memory_space<vmem>>, vector<16xf32>,
    %broadcast_in_dim3A_239 = arith.constant 1.000000e+00 : f32
    %broadcast_in_dim3A_240 = vector.broadcast %broadcast_in_dim3A_239 : f32 to vector<16xf32>
    %swap3A_241 = arith.constant 0 : index
    %swap3A_242 = tpu.vector_load %arg5[%swap3A_241] {strides = array<i32>} : memref<80xf32, #tpu.memory_space<vmem>>, vector<16xf32>,
    %swap3A_243 = vector.shape_cast %swap3A_242 : vector<16xf32> to vector<16xf32>
    %swap3A_244 = vector.shape_cast %broadcast_in_dim3A_240 : vector<16xf32> to vector<16xf32>
    tpu.vector_store %arg5[%swap3A_241], %swap3A_244 {strides = array<i32>} : memref<80xf32, #tpu.memory_space<vmem>>, vector<16xf32>,
    %broadcast_in_dim3A_245 = arith.constant 1.000000e+00 : f32
    %broadcast_in_dim3A_246 = vector.broadcast %broadcast_in_dim3A_245 : f32 to vector<16xf32>
    %swap3A_247 = arith.constant 16 : index
    %swap3A_248 = tpu.vector_load %arg5[%swap3A_247] {strides = array<i32>} : memref<80xf32, #tpu.memory_space<vmem>>, vector<16xf32>,
    %swap3A_249 = vector.shape_cast %swap3A_248 : vector<16xf32> to vector<16xf32>
    %swap3A_250 = vector.shape_cast %broadcast_in_dim3A_246 : vector<16xf32> to vector<16xf32>
    tpu.vector_store %arg5[%swap3A_247], %swap3A_250 {strides = array<i32>} : memref<80xf32, #tpu.memory_space<vmem>>, vector<16xf32>,
    %broadcast_in_dim3A_251 = arith.constant 1.000000e+00 : f32
    %broadcast_in_dim3A_252 = vector.broadcast %broadcast_in_dim3A_251 : f32 to vector<16xf32>
    %swap3A_253 = arith.constant 32 : index
    %swap3A_254 = tpu.vector_load %arg5[%swap3A_253] {strides = array<i32>} : memref<80xf32, #tpu.memory_space<vmem>>, vector<16xf32>,
    %swap3A_255 = vector.shape_cast %swap3A_254 : vector<16xf32> to vector<16xf32>
    %swap3A_256 = vector.shape_cast %broadcast_in_dim3A_252 : vector<16xf32> to vector<16xf32>
    tpu.vector_store %arg5[%swap3A_253], %swap3A_256 {strides = array<i32>} : memref<80xf32, #tpu.memory_space<vmem>>, vector<16xf32>,
    %broadcast_in_dim3A_257 = arith.constant 1.000000e+00 : f32
    %broadcast_in_dim3A_258 = vector.broadcast %broadcast_in_dim3A_257 : f32 to vector<16xf32>
    %swap3A_259 = arith.constant 48 : index
    %swap3A_260 = tpu.vector_load %arg5[%swap3A_259] {strides = array<i32>} : memref<80xf32, #tpu.memory_space<vmem>>, vector<16xf32>,
    %swap3A_261 = vector.shape_cast %swap3A_260 : vector<16xf32> to vector<16xf32>
    %swap3A_262 = vector.shape_cast %broadcast_in_dim3A_258 : vector<16xf32> to vector<16xf32>
    tpu.vector_store %arg5[%swap3A_259], %swap3A_262 {strides = array<i32>} : memref<80xf32, #tpu.memory_space<vmem>>, vector<16xf32>,
    %broadcast_in_dim3A_263 = arith.constant 1.000000e+00 : f32
    %broadcast_in_dim3A_264 = vector.broadcast %broadcast_in_dim3A_263 : f32 to vector<16xf32>
    %swap3A_265 = arith.constant 64 : index
    %swap3A_266 = tpu.vector_load %arg5[%swap3A_265] {strides = array<i32>} : memref<80xf32, #tpu.memory_space<vmem>>, vector<16xf32>,
    %swap3A_267 = vector.shape_cast %swap3A_266 : vector<16xf32> to vector<16xf32>
    %swap3A_268 = vector.shape_cast %broadcast_in_dim3A_264 : vector<16xf32> to vector<16xf32>
    tpu.vector_store %arg5[%swap3A_265], %swap3A_268 {strides = array<i32>} : memref<80xf32, #tpu.memory_space<vmem>>, vector<16xf32>,
    %mul3A_269 = arith.constant 632 : i32
    %mul3A_270 = arith.muli %arg1, %mul3A_269 : i32
    "tpu.region"() ({
      %run_scoped3A_289 = tpu.sem_alloc : memref<!tpu.dma_semaphore, #tpu.memory_space<semaphore_mem>>
      %dma_start3A = arith.constant 0 : i32
      %dma_start3A_290 = tpu.memref_slice %arg6[%dma_start3A] : memref<640xf32, #tpu.memory_space<vmem>> -> memref<632xf32, #tpu.memory_space<vmem>>
      %dma_start3A_291 = tpu.memref_slice %arg7[%mul3A_270] : memref<10112xf32, #tpu.memory_space<vmem_shared>> -> memref<632xf32, #tpu.memory_space<vmem_shared>>
      %dma_start3A_292 = tpu.memref_slice %arg7[%mul3A_270] : memref<10112xf32, #tpu.memory_space<vmem_shared>> -> memref<632xf32, #tpu.memory_space<vmem_shared>>
      %dma_start3A_293 = arith.constant 0 : i32
      %dma_start3A_294 = tpu.memref_slice %arg6[%dma_start3A_293] : memref<640xf32, #tpu.memory_space<vmem>> -> memref<632xf32, #tpu.memory_space<vmem>>
      tpu.enqueue_dma source(%dma_start3A_294 : memref<632xf32, #tpu.memory_space<vmem>>) target(%dma_start3A_292 : memref<632xf32, #tpu.memory_space<vmem_shared>>) target_semaphore(%run_scoped3A_289 : memref<!tpu.dma_semaphore, #tpu.memory_space<semaphore_mem>>)
      %dma_wait3A = arith.constant 0 : i32
      %dma_wait3A_295 = tpu.memref_slice %arg6[%dma_wait3A] : memref<640xf32, #tpu.memory_space<vmem>> -> memref<632xf32, #tpu.memory_space<vmem>>
      %dma_wait3A_296 = tpu.memref_slice %arg7[%mul3A_270] : memref<10112xf32, #tpu.memory_space<vmem_shared>> -> memref<632xf32, #tpu.memory_space<vmem_shared>>
      %dma_wait3A_297 = tpu.memref_slice %arg7[%mul3A_270] : memref<10112xf32, #tpu.memory_space<vmem_shared>> -> memref<632xf32, #tpu.memory_space<vmem_shared>>
      %dma_wait3A_298 = arith.constant 0 : i32
      %dma_wait3A_299 = tpu.memref_slice %arg6[%dma_wait3A_298] : memref<640xf32, #tpu.memory_space<vmem>> -> memref<632xf32, #tpu.memory_space<vmem>>
      tpu.wait_dma2 semaphore(%run_scoped3A_289 : memref<!tpu.dma_semaphore, #tpu.memory_space<semaphore_mem>>) src(%dma_wait3A_299 : memref<632xf32, #tpu.memory_space<vmem>>) dst(%dma_wait3A_297 : memref<632xf32, #tpu.memory_space<vmem_shared>>)
      tpu.yield
    }) : () -> ()
    %barrier3A = arith.constant 0 : index
    tpu.barrier barrier_id(%barrier3A)
    %scan3A = arith.constant 0 : i32
    %scan3A_271 = arith.constant 0 : i32
    %scan3A_272 = arith.constant 125 : i32
    %scan3A_273 = arith.addi %scan3A_271, %scan3A_272 : i32
    %scan3A_274 = arith.constant 1 : i32
    scf.for %scan3A_289 = %scan3A_271 to %scan3A_273 step %scan3A_274  : i32 {
      %dma_start3A = arith.constant 0 : i32
      %dma_start3A_290 = tpu.memref_slice %arg4[%scan3A_289, %dma_start3A] : memref<125x80xi32, #tpu.memory_space<vmem>> -> memref<1x80xi32, #tpu.memory_space<vmem>>
      %dma_start3A_291 = tpu.memref_squeeze %dma_start3A_290 : memref<1x80xi32, #tpu.memory_space<vmem>> -> memref<80xi32, #tpu.memory_space<vmem>>
      %dma_start3A_292 = arith.constant 0 : i32
      %dma_start3A_293 = tpu.memref_slice %arg7[%dma_start3A_292] : memref<10112xf32, #tpu.memory_space<vmem_shared>> -> memref<10112xf32, #tpu.memory_space<vmem_shared>>
      tpu.enqueue_indirect_dma source(%arg5 : memref<80xf32, #tpu.memory_space<vmem>>) target(%dma_start3A_293 : memref<10112xf32, #tpu.memory_space<vmem_shared>>) offsets(%dma_start3A_291 : memref<80xi32, #tpu.memory_space<vmem>>) semaphore(%arg8 : memref<!tpu.dma_semaphore, #tpu.memory_space<semaphore_mem>>) {add = true}
    }
    %scan3A_275 = arith.constant 125 : i32
    %scan3A_276 = arith.constant 0 : i32
    %scan3A_277 = arith.constant 0 : i32
    %scan3A_278 = arith.constant 125 : i32
    %scan3A_279 = arith.addi %scan3A_277, %scan3A_278 : i32
    %scan3A_280 = arith.constant 1 : i32
    scf.for %scan3A_289 = %scan3A_277 to %scan3A_279 step %scan3A_280  : i32 {
      %dma_wait3A = arith.constant 0 : i32
      %dma_wait3A_290 = tpu.memref_slice %arg4[%scan3A_289, %dma_wait3A] : memref<125x80xi32, #tpu.memory_space<vmem>> -> memref<1x80xi32, #tpu.memory_space<vmem>>
      %dma_wait3A_291 = tpu.memref_squeeze %dma_wait3A_290 : memref<1x80xi32, #tpu.memory_space<vmem>> -> memref<80xi32, #tpu.memory_space<vmem>>
      %dma_wait3A_292 = arith.constant 0 : i32
      %dma_wait3A_293 = tpu.memref_slice %arg7[%dma_wait3A_292] : memref<10112xf32, #tpu.memory_space<vmem_shared>> -> memref<10112xf32, #tpu.memory_space<vmem_shared>>
      tpu.wait_indirect_dma semaphore(%arg8 : memref<!tpu.dma_semaphore, #tpu.memory_space<semaphore_mem>>) src(%arg5 : memref<80xf32, #tpu.memory_space<vmem>>) dst(%dma_wait3A_293 : memref<10112xf32, #tpu.memory_space<vmem_shared>>)
    }
    %scan3A_281 = arith.constant 125 : i32
    %barrier3A_282 = arith.constant 0 : index
    tpu.barrier barrier_id(%barrier3A_282)
    %mul3A_283 = arith.constant 632 : i32
    %mul3A_284 = arith.muli %arg1, %mul3A_283 : i32
    "tpu.region"() ({
      %run_scoped3A_289 = tpu.sem_alloc : memref<!tpu.dma_semaphore, #tpu.memory_space<semaphore_mem>>
      %dma_start3A = arith.constant 0 : i32
      %dma_start3A_290 = tpu.memref_slice %arg6[%dma_start3A] : memref<640xf32, #tpu.memory_space<vmem>> -> memref<632xf32, #tpu.memory_space<vmem>>
      %dma_start3A_291 = tpu.memref_slice %arg7[%mul3A_284] : memref<10112xf32, #tpu.memory_space<vmem_shared>> -> memref<632xf32, #tpu.memory_space<vmem_shared>>
      %dma_start3A_292 = arith.constant 0 : i32
      %dma_start3A_293 = tpu.memref_slice %arg6[%dma_start3A_292] : memref<640xf32, #tpu.memory_space<vmem>> -> memref<632xf32, #tpu.memory_space<vmem>>
      %dma_start3A_294 = tpu.memref_slice %arg7[%mul3A_284] : memref<10112xf32, #tpu.memory_space<vmem_shared>> -> memref<632xf32, #tpu.memory_space<vmem_shared>>
      tpu.enqueue_dma source(%dma_start3A_294 : memref<632xf32, #tpu.memory_space<vmem_shared>>) target(%dma_start3A_293 : memref<632xf32, #tpu.memory_space<vmem>>) target_semaphore(%run_scoped3A_289 : memref<!tpu.dma_semaphore, #tpu.memory_space<semaphore_mem>>)
      %dma_wait3A = arith.constant 0 : i32
      %dma_wait3A_295 = tpu.memref_slice %arg6[%dma_wait3A] : memref<640xf32, #tpu.memory_space<vmem>> -> memref<632xf32, #tpu.memory_space<vmem>>
      %dma_wait3A_296 = tpu.memref_slice %arg7[%mul3A_284] : memref<10112xf32, #tpu.memory_space<vmem_shared>> -> memref<632xf32, #tpu.memory_space<vmem_shared>>
      %dma_wait3A_297 = arith.constant 0 : i32
      %dma_wait3A_298 = tpu.memref_slice %arg6[%dma_wait3A_297] : memref<640xf32, #tpu.memory_space<vmem>> -> memref<632xf32, #tpu.memory_space<vmem>>
      %dma_wait3A_299 = tpu.memref_slice %arg7[%mul3A_284] : memref<10112xf32, #tpu.memory_space<vmem_shared>> -> memref<632xf32, #tpu.memory_space<vmem_shared>>
      tpu.wait_dma2 semaphore(%run_scoped3A_289 : memref<!tpu.dma_semaphore, #tpu.memory_space<semaphore_mem>>) src(%dma_wait3A_299 : memref<632xf32, #tpu.memory_space<vmem_shared>>) dst(%dma_wait3A_298 : memref<632xf32, #tpu.memory_space<vmem>>)
      tpu.yield
    }) : () -> ()
    %mul3A_285 = arith.constant 10112 : i32
    %mul3A_286 = arith.muli %arg0, %mul3A_285 : i32
    %mul3A_287 = arith.constant 632 : i32
    %mul3A_288 = arith.muli %arg1, %mul3A_287 : i32
    %add3A = arith.addi %mul3A_286, %mul3A_288 : i32
    "tpu.region"() ({
      %run_scoped3A_289 = tpu.sem_alloc : memref<!tpu.dma_semaphore, #tpu.memory_space<semaphore_mem>>
      %dma_start3A = arith.constant 0 : i32
      %dma_start3A_290 = tpu.memref_slice %arg6[%dma_start3A] : memref<640xf32, #tpu.memory_space<vmem>> -> memref<632xf32, #tpu.memory_space<vmem>>
      %dma_start3A_291 = tpu.memref_slice %arg3[%add3A] : memref<20224xf32, #tpu.memory_space<hbm>> -> memref<632xf32, #tpu.memory_space<hbm>>
      %dma_start3A_292 = tpu.memref_slice %arg3[%add3A] : memref<20224xf32, #tpu.memory_space<hbm>> -> memref<632xf32, #tpu.memory_space<hbm>>
      %dma_start3A_293 = arith.constant 0 : i32
      %dma_start3A_294 = tpu.memref_slice %arg6[%dma_start3A_293] : memref<640xf32, #tpu.memory_space<vmem>> -> memref<632xf32, #tpu.memory_space<vmem>>
      tpu.enqueue_dma source(%dma_start3A_294 : memref<632xf32, #tpu.memory_space<vmem>>) target(%dma_start3A_292 : memref<632xf32, #tpu.memory_space<hbm>>) target_semaphore(%run_scoped3A_289 : memref<!tpu.dma_semaphore, #tpu.memory_space<semaphore_mem>>)
      %dma_wait3A = arith.constant 0 : i32
      %dma_wait3A_295 = tpu.memref_slice %arg6[%dma_wait3A] : memref<640xf32, #tpu.memory_space<vmem>> -> memref<632xf32, #tpu.memory_space<vmem>>
      %dma_wait3A_296 = tpu.memref_slice %arg3[%add3A] : memref<20224xf32, #tpu.memory_space<hbm>> -> memref<632xf32, #tpu.memory_space<hbm>>
      %dma_wait3A_297 = tpu.memref_slice %arg3[%add3A] : memref<20224xf32, #tpu.memory_space<hbm>> -> memref<632xf32, #tpu.memory_space<hbm>>
      %dma_wait3A_298 = arith.constant 0 : i32
      %dma_wait3A_299 = tpu.memref_slice %arg6[%dma_wait3A_298] : memref<640xf32, #tpu.memory_space<vmem>> -> memref<632xf32, #tpu.memory_space<vmem>>
      tpu.wait_dma2 semaphore(%run_scoped3A_289 : memref<!tpu.dma_semaphore, #tpu.memory_space<semaphore_mem>>) src(%dma_wait3A_299 : memref<632xf32, #tpu.memory_space<vmem>>) dst(%dma_wait3A_297 : memref<632xf32, #tpu.memory_space<hbm>>)
      tpu.yield
    }) : () -> ()
    return
  }
}

#map = affine_map<(d0, d1) -> (0, 0, 0, 0)>
#map1 = affine_map<(d0, d1) -> (0, 0, 0)>
#map2 = affine_map<(d0, d1) -> (0, 0)>
module attributes {stable_mosaic.version = 14 : i64} {
  func.func @_prop(%arg0: i32, %arg1: i32, %arg2: memref<2x16x250x80xi32, #tpu.memory_space<hbm>>, %arg3: memref<2x10000x64xf32, #tpu.memory_space<hbm>>, %arg4: memref<10112x128xf32, #tpu.memory_space<hbm>>, %arg5: memref<250x80xi32, #tpu.memory_space<vmem>>, %arg6: memref<250x80xi32, #tpu.memory_space<vmem>>, %arg7: memref<80x64xf32, #tpu.memory_space<vmem>>, %arg8: memref<80x64xf32, #tpu.memory_space<vmem>>, %arg9: memref<80x64xf32, #tpu.memory_space<vmem>>, %arg10: memref<80x64xf32, #tpu.memory_space<vmem>>, %arg11: memref<80x64xf32, #tpu.memory_space<vmem>>, %arg12: memref<158x64xf32, #tpu.memory_space<vmem>>, %arg13: memref<10112x64xf32, #tpu.memory_space<vmem_shared>>, %arg14: memref<!tpu.dma_semaphore, #tpu.memory_space<semaphore_mem>>, %arg15: memref<!tpu.dma_semaphore, #tpu.memory_space<semaphore_mem>>, %arg16: memref<!tpu.dma_semaphore, #tpu.memory_space<semaphore_mem>>, %arg17: memref<!tpu.dma_semaphore, #tpu.memory_space<semaphore_mem>>, %arg18: memref<!tpu.dma_semaphore, #tpu.memory_space<semaphore_mem>>, %arg19: memref<!tpu.dma_semaphore, #tpu.memory_space<semaphore_mem>>, %arg20: memref<!tpu.dma_semaphore, #tpu.memory_space<semaphore_mem>>, %arg21: memref<!tpu.dma_semaphore, #tpu.memory_space<semaphore_mem>>, %arg22: memref<!tpu.dma_semaphore, #tpu.memory_space<semaphore_mem>>, %arg23: memref<!tpu.dma_semaphore, #tpu.memory_space<semaphore_mem>>, %arg24: memref<!tpu.dma_semaphore, #tpu.memory_space<semaphore_mem>>) attributes {dimension_semantics = [#tpu.dimension_semantics<core_parallel>, #tpu.dimension_semantics<subcore_parallel>], iteration_bounds = array<i64: 2, 16>, scalar_prefetch = 0 : i64, scratch_operands = 20 : i64, tpu.core_type = #tpu.core_type<sc_vector_subcore>, window_params = [{transform_indices = #map}, {transform_indices = #map1}, {transform_indices = #map2}]} {
    %run_scoped3A = arith.constant 0 : i32
    "tpu.region"() ({
      %run_scoped3A_375 = tpu.sem_alloc : memref<!tpu.dma_semaphore, #tpu.memory_space<semaphore_mem>>
      %dma_start3A_376 = arith.constant 0 : i32
      %dma_start3A_377 = arith.constant 0 : i32
      %dma_start3A_378 = tpu.memref_slice %arg2[%run_scoped3A, %arg1, %dma_start3A_376, %dma_start3A_377] : memref<2x16x250x80xi32, #tpu.memory_space<hbm>> -> memref<1x1x250x80xi32, #tpu.memory_space<hbm>>
      %dma_start3A_379 = tpu.memref_squeeze %dma_start3A_378 : memref<1x1x250x80xi32, #tpu.memory_space<hbm>> -> memref<250x80xi32, #tpu.memory_space<hbm>>
      %dma_start3A_380 = arith.constant 0 : i32
      %dma_start3A_381 = arith.constant 0 : i32
      %dma_start3A_382 = tpu.memref_slice %arg2[%run_scoped3A, %arg1, %dma_start3A_380, %dma_start3A_381] : memref<2x16x250x80xi32, #tpu.memory_space<hbm>> -> memref<1x1x250x80xi32, #tpu.memory_space<hbm>>
      %dma_start3A_383 = tpu.memref_squeeze %dma_start3A_382 : memref<1x1x250x80xi32, #tpu.memory_space<hbm>> -> memref<250x80xi32, #tpu.memory_space<hbm>>
      tpu.enqueue_dma source(%dma_start3A_383 : memref<250x80xi32, #tpu.memory_space<hbm>>) target(%arg5 : memref<250x80xi32, #tpu.memory_space<vmem>>) target_semaphore(%run_scoped3A_375 : memref<!tpu.dma_semaphore, #tpu.memory_space<semaphore_mem>>)
      %dma_wait3A_384 = arith.constant 0 : i32
      %dma_wait3A_385 = arith.constant 0 : i32
      %dma_wait3A_386 = tpu.memref_slice %arg2[%run_scoped3A, %arg1, %dma_wait3A_384, %dma_wait3A_385] : memref<2x16x250x80xi32, #tpu.memory_space<hbm>> -> memref<1x1x250x80xi32, #tpu.memory_space<hbm>>
      %dma_wait3A_387 = tpu.memref_squeeze %dma_wait3A_386 : memref<1x1x250x80xi32, #tpu.memory_space<hbm>> -> memref<250x80xi32, #tpu.memory_space<hbm>>
      %dma_wait3A_388 = arith.constant 0 : i32
      %dma_wait3A_389 = arith.constant 0 : i32
      %dma_wait3A_390 = tpu.memref_slice %arg2[%run_scoped3A, %arg1, %dma_wait3A_388, %dma_wait3A_389] : memref<2x16x250x80xi32, #tpu.memory_space<hbm>> -> memref<1x1x250x80xi32, #tpu.memory_space<hbm>>
      %dma_wait3A_391 = tpu.memref_squeeze %dma_wait3A_390 : memref<1x1x250x80xi32, #tpu.memory_space<hbm>> -> memref<250x80xi32, #tpu.memory_space<hbm>>
      tpu.wait_dma2 semaphore(%run_scoped3A_375 : memref<!tpu.dma_semaphore, #tpu.memory_space<semaphore_mem>>) src(%dma_wait3A_391 : memref<250x80xi32, #tpu.memory_space<hbm>>) dst(%arg5 : memref<250x80xi32, #tpu.memory_space<vmem>>)
      tpu.yield
    }) : () -> ()
    %run_scoped3A_0 = arith.constant 1 : i32
    "tpu.region"() ({
      %run_scoped3A_375 = tpu.sem_alloc : memref<!tpu.dma_semaphore, #tpu.memory_space<semaphore_mem>>
      %dma_start3A_376 = arith.constant 0 : i32
      %dma_start3A_377 = arith.constant 0 : i32
      %dma_start3A_378 = tpu.memref_slice %arg2[%run_scoped3A_0, %arg1, %dma_start3A_376, %dma_start3A_377] : memref<2x16x250x80xi32, #tpu.memory_space<hbm>> -> memref<1x1x250x80xi32, #tpu.memory_space<hbm>>
      %dma_start3A_379 = tpu.memref_squeeze %dma_start3A_378 : memref<1x1x250x80xi32, #tpu.memory_space<hbm>> -> memref<250x80xi32, #tpu.memory_space<hbm>>
      %dma_start3A_380 = arith.constant 0 : i32
      %dma_start3A_381 = arith.constant 0 : i32
      %dma_start3A_382 = tpu.memref_slice %arg2[%run_scoped3A_0, %arg1, %dma_start3A_380, %dma_start3A_381] : memref<2x16x250x80xi32, #tpu.memory_space<hbm>> -> memref<1x1x250x80xi32, #tpu.memory_space<hbm>>
      %dma_start3A_383 = tpu.memref_squeeze %dma_start3A_382 : memref<1x1x250x80xi32, #tpu.memory_space<hbm>> -> memref<250x80xi32, #tpu.memory_space<hbm>>
      tpu.enqueue_dma source(%dma_start3A_383 : memref<250x80xi32, #tpu.memory_space<hbm>>) target(%arg6 : memref<250x80xi32, #tpu.memory_space<vmem>>) target_semaphore(%run_scoped3A_375 : memref<!tpu.dma_semaphore, #tpu.memory_space<semaphore_mem>>)
      %dma_wait3A_384 = arith.constant 0 : i32
      %dma_wait3A_385 = arith.constant 0 : i32
      %dma_wait3A_386 = tpu.memref_slice %arg2[%run_scoped3A_0, %arg1, %dma_wait3A_384, %dma_wait3A_385] : memref<2x16x250x80xi32, #tpu.memory_space<hbm>> -> memref<1x1x250x80xi32, #tpu.memory_space<hbm>>
      %dma_wait3A_387 = tpu.memref_squeeze %dma_wait3A_386 : memref<1x1x250x80xi32, #tpu.memory_space<hbm>> -> memref<250x80xi32, #tpu.memory_space<hbm>>
      %dma_wait3A_388 = arith.constant 0 : i32
      %dma_wait3A_389 = arith.constant 0 : i32
      %dma_wait3A_390 = tpu.memref_slice %arg2[%run_scoped3A_0, %arg1, %dma_wait3A_388, %dma_wait3A_389] : memref<2x16x250x80xi32, #tpu.memory_space<hbm>> -> memref<1x1x250x80xi32, #tpu.memory_space<hbm>>
      %dma_wait3A_391 = tpu.memref_squeeze %dma_wait3A_390 : memref<1x1x250x80xi32, #tpu.memory_space<hbm>> -> memref<250x80xi32, #tpu.memory_space<hbm>>
      tpu.wait_dma2 semaphore(%run_scoped3A_375 : memref<!tpu.dma_semaphore, #tpu.memory_space<semaphore_mem>>) src(%dma_wait3A_391 : memref<250x80xi32, #tpu.memory_space<hbm>>) dst(%arg6 : memref<250x80xi32, #tpu.memory_space<vmem>>)
      tpu.yield
    }) : () -> ()
    %broadcast_in_dim3A = arith.constant 0.000000e+00 : f32
    %broadcast_in_dim3A_1 = vector.broadcast %broadcast_in_dim3A : f32 to vector<16xf32>
    %swap3A = arith.constant 0 : i32
    %swap3A_2 = arith.index_cast %swap3A : i32 to index
    %swap3A_3 = arith.constant 0 : index
    %swap3A_4 = tpu.vector_load %arg12[%swap3A_2, %swap3A_3] {strides = array<i32>} : memref<158x64xf32, #tpu.memory_space<vmem>>, vector<1x16xf32>,
    %swap3A_5 = vector.shape_cast %swap3A_4 : vector<1x16xf32> to vector<16xf32>
    %swap3A_6 = vector.shape_cast %broadcast_in_dim3A_1 : vector<16xf32> to vector<1x16xf32>
    tpu.vector_store %arg12[%swap3A_2, %swap3A_3], %swap3A_6 {strides = array<i32>} : memref<158x64xf32, #tpu.memory_space<vmem>>, vector<1x16xf32>,
    %broadcast_in_dim3A_7 = arith.constant 0.000000e+00 : f32
    %broadcast_in_dim3A_8 = vector.broadcast %broadcast_in_dim3A_7 : f32 to vector<16xf32>
    %swap3A_9 = arith.constant 0 : i32
    %swap3A_10 = arith.index_cast %swap3A_9 : i32 to index
    %swap3A_11 = arith.constant 16 : index
    %swap3A_12 = tpu.vector_load %arg12[%swap3A_10, %swap3A_11] {strides = array<i32>} : memref<158x64xf32, #tpu.memory_space<vmem>>, vector<1x16xf32>,
    %swap3A_13 = vector.shape_cast %swap3A_12 : vector<1x16xf32> to vector<16xf32>
    %swap3A_14 = vector.shape_cast %broadcast_in_dim3A_8 : vector<16xf32> to vector<1x16xf32>
    tpu.vector_store %arg12[%swap3A_10, %swap3A_11], %swap3A_14 {strides = array<i32>} : memref<158x64xf32, #tpu.memory_space<vmem>>, vector<1x16xf32>,
    %broadcast_in_dim3A_15 = arith.constant 0.000000e+00 : f32
    %broadcast_in_dim3A_16 = vector.broadcast %broadcast_in_dim3A_15 : f32 to vector<16xf32>
    %swap3A_17 = arith.constant 0 : i32
    %swap3A_18 = arith.index_cast %swap3A_17 : i32 to index
    %swap3A_19 = arith.constant 32 : index
    %swap3A_20 = tpu.vector_load %arg12[%swap3A_18, %swap3A_19] {strides = array<i32>} : memref<158x64xf32, #tpu.memory_space<vmem>>, vector<1x16xf32>,
    %swap3A_21 = vector.shape_cast %swap3A_20 : vector<1x16xf32> to vector<16xf32>
    %swap3A_22 = vector.shape_cast %broadcast_in_dim3A_16 : vector<16xf32> to vector<1x16xf32>
    tpu.vector_store %arg12[%swap3A_18, %swap3A_19], %swap3A_22 {strides = array<i32>} : memref<158x64xf32, #tpu.memory_space<vmem>>, vector<1x16xf32>,
    %broadcast_in_dim3A_23 = arith.constant 0.000000e+00 : f32
    %broadcast_in_dim3A_24 = vector.broadcast %broadcast_in_dim3A_23 : f32 to vector<16xf32>
    %swap3A_25 = arith.constant 0 : i32
    %swap3A_26 = arith.index_cast %swap3A_25 : i32 to index
    %swap3A_27 = arith.constant 48 : index
    %swap3A_28 = tpu.vector_load %arg12[%swap3A_26, %swap3A_27] {strides = array<i32>} : memref<158x64xf32, #tpu.memory_space<vmem>>, vector<1x16xf32>,
    %swap3A_29 = vector.shape_cast %swap3A_28 : vector<1x16xf32> to vector<16xf32>
    %swap3A_30 = vector.shape_cast %broadcast_in_dim3A_24 : vector<16xf32> to vector<1x16xf32>
    tpu.vector_store %arg12[%swap3A_26, %swap3A_27], %swap3A_30 {strides = array<i32>} : memref<158x64xf32, #tpu.memory_space<vmem>>, vector<1x16xf32>,
    %broadcast_in_dim3A_31 = arith.constant 0.000000e+00 : f32
    %broadcast_in_dim3A_32 = vector.broadcast %broadcast_in_dim3A_31 : f32 to vector<16xf32>
    %swap3A_33 = arith.constant 1 : i32
    %swap3A_34 = arith.index_cast %swap3A_33 : i32 to index
    %swap3A_35 = arith.constant 0 : index
    %swap3A_36 = tpu.vector_load %arg12[%swap3A_34, %swap3A_35] {strides = array<i32>} : memref<158x64xf32, #tpu.memory_space<vmem>>, vector<1x16xf32>,
    %swap3A_37 = vector.shape_cast %swap3A_36 : vector<1x16xf32> to vector<16xf32>
    %swap3A_38 = vector.shape_cast %broadcast_in_dim3A_32 : vector<16xf32> to vector<1x16xf32>
    tpu.vector_store %arg12[%swap3A_34, %swap3A_35], %swap3A_38 {strides = array<i32>} : memref<158x64xf32, #tpu.memory_space<vmem>>, vector<1x16xf32>,
    %broadcast_in_dim3A_39 = arith.constant 0.000000e+00 : f32
    %broadcast_in_dim3A_40 = vector.broadcast %broadcast_in_dim3A_39 : f32 to vector<16xf32>
    %swap3A_41 = arith.constant 1 : i32
    %swap3A_42 = arith.index_cast %swap3A_41 : i32 to index
    %swap3A_43 = arith.constant 16 : index
    %swap3A_44 = tpu.vector_load %arg12[%swap3A_42, %swap3A_43] {strides = array<i32>} : memref<158x64xf32, #tpu.memory_space<vmem>>, vector<1x16xf32>,
    %swap3A_45 = vector.shape_cast %swap3A_44 : vector<1x16xf32> to vector<16xf32>
    %swap3A_46 = vector.shape_cast %broadcast_in_dim3A_40 : vector<16xf32> to vector<1x16xf32>
    tpu.vector_store %arg12[%swap3A_42, %swap3A_43], %swap3A_46 {strides = array<i32>} : memref<158x64xf32, #tpu.memory_space<vmem>>, vector<1x16xf32>,
    %broadcast_in_dim3A_47 = arith.constant 0.000000e+00 : f32
    %broadcast_in_dim3A_48 = vector.broadcast %broadcast_in_dim3A_47 : f32 to vector<16xf32>
    %swap3A_49 = arith.constant 1 : i32
    %swap3A_50 = arith.index_cast %swap3A_49 : i32 to index
    %swap3A_51 = arith.constant 32 : index
    %swap3A_52 = tpu.vector_load %arg12[%swap3A_50, %swap3A_51] {strides = array<i32>} : memref<158x64xf32, #tpu.memory_space<vmem>>, vector<1x16xf32>,
    %swap3A_53 = vector.shape_cast %swap3A_52 : vector<1x16xf32> to vector<16xf32>
    %swap3A_54 = vector.shape_cast %broadcast_in_dim3A_48 : vector<16xf32> to vector<1x16xf32>
    tpu.vector_store %arg12[%swap3A_50, %swap3A_51], %swap3A_54 {strides = array<i32>} : memref<158x64xf32, #tpu.memory_space<vmem>>, vector<1x16xf32>,
    %broadcast_in_dim3A_55 = arith.constant 0.000000e+00 : f32
    %broadcast_in_dim3A_56 = vector.broadcast %broadcast_in_dim3A_55 : f32 to vector<16xf32>
    %swap3A_57 = arith.constant 1 : i32
    %swap3A_58 = arith.index_cast %swap3A_57 : i32 to index
    %swap3A_59 = arith.constant 48 : index
    %swap3A_60 = tpu.vector_load %arg12[%swap3A_58, %swap3A_59] {strides = array<i32>} : memref<158x64xf32, #tpu.memory_space<vmem>>, vector<1x16xf32>,
    %swap3A_61 = vector.shape_cast %swap3A_60 : vector<1x16xf32> to vector<16xf32>
    %swap3A_62 = vector.shape_cast %broadcast_in_dim3A_56 : vector<16xf32> to vector<1x16xf32>
    tpu.vector_store %arg12[%swap3A_58, %swap3A_59], %swap3A_62 {strides = array<i32>} : memref<158x64xf32, #tpu.memory_space<vmem>>, vector<1x16xf32>,
    %broadcast_in_dim3A_63 = arith.constant 0.000000e+00 : f32
    %broadcast_in_dim3A_64 = vector.broadcast %broadcast_in_dim3A_63 : f32 to vector<16xf32>
    %swap3A_65 = arith.constant 2 : i32
    %swap3A_66 = arith.index_cast %swap3A_65 : i32 to index
    %swap3A_67 = arith.constant 0 : index
    %swap3A_68 = tpu.vector_load %arg12[%swap3A_66, %swap3A_67] {strides = array<i32>} : memref<158x64xf32, #tpu.memory_space<vmem>>, vector<1x16xf32>,
    %swap3A_69 = vector.shape_cast %swap3A_68 : vector<1x16xf32> to vector<16xf32>
    %swap3A_70 = vector.shape_cast %broadcast_in_dim3A_64 : vector<16xf32> to vector<1x16xf32>
    tpu.vector_store %arg12[%swap3A_66, %swap3A_67], %swap3A_70 {strides = array<i32>} : memref<158x64xf32, #tpu.memory_space<vmem>>, vector<1x16xf32>,
    %broadcast_in_dim3A_71 = arith.constant 0.000000e+00 : f32
    %broadcast_in_dim3A_72 = vector.broadcast %broadcast_in_dim3A_71 : f32 to vector<16xf32>
    %swap3A_73 = arith.constant 2 : i32
    %swap3A_74 = arith.index_cast %swap3A_73 : i32 to index
    %swap3A_75 = arith.constant 16 : index
    %swap3A_76 = tpu.vector_load %arg12[%swap3A_74, %swap3A_75] {strides = array<i32>} : memref<158x64xf32, #tpu.memory_space<vmem>>, vector<1x16xf32>,
    %swap3A_77 = vector.shape_cast %swap3A_76 : vector<1x16xf32> to vector<16xf32>
    %swap3A_78 = vector.shape_cast %broadcast_in_dim3A_72 : vector<16xf32> to vector<1x16xf32>
    tpu.vector_store %arg12[%swap3A_74, %swap3A_75], %swap3A_78 {strides = array<i32>} : memref<158x64xf32, #tpu.memory_space<vmem>>, vector<1x16xf32>,
    %broadcast_in_dim3A_79 = arith.constant 0.000000e+00 : f32
    %broadcast_in_dim3A_80 = vector.broadcast %broadcast_in_dim3A_79 : f32 to vector<16xf32>
    %swap3A_81 = arith.constant 2 : i32
    %swap3A_82 = arith.index_cast %swap3A_81 : i32 to index
    %swap3A_83 = arith.constant 32 : index
    %swap3A_84 = tpu.vector_load %arg12[%swap3A_82, %swap3A_83] {strides = array<i32>} : memref<158x64xf32, #tpu.memory_space<vmem>>, vector<1x16xf32>,
    %swap3A_85 = vector.shape_cast %swap3A_84 : vector<1x16xf32> to vector<16xf32>
    %swap3A_86 = vector.shape_cast %broadcast_in_dim3A_80 : vector<16xf32> to vector<1x16xf32>
    tpu.vector_store %arg12[%swap3A_82, %swap3A_83], %swap3A_86 {strides = array<i32>} : memref<158x64xf32, #tpu.memory_space<vmem>>, vector<1x16xf32>,
    %broadcast_in_dim3A_87 = arith.constant 0.000000e+00 : f32
    %broadcast_in_dim3A_88 = vector.broadcast %broadcast_in_dim3A_87 : f32 to vector<16xf32>
    %swap3A_89 = arith.constant 2 : i32
    %swap3A_90 = arith.index_cast %swap3A_89 : i32 to index
    %swap3A_91 = arith.constant 48 : index
    %swap3A_92 = tpu.vector_load %arg12[%swap3A_90, %swap3A_91] {strides = array<i32>} : memref<158x64xf32, #tpu.memory_space<vmem>>, vector<1x16xf32>,
    %swap3A_93 = vector.shape_cast %swap3A_92 : vector<1x16xf32> to vector<16xf32>
    %swap3A_94 = vector.shape_cast %broadcast_in_dim3A_88 : vector<16xf32> to vector<1x16xf32>
    tpu.vector_store %arg12[%swap3A_90, %swap3A_91], %swap3A_94 {strides = array<i32>} : memref<158x64xf32, #tpu.memory_space<vmem>>, vector<1x16xf32>,
    %broadcast_in_dim3A_95 = arith.constant 0.000000e+00 : f32
    %broadcast_in_dim3A_96 = vector.broadcast %broadcast_in_dim3A_95 : f32 to vector<16xf32>
    %swap3A_97 = arith.constant 3 : i32
    %swap3A_98 = arith.index_cast %swap3A_97 : i32 to index
    %swap3A_99 = arith.constant 0 : index
    %swap3A_100 = tpu.vector_load %arg12[%swap3A_98, %swap3A_99] {strides = array<i32>} : memref<158x64xf32, #tpu.memory_space<vmem>>, vector<1x16xf32>,
    %swap3A_101 = vector.shape_cast %swap3A_100 : vector<1x16xf32> to vector<16xf32>
    %swap3A_102 = vector.shape_cast %broadcast_in_dim3A_96 : vector<16xf32> to vector<1x16xf32>
    tpu.vector_store %arg12[%swap3A_98, %swap3A_99], %swap3A_102 {strides = array<i32>} : memref<158x64xf32, #tpu.memory_space<vmem>>, vector<1x16xf32>,
    %broadcast_in_dim3A_103 = arith.constant 0.000000e+00 : f32
    %broadcast_in_dim3A_104 = vector.broadcast %broadcast_in_dim3A_103 : f32 to vector<16xf32>
    %swap3A_105 = arith.constant 3 : i32
    %swap3A_106 = arith.index_cast %swap3A_105 : i32 to index
    %swap3A_107 = arith.constant 16 : index
    %swap3A_108 = tpu.vector_load %arg12[%swap3A_106, %swap3A_107] {strides = array<i32>} : memref<158x64xf32, #tpu.memory_space<vmem>>, vector<1x16xf32>,
    %swap3A_109 = vector.shape_cast %swap3A_108 : vector<1x16xf32> to vector<16xf32>
    %swap3A_110 = vector.shape_cast %broadcast_in_dim3A_104 : vector<16xf32> to vector<1x16xf32>
    tpu.vector_store %arg12[%swap3A_106, %swap3A_107], %swap3A_110 {strides = array<i32>} : memref<158x64xf32, #tpu.memory_space<vmem>>, vector<1x16xf32>,
    %broadcast_in_dim3A_111 = arith.constant 0.000000e+00 : f32
    %broadcast_in_dim3A_112 = vector.broadcast %broadcast_in_dim3A_111 : f32 to vector<16xf32>
    %swap3A_113 = arith.constant 3 : i32
    %swap3A_114 = arith.index_cast %swap3A_113 : i32 to index
    %swap3A_115 = arith.constant 32 : index
    %swap3A_116 = tpu.vector_load %arg12[%swap3A_114, %swap3A_115] {strides = array<i32>} : memref<158x64xf32, #tpu.memory_space<vmem>>, vector<1x16xf32>,
    %swap3A_117 = vector.shape_cast %swap3A_116 : vector<1x16xf32> to vector<16xf32>
    %swap3A_118 = vector.shape_cast %broadcast_in_dim3A_112 : vector<16xf32> to vector<1x16xf32>
    tpu.vector_store %arg12[%swap3A_114, %swap3A_115], %swap3A_118 {strides = array<i32>} : memref<158x64xf32, #tpu.memory_space<vmem>>, vector<1x16xf32>,
    %broadcast_in_dim3A_119 = arith.constant 0.000000e+00 : f32
    %broadcast_in_dim3A_120 = vector.broadcast %broadcast_in_dim3A_119 : f32 to vector<16xf32>
    %swap3A_121 = arith.constant 3 : i32
    %swap3A_122 = arith.index_cast %swap3A_121 : i32 to index
    %swap3A_123 = arith.constant 48 : index
    %swap3A_124 = tpu.vector_load %arg12[%swap3A_122, %swap3A_123] {strides = array<i32>} : memref<158x64xf32, #tpu.memory_space<vmem>>, vector<1x16xf32>,
    %swap3A_125 = vector.shape_cast %swap3A_124 : vector<1x16xf32> to vector<16xf32>
    %swap3A_126 = vector.shape_cast %broadcast_in_dim3A_120 : vector<16xf32> to vector<1x16xf32>
    tpu.vector_store %arg12[%swap3A_122, %swap3A_123], %swap3A_126 {strides = array<i32>} : memref<158x64xf32, #tpu.memory_space<vmem>>, vector<1x16xf32>,
    %broadcast_in_dim3A_127 = arith.constant 0.000000e+00 : f32
    %broadcast_in_dim3A_128 = vector.broadcast %broadcast_in_dim3A_127 : f32 to vector<16xf32>
    %swap3A_129 = arith.constant 4 : i32
    %swap3A_130 = arith.index_cast %swap3A_129 : i32 to index
    %swap3A_131 = arith.constant 0 : index
    %swap3A_132 = tpu.vector_load %arg12[%swap3A_130, %swap3A_131] {strides = array<i32>} : memref<158x64xf32, #tpu.memory_space<vmem>>, vector<1x16xf32>,
    %swap3A_133 = vector.shape_cast %swap3A_132 : vector<1x16xf32> to vector<16xf32>
    %swap3A_134 = vector.shape_cast %broadcast_in_dim3A_128 : vector<16xf32> to vector<1x16xf32>
    tpu.vector_store %arg12[%swap3A_130, %swap3A_131], %swap3A_134 {strides = array<i32>} : memref<158x64xf32, #tpu.memory_space<vmem>>, vector<1x16xf32>,
    %broadcast_in_dim3A_135 = arith.constant 0.000000e+00 : f32
    %broadcast_in_dim3A_136 = vector.broadcast %broadcast_in_dim3A_135 : f32 to vector<16xf32>
    %swap3A_137 = arith.constant 4 : i32
    %swap3A_138 = arith.index_cast %swap3A_137 : i32 to index
    %swap3A_139 = arith.constant 16 : index
    %swap3A_140 = tpu.vector_load %arg12[%swap3A_138, %swap3A_139] {strides = array<i32>} : memref<158x64xf32, #tpu.memory_space<vmem>>, vector<1x16xf32>,
    %swap3A_141 = vector.shape_cast %swap3A_140 : vector<1x16xf32> to vector<16xf32>
    %swap3A_142 = vector.shape_cast %broadcast_in_dim3A_136 : vector<16xf32> to vector<1x16xf32>
    tpu.vector_store %arg12[%swap3A_138, %swap3A_139], %swap3A_142 {strides = array<i32>} : memref<158x64xf32, #tpu.memory_space<vmem>>, vector<1x16xf32>,
    %broadcast_in_dim3A_143 = arith.constant 0.000000e+00 : f32
    %broadcast_in_dim3A_144 = vector.broadcast %broadcast_in_dim3A_143 : f32 to vector<16xf32>
    %swap3A_145 = arith.constant 4 : i32
    %swap3A_146 = arith.index_cast %swap3A_145 : i32 to index
    %swap3A_147 = arith.constant 32 : index
    %swap3A_148 = tpu.vector_load %arg12[%swap3A_146, %swap3A_147] {strides = array<i32>} : memref<158x64xf32, #tpu.memory_space<vmem>>, vector<1x16xf32>,
    %swap3A_149 = vector.shape_cast %swap3A_148 : vector<1x16xf32> to vector<16xf32>
    %swap3A_150 = vector.shape_cast %broadcast_in_dim3A_144 : vector<16xf32> to vector<1x16xf32>
    tpu.vector_store %arg12[%swap3A_146, %swap3A_147], %swap3A_150 {strides = array<i32>} : memref<158x64xf32, #tpu.memory_space<vmem>>, vector<1x16xf32>,
    %broadcast_in_dim3A_151 = arith.constant 0.000000e+00 : f32
    %broadcast_in_dim3A_152 = vector.broadcast %broadcast_in_dim3A_151 : f32 to vector<16xf32>
    %swap3A_153 = arith.constant 4 : i32
    %swap3A_154 = arith.index_cast %swap3A_153 : i32 to index
    %swap3A_155 = arith.constant 48 : index
    %swap3A_156 = tpu.vector_load %arg12[%swap3A_154, %swap3A_155] {strides = array<i32>} : memref<158x64xf32, #tpu.memory_space<vmem>>, vector<1x16xf32>,
    %swap3A_157 = vector.shape_cast %swap3A_156 : vector<1x16xf32> to vector<16xf32>
    %swap3A_158 = vector.shape_cast %broadcast_in_dim3A_152 : vector<16xf32> to vector<1x16xf32>
    tpu.vector_store %arg12[%swap3A_154, %swap3A_155], %swap3A_158 {strides = array<i32>} : memref<158x64xf32, #tpu.memory_space<vmem>>, vector<1x16xf32>,
    %broadcast_in_dim3A_159 = arith.constant 0.000000e+00 : f32
    %broadcast_in_dim3A_160 = vector.broadcast %broadcast_in_dim3A_159 : f32 to vector<16xf32>
    %swap3A_161 = arith.constant 5 : i32
    %swap3A_162 = arith.index_cast %swap3A_161 : i32 to index
    %swap3A_163 = arith.constant 0 : index
    %swap3A_164 = tpu.vector_load %arg12[%swap3A_162, %swap3A_163] {strides = array<i32>} : memref<158x64xf32, #tpu.memory_space<vmem>>, vector<1x16xf32>,
    %swap3A_165 = vector.shape_cast %swap3A_164 : vector<1x16xf32> to vector<16xf32>
    %swap3A_166 = vector.shape_cast %broadcast_in_dim3A_160 : vector<16xf32> to vector<1x16xf32>
    tpu.vector_store %arg12[%swap3A_162, %swap3A_163], %swap3A_166 {strides = array<i32>} : memref<158x64xf32, #tpu.memory_space<vmem>>, vector<1x16xf32>,
    %broadcast_in_dim3A_167 = arith.constant 0.000000e+00 : f32
    %broadcast_in_dim3A_168 = vector.broadcast %broadcast_in_dim3A_167 : f32 to vector<16xf32>
    %swap3A_169 = arith.constant 5 : i32
    %swap3A_170 = arith.index_cast %swap3A_169 : i32 to index
    %swap3A_171 = arith.constant 16 : index
    %swap3A_172 = tpu.vector_load %arg12[%swap3A_170, %swap3A_171] {strides = array<i32>} : memref<158x64xf32, #tpu.memory_space<vmem>>, vector<1x16xf32>,
    %swap3A_173 = vector.shape_cast %swap3A_172 : vector<1x16xf32> to vector<16xf32>
    %swap3A_174 = vector.shape_cast %broadcast_in_dim3A_168 : vector<16xf32> to vector<1x16xf32>
    tpu.vector_store %arg12[%swap3A_170, %swap3A_171], %swap3A_174 {strides = array<i32>} : memref<158x64xf32, #tpu.memory_space<vmem>>, vector<1x16xf32>,
    %broadcast_in_dim3A_175 = arith.constant 0.000000e+00 : f32
    %broadcast_in_dim3A_176 = vector.broadcast %broadcast_in_dim3A_175 : f32 to vector<16xf32>
    %swap3A_177 = arith.constant 5 : i32
    %swap3A_178 = arith.index_cast %swap3A_177 : i32 to index
    %swap3A_179 = arith.constant 32 : index
    %swap3A_180 = tpu.vector_load %arg12[%swap3A_178, %swap3A_179] {strides = array<i32>} : memref<158x64xf32, #tpu.memory_space<vmem>>, vector<1x16xf32>,
    %swap3A_181 = vector.shape_cast %swap3A_180 : vector<1x16xf32> to vector<16xf32>
    %swap3A_182 = vector.shape_cast %broadcast_in_dim3A_176 : vector<16xf32> to vector<1x16xf32>
    tpu.vector_store %arg12[%swap3A_178, %swap3A_179], %swap3A_182 {strides = array<i32>} : memref<158x64xf32, #tpu.memory_space<vmem>>, vector<1x16xf32>,
    %broadcast_in_dim3A_183 = arith.constant 0.000000e+00 : f32
    %broadcast_in_dim3A_184 = vector.broadcast %broadcast_in_dim3A_183 : f32 to vector<16xf32>
    %swap3A_185 = arith.constant 5 : i32
    %swap3A_186 = arith.index_cast %swap3A_185 : i32 to index
    %swap3A_187 = arith.constant 48 : index
    %swap3A_188 = tpu.vector_load %arg12[%swap3A_186, %swap3A_187] {strides = array<i32>} : memref<158x64xf32, #tpu.memory_space<vmem>>, vector<1x16xf32>,
    %swap3A_189 = vector.shape_cast %swap3A_188 : vector<1x16xf32> to vector<16xf32>
    %swap3A_190 = vector.shape_cast %broadcast_in_dim3A_184 : vector<16xf32> to vector<1x16xf32>
    tpu.vector_store %arg12[%swap3A_186, %swap3A_187], %swap3A_190 {strides = array<i32>} : memref<158x64xf32, #tpu.memory_space<vmem>>, vector<1x16xf32>,
    %broadcast_in_dim3A_191 = arith.constant 0.000000e+00 : f32
    %broadcast_in_dim3A_192 = vector.broadcast %broadcast_in_dim3A_191 : f32 to vector<16xf32>
    %swap3A_193 = arith.constant 6 : i32
    %swap3A_194 = arith.index_cast %swap3A_193 : i32 to index
    %swap3A_195 = arith.constant 0 : index
    %swap3A_196 = tpu.vector_load %arg12[%swap3A_194, %swap3A_195] {strides = array<i32>} : memref<158x64xf32, #tpu.memory_space<vmem>>, vector<1x16xf32>,
    %swap3A_197 = vector.shape_cast %swap3A_196 : vector<1x16xf32> to vector<16xf32>
    %swap3A_198 = vector.shape_cast %broadcast_in_dim3A_192 : vector<16xf32> to vector<1x16xf32>
    tpu.vector_store %arg12[%swap3A_194, %swap3A_195], %swap3A_198 {strides = array<i32>} : memref<158x64xf32, #tpu.memory_space<vmem>>, vector<1x16xf32>,
    %broadcast_in_dim3A_199 = arith.constant 0.000000e+00 : f32
    %broadcast_in_dim3A_200 = vector.broadcast %broadcast_in_dim3A_199 : f32 to vector<16xf32>
    %swap3A_201 = arith.constant 6 : i32
    %swap3A_202 = arith.index_cast %swap3A_201 : i32 to index
    %swap3A_203 = arith.constant 16 : index
    %swap3A_204 = tpu.vector_load %arg12[%swap3A_202, %swap3A_203] {strides = array<i32>} : memref<158x64xf32, #tpu.memory_space<vmem>>, vector<1x16xf32>,
    %swap3A_205 = vector.shape_cast %swap3A_204 : vector<1x16xf32> to vector<16xf32>
    %swap3A_206 = vector.shape_cast %broadcast_in_dim3A_200 : vector<16xf32> to vector<1x16xf32>
    tpu.vector_store %arg12[%swap3A_202, %swap3A_203], %swap3A_206 {strides = array<i32>} : memref<158x64xf32, #tpu.memory_space<vmem>>, vector<1x16xf32>,
    %broadcast_in_dim3A_207 = arith.constant 0.000000e+00 : f32
    %broadcast_in_dim3A_208 = vector.broadcast %broadcast_in_dim3A_207 : f32 to vector<16xf32>
    %swap3A_209 = arith.constant 6 : i32
    %swap3A_210 = arith.index_cast %swap3A_209 : i32 to index
    %swap3A_211 = arith.constant 32 : index
    %swap3A_212 = tpu.vector_load %arg12[%swap3A_210, %swap3A_211] {strides = array<i32>} : memref<158x64xf32, #tpu.memory_space<vmem>>, vector<1x16xf32>,
    %swap3A_213 = vector.shape_cast %swap3A_212 : vector<1x16xf32> to vector<16xf32>
    %swap3A_214 = vector.shape_cast %broadcast_in_dim3A_208 : vector<16xf32> to vector<1x16xf32>
    tpu.vector_store %arg12[%swap3A_210, %swap3A_211], %swap3A_214 {strides = array<i32>} : memref<158x64xf32, #tpu.memory_space<vmem>>, vector<1x16xf32>,
    %broadcast_in_dim3A_215 = arith.constant 0.000000e+00 : f32
    %broadcast_in_dim3A_216 = vector.broadcast %broadcast_in_dim3A_215 : f32 to vector<16xf32>
    %swap3A_217 = arith.constant 6 : i32
    %swap3A_218 = arith.index_cast %swap3A_217 : i32 to index
    %swap3A_219 = arith.constant 48 : index
    %swap3A_220 = tpu.vector_load %arg12[%swap3A_218, %swap3A_219] {strides = array<i32>} : memref<158x64xf32, #tpu.memory_space<vmem>>, vector<1x16xf32>,
    %swap3A_221 = vector.shape_cast %swap3A_220 : vector<1x16xf32> to vector<16xf32>
    %swap3A_222 = vector.shape_cast %broadcast_in_dim3A_216 : vector<16xf32> to vector<1x16xf32>
    tpu.vector_store %arg12[%swap3A_218, %swap3A_219], %swap3A_222 {strides = array<i32>} : memref<158x64xf32, #tpu.memory_space<vmem>>, vector<1x16xf32>,
    %broadcast_in_dim3A_223 = arith.constant 0.000000e+00 : f32
    %broadcast_in_dim3A_224 = vector.broadcast %broadcast_in_dim3A_223 : f32 to vector<16xf32>
    %swap3A_225 = arith.constant 7 : i32
    %swap3A_226 = arith.index_cast %swap3A_225 : i32 to index
    %swap3A_227 = arith.constant 0 : index
    %swap3A_228 = tpu.vector_load %arg12[%swap3A_226, %swap3A_227] {strides = array<i32>} : memref<158x64xf32, #tpu.memory_space<vmem>>, vector<1x16xf32>,
    %swap3A_229 = vector.shape_cast %swap3A_228 : vector<1x16xf32> to vector<16xf32>
    %swap3A_230 = vector.shape_cast %broadcast_in_dim3A_224 : vector<16xf32> to vector<1x16xf32>
    tpu.vector_store %arg12[%swap3A_226, %swap3A_227], %swap3A_230 {strides = array<i32>} : memref<158x64xf32, #tpu.memory_space<vmem>>, vector<1x16xf32>,
    %broadcast_in_dim3A_231 = arith.constant 0.000000e+00 : f32
    %broadcast_in_dim3A_232 = vector.broadcast %broadcast_in_dim3A_231 : f32 to vector<16xf32>
    %swap3A_233 = arith.constant 7 : i32
    %swap3A_234 = arith.index_cast %swap3A_233 : i32 to index
    %swap3A_235 = arith.constant 16 : index
    %swap3A_236 = tpu.vector_load %arg12[%swap3A_234, %swap3A_235] {strides = array<i32>} : memref<158x64xf32, #tpu.memory_space<vmem>>, vector<1x16xf32>,
    %swap3A_237 = vector.shape_cast %swap3A_236 : vector<1x16xf32> to vector<16xf32>
    %swap3A_238 = vector.shape_cast %broadcast_in_dim3A_232 : vector<16xf32> to vector<1x16xf32>
    tpu.vector_store %arg12[%swap3A_234, %swap3A_235], %swap3A_238 {strides = array<i32>} : memref<158x64xf32, #tpu.memory_space<vmem>>, vector<1x16xf32>,
    %broadcast_in_dim3A_239 = arith.constant 0.000000e+00 : f32
    %broadcast_in_dim3A_240 = vector.broadcast %broadcast_in_dim3A_239 : f32 to vector<16xf32>
    %swap3A_241 = arith.constant 7 : i32
    %swap3A_242 = arith.index_cast %swap3A_241 : i32 to index
    %swap3A_243 = arith.constant 32 : index
    %swap3A_244 = tpu.vector_load %arg12[%swap3A_242, %swap3A_243] {strides = array<i32>} : memref<158x64xf32, #tpu.memory_space<vmem>>, vector<1x16xf32>,
    %swap3A_245 = vector.shape_cast %swap3A_244 : vector<1x16xf32> to vector<16xf32>
    %swap3A_246 = vector.shape_cast %broadcast_in_dim3A_240 : vector<16xf32> to vector<1x16xf32>
    tpu.vector_store %arg12[%swap3A_242, %swap3A_243], %swap3A_246 {strides = array<i32>} : memref<158x64xf32, #tpu.memory_space<vmem>>, vector<1x16xf32>,
    %broadcast_in_dim3A_247 = arith.constant 0.000000e+00 : f32
    %broadcast_in_dim3A_248 = vector.broadcast %broadcast_in_dim3A_247 : f32 to vector<16xf32>
    %swap3A_249 = arith.constant 7 : i32
    %swap3A_250 = arith.index_cast %swap3A_249 : i32 to index
    %swap3A_251 = arith.constant 48 : index
    %swap3A_252 = tpu.vector_load %arg12[%swap3A_250, %swap3A_251] {strides = array<i32>} : memref<158x64xf32, #tpu.memory_space<vmem>>, vector<1x16xf32>,
    %swap3A_253 = vector.shape_cast %swap3A_252 : vector<1x16xf32> to vector<16xf32>
    %swap3A_254 = vector.shape_cast %broadcast_in_dim3A_248 : vector<16xf32> to vector<1x16xf32>
    tpu.vector_store %arg12[%swap3A_250, %swap3A_251], %swap3A_254 {strides = array<i32>} : memref<158x64xf32, #tpu.memory_space<vmem>>, vector<1x16xf32>,
    %scan3A = arith.constant 0 : i32
    %scan3A_255 = arith.constant 0 : i32
    %scan3A_256 = arith.constant 79 : i32
    %scan3A_257 = arith.addi %scan3A_255, %scan3A_256 : i32
    %scan3A_258 = arith.constant 1 : i32
    scf.for %scan3A_375 = %scan3A_255 to %scan3A_257 step %scan3A_258  : i32 {
      %mul3A_376 = arith.constant 632 : i32
      %mul3A_377 = arith.muli %arg1, %mul3A_376 : i32
      %mul3A_378 = arith.constant 8 : i32
      %mul3A_379 = arith.muli %scan3A_375, %mul3A_378 : i32
      %add3A_380 = arith.addi %mul3A_377, %mul3A_379 : i32
      %dma_start3A_381 = arith.constant 0 : i32
      %dma_start3A_382 = arith.constant 0 : i32
      %dma_start3A_383 = tpu.memref_slice %arg12[%dma_start3A_381, %dma_start3A_382] : memref<158x64xf32, #tpu.memory_space<vmem>> -> memref<8x64xf32, #tpu.memory_space<vmem>>
      %dma_start3A_384 = arith.constant 0 : i32
      %dma_start3A_385 = tpu.memref_slice %arg13[%add3A_380, %dma_start3A_384] : memref<10112x64xf32, #tpu.memory_space<vmem_shared>> -> memref<8x64xf32, #tpu.memory_space<vmem_shared>>
      %dma_start3A_386 = arith.constant 0 : i32
      %dma_start3A_387 = tpu.memref_slice %arg13[%add3A_380, %dma_start3A_386] : memref<10112x64xf32, #tpu.memory_space<vmem_shared>> -> memref<8x64xf32, #tpu.memory_space<vmem_shared>>
      %dma_start3A_388 = arith.constant 0 : i32
      %dma_start3A_389 = arith.constant 0 : i32
      %dma_start3A_390 = tpu.memref_slice %arg12[%dma_start3A_388, %dma_start3A_389] : memref<158x64xf32, #tpu.memory_space<vmem>> -> memref<8x64xf32, #tpu.memory_space<vmem>>
      tpu.enqueue_dma source(%dma_start3A_390 : memref<8x64xf32, #tpu.memory_space<vmem>>) target(%dma_start3A_387 : memref<8x64xf32, #tpu.memory_space<vmem_shared>>) target_semaphore(%arg24 : memref<!tpu.dma_semaphore, #tpu.memory_space<semaphore_mem>>)
    }
    %scan3A_259 = arith.constant 79 : i32
    %mul3A = arith.constant 632 : i32
    %mul3A_260 = arith.muli %arg1, %mul3A : i32
    %mul3A_261 = arith.constant 64 : i32
    %mul3A_262 = arith.muli %arg0, %mul3A_261 : i32
    %mul3A_263 = arith.constant 632 : i32
    %mul3A_264 = arith.muli %arg1, %mul3A_263 : i32
    %dma_wait3A = arith.constant 0 : i32
    %dma_wait3A_265 = tpu.memref_slice %arg13[%mul3A_264, %dma_wait3A] : memref<10112x64xf32, #tpu.memory_space<vmem_shared>> -> memref<632x64xf32, #tpu.memory_space<vmem_shared>>
    %dma_wait3A_266 = tpu.memref_slice %arg4[%mul3A_260, %mul3A_262] : memref<10112x128xf32, #tpu.memory_space<hbm>> -> memref<632x64xf32, #tpu.memory_space<hbm>>
    tpu.wait_dma2 semaphore(%arg24 : memref<!tpu.dma_semaphore, #tpu.memory_space<semaphore_mem>>) src(%dma_wait3A_266 : memref<632x64xf32, #tpu.memory_space<hbm>>) dst(%dma_wait3A_265 : memref<632x64xf32, #tpu.memory_space<vmem_shared>>)
    %barrier3A = arith.constant 0 : index
    tpu.barrier barrier_id(%barrier3A)
    %dma_start3A = arith.constant 0 : i32
    %dma_start3A_267 = arith.constant 0 : i32
    %dma_start3A_268 = tpu.memref_slice %arg5[%dma_start3A, %dma_start3A_267] : memref<250x80xi32, #tpu.memory_space<vmem>> -> memref<1x80xi32, #tpu.memory_space<vmem>>
    %dma_start3A_269 = tpu.memref_squeeze %dma_start3A_268 : memref<1x80xi32, #tpu.memory_space<vmem>> -> memref<80xi32, #tpu.memory_space<vmem>>
    %dma_start3A_270 = arith.constant 0 : i32
    %dma_start3A_271 = arith.constant 0 : i32
    %dma_start3A_272 = tpu.memref_slice %arg3[%arg0, %dma_start3A_270, %dma_start3A_271] : memref<2x10000x64xf32, #tpu.memory_space<hbm>> -> memref<1x10000x64xf32, #tpu.memory_space<hbm>>
    %dma_start3A_273 = tpu.memref_squeeze %dma_start3A_272 : memref<1x10000x64xf32, #tpu.memory_space<hbm>> -> memref<10000x64xf32, #tpu.memory_space<hbm>>
    %dma_start3A_274 = arith.constant 0 : i32
    %dma_start3A_275 = arith.constant 0 : i32
    %dma_start3A_276 = tpu.memref_slice %dma_start3A_273[%dma_start3A_274, %dma_start3A_275] : memref<10000x64xf32, #tpu.memory_space<hbm>> -> memref<10000x64xf32, #tpu.memory_space<hbm>>
    tpu.enqueue_indirect_dma source(%dma_start3A_276 : memref<10000x64xf32, #tpu.memory_space<hbm>>) target(%arg7 : memref<80x64xf32, #tpu.memory_space<vmem>>) offsets(%dma_start3A_269 : memref<80xi32, #tpu.memory_space<vmem>>) semaphore(%arg14 : memref<!tpu.dma_semaphore, #tpu.memory_space<semaphore_mem>>)
    %dma_start3A_277 = arith.constant 1 : i32
    %dma_start3A_278 = arith.constant 0 : i32
    %dma_start3A_279 = tpu.memref_slice %arg5[%dma_start3A_277, %dma_start3A_278] : memref<250x80xi32, #tpu.memory_space<vmem>> -> memref<1x80xi32, #tpu.memory_space<vmem>>
    %dma_start3A_280 = tpu.memref_squeeze %dma_start3A_279 : memref<1x80xi32, #tpu.memory_space<vmem>> -> memref<80xi32, #tpu.memory_space<vmem>>
    %dma_start3A_281 = arith.constant 0 : i32
    %dma_start3A_282 = arith.constant 0 : i32
    %dma_start3A_283 = tpu.memref_slice %arg3[%arg0, %dma_start3A_281, %dma_start3A_282] : memref<2x10000x64xf32, #tpu.memory_space<hbm>> -> memref<1x10000x64xf32, #tpu.memory_space<hbm>>
    %dma_start3A_284 = tpu.memref_squeeze %dma_start3A_283 : memref<1x10000x64xf32, #tpu.memory_space<hbm>> -> memref<10000x64xf32, #tpu.memory_space<hbm>>
    %dma_start3A_285 = arith.constant 0 : i32
    %dma_start3A_286 = arith.constant 0 : i32
    %dma_start3A_287 = tpu.memref_slice %dma_start3A_284[%dma_start3A_285, %dma_start3A_286] : memref<10000x64xf32, #tpu.memory_space<hbm>> -> memref<10000x64xf32, #tpu.memory_space<hbm>>
    tpu.enqueue_indirect_dma source(%dma_start3A_287 : memref<10000x64xf32, #tpu.memory_space<hbm>>) target(%arg8 : memref<80x64xf32, #tpu.memory_space<vmem>>) offsets(%dma_start3A_280 : memref<80xi32, #tpu.memory_space<vmem>>) semaphore(%arg15 : memref<!tpu.dma_semaphore, #tpu.memory_space<semaphore_mem>>)
    %dma_start3A_288 = arith.constant 2 : i32
    %dma_start3A_289 = arith.constant 0 : i32
    %dma_start3A_290 = tpu.memref_slice %arg5[%dma_start3A_288, %dma_start3A_289] : memref<250x80xi32, #tpu.memory_space<vmem>> -> memref<1x80xi32, #tpu.memory_space<vmem>>
    %dma_start3A_291 = tpu.memref_squeeze %dma_start3A_290 : memref<1x80xi32, #tpu.memory_space<vmem>> -> memref<80xi32, #tpu.memory_space<vmem>>
    %dma_start3A_292 = arith.constant 0 : i32
    %dma_start3A_293 = arith.constant 0 : i32
    %dma_start3A_294 = tpu.memref_slice %arg3[%arg0, %dma_start3A_292, %dma_start3A_293] : memref<2x10000x64xf32, #tpu.memory_space<hbm>> -> memref<1x10000x64xf32, #tpu.memory_space<hbm>>
    %dma_start3A_295 = tpu.memref_squeeze %dma_start3A_294 : memref<1x10000x64xf32, #tpu.memory_space<hbm>> -> memref<10000x64xf32, #tpu.memory_space<hbm>>
    %dma_start3A_296 = arith.constant 0 : i32
    %dma_start3A_297 = arith.constant 0 : i32
    %dma_start3A_298 = tpu.memref_slice %dma_start3A_295[%dma_start3A_296, %dma_start3A_297] : memref<10000x64xf32, #tpu.memory_space<hbm>> -> memref<10000x64xf32, #tpu.memory_space<hbm>>
    tpu.enqueue_indirect_dma source(%dma_start3A_298 : memref<10000x64xf32, #tpu.memory_space<hbm>>) target(%arg9 : memref<80x64xf32, #tpu.memory_space<vmem>>) offsets(%dma_start3A_291 : memref<80xi32, #tpu.memory_space<vmem>>) semaphore(%arg16 : memref<!tpu.dma_semaphore, #tpu.memory_space<semaphore_mem>>)
    %dma_start3A_299 = arith.constant 3 : i32
    %dma_start3A_300 = arith.constant 0 : i32
    %dma_start3A_301 = tpu.memref_slice %arg5[%dma_start3A_299, %dma_start3A_300] : memref<250x80xi32, #tpu.memory_space<vmem>> -> memref<1x80xi32, #tpu.memory_space<vmem>>
    %dma_start3A_302 = tpu.memref_squeeze %dma_start3A_301 : memref<1x80xi32, #tpu.memory_space<vmem>> -> memref<80xi32, #tpu.memory_space<vmem>>
    %dma_start3A_303 = arith.constant 0 : i32
    %dma_start3A_304 = arith.constant 0 : i32
    %dma_start3A_305 = tpu.memref_slice %arg3[%arg0, %dma_start3A_303, %dma_start3A_304] : memref<2x10000x64xf32, #tpu.memory_space<hbm>> -> memref<1x10000x64xf32, #tpu.memory_space<hbm>>
    %dma_start3A_306 = tpu.memref_squeeze %dma_start3A_305 : memref<1x10000x64xf32, #tpu.memory_space<hbm>> -> memref<10000x64xf32, #tpu.memory_space<hbm>>
    %dma_start3A_307 = arith.constant 0 : i32
    %dma_start3A_308 = arith.constant 0 : i32
    %dma_start3A_309 = tpu.memref_slice %dma_start3A_306[%dma_start3A_307, %dma_start3A_308] : memref<10000x64xf32, #tpu.memory_space<hbm>> -> memref<10000x64xf32, #tpu.memory_space<hbm>>
    tpu.enqueue_indirect_dma source(%dma_start3A_309 : memref<10000x64xf32, #tpu.memory_space<hbm>>) target(%arg10 : memref<80x64xf32, #tpu.memory_space<vmem>>) offsets(%dma_start3A_302 : memref<80xi32, #tpu.memory_space<vmem>>) semaphore(%arg17 : memref<!tpu.dma_semaphore, #tpu.memory_space<semaphore_mem>>)
    %scan3A_310 = arith.constant 0 : i32
    %scan3A_311 = arith.constant 0 : i32
    %scan3A_312 = arith.constant 50 : i32
    %scan3A_313 = arith.addi %scan3A_311, %scan3A_312 : i32
    %scan3A_314 = arith.constant 1 : i32
    scf.for %scan3A_375 = %scan3A_311 to %scan3A_313 step %scan3A_314  : i32 {
      %mul3A_376 = arith.constant 5 : i32
      %mul3A_377 = arith.muli %scan3A_375, %mul3A_376 : i32
      %add3A_378 = arith.constant 0 : i32
      %add3A_379 = arith.addi %mul3A_377, %add3A_378 : i32
      %dma_wait3A_380 = arith.constant 0 : i32
      %dma_wait3A_381 = tpu.memref_slice %arg5[%add3A_379, %dma_wait3A_380] : memref<250x80xi32, #tpu.memory_space<vmem>> -> memref<1x80xi32, #tpu.memory_space<vmem>>
      %dma_wait3A_382 = tpu.memref_squeeze %dma_wait3A_381 : memref<1x80xi32, #tpu.memory_space<vmem>> -> memref<80xi32, #tpu.memory_space<vmem>>
      %dma_wait3A_383 = arith.constant 0 : i32
      %dma_wait3A_384 = arith.constant 0 : i32
      %dma_wait3A_385 = tpu.memref_slice %arg3[%arg0, %dma_wait3A_383, %dma_wait3A_384] : memref<2x10000x64xf32, #tpu.memory_space<hbm>> -> memref<1x10000x64xf32, #tpu.memory_space<hbm>>
      %dma_wait3A_386 = tpu.memref_squeeze %dma_wait3A_385 : memref<1x10000x64xf32, #tpu.memory_space<hbm>> -> memref<10000x64xf32, #tpu.memory_space<hbm>>
      %dma_wait3A_387 = arith.constant 0 : i32
      %dma_wait3A_388 = arith.constant 0 : i32
      %dma_wait3A_389 = tpu.memref_slice %dma_wait3A_386[%dma_wait3A_387, %dma_wait3A_388] : memref<10000x64xf32, #tpu.memory_space<hbm>> -> memref<10000x64xf32, #tpu.memory_space<hbm>>
      tpu.wait_indirect_dma semaphore(%arg14 : memref<!tpu.dma_semaphore, #tpu.memory_space<semaphore_mem>>) src(%dma_wait3A_389 : memref<10000x64xf32, #tpu.memory_space<hbm>>) dst(%arg7 : memref<80x64xf32, #tpu.memory_space<vmem>>)
      %dma_start3A_390 = arith.constant 0 : i32
      %dma_start3A_391 = tpu.memref_slice %arg6[%add3A_379, %dma_start3A_390] : memref<250x80xi32, #tpu.memory_space<vmem>> -> memref<1x80xi32, #tpu.memory_space<vmem>>
      %dma_start3A_392 = tpu.memref_squeeze %dma_start3A_391 : memref<1x80xi32, #tpu.memory_space<vmem>> -> memref<80xi32, #tpu.memory_space<vmem>>
      %dma_start3A_393 = arith.constant 0 : i32
      %dma_start3A_394 = arith.constant 0 : i32
      %dma_start3A_395 = tpu.memref_slice %arg13[%dma_start3A_393, %dma_start3A_394] : memref<10112x64xf32, #tpu.memory_space<vmem_shared>> -> memref<10112x64xf32, #tpu.memory_space<vmem_shared>>
      tpu.enqueue_indirect_dma source(%arg7 : memref<80x64xf32, #tpu.memory_space<vmem>>) target(%dma_start3A_395 : memref<10112x64xf32, #tpu.memory_space<vmem_shared>>) offsets(%dma_start3A_392 : memref<80xi32, #tpu.memory_space<vmem>>) semaphore(%arg19 : memref<!tpu.dma_semaphore, #tpu.memory_space<semaphore_mem>>) {add = true}
      %add3A_396 = arith.constant 4 : i32
      %add3A_397 = arith.addi %add3A_379, %add3A_396 : i32
      %gt3A = arith.constant 0 : i32
      %gt3A_398 = arith.cmpi sgt, %scan3A_375, %gt3A : i32
      %convert_element_type3A = arith.extui %gt3A_398 : i1 to i32
      %cond3A = arith.constant 0 : i32
      %cond3A_399 = arith.cmpi ne, %convert_element_type3A, %cond3A : i32
      scf.if %cond3A_399 {
        %sub3A = arith.constant 5 : i32
        %sub3A_511 = arith.subi %add3A_397, %sub3A : i32
        %dma_wait3A_512 = arith.constant 0 : i32
        %dma_wait3A_513 = tpu.memref_slice %arg6[%sub3A_511, %dma_wait3A_512] : memref<250x80xi32, #tpu.memory_space<vmem>> -> memref<1x80xi32, #tpu.memory_space<vmem>>
        %dma_wait3A_514 = tpu.memref_squeeze %dma_wait3A_513 : memref<1x80xi32, #tpu.memory_space<vmem>> -> memref<80xi32, #tpu.memory_space<vmem>>
        %dma_wait3A_515 = arith.constant 0 : i32
        %dma_wait3A_516 = arith.constant 0 : i32
        %dma_wait3A_517 = tpu.memref_slice %arg13[%dma_wait3A_515, %dma_wait3A_516] : memref<10112x64xf32, #tpu.memory_space<vmem_shared>> -> memref<10112x64xf32, #tpu.memory_space<vmem_shared>>
        tpu.wait_indirect_dma semaphore(%arg23 : memref<!tpu.dma_semaphore, #tpu.memory_space<semaphore_mem>>) src(%arg11 : memref<80x64xf32, #tpu.memory_space<vmem>>) dst(%dma_wait3A_517 : memref<10112x64xf32, #tpu.memory_space<vmem_shared>>)
        %dma_start3A_518 = arith.constant 0 : i32
        %dma_start3A_519 = tpu.memref_slice %arg5[%add3A_397, %dma_start3A_518] : memref<250x80xi32, #tpu.memory_space<vmem>> -> memref<1x80xi32, #tpu.memory_space<vmem>>
        %dma_start3A_520 = tpu.memref_squeeze %dma_start3A_519 : memref<1x80xi32, #tpu.memory_space<vmem>> -> memref<80xi32, #tpu.memory_space<vmem>>
        %dma_start3A_521 = arith.constant 0 : i32
        %dma_start3A_522 = arith.constant 0 : i32
        %dma_start3A_523 = tpu.memref_slice %arg3[%arg0, %dma_start3A_521, %dma_start3A_522] : memref<2x10000x64xf32, #tpu.memory_space<hbm>> -> memref<1x10000x64xf32, #tpu.memory_space<hbm>>
        %dma_start3A_524 = tpu.memref_squeeze %dma_start3A_523 : memref<1x10000x64xf32, #tpu.memory_space<hbm>> -> memref<10000x64xf32, #tpu.memory_space<hbm>>
        %dma_start3A_525 = arith.constant 0 : i32
        %dma_start3A_526 = arith.constant 0 : i32
        %dma_start3A_527 = tpu.memref_slice %dma_start3A_524[%dma_start3A_525, %dma_start3A_526] : memref<10000x64xf32, #tpu.memory_space<hbm>> -> memref<10000x64xf32, #tpu.memory_space<hbm>>
        tpu.enqueue_indirect_dma source(%dma_start3A_527 : memref<10000x64xf32, #tpu.memory_space<hbm>>) target(%arg11 : memref<80x64xf32, #tpu.memory_space<vmem>>) offsets(%dma_start3A_520 : memref<80xi32, #tpu.memory_space<vmem>>) semaphore(%arg18 : memref<!tpu.dma_semaphore, #tpu.memory_space<semaphore_mem>>)
      } else {
      }
      %eq3A = arith.constant 0 : i32
      %eq3A_400 = arith.cmpi eq, %scan3A_375, %eq3A : i32
      %convert_element_type3A_401 = arith.extui %eq3A_400 : i1 to i32
      %cond3A_402 = arith.constant 0 : i32
      %cond3A_403 = arith.cmpi ne, %convert_element_type3A_401, %cond3A_402 : i32
      scf.if %cond3A_403 {
        %dma_start3A_511 = arith.constant 0 : i32
        %dma_start3A_512 = tpu.memref_slice %arg5[%add3A_397, %dma_start3A_511] : memref<250x80xi32, #tpu.memory_space<vmem>> -> memref<1x80xi32, #tpu.memory_space<vmem>>
        %dma_start3A_513 = tpu.memref_squeeze %dma_start3A_512 : memref<1x80xi32, #tpu.memory_space<vmem>> -> memref<80xi32, #tpu.memory_space<vmem>>
        %dma_start3A_514 = arith.constant 0 : i32
        %dma_start3A_515 = arith.constant 0 : i32
        %dma_start3A_516 = tpu.memref_slice %arg3[%arg0, %dma_start3A_514, %dma_start3A_515] : memref<2x10000x64xf32, #tpu.memory_space<hbm>> -> memref<1x10000x64xf32, #tpu.memory_space<hbm>>
        %dma_start3A_517 = tpu.memref_squeeze %dma_start3A_516 : memref<1x10000x64xf32, #tpu.memory_space<hbm>> -> memref<10000x64xf32, #tpu.memory_space<hbm>>
        %dma_start3A_518 = arith.constant 0 : i32
        %dma_start3A_519 = arith.constant 0 : i32
        %dma_start3A_520 = tpu.memref_slice %dma_start3A_517[%dma_start3A_518, %dma_start3A_519] : memref<10000x64xf32, #tpu.memory_space<hbm>> -> memref<10000x64xf32, #tpu.memory_space<hbm>>
        tpu.enqueue_indirect_dma source(%dma_start3A_520 : memref<10000x64xf32, #tpu.memory_space<hbm>>) target(%arg11 : memref<80x64xf32, #tpu.memory_space<vmem>>) offsets(%dma_start3A_513 : memref<80xi32, #tpu.memory_space<vmem>>) semaphore(%arg18 : memref<!tpu.dma_semaphore, #tpu.memory_space<semaphore_mem>>)
      } else {
      }
      %mul3A_404 = arith.constant 5 : i32
      %mul3A_405 = arith.muli %scan3A_375, %mul3A_404 : i32
      %add3A_406 = arith.constant 1 : i32
      %add3A_407 = arith.addi %mul3A_405, %add3A_406 : i32
      %dma_wait3A_408 = arith.constant 0 : i32
      %dma_wait3A_409 = tpu.memref_slice %arg5[%add3A_407, %dma_wait3A_408] : memref<250x80xi32, #tpu.memory_space<vmem>> -> memref<1x80xi32, #tpu.memory_space<vmem>>
      %dma_wait3A_410 = tpu.memref_squeeze %dma_wait3A_409 : memref<1x80xi32, #tpu.memory_space<vmem>> -> memref<80xi32, #tpu.memory_space<vmem>>
      %dma_wait3A_411 = arith.constant 0 : i32
      %dma_wait3A_412 = arith.constant 0 : i32
      %dma_wait3A_413 = tpu.memref_slice %arg3[%arg0, %dma_wait3A_411, %dma_wait3A_412] : memref<2x10000x64xf32, #tpu.memory_space<hbm>> -> memref<1x10000x64xf32, #tpu.memory_space<hbm>>
      %dma_wait3A_414 = tpu.memref_squeeze %dma_wait3A_413 : memref<1x10000x64xf32, #tpu.memory_space<hbm>> -> memref<10000x64xf32, #tpu.memory_space<hbm>>
      %dma_wait3A_415 = arith.constant 0 : i32
      %dma_wait3A_416 = arith.constant 0 : i32
      %dma_wait3A_417 = tpu.memref_slice %dma_wait3A_414[%dma_wait3A_415, %dma_wait3A_416] : memref<10000x64xf32, #tpu.memory_space<hbm>> -> memref<10000x64xf32, #tpu.memory_space<hbm>>
      tpu.wait_indirect_dma semaphore(%arg15 : memref<!tpu.dma_semaphore, #tpu.memory_space<semaphore_mem>>) src(%dma_wait3A_417 : memref<10000x64xf32, #tpu.memory_space<hbm>>) dst(%arg8 : memref<80x64xf32, #tpu.memory_space<vmem>>)
      %dma_start3A_418 = arith.constant 0 : i32
      %dma_start3A_419 = tpu.memref_slice %arg6[%add3A_407, %dma_start3A_418] : memref<250x80xi32, #tpu.memory_space<vmem>> -> memref<1x80xi32, #tpu.memory_space<vmem>>
      %dma_start3A_420 = tpu.memref_squeeze %dma_start3A_419 : memref<1x80xi32, #tpu.memory_space<vmem>> -> memref<80xi32, #tpu.memory_space<vmem>>
      %dma_start3A_421 = arith.constant 0 : i32
      %dma_start3A_422 = arith.constant 0 : i32
      %dma_start3A_423 = tpu.memref_slice %arg13[%dma_start3A_421, %dma_start3A_422] : memref<10112x64xf32, #tpu.memory_space<vmem_shared>> -> memref<10112x64xf32, #tpu.memory_space<vmem_shared>>
      tpu.enqueue_indirect_dma source(%arg8 : memref<80x64xf32, #tpu.memory_space<vmem>>) target(%dma_start3A_423 : memref<10112x64xf32, #tpu.memory_space<vmem_shared>>) offsets(%dma_start3A_420 : memref<80xi32, #tpu.memory_space<vmem>>) semaphore(%arg20 : memref<!tpu.dma_semaphore, #tpu.memory_space<semaphore_mem>>) {add = true}
      %add3A_424 = arith.constant 4 : i32
      %add3A_425 = arith.addi %add3A_407, %add3A_424 : i32
      %lt3A = arith.constant 250 : i32
      %lt3A_426 = arith.cmpi slt, %add3A_425, %lt3A : i32
      %convert_element_type3A_427 = arith.extui %lt3A_426 : i1 to i32
      %cond3A_428 = arith.constant 0 : i32
      %cond3A_429 = arith.cmpi ne, %convert_element_type3A_427, %cond3A_428 : i32
      scf.if %cond3A_429 {
        %sub3A = arith.constant 5 : i32
        %sub3A_511 = arith.subi %add3A_425, %sub3A : i32
        %dma_wait3A_512 = arith.constant 0 : i32
        %dma_wait3A_513 = tpu.memref_slice %arg6[%sub3A_511, %dma_wait3A_512] : memref<250x80xi32, #tpu.memory_space<vmem>> -> memref<1x80xi32, #tpu.memory_space<vmem>>
        %dma_wait3A_514 = tpu.memref_squeeze %dma_wait3A_513 : memref<1x80xi32, #tpu.memory_space<vmem>> -> memref<80xi32, #tpu.memory_space<vmem>>
        %dma_wait3A_515 = arith.constant 0 : i32
        %dma_wait3A_516 = arith.constant 0 : i32
        %dma_wait3A_517 = tpu.memref_slice %arg13[%dma_wait3A_515, %dma_wait3A_516] : memref<10112x64xf32, #tpu.memory_space<vmem_shared>> -> memref<10112x64xf32, #tpu.memory_space<vmem_shared>>
        tpu.wait_indirect_dma semaphore(%arg19 : memref<!tpu.dma_semaphore, #tpu.memory_space<semaphore_mem>>) src(%arg7 : memref<80x64xf32, #tpu.memory_space<vmem>>) dst(%dma_wait3A_517 : memref<10112x64xf32, #tpu.memory_space<vmem_shared>>)
        %dma_start3A_518 = arith.constant 0 : i32
        %dma_start3A_519 = tpu.memref_slice %arg5[%add3A_425, %dma_start3A_518] : memref<250x80xi32, #tpu.memory_space<vmem>> -> memref<1x80xi32, #tpu.memory_space<vmem>>
        %dma_start3A_520 = tpu.memref_squeeze %dma_start3A_519 : memref<1x80xi32, #tpu.memory_space<vmem>> -> memref<80xi32, #tpu.memory_space<vmem>>
        %dma_start3A_521 = arith.constant 0 : i32
        %dma_start3A_522 = arith.constant 0 : i32
        %dma_start3A_523 = tpu.memref_slice %arg3[%arg0, %dma_start3A_521, %dma_start3A_522] : memref<2x10000x64xf32, #tpu.memory_space<hbm>> -> memref<1x10000x64xf32, #tpu.memory_space<hbm>>
        %dma_start3A_524 = tpu.memref_squeeze %dma_start3A_523 : memref<1x10000x64xf32, #tpu.memory_space<hbm>> -> memref<10000x64xf32, #tpu.memory_space<hbm>>
        %dma_start3A_525 = arith.constant 0 : i32
        %dma_start3A_526 = arith.constant 0 : i32
        %dma_start3A_527 = tpu.memref_slice %dma_start3A_524[%dma_start3A_525, %dma_start3A_526] : memref<10000x64xf32, #tpu.memory_space<hbm>> -> memref<10000x64xf32, #tpu.memory_space<hbm>>
        tpu.enqueue_indirect_dma source(%dma_start3A_527 : memref<10000x64xf32, #tpu.memory_space<hbm>>) target(%arg7 : memref<80x64xf32, #tpu.memory_space<vmem>>) offsets(%dma_start3A_520 : memref<80xi32, #tpu.memory_space<vmem>>) semaphore(%arg14 : memref<!tpu.dma_semaphore, #tpu.memory_space<semaphore_mem>>)
      } else {
      }
      %mul3A_430 = arith.constant 5 : i32
      %mul3A_431 = arith.muli %scan3A_375, %mul3A_430 : i32
      %add3A_432 = arith.constant 2 : i32
      %add3A_433 = arith.addi %mul3A_431, %add3A_432 : i32
      %dma_wait3A_434 = arith.constant 0 : i32
      %dma_wait3A_435 = tpu.memref_slice %arg5[%add3A_433, %dma_wait3A_434] : memref<250x80xi32, #tpu.memory_space<vmem>> -> memref<1x80xi32, #tpu.memory_space<vmem>>
      %dma_wait3A_436 = tpu.memref_squeeze %dma_wait3A_435 : memref<1x80xi32, #tpu.memory_space<vmem>> -> memref<80xi32, #tpu.memory_space<vmem>>
      %dma_wait3A_437 = arith.constant 0 : i32
      %dma_wait3A_438 = arith.constant 0 : i32
      %dma_wait3A_439 = tpu.memref_slice %arg3[%arg0, %dma_wait3A_437, %dma_wait3A_438] : memref<2x10000x64xf32, #tpu.memory_space<hbm>> -> memref<1x10000x64xf32, #tpu.memory_space<hbm>>
      %dma_wait3A_440 = tpu.memref_squeeze %dma_wait3A_439 : memref<1x10000x64xf32, #tpu.memory_space<hbm>> -> memref<10000x64xf32, #tpu.memory_space<hbm>>
      %dma_wait3A_441 = arith.constant 0 : i32
      %dma_wait3A_442 = arith.constant 0 : i32
      %dma_wait3A_443 = tpu.memref_slice %dma_wait3A_440[%dma_wait3A_441, %dma_wait3A_442] : memref<10000x64xf32, #tpu.memory_space<hbm>> -> memref<10000x64xf32, #tpu.memory_space<hbm>>
      tpu.wait_indirect_dma semaphore(%arg16 : memref<!tpu.dma_semaphore, #tpu.memory_space<semaphore_mem>>) src(%dma_wait3A_443 : memref<10000x64xf32, #tpu.memory_space<hbm>>) dst(%arg9 : memref<80x64xf32, #tpu.memory_space<vmem>>)
      %dma_start3A_444 = arith.constant 0 : i32
      %dma_start3A_445 = tpu.memref_slice %arg6[%add3A_433, %dma_start3A_444] : memref<250x80xi32, #tpu.memory_space<vmem>> -> memref<1x80xi32, #tpu.memory_space<vmem>>
      %dma_start3A_446 = tpu.memref_squeeze %dma_start3A_445 : memref<1x80xi32, #tpu.memory_space<vmem>> -> memref<80xi32, #tpu.memory_space<vmem>>
      %dma_start3A_447 = arith.constant 0 : i32
      %dma_start3A_448 = arith.constant 0 : i32
      %dma_start3A_449 = tpu.memref_slice %arg13[%dma_start3A_447, %dma_start3A_448] : memref<10112x64xf32, #tpu.memory_space<vmem_shared>> -> memref<10112x64xf32, #tpu.memory_space<vmem_shared>>
      tpu.enqueue_indirect_dma source(%arg9 : memref<80x64xf32, #tpu.memory_space<vmem>>) target(%dma_start3A_449 : memref<10112x64xf32, #tpu.memory_space<vmem_shared>>) offsets(%dma_start3A_446 : memref<80xi32, #tpu.memory_space<vmem>>) semaphore(%arg21 : memref<!tpu.dma_semaphore, #tpu.memory_space<semaphore_mem>>) {add = true}
      %add3A_450 = arith.constant 4 : i32
      %add3A_451 = arith.addi %add3A_433, %add3A_450 : i32
      %lt3A_452 = arith.constant 250 : i32
      %lt3A_453 = arith.cmpi slt, %add3A_451, %lt3A_452 : i32
      %convert_element_type3A_454 = arith.extui %lt3A_453 : i1 to i32
      %cond3A_455 = arith.constant 0 : i32
      %cond3A_456 = arith.cmpi ne, %convert_element_type3A_454, %cond3A_455 : i32
      scf.if %cond3A_456 {
        %sub3A = arith.constant 5 : i32
        %sub3A_511 = arith.subi %add3A_451, %sub3A : i32
        %dma_wait3A_512 = arith.constant 0 : i32
        %dma_wait3A_513 = tpu.memref_slice %arg6[%sub3A_511, %dma_wait3A_512] : memref<250x80xi32, #tpu.memory_space<vmem>> -> memref<1x80xi32, #tpu.memory_space<vmem>>
        %dma_wait3A_514 = tpu.memref_squeeze %dma_wait3A_513 : memref<1x80xi32, #tpu.memory_space<vmem>> -> memref<80xi32, #tpu.memory_space<vmem>>
        %dma_wait3A_515 = arith.constant 0 : i32
        %dma_wait3A_516 = arith.constant 0 : i32
        %dma_wait3A_517 = tpu.memref_slice %arg13[%dma_wait3A_515, %dma_wait3A_516] : memref<10112x64xf32, #tpu.memory_space<vmem_shared>> -> memref<10112x64xf32, #tpu.memory_space<vmem_shared>>
        tpu.wait_indirect_dma semaphore(%arg20 : memref<!tpu.dma_semaphore, #tpu.memory_space<semaphore_mem>>) src(%arg8 : memref<80x64xf32, #tpu.memory_space<vmem>>) dst(%dma_wait3A_517 : memref<10112x64xf32, #tpu.memory_space<vmem_shared>>)
        %dma_start3A_518 = arith.constant 0 : i32
        %dma_start3A_519 = tpu.memref_slice %arg5[%add3A_451, %dma_start3A_518] : memref<250x80xi32, #tpu.memory_space<vmem>> -> memref<1x80xi32, #tpu.memory_space<vmem>>
        %dma_start3A_520 = tpu.memref_squeeze %dma_start3A_519 : memref<1x80xi32, #tpu.memory_space<vmem>> -> memref<80xi32, #tpu.memory_space<vmem>>
        %dma_start3A_521 = arith.constant 0 : i32
        %dma_start3A_522 = arith.constant 0 : i32
        %dma_start3A_523 = tpu.memref_slice %arg3[%arg0, %dma_start3A_521, %dma_start3A_522] : memref<2x10000x64xf32, #tpu.memory_space<hbm>> -> memref<1x10000x64xf32, #tpu.memory_space<hbm>>
        %dma_start3A_524 = tpu.memref_squeeze %dma_start3A_523 : memref<1x10000x64xf32, #tpu.memory_space<hbm>> -> memref<10000x64xf32, #tpu.memory_space<hbm>>
        %dma_start3A_525 = arith.constant 0 : i32
        %dma_start3A_526 = arith.constant 0 : i32
        %dma_start3A_527 = tpu.memref_slice %dma_start3A_524[%dma_start3A_525, %dma_start3A_526] : memref<10000x64xf32, #tpu.memory_space<hbm>> -> memref<10000x64xf32, #tpu.memory_space<hbm>>
        tpu.enqueue_indirect_dma source(%dma_start3A_527 : memref<10000x64xf32, #tpu.memory_space<hbm>>) target(%arg8 : memref<80x64xf32, #tpu.memory_space<vmem>>) offsets(%dma_start3A_520 : memref<80xi32, #tpu.memory_space<vmem>>) semaphore(%arg15 : memref<!tpu.dma_semaphore, #tpu.memory_space<semaphore_mem>>)
      } else {
      }
      %mul3A_457 = arith.constant 5 : i32
      %mul3A_458 = arith.muli %scan3A_375, %mul3A_457 : i32
      %add3A_459 = arith.constant 3 : i32
      %add3A_460 = arith.addi %mul3A_458, %add3A_459 : i32
      %dma_wait3A_461 = arith.constant 0 : i32
      %dma_wait3A_462 = tpu.memref_slice %arg5[%add3A_460, %dma_wait3A_461] : memref<250x80xi32, #tpu.memory_space<vmem>> -> memref<1x80xi32, #tpu.memory_space<vmem>>
      %dma_wait3A_463 = tpu.memref_squeeze %dma_wait3A_462 : memref<1x80xi32, #tpu.memory_space<vmem>> -> memref<80xi32, #tpu.memory_space<vmem>>
      %dma_wait3A_464 = arith.constant 0 : i32
      %dma_wait3A_465 = arith.constant 0 : i32
      %dma_wait3A_466 = tpu.memref_slice %arg3[%arg0, %dma_wait3A_464, %dma_wait3A_465] : memref<2x10000x64xf32, #tpu.memory_space<hbm>> -> memref<1x10000x64xf32, #tpu.memory_space<hbm>>
      %dma_wait3A_467 = tpu.memref_squeeze %dma_wait3A_466 : memref<1x10000x64xf32, #tpu.memory_space<hbm>> -> memref<10000x64xf32, #tpu.memory_space<hbm>>
      %dma_wait3A_468 = arith.constant 0 : i32
      %dma_wait3A_469 = arith.constant 0 : i32
      %dma_wait3A_470 = tpu.memref_slice %dma_wait3A_467[%dma_wait3A_468, %dma_wait3A_469] : memref<10000x64xf32, #tpu.memory_space<hbm>> -> memref<10000x64xf32, #tpu.memory_space<hbm>>
      tpu.wait_indirect_dma semaphore(%arg17 : memref<!tpu.dma_semaphore, #tpu.memory_space<semaphore_mem>>) src(%dma_wait3A_470 : memref<10000x64xf32, #tpu.memory_space<hbm>>) dst(%arg10 : memref<80x64xf32, #tpu.memory_space<vmem>>)
      %dma_start3A_471 = arith.constant 0 : i32
      %dma_start3A_472 = tpu.memref_slice %arg6[%add3A_460, %dma_start3A_471] : memref<250x80xi32, #tpu.memory_space<vmem>> -> memref<1x80xi32, #tpu.memory_space<vmem>>
      %dma_start3A_473 = tpu.memref_squeeze %dma_start3A_472 : memref<1x80xi32, #tpu.memory_space<vmem>> -> memref<80xi32, #tpu.memory_space<vmem>>
      %dma_start3A_474 = arith.constant 0 : i32
      %dma_start3A_475 = arith.constant 0 : i32
      %dma_start3A_476 = tpu.memref_slice %arg13[%dma_start3A_474, %dma_start3A_475] : memref<10112x64xf32, #tpu.memory_space<vmem_shared>> -> memref<10112x64xf32, #tpu.memory_space<vmem_shared>>
      tpu.enqueue_indirect_dma source(%arg10 : memref<80x64xf32, #tpu.memory_space<vmem>>) target(%dma_start3A_476 : memref<10112x64xf32, #tpu.memory_space<vmem_shared>>) offsets(%dma_start3A_473 : memref<80xi32, #tpu.memory_space<vmem>>) semaphore(%arg22 : memref<!tpu.dma_semaphore, #tpu.memory_space<semaphore_mem>>) {add = true}
      %add3A_477 = arith.constant 4 : i32
      %add3A_478 = arith.addi %add3A_460, %add3A_477 : i32
      %lt3A_479 = arith.constant 250 : i32
      %lt3A_480 = arith.cmpi slt, %add3A_478, %lt3A_479 : i32
      %convert_element_type3A_481 = arith.extui %lt3A_480 : i1 to i32
      %cond3A_482 = arith.constant 0 : i32
      %cond3A_483 = arith.cmpi ne, %convert_element_type3A_481, %cond3A_482 : i32
      scf.if %cond3A_483 {
        %sub3A = arith.constant 5 : i32
        %sub3A_511 = arith.subi %add3A_478, %sub3A : i32
        %dma_wait3A_512 = arith.constant 0 : i32
        %dma_wait3A_513 = tpu.memref_slice %arg6[%sub3A_511, %dma_wait3A_512] : memref<250x80xi32, #tpu.memory_space<vmem>> -> memref<1x80xi32, #tpu.memory_space<vmem>>
        %dma_wait3A_514 = tpu.memref_squeeze %dma_wait3A_513 : memref<1x80xi32, #tpu.memory_space<vmem>> -> memref<80xi32, #tpu.memory_space<vmem>>
        %dma_wait3A_515 = arith.constant 0 : i32
        %dma_wait3A_516 = arith.constant 0 : i32
        %dma_wait3A_517 = tpu.memref_slice %arg13[%dma_wait3A_515, %dma_wait3A_516] : memref<10112x64xf32, #tpu.memory_space<vmem_shared>> -> memref<10112x64xf32, #tpu.memory_space<vmem_shared>>
        tpu.wait_indirect_dma semaphore(%arg21 : memref<!tpu.dma_semaphore, #tpu.memory_space<semaphore_mem>>) src(%arg9 : memref<80x64xf32, #tpu.memory_space<vmem>>) dst(%dma_wait3A_517 : memref<10112x64xf32, #tpu.memory_space<vmem_shared>>)
        %dma_start3A_518 = arith.constant 0 : i32
        %dma_start3A_519 = tpu.memref_slice %arg5[%add3A_478, %dma_start3A_518] : memref<250x80xi32, #tpu.memory_space<vmem>> -> memref<1x80xi32, #tpu.memory_space<vmem>>
        %dma_start3A_520 = tpu.memref_squeeze %dma_start3A_519 : memref<1x80xi32, #tpu.memory_space<vmem>> -> memref<80xi32, #tpu.memory_space<vmem>>
        %dma_start3A_521 = arith.constant 0 : i32
        %dma_start3A_522 = arith.constant 0 : i32
        %dma_start3A_523 = tpu.memref_slice %arg3[%arg0, %dma_start3A_521, %dma_start3A_522] : memref<2x10000x64xf32, #tpu.memory_space<hbm>> -> memref<1x10000x64xf32, #tpu.memory_space<hbm>>
        %dma_start3A_524 = tpu.memref_squeeze %dma_start3A_523 : memref<1x10000x64xf32, #tpu.memory_space<hbm>> -> memref<10000x64xf32, #tpu.memory_space<hbm>>
        %dma_start3A_525 = arith.constant 0 : i32
        %dma_start3A_526 = arith.constant 0 : i32
        %dma_start3A_527 = tpu.memref_slice %dma_start3A_524[%dma_start3A_525, %dma_start3A_526] : memref<10000x64xf32, #tpu.memory_space<hbm>> -> memref<10000x64xf32, #tpu.memory_space<hbm>>
        tpu.enqueue_indirect_dma source(%dma_start3A_527 : memref<10000x64xf32, #tpu.memory_space<hbm>>) target(%arg9 : memref<80x64xf32, #tpu.memory_space<vmem>>) offsets(%dma_start3A_520 : memref<80xi32, #tpu.memory_space<vmem>>) semaphore(%arg16 : memref<!tpu.dma_semaphore, #tpu.memory_space<semaphore_mem>>)
      } else {
      }
      %mul3A_484 = arith.constant 5 : i32
      %mul3A_485 = arith.muli %scan3A_375, %mul3A_484 : i32
      %add3A_486 = arith.constant 4 : i32
      %add3A_487 = arith.addi %mul3A_485, %add3A_486 : i32
      %dma_wait3A_488 = arith.constant 0 : i32
      %dma_wait3A_489 = tpu.memref_slice %arg5[%add3A_487, %dma_wait3A_488] : memref<250x80xi32, #tpu.memory_space<vmem>> -> memref<1x80xi32, #tpu.memory_space<vmem>>
      %dma_wait3A_490 = tpu.memref_squeeze %dma_wait3A_489 : memref<1x80xi32, #tpu.memory_space<vmem>> -> memref<80xi32, #tpu.memory_space<vmem>>
      %dma_wait3A_491 = arith.constant 0 : i32
      %dma_wait3A_492 = arith.constant 0 : i32
      %dma_wait3A_493 = tpu.memref_slice %arg3[%arg0, %dma_wait3A_491, %dma_wait3A_492] : memref<2x10000x64xf32, #tpu.memory_space<hbm>> -> memref<1x10000x64xf32, #tpu.memory_space<hbm>>
      %dma_wait3A_494 = tpu.memref_squeeze %dma_wait3A_493 : memref<1x10000x64xf32, #tpu.memory_space<hbm>> -> memref<10000x64xf32, #tpu.memory_space<hbm>>
      %dma_wait3A_495 = arith.constant 0 : i32
      %dma_wait3A_496 = arith.constant 0 : i32
      %dma_wait3A_497 = tpu.memref_slice %dma_wait3A_494[%dma_wait3A_495, %dma_wait3A_496] : memref<10000x64xf32, #tpu.memory_space<hbm>> -> memref<10000x64xf32, #tpu.memory_space<hbm>>
      tpu.wait_indirect_dma semaphore(%arg18 : memref<!tpu.dma_semaphore, #tpu.memory_space<semaphore_mem>>) src(%dma_wait3A_497 : memref<10000x64xf32, #tpu.memory_space<hbm>>) dst(%arg11 : memref<80x64xf32, #tpu.memory_space<vmem>>)
      %dma_start3A_498 = arith.constant 0 : i32
      %dma_start3A_499 = tpu.memref_slice %arg6[%add3A_487, %dma_start3A_498] : memref<250x80xi32, #tpu.memory_space<vmem>> -> memref<1x80xi32, #tpu.memory_space<vmem>>
      %dma_start3A_500 = tpu.memref_squeeze %dma_start3A_499 : memref<1x80xi32, #tpu.memory_space<vmem>> -> memref<80xi32, #tpu.memory_space<vmem>>
      %dma_start3A_501 = arith.constant 0 : i32
      %dma_start3A_502 = arith.constant 0 : i32
      %dma_start3A_503 = tpu.memref_slice %arg13[%dma_start3A_501, %dma_start3A_502] : memref<10112x64xf32, #tpu.memory_space<vmem_shared>> -> memref<10112x64xf32, #tpu.memory_space<vmem_shared>>
      tpu.enqueue_indirect_dma source(%arg11 : memref<80x64xf32, #tpu.memory_space<vmem>>) target(%dma_start3A_503 : memref<10112x64xf32, #tpu.memory_space<vmem_shared>>) offsets(%dma_start3A_500 : memref<80xi32, #tpu.memory_space<vmem>>) semaphore(%arg23 : memref<!tpu.dma_semaphore, #tpu.memory_space<semaphore_mem>>) {add = true}
      %add3A_504 = arith.constant 4 : i32
      %add3A_505 = arith.addi %add3A_487, %add3A_504 : i32
      %lt3A_506 = arith.constant 250 : i32
      %lt3A_507 = arith.cmpi slt, %add3A_505, %lt3A_506 : i32
      %convert_element_type3A_508 = arith.extui %lt3A_507 : i1 to i32
      %cond3A_509 = arith.constant 0 : i32
      %cond3A_510 = arith.cmpi ne, %convert_element_type3A_508, %cond3A_509 : i32
      scf.if %cond3A_510 {
        %sub3A = arith.constant 5 : i32
        %sub3A_511 = arith.subi %add3A_505, %sub3A : i32
        %dma_wait3A_512 = arith.constant 0 : i32
        %dma_wait3A_513 = tpu.memref_slice %arg6[%sub3A_511, %dma_wait3A_512] : memref<250x80xi32, #tpu.memory_space<vmem>> -> memref<1x80xi32, #tpu.memory_space<vmem>>
        %dma_wait3A_514 = tpu.memref_squeeze %dma_wait3A_513 : memref<1x80xi32, #tpu.memory_space<vmem>> -> memref<80xi32, #tpu.memory_space<vmem>>
        %dma_wait3A_515 = arith.constant 0 : i32
        %dma_wait3A_516 = arith.constant 0 : i32
        %dma_wait3A_517 = tpu.memref_slice %arg13[%dma_wait3A_515, %dma_wait3A_516] : memref<10112x64xf32, #tpu.memory_space<vmem_shared>> -> memref<10112x64xf32, #tpu.memory_space<vmem_shared>>
        tpu.wait_indirect_dma semaphore(%arg22 : memref<!tpu.dma_semaphore, #tpu.memory_space<semaphore_mem>>) src(%arg10 : memref<80x64xf32, #tpu.memory_space<vmem>>) dst(%dma_wait3A_517 : memref<10112x64xf32, #tpu.memory_space<vmem_shared>>)
        %dma_start3A_518 = arith.constant 0 : i32
        %dma_start3A_519 = tpu.memref_slice %arg5[%add3A_505, %dma_start3A_518] : memref<250x80xi32, #tpu.memory_space<vmem>> -> memref<1x80xi32, #tpu.memory_space<vmem>>
        %dma_start3A_520 = tpu.memref_squeeze %dma_start3A_519 : memref<1x80xi32, #tpu.memory_space<vmem>> -> memref<80xi32, #tpu.memory_space<vmem>>
        %dma_start3A_521 = arith.constant 0 : i32
        %dma_start3A_522 = arith.constant 0 : i32
        %dma_start3A_523 = tpu.memref_slice %arg3[%arg0, %dma_start3A_521, %dma_start3A_522] : memref<2x10000x64xf32, #tpu.memory_space<hbm>> -> memref<1x10000x64xf32, #tpu.memory_space<hbm>>
        %dma_start3A_524 = tpu.memref_squeeze %dma_start3A_523 : memref<1x10000x64xf32, #tpu.memory_space<hbm>> -> memref<10000x64xf32, #tpu.memory_space<hbm>>
        %dma_start3A_525 = arith.constant 0 : i32
        %dma_start3A_526 = arith.constant 0 : i32
        %dma_start3A_527 = tpu.memref_slice %dma_start3A_524[%dma_start3A_525, %dma_start3A_526] : memref<10000x64xf32, #tpu.memory_space<hbm>> -> memref<10000x64xf32, #tpu.memory_space<hbm>>
        tpu.enqueue_indirect_dma source(%dma_start3A_527 : memref<10000x64xf32, #tpu.memory_space<hbm>>) target(%arg10 : memref<80x64xf32, #tpu.memory_space<vmem>>) offsets(%dma_start3A_520 : memref<80xi32, #tpu.memory_space<vmem>>) semaphore(%arg17 : memref<!tpu.dma_semaphore, #tpu.memory_space<semaphore_mem>>)
      } else {
      }
    }
    %scan3A_315 = arith.constant 50 : i32
    %dma_wait3A_316 = arith.constant 245 : i32
    %dma_wait3A_317 = arith.constant 0 : i32
    %dma_wait3A_318 = tpu.memref_slice %arg6[%dma_wait3A_316, %dma_wait3A_317] : memref<250x80xi32, #tpu.memory_space<vmem>> -> memref<1x80xi32, #tpu.memory_space<vmem>>
    %dma_wait3A_319 = tpu.memref_squeeze %dma_wait3A_318 : memref<1x80xi32, #tpu.memory_space<vmem>> -> memref<80xi32, #tpu.memory_space<vmem>>
    %dma_wait3A_320 = arith.constant 0 : i32
    %dma_wait3A_321 = arith.constant 0 : i32
    %dma_wait3A_322 = tpu.memref_slice %arg13[%dma_wait3A_320, %dma_wait3A_321] : memref<10112x64xf32, #tpu.memory_space<vmem_shared>> -> memref<10112x64xf32, #tpu.memory_space<vmem_shared>>
    tpu.wait_indirect_dma semaphore(%arg19 : memref<!tpu.dma_semaphore, #tpu.memory_space<semaphore_mem>>) src(%arg7 : memref<80x64xf32, #tpu.memory_space<vmem>>) dst(%dma_wait3A_322 : memref<10112x64xf32, #tpu.memory_space<vmem_shared>>)
    %dma_wait3A_323 = arith.constant 246 : i32
    %dma_wait3A_324 = arith.constant 0 : i32
    %dma_wait3A_325 = tpu.memref_slice %arg6[%dma_wait3A_323, %dma_wait3A_324] : memref<250x80xi32, #tpu.memory_space<vmem>> -> memref<1x80xi32, #tpu.memory_space<vmem>>
    %dma_wait3A_326 = tpu.memref_squeeze %dma_wait3A_325 : memref<1x80xi32, #tpu.memory_space<vmem>> -> memref<80xi32, #tpu.memory_space<vmem>>
    %dma_wait3A_327 = arith.constant 0 : i32
    %dma_wait3A_328 = arith.constant 0 : i32
    %dma_wait3A_329 = tpu.memref_slice %arg13[%dma_wait3A_327, %dma_wait3A_328] : memref<10112x64xf32, #tpu.memory_space<vmem_shared>> -> memref<10112x64xf32, #tpu.memory_space<vmem_shared>>
    tpu.wait_indirect_dma semaphore(%arg20 : memref<!tpu.dma_semaphore, #tpu.memory_space<semaphore_mem>>) src(%arg8 : memref<80x64xf32, #tpu.memory_space<vmem>>) dst(%dma_wait3A_329 : memref<10112x64xf32, #tpu.memory_space<vmem_shared>>)
    %dma_wait3A_330 = arith.constant 247 : i32
    %dma_wait3A_331 = arith.constant 0 : i32
    %dma_wait3A_332 = tpu.memref_slice %arg6[%dma_wait3A_330, %dma_wait3A_331] : memref<250x80xi32, #tpu.memory_space<vmem>> -> memref<1x80xi32, #tpu.memory_space<vmem>>
    %dma_wait3A_333 = tpu.memref_squeeze %dma_wait3A_332 : memref<1x80xi32, #tpu.memory_space<vmem>> -> memref<80xi32, #tpu.memory_space<vmem>>
    %dma_wait3A_334 = arith.constant 0 : i32
    %dma_wait3A_335 = arith.constant 0 : i32
    %dma_wait3A_336 = tpu.memref_slice %arg13[%dma_wait3A_334, %dma_wait3A_335] : memref<10112x64xf32, #tpu.memory_space<vmem_shared>> -> memref<10112x64xf32, #tpu.memory_space<vmem_shared>>
    tpu.wait_indirect_dma semaphore(%arg21 : memref<!tpu.dma_semaphore, #tpu.memory_space<semaphore_mem>>) src(%arg9 : memref<80x64xf32, #tpu.memory_space<vmem>>) dst(%dma_wait3A_336 : memref<10112x64xf32, #tpu.memory_space<vmem_shared>>)
    %dma_wait3A_337 = arith.constant 248 : i32
    %dma_wait3A_338 = arith.constant 0 : i32
    %dma_wait3A_339 = tpu.memref_slice %arg6[%dma_wait3A_337, %dma_wait3A_338] : memref<250x80xi32, #tpu.memory_space<vmem>> -> memref<1x80xi32, #tpu.memory_space<vmem>>
    %dma_wait3A_340 = tpu.memref_squeeze %dma_wait3A_339 : memref<1x80xi32, #tpu.memory_space<vmem>> -> memref<80xi32, #tpu.memory_space<vmem>>
    %dma_wait3A_341 = arith.constant 0 : i32
    %dma_wait3A_342 = arith.constant 0 : i32
    %dma_wait3A_343 = tpu.memref_slice %arg13[%dma_wait3A_341, %dma_wait3A_342] : memref<10112x64xf32, #tpu.memory_space<vmem_shared>> -> memref<10112x64xf32, #tpu.memory_space<vmem_shared>>
    tpu.wait_indirect_dma semaphore(%arg22 : memref<!tpu.dma_semaphore, #tpu.memory_space<semaphore_mem>>) src(%arg10 : memref<80x64xf32, #tpu.memory_space<vmem>>) dst(%dma_wait3A_343 : memref<10112x64xf32, #tpu.memory_space<vmem_shared>>)
    %dma_wait3A_344 = arith.constant 249 : i32
    %dma_wait3A_345 = arith.constant 0 : i32
    %dma_wait3A_346 = tpu.memref_slice %arg6[%dma_wait3A_344, %dma_wait3A_345] : memref<250x80xi32, #tpu.memory_space<vmem>> -> memref<1x80xi32, #tpu.memory_space<vmem>>
    %dma_wait3A_347 = tpu.memref_squeeze %dma_wait3A_346 : memref<1x80xi32, #tpu.memory_space<vmem>> -> memref<80xi32, #tpu.memory_space<vmem>>
    %dma_wait3A_348 = arith.constant 0 : i32
    %dma_wait3A_349 = arith.constant 0 : i32
    %dma_wait3A_350 = tpu.memref_slice %arg13[%dma_wait3A_348, %dma_wait3A_349] : memref<10112x64xf32, #tpu.memory_space<vmem_shared>> -> memref<10112x64xf32, #tpu.memory_space<vmem_shared>>
    tpu.wait_indirect_dma semaphore(%arg23 : memref<!tpu.dma_semaphore, #tpu.memory_space<semaphore_mem>>) src(%arg11 : memref<80x64xf32, #tpu.memory_space<vmem>>) dst(%dma_wait3A_350 : memref<10112x64xf32, #tpu.memory_space<vmem_shared>>)
    %barrier3A_351 = arith.constant 0 : index
    tpu.barrier barrier_id(%barrier3A_351)
    %mul3A_352 = arith.constant 632 : i32
    %mul3A_353 = arith.muli %arg1, %mul3A_352 : i32
    %add3A = arith.constant 0 : i32
    %add3A_354 = arith.addi %mul3A_353, %add3A : i32
    "tpu.region"() ({
      %run_scoped3A_375 = tpu.sem_alloc : memref<!tpu.dma_semaphore, #tpu.memory_space<semaphore_mem>>
      %dma_start3A_376 = arith.constant 0 : i32
      %dma_start3A_377 = tpu.memref_slice %arg13[%add3A_354, %dma_start3A_376] : memref<10112x64xf32, #tpu.memory_space<vmem_shared>> -> memref<158x64xf32, #tpu.memory_space<vmem_shared>>
      %dma_start3A_378 = arith.constant 0 : i32
      %dma_start3A_379 = tpu.memref_slice %arg13[%add3A_354, %dma_start3A_378] : memref<10112x64xf32, #tpu.memory_space<vmem_shared>> -> memref<158x64xf32, #tpu.memory_space<vmem_shared>>
      tpu.enqueue_dma source(%dma_start3A_379 : memref<158x64xf32, #tpu.memory_space<vmem_shared>>) target(%arg12 : memref<158x64xf32, #tpu.memory_space<vmem>>) target_semaphore(%run_scoped3A_375 : memref<!tpu.dma_semaphore, #tpu.memory_space<semaphore_mem>>)
      %dma_wait3A_380 = arith.constant 0 : i32
      %dma_wait3A_381 = tpu.memref_slice %arg13[%add3A_354, %dma_wait3A_380] : memref<10112x64xf32, #tpu.memory_space<vmem_shared>> -> memref<158x64xf32, #tpu.memory_space<vmem_shared>>
      %dma_wait3A_382 = arith.constant 0 : i32
      %dma_wait3A_383 = tpu.memref_slice %arg13[%add3A_354, %dma_wait3A_382] : memref<10112x64xf32, #tpu.memory_space<vmem_shared>> -> memref<158x64xf32, #tpu.memory_space<vmem_shared>>
      tpu.wait_dma2 semaphore(%run_scoped3A_375 : memref<!tpu.dma_semaphore, #tpu.memory_space<semaphore_mem>>) src(%dma_wait3A_383 : memref<158x64xf32, #tpu.memory_space<vmem_shared>>) dst(%arg12 : memref<158x64xf32, #tpu.memory_space<vmem>>)
      tpu.yield
    }) : () -> ()
    %mul3A_355 = arith.constant 64 : i32
    %mul3A_356 = arith.muli %arg0, %mul3A_355 : i32
    "tpu.region"() ({
      %run_scoped3A_375 = tpu.sem_alloc : memref<!tpu.dma_semaphore, #tpu.memory_space<semaphore_mem>>
      %dma_start3A_376 = tpu.memref_slice %arg4[%add3A_354, %mul3A_356] : memref<10112x128xf32, #tpu.memory_space<hbm>> -> memref<158x64xf32, #tpu.memory_space<hbm>>
      %dma_start3A_377 = tpu.memref_slice %arg4[%add3A_354, %mul3A_356] : memref<10112x128xf32, #tpu.memory_space<hbm>> -> memref<158x64xf32, #tpu.memory_space<hbm>>
      tpu.enqueue_dma source(%arg12 : memref<158x64xf32, #tpu.memory_space<vmem>>) target(%dma_start3A_377 : memref<158x64xf32, #tpu.memory_space<hbm>>) target_semaphore(%run_scoped3A_375 : memref<!tpu.dma_semaphore, #tpu.memory_space<semaphore_mem>>)
      %dma_wait3A_378 = tpu.memref_slice %arg4[%add3A_354, %mul3A_356] : memref<10112x128xf32, #tpu.memory_space<hbm>> -> memref<158x64xf32, #tpu.memory_space<hbm>>
      %dma_wait3A_379 = tpu.memref_slice %arg4[%add3A_354, %mul3A_356] : memref<10112x128xf32, #tpu.memory_space<hbm>> -> memref<158x64xf32, #tpu.memory_space<hbm>>
      tpu.wait_dma2 semaphore(%run_scoped3A_375 : memref<!tpu.dma_semaphore, #tpu.memory_space<semaphore_mem>>) src(%arg12 : memref<158x64xf32, #tpu.memory_space<vmem>>) dst(%dma_wait3A_379 : memref<158x64xf32, #tpu.memory_space<hbm>>)
      tpu.yield
    }) : () -> ()
    %mul3A_357 = arith.constant 632 : i32
    %mul3A_358 = arith.muli %arg1, %mul3A_357 : i32
    %add3A_359 = arith.constant 158 : i32
    %add3A_360 = arith.addi %mul3A_358, %add3A_359 : i32
    "tpu.region"() ({
      %run_scoped3A_375 = tpu.sem_alloc : memref<!tpu.dma_semaphore, #tpu.memory_space<semaphore_mem>>
      %dma_start3A_376 = arith.constant 0 : i32
      %dma_start3A_377 = tpu.memref_slice %arg13[%add3A_360, %dma_start3A_376] : memref<10112x64xf32, #tpu.memory_space<vmem_shared>> -> memref<158x64xf32, #tpu.memory_space<vmem_shared>>
      %dma_start3A_378 = arith.constant 0 : i32
      %dma_start3A_379 = tpu.memref_slice %arg13[%add3A_360, %dma_start3A_378] : memref<10112x64xf32, #tpu.memory_space<vmem_shared>> -> memref<158x64xf32, #tpu.memory_space<vmem_shared>>
      tpu.enqueue_dma source(%dma_start3A_379 : memref<158x64xf32, #tpu.memory_space<vmem_shared>>) target(%arg12 : memref<158x64xf32, #tpu.memory_space<vmem>>) target_semaphore(%run_scoped3A_375 : memref<!tpu.dma_semaphore, #tpu.memory_space<semaphore_mem>>)
      %dma_wait3A_380 = arith.constant 0 : i32
      %dma_wait3A_381 = tpu.memref_slice %arg13[%add3A_360, %dma_wait3A_380] : memref<10112x64xf32, #tpu.memory_space<vmem_shared>> -> memref<158x64xf32, #tpu.memory_space<vmem_shared>>
      %dma_wait3A_382 = arith.constant 0 : i32
      %dma_wait3A_383 = tpu.memref_slice %arg13[%add3A_360, %dma_wait3A_382] : memref<10112x64xf32, #tpu.memory_space<vmem_shared>> -> memref<158x64xf32, #tpu.memory_space<vmem_shared>>
      tpu.wait_dma2 semaphore(%run_scoped3A_375 : memref<!tpu.dma_semaphore, #tpu.memory_space<semaphore_mem>>) src(%dma_wait3A_383 : memref<158x64xf32, #tpu.memory_space<vmem_shared>>) dst(%arg12 : memref<158x64xf32, #tpu.memory_space<vmem>>)
      tpu.yield
    }) : () -> ()
    %mul3A_361 = arith.constant 64 : i32
    %mul3A_362 = arith.muli %arg0, %mul3A_361 : i32
    "tpu.region"() ({
      %run_scoped3A_375 = tpu.sem_alloc : memref<!tpu.dma_semaphore, #tpu.memory_space<semaphore_mem>>
      %dma_start3A_376 = tpu.memref_slice %arg4[%add3A_360, %mul3A_362] : memref<10112x128xf32, #tpu.memory_space<hbm>> -> memref<158x64xf32, #tpu.memory_space<hbm>>
      %dma_start3A_377 = tpu.memref_slice %arg4[%add3A_360, %mul3A_362] : memref<10112x128xf32, #tpu.memory_space<hbm>> -> memref<158x64xf32, #tpu.memory_space<hbm>>
      tpu.enqueue_dma source(%arg12 : memref<158x64xf32, #tpu.memory_space<vmem>>) target(%dma_start3A_377 : memref<158x64xf32, #tpu.memory_space<hbm>>) target_semaphore(%run_scoped3A_375 : memref<!tpu.dma_semaphore, #tpu.memory_space<semaphore_mem>>)
      %dma_wait3A_378 = tpu.memref_slice %arg4[%add3A_360, %mul3A_362] : memref<10112x128xf32, #tpu.memory_space<hbm>> -> memref<158x64xf32, #tpu.memory_space<hbm>>
      %dma_wait3A_379 = tpu.memref_slice %arg4[%add3A_360, %mul3A_362] : memref<10112x128xf32, #tpu.memory_space<hbm>> -> memref<158x64xf32, #tpu.memory_space<hbm>>
      tpu.wait_dma2 semaphore(%run_scoped3A_375 : memref<!tpu.dma_semaphore, #tpu.memory_space<semaphore_mem>>) src(%arg12 : memref<158x64xf32, #tpu.memory_space<vmem>>) dst(%dma_wait3A_379 : memref<158x64xf32, #tpu.memory_space<hbm>>)
      tpu.yield
    }) : () -> ()
    %mul3A_363 = arith.constant 632 : i32
    %mul3A_364 = arith.muli %arg1, %mul3A_363 : i32
    %add3A_365 = arith.constant 316 : i32
    %add3A_366 = arith.addi %mul3A_364, %add3A_365 : i32
    "tpu.region"() ({
      %run_scoped3A_375 = tpu.sem_alloc : memref<!tpu.dma_semaphore, #tpu.memory_space<semaphore_mem>>
      %dma_start3A_376 = arith.constant 0 : i32
      %dma_start3A_377 = tpu.memref_slice %arg13[%add3A_366, %dma_start3A_376] : memref<10112x64xf32, #tpu.memory_space<vmem_shared>> -> memref<158x64xf32, #tpu.memory_space<vmem_shared>>
      %dma_start3A_378 = arith.constant 0 : i32
      %dma_start3A_379 = tpu.memref_slice %arg13[%add3A_366, %dma_start3A_378] : memref<10112x64xf32, #tpu.memory_space<vmem_shared>> -> memref<158x64xf32, #tpu.memory_space<vmem_shared>>
      tpu.enqueue_dma source(%dma_start3A_379 : memref<158x64xf32, #tpu.memory_space<vmem_shared>>) target(%arg12 : memref<158x64xf32, #tpu.memory_space<vmem>>) target_semaphore(%run_scoped3A_375 : memref<!tpu.dma_semaphore, #tpu.memory_space<semaphore_mem>>)
      %dma_wait3A_380 = arith.constant 0 : i32
      %dma_wait3A_381 = tpu.memref_slice %arg13[%add3A_366, %dma_wait3A_380] : memref<10112x64xf32, #tpu.memory_space<vmem_shared>> -> memref<158x64xf32, #tpu.memory_space<vmem_shared>>
      %dma_wait3A_382 = arith.constant 0 : i32
      %dma_wait3A_383 = tpu.memref_slice %arg13[%add3A_366, %dma_wait3A_382] : memref<10112x64xf32, #tpu.memory_space<vmem_shared>> -> memref<158x64xf32, #tpu.memory_space<vmem_shared>>
      tpu.wait_dma2 semaphore(%run_scoped3A_375 : memref<!tpu.dma_semaphore, #tpu.memory_space<semaphore_mem>>) src(%dma_wait3A_383 : memref<158x64xf32, #tpu.memory_space<vmem_shared>>) dst(%arg12 : memref<158x64xf32, #tpu.memory_space<vmem>>)
      tpu.yield
    }) : () -> ()
    %mul3A_367 = arith.constant 64 : i32
    %mul3A_368 = arith.muli %arg0, %mul3A_367 : i32
    "tpu.region"() ({
      %run_scoped3A_375 = tpu.sem_alloc : memref<!tpu.dma_semaphore, #tpu.memory_space<semaphore_mem>>
      %dma_start3A_376 = tpu.memref_slice %arg4[%add3A_366, %mul3A_368] : memref<10112x128xf32, #tpu.memory_space<hbm>> -> memref<158x64xf32, #tpu.memory_space<hbm>>
      %dma_start3A_377 = tpu.memref_slice %arg4[%add3A_366, %mul3A_368] : memref<10112x128xf32, #tpu.memory_space<hbm>> -> memref<158x64xf32, #tpu.memory_space<hbm>>
      tpu.enqueue_dma source(%arg12 : memref<158x64xf32, #tpu.memory_space<vmem>>) target(%dma_start3A_377 : memref<158x64xf32, #tpu.memory_space<hbm>>) target_semaphore(%run_scoped3A_375 : memref<!tpu.dma_semaphore, #tpu.memory_space<semaphore_mem>>)
      %dma_wait3A_378 = tpu.memref_slice %arg4[%add3A_366, %mul3A_368] : memref<10112x128xf32, #tpu.memory_space<hbm>> -> memref<158x64xf32, #tpu.memory_space<hbm>>
      %dma_wait3A_379 = tpu.memref_slice %arg4[%add3A_366, %mul3A_368] : memref<10112x128xf32, #tpu.memory_space<hbm>> -> memref<158x64xf32, #tpu.memory_space<hbm>>
      tpu.wait_dma2 semaphore(%run_scoped3A_375 : memref<!tpu.dma_semaphore, #tpu.memory_space<semaphore_mem>>) src(%arg12 : memref<158x64xf32, #tpu.memory_space<vmem>>) dst(%dma_wait3A_379 : memref<158x64xf32, #tpu.memory_space<hbm>>)
      tpu.yield
    }) : () -> ()
    %mul3A_369 = arith.constant 632 : i32
    %mul3A_370 = arith.muli %arg1, %mul3A_369 : i32
    %add3A_371 = arith.constant 474 : i32
    %add3A_372 = arith.addi %mul3A_370, %add3A_371 : i32
    "tpu.region"() ({
      %run_scoped3A_375 = tpu.sem_alloc : memref<!tpu.dma_semaphore, #tpu.memory_space<semaphore_mem>>
      %dma_start3A_376 = arith.constant 0 : i32
      %dma_start3A_377 = tpu.memref_slice %arg13[%add3A_372, %dma_start3A_376] : memref<10112x64xf32, #tpu.memory_space<vmem_shared>> -> memref<158x64xf32, #tpu.memory_space<vmem_shared>>
      %dma_start3A_378 = arith.constant 0 : i32
      %dma_start3A_379 = tpu.memref_slice %arg13[%add3A_372, %dma_start3A_378] : memref<10112x64xf32, #tpu.memory_space<vmem_shared>> -> memref<158x64xf32, #tpu.memory_space<vmem_shared>>
      tpu.enqueue_dma source(%dma_start3A_379 : memref<158x64xf32, #tpu.memory_space<vmem_shared>>) target(%arg12 : memref<158x64xf32, #tpu.memory_space<vmem>>) target_semaphore(%run_scoped3A_375 : memref<!tpu.dma_semaphore, #tpu.memory_space<semaphore_mem>>)
      %dma_wait3A_380 = arith.constant 0 : i32
      %dma_wait3A_381 = tpu.memref_slice %arg13[%add3A_372, %dma_wait3A_380] : memref<10112x64xf32, #tpu.memory_space<vmem_shared>> -> memref<158x64xf32, #tpu.memory_space<vmem_shared>>
      %dma_wait3A_382 = arith.constant 0 : i32
      %dma_wait3A_383 = tpu.memref_slice %arg13[%add3A_372, %dma_wait3A_382] : memref<10112x64xf32, #tpu.memory_space<vmem_shared>> -> memref<158x64xf32, #tpu.memory_space<vmem_shared>>
      tpu.wait_dma2 semaphore(%run_scoped3A_375 : memref<!tpu.dma_semaphore, #tpu.memory_space<semaphore_mem>>) src(%dma_wait3A_383 : memref<158x64xf32, #tpu.memory_space<vmem_shared>>) dst(%arg12 : memref<158x64xf32, #tpu.memory_space<vmem>>)
      tpu.yield
    }) : () -> ()
    %mul3A_373 = arith.constant 64 : i32
    %mul3A_374 = arith.muli %arg0, %mul3A_373 : i32
    "tpu.region"() ({
      %run_scoped3A_375 = tpu.sem_alloc : memref<!tpu.dma_semaphore, #tpu.memory_space<semaphore_mem>>
      %dma_start3A_376 = tpu.memref_slice %arg4[%add3A_372, %mul3A_374] : memref<10112x128xf32, #tpu.memory_space<hbm>> -> memref<158x64xf32, #tpu.memory_space<hbm>>
      %dma_start3A_377 = tpu.memref_slice %arg4[%add3A_372, %mul3A_374] : memref<10112x128xf32, #tpu.memory_space<hbm>> -> memref<158x64xf32, #tpu.memory_space<hbm>>
      tpu.enqueue_dma source(%arg12 : memref<158x64xf32, #tpu.memory_space<vmem>>) target(%dma_start3A_377 : memref<158x64xf32, #tpu.memory_space<hbm>>) target_semaphore(%run_scoped3A_375 : memref<!tpu.dma_semaphore, #tpu.memory_space<semaphore_mem>>)
      %dma_wait3A_378 = tpu.memref_slice %arg4[%add3A_372, %mul3A_374] : memref<10112x128xf32, #tpu.memory_space<hbm>> -> memref<158x64xf32, #tpu.memory_space<hbm>>
      %dma_wait3A_379 = tpu.memref_slice %arg4[%add3A_372, %mul3A_374] : memref<10112x128xf32, #tpu.memory_space<hbm>> -> memref<158x64xf32, #tpu.memory_space<hbm>>
      tpu.wait_dma2 semaphore(%run_scoped3A_375 : memref<!tpu.dma_semaphore, #tpu.memory_space<semaphore_mem>>) src(%arg12 : memref<158x64xf32, #tpu.memory_space<vmem>>) dst(%dma_wait3A_379 : memref<158x64xf32, #tpu.memory_space<hbm>>)
      tpu.yield
    }) : () -> ()
    return
  }
}

#map = affine_map<(d0, d1) -> (0, 0, 0, 0)>
#map1 = affine_map<(d0, d1) -> (0, 0, 0)>
#map2 = affine_map<(d0, d1) -> (0, 0)>
module attributes {stable_mosaic.version = 14 : i64} {
  func.func @_prop(%arg0: i32, %arg1: i32, %arg2: memref<2x16x250x80xi32, #tpu.memory_space<hbm>>, %arg3: memref<2x10000x64xf32, #tpu.memory_space<hbm>>, %arg4: memref<10112x128xf32, #tpu.memory_space<hbm>>, %arg5: memref<250x80xi32, #tpu.memory_space<vmem>>, %arg6: memref<250x80xi32, #tpu.memory_space<vmem>>, %arg7: memref<80x64xf32, #tpu.memory_space<vmem>>, %arg8: memref<80x64xf32, #tpu.memory_space<vmem>>, %arg9: memref<80x64xf32, #tpu.memory_space<vmem>>, %arg10: memref<80x64xf32, #tpu.memory_space<vmem>>, %arg11: memref<80x64xf32, #tpu.memory_space<vmem>>, %arg12: memref<158x64xf32, #tpu.memory_space<vmem>>, %arg13: memref<10112x64xf32, #tpu.memory_space<vmem_shared>>, %arg14: memref<!tpu.dma_semaphore, #tpu.memory_space<semaphore_mem>>, %arg15: memref<!tpu.dma_semaphore, #tpu.memory_space<semaphore_mem>>, %arg16: memref<!tpu.dma_semaphore, #tpu.memory_space<semaphore_mem>>, %arg17: memref<!tpu.dma_semaphore, #tpu.memory_space<semaphore_mem>>, %arg18: memref<!tpu.dma_semaphore, #tpu.memory_space<semaphore_mem>>, %arg19: memref<!tpu.dma_semaphore, #tpu.memory_space<semaphore_mem>>, %arg20: memref<!tpu.dma_semaphore, #tpu.memory_space<semaphore_mem>>, %arg21: memref<!tpu.dma_semaphore, #tpu.memory_space<semaphore_mem>>, %arg22: memref<!tpu.dma_semaphore, #tpu.memory_space<semaphore_mem>>, %arg23: memref<!tpu.dma_semaphore, #tpu.memory_space<semaphore_mem>>, %arg24: memref<!tpu.dma_semaphore, #tpu.memory_space<semaphore_mem>>) attributes {dimension_semantics = [#tpu.dimension_semantics<core_parallel>, #tpu.dimension_semantics<subcore_parallel>], iteration_bounds = array<i64: 2, 16>, scalar_prefetch = 0 : i64, scratch_operands = 20 : i64, tpu.core_type = #tpu.core_type<sc_vector_subcore>, window_params = [{transform_indices = #map}, {transform_indices = #map1}, {transform_indices = #map2}]} {
    %run_scoped3A = arith.constant 0 : i32
    "tpu.region"() ({
      %run_scoped3A_375 = tpu.sem_alloc : memref<!tpu.dma_semaphore, #tpu.memory_space<semaphore_mem>>
      %dma_start3A_376 = arith.constant 0 : i32
      %dma_start3A_377 = arith.constant 0 : i32
      %dma_start3A_378 = tpu.memref_slice %arg2[%run_scoped3A, %arg1, %dma_start3A_376, %dma_start3A_377] : memref<2x16x250x80xi32, #tpu.memory_space<hbm>> -> memref<1x1x250x80xi32, #tpu.memory_space<hbm>>
      %dma_start3A_379 = tpu.memref_squeeze %dma_start3A_378 : memref<1x1x250x80xi32, #tpu.memory_space<hbm>> -> memref<250x80xi32, #tpu.memory_space<hbm>>
      %dma_start3A_380 = arith.constant 0 : i32
      %dma_start3A_381 = arith.constant 0 : i32
      %dma_start3A_382 = tpu.memref_slice %arg2[%run_scoped3A, %arg1, %dma_start3A_380, %dma_start3A_381] : memref<2x16x250x80xi32, #tpu.memory_space<hbm>> -> memref<1x1x250x80xi32, #tpu.memory_space<hbm>>
      %dma_start3A_383 = tpu.memref_squeeze %dma_start3A_382 : memref<1x1x250x80xi32, #tpu.memory_space<hbm>> -> memref<250x80xi32, #tpu.memory_space<hbm>>
      tpu.enqueue_dma source(%dma_start3A_383 : memref<250x80xi32, #tpu.memory_space<hbm>>) target(%arg5 : memref<250x80xi32, #tpu.memory_space<vmem>>) target_semaphore(%run_scoped3A_375 : memref<!tpu.dma_semaphore, #tpu.memory_space<semaphore_mem>>)
      %dma_wait3A_384 = arith.constant 0 : i32
      %dma_wait3A_385 = arith.constant 0 : i32
      %dma_wait3A_386 = tpu.memref_slice %arg2[%run_scoped3A, %arg1, %dma_wait3A_384, %dma_wait3A_385] : memref<2x16x250x80xi32, #tpu.memory_space<hbm>> -> memref<1x1x250x80xi32, #tpu.memory_space<hbm>>
      %dma_wait3A_387 = tpu.memref_squeeze %dma_wait3A_386 : memref<1x1x250x80xi32, #tpu.memory_space<hbm>> -> memref<250x80xi32, #tpu.memory_space<hbm>>
      %dma_wait3A_388 = arith.constant 0 : i32
      %dma_wait3A_389 = arith.constant 0 : i32
      %dma_wait3A_390 = tpu.memref_slice %arg2[%run_scoped3A, %arg1, %dma_wait3A_388, %dma_wait3A_389] : memref<2x16x250x80xi32, #tpu.memory_space<hbm>> -> memref<1x1x250x80xi32, #tpu.memory_space<hbm>>
      %dma_wait3A_391 = tpu.memref_squeeze %dma_wait3A_390 : memref<1x1x250x80xi32, #tpu.memory_space<hbm>> -> memref<250x80xi32, #tpu.memory_space<hbm>>
      tpu.wait_dma2 semaphore(%run_scoped3A_375 : memref<!tpu.dma_semaphore, #tpu.memory_space<semaphore_mem>>) src(%dma_wait3A_391 : memref<250x80xi32, #tpu.memory_space<hbm>>) dst(%arg5 : memref<250x80xi32, #tpu.memory_space<vmem>>)
      tpu.yield
    }) : () -> ()
    %run_scoped3A_0 = arith.constant 1 : i32
    "tpu.region"() ({
      %run_scoped3A_375 = tpu.sem_alloc : memref<!tpu.dma_semaphore, #tpu.memory_space<semaphore_mem>>
      %dma_start3A_376 = arith.constant 0 : i32
      %dma_start3A_377 = arith.constant 0 : i32
      %dma_start3A_378 = tpu.memref_slice %arg2[%run_scoped3A_0, %arg1, %dma_start3A_376, %dma_start3A_377] : memref<2x16x250x80xi32, #tpu.memory_space<hbm>> -> memref<1x1x250x80xi32, #tpu.memory_space<hbm>>
      %dma_start3A_379 = tpu.memref_squeeze %dma_start3A_378 : memref<1x1x250x80xi32, #tpu.memory_space<hbm>> -> memref<250x80xi32, #tpu.memory_space<hbm>>
      %dma_start3A_380 = arith.constant 0 : i32
      %dma_start3A_381 = arith.constant 0 : i32
      %dma_start3A_382 = tpu.memref_slice %arg2[%run_scoped3A_0, %arg1, %dma_start3A_380, %dma_start3A_381] : memref<2x16x250x80xi32, #tpu.memory_space<hbm>> -> memref<1x1x250x80xi32, #tpu.memory_space<hbm>>
      %dma_start3A_383 = tpu.memref_squeeze %dma_start3A_382 : memref<1x1x250x80xi32, #tpu.memory_space<hbm>> -> memref<250x80xi32, #tpu.memory_space<hbm>>
      tpu.enqueue_dma source(%dma_start3A_383 : memref<250x80xi32, #tpu.memory_space<hbm>>) target(%arg6 : memref<250x80xi32, #tpu.memory_space<vmem>>) target_semaphore(%run_scoped3A_375 : memref<!tpu.dma_semaphore, #tpu.memory_space<semaphore_mem>>)
      %dma_wait3A_384 = arith.constant 0 : i32
      %dma_wait3A_385 = arith.constant 0 : i32
      %dma_wait3A_386 = tpu.memref_slice %arg2[%run_scoped3A_0, %arg1, %dma_wait3A_384, %dma_wait3A_385] : memref<2x16x250x80xi32, #tpu.memory_space<hbm>> -> memref<1x1x250x80xi32, #tpu.memory_space<hbm>>
      %dma_wait3A_387 = tpu.memref_squeeze %dma_wait3A_386 : memref<1x1x250x80xi32, #tpu.memory_space<hbm>> -> memref<250x80xi32, #tpu.memory_space<hbm>>
      %dma_wait3A_388 = arith.constant 0 : i32
      %dma_wait3A_389 = arith.constant 0 : i32
      %dma_wait3A_390 = tpu.memref_slice %arg2[%run_scoped3A_0, %arg1, %dma_wait3A_388, %dma_wait3A_389] : memref<2x16x250x80xi32, #tpu.memory_space<hbm>> -> memref<1x1x250x80xi32, #tpu.memory_space<hbm>>
      %dma_wait3A_391 = tpu.memref_squeeze %dma_wait3A_390 : memref<1x1x250x80xi32, #tpu.memory_space<hbm>> -> memref<250x80xi32, #tpu.memory_space<hbm>>
      tpu.wait_dma2 semaphore(%run_scoped3A_375 : memref<!tpu.dma_semaphore, #tpu.memory_space<semaphore_mem>>) src(%dma_wait3A_391 : memref<250x80xi32, #tpu.memory_space<hbm>>) dst(%arg6 : memref<250x80xi32, #tpu.memory_space<vmem>>)
      tpu.yield
    }) : () -> ()
    %broadcast_in_dim3A = arith.constant 0.000000e+00 : f32
    %broadcast_in_dim3A_1 = vector.broadcast %broadcast_in_dim3A : f32 to vector<16xf32>
    %swap3A = arith.constant 0 : i32
    %swap3A_2 = arith.index_cast %swap3A : i32 to index
    %swap3A_3 = arith.constant 0 : index
    %swap3A_4 = tpu.vector_load %arg12[%swap3A_2, %swap3A_3] {strides = array<i32>} : memref<158x64xf32, #tpu.memory_space<vmem>>, vector<1x16xf32>,
    %swap3A_5 = vector.shape_cast %swap3A_4 : vector<1x16xf32> to vector<16xf32>
    %swap3A_6 = vector.shape_cast %broadcast_in_dim3A_1 : vector<16xf32> to vector<1x16xf32>
    tpu.vector_store %arg12[%swap3A_2, %swap3A_3], %swap3A_6 {strides = array<i32>} : memref<158x64xf32, #tpu.memory_space<vmem>>, vector<1x16xf32>,
    %broadcast_in_dim3A_7 = arith.constant 0.000000e+00 : f32
    %broadcast_in_dim3A_8 = vector.broadcast %broadcast_in_dim3A_7 : f32 to vector<16xf32>
    %swap3A_9 = arith.constant 0 : i32
    %swap3A_10 = arith.index_cast %swap3A_9 : i32 to index
    %swap3A_11 = arith.constant 16 : index
    %swap3A_12 = tpu.vector_load %arg12[%swap3A_10, %swap3A_11] {strides = array<i32>} : memref<158x64xf32, #tpu.memory_space<vmem>>, vector<1x16xf32>,
    %swap3A_13 = vector.shape_cast %swap3A_12 : vector<1x16xf32> to vector<16xf32>
    %swap3A_14 = vector.shape_cast %broadcast_in_dim3A_8 : vector<16xf32> to vector<1x16xf32>
    tpu.vector_store %arg12[%swap3A_10, %swap3A_11], %swap3A_14 {strides = array<i32>} : memref<158x64xf32, #tpu.memory_space<vmem>>, vector<1x16xf32>,
    %broadcast_in_dim3A_15 = arith.constant 0.000000e+00 : f32
    %broadcast_in_dim3A_16 = vector.broadcast %broadcast_in_dim3A_15 : f32 to vector<16xf32>
    %swap3A_17 = arith.constant 0 : i32
    %swap3A_18 = arith.index_cast %swap3A_17 : i32 to index
    %swap3A_19 = arith.constant 32 : index
    %swap3A_20 = tpu.vector_load %arg12[%swap3A_18, %swap3A_19] {strides = array<i32>} : memref<158x64xf32, #tpu.memory_space<vmem>>, vector<1x16xf32>,
    %swap3A_21 = vector.shape_cast %swap3A_20 : vector<1x16xf32> to vector<16xf32>
    %swap3A_22 = vector.shape_cast %broadcast_in_dim3A_16 : vector<16xf32> to vector<1x16xf32>
    tpu.vector_store %arg12[%swap3A_18, %swap3A_19], %swap3A_22 {strides = array<i32>} : memref<158x64xf32, #tpu.memory_space<vmem>>, vector<1x16xf32>,
    %broadcast_in_dim3A_23 = arith.constant 0.000000e+00 : f32
    %broadcast_in_dim3A_24 = vector.broadcast %broadcast_in_dim3A_23 : f32 to vector<16xf32>
    %swap3A_25 = arith.constant 0 : i32
    %swap3A_26 = arith.index_cast %swap3A_25 : i32 to index
    %swap3A_27 = arith.constant 48 : index
    %swap3A_28 = tpu.vector_load %arg12[%swap3A_26, %swap3A_27] {strides = array<i32>} : memref<158x64xf32, #tpu.memory_space<vmem>>, vector<1x16xf32>,
    %swap3A_29 = vector.shape_cast %swap3A_28 : vector<1x16xf32> to vector<16xf32>
    %swap3A_30 = vector.shape_cast %broadcast_in_dim3A_24 : vector<16xf32> to vector<1x16xf32>
    tpu.vector_store %arg12[%swap3A_26, %swap3A_27], %swap3A_30 {strides = array<i32>} : memref<158x64xf32, #tpu.memory_space<vmem>>, vector<1x16xf32>,
    %broadcast_in_dim3A_31 = arith.constant 0.000000e+00 : f32
    %broadcast_in_dim3A_32 = vector.broadcast %broadcast_in_dim3A_31 : f32 to vector<16xf32>
    %swap3A_33 = arith.constant 1 : i32
    %swap3A_34 = arith.index_cast %swap3A_33 : i32 to index
    %swap3A_35 = arith.constant 0 : index
    %swap3A_36 = tpu.vector_load %arg12[%swap3A_34, %swap3A_35] {strides = array<i32>} : memref<158x64xf32, #tpu.memory_space<vmem>>, vector<1x16xf32>,
    %swap3A_37 = vector.shape_cast %swap3A_36 : vector<1x16xf32> to vector<16xf32>
    %swap3A_38 = vector.shape_cast %broadcast_in_dim3A_32 : vector<16xf32> to vector<1x16xf32>
    tpu.vector_store %arg12[%swap3A_34, %swap3A_35], %swap3A_38 {strides = array<i32>} : memref<158x64xf32, #tpu.memory_space<vmem>>, vector<1x16xf32>,
    %broadcast_in_dim3A_39 = arith.constant 0.000000e+00 : f32
    %broadcast_in_dim3A_40 = vector.broadcast %broadcast_in_dim3A_39 : f32 to vector<16xf32>
    %swap3A_41 = arith.constant 1 : i32
    %swap3A_42 = arith.index_cast %swap3A_41 : i32 to index
    %swap3A_43 = arith.constant 16 : index
    %swap3A_44 = tpu.vector_load %arg12[%swap3A_42, %swap3A_43] {strides = array<i32>} : memref<158x64xf32, #tpu.memory_space<vmem>>, vector<1x16xf32>,
    %swap3A_45 = vector.shape_cast %swap3A_44 : vector<1x16xf32> to vector<16xf32>
    %swap3A_46 = vector.shape_cast %broadcast_in_dim3A_40 : vector<16xf32> to vector<1x16xf32>
    tpu.vector_store %arg12[%swap3A_42, %swap3A_43], %swap3A_46 {strides = array<i32>} : memref<158x64xf32, #tpu.memory_space<vmem>>, vector<1x16xf32>,
    %broadcast_in_dim3A_47 = arith.constant 0.000000e+00 : f32
    %broadcast_in_dim3A_48 = vector.broadcast %broadcast_in_dim3A_47 : f32 to vector<16xf32>
    %swap3A_49 = arith.constant 1 : i32
    %swap3A_50 = arith.index_cast %swap3A_49 : i32 to index
    %swap3A_51 = arith.constant 32 : index
    %swap3A_52 = tpu.vector_load %arg12[%swap3A_50, %swap3A_51] {strides = array<i32>} : memref<158x64xf32, #tpu.memory_space<vmem>>, vector<1x16xf32>,
    %swap3A_53 = vector.shape_cast %swap3A_52 : vector<1x16xf32> to vector<16xf32>
    %swap3A_54 = vector.shape_cast %broadcast_in_dim3A_48 : vector<16xf32> to vector<1x16xf32>
    tpu.vector_store %arg12[%swap3A_50, %swap3A_51], %swap3A_54 {strides = array<i32>} : memref<158x64xf32, #tpu.memory_space<vmem>>, vector<1x16xf32>,
    %broadcast_in_dim3A_55 = arith.constant 0.000000e+00 : f32
    %broadcast_in_dim3A_56 = vector.broadcast %broadcast_in_dim3A_55 : f32 to vector<16xf32>
    %swap3A_57 = arith.constant 1 : i32
    %swap3A_58 = arith.index_cast %swap3A_57 : i32 to index
    %swap3A_59 = arith.constant 48 : index
    %swap3A_60 = tpu.vector_load %arg12[%swap3A_58, %swap3A_59] {strides = array<i32>} : memref<158x64xf32, #tpu.memory_space<vmem>>, vector<1x16xf32>,
    %swap3A_61 = vector.shape_cast %swap3A_60 : vector<1x16xf32> to vector<16xf32>
    %swap3A_62 = vector.shape_cast %broadcast_in_dim3A_56 : vector<16xf32> to vector<1x16xf32>
    tpu.vector_store %arg12[%swap3A_58, %swap3A_59], %swap3A_62 {strides = array<i32>} : memref<158x64xf32, #tpu.memory_space<vmem>>, vector<1x16xf32>,
    %broadcast_in_dim3A_63 = arith.constant 0.000000e+00 : f32
    %broadcast_in_dim3A_64 = vector.broadcast %broadcast_in_dim3A_63 : f32 to vector<16xf32>
    %swap3A_65 = arith.constant 2 : i32
    %swap3A_66 = arith.index_cast %swap3A_65 : i32 to index
    %swap3A_67 = arith.constant 0 : index
    %swap3A_68 = tpu.vector_load %arg12[%swap3A_66, %swap3A_67] {strides = array<i32>} : memref<158x64xf32, #tpu.memory_space<vmem>>, vector<1x16xf32>,
    %swap3A_69 = vector.shape_cast %swap3A_68 : vector<1x16xf32> to vector<16xf32>
    %swap3A_70 = vector.shape_cast %broadcast_in_dim3A_64 : vector<16xf32> to vector<1x16xf32>
    tpu.vector_store %arg12[%swap3A_66, %swap3A_67], %swap3A_70 {strides = array<i32>} : memref<158x64xf32, #tpu.memory_space<vmem>>, vector<1x16xf32>,
    %broadcast_in_dim3A_71 = arith.constant 0.000000e+00 : f32
    %broadcast_in_dim3A_72 = vector.broadcast %broadcast_in_dim3A_71 : f32 to vector<16xf32>
    %swap3A_73 = arith.constant 2 : i32
    %swap3A_74 = arith.index_cast %swap3A_73 : i32 to index
    %swap3A_75 = arith.constant 16 : index
    %swap3A_76 = tpu.vector_load %arg12[%swap3A_74, %swap3A_75] {strides = array<i32>} : memref<158x64xf32, #tpu.memory_space<vmem>>, vector<1x16xf32>,
    %swap3A_77 = vector.shape_cast %swap3A_76 : vector<1x16xf32> to vector<16xf32>
    %swap3A_78 = vector.shape_cast %broadcast_in_dim3A_72 : vector<16xf32> to vector<1x16xf32>
    tpu.vector_store %arg12[%swap3A_74, %swap3A_75], %swap3A_78 {strides = array<i32>} : memref<158x64xf32, #tpu.memory_space<vmem>>, vector<1x16xf32>,
    %broadcast_in_dim3A_79 = arith.constant 0.000000e+00 : f32
    %broadcast_in_dim3A_80 = vector.broadcast %broadcast_in_dim3A_79 : f32 to vector<16xf32>
    %swap3A_81 = arith.constant 2 : i32
    %swap3A_82 = arith.index_cast %swap3A_81 : i32 to index
    %swap3A_83 = arith.constant 32 : index
    %swap3A_84 = tpu.vector_load %arg12[%swap3A_82, %swap3A_83] {strides = array<i32>} : memref<158x64xf32, #tpu.memory_space<vmem>>, vector<1x16xf32>,
    %swap3A_85 = vector.shape_cast %swap3A_84 : vector<1x16xf32> to vector<16xf32>
    %swap3A_86 = vector.shape_cast %broadcast_in_dim3A_80 : vector<16xf32> to vector<1x16xf32>
    tpu.vector_store %arg12[%swap3A_82, %swap3A_83], %swap3A_86 {strides = array<i32>} : memref<158x64xf32, #tpu.memory_space<vmem>>, vector<1x16xf32>,
    %broadcast_in_dim3A_87 = arith.constant 0.000000e+00 : f32
    %broadcast_in_dim3A_88 = vector.broadcast %broadcast_in_dim3A_87 : f32 to vector<16xf32>
    %swap3A_89 = arith.constant 2 : i32
    %swap3A_90 = arith.index_cast %swap3A_89 : i32 to index
    %swap3A_91 = arith.constant 48 : index
    %swap3A_92 = tpu.vector_load %arg12[%swap3A_90, %swap3A_91] {strides = array<i32>} : memref<158x64xf32, #tpu.memory_space<vmem>>, vector<1x16xf32>,
    %swap3A_93 = vector.shape_cast %swap3A_92 : vector<1x16xf32> to vector<16xf32>
    %swap3A_94 = vector.shape_cast %broadcast_in_dim3A_88 : vector<16xf32> to vector<1x16xf32>
    tpu.vector_store %arg12[%swap3A_90, %swap3A_91], %swap3A_94 {strides = array<i32>} : memref<158x64xf32, #tpu.memory_space<vmem>>, vector<1x16xf32>,
    %broadcast_in_dim3A_95 = arith.constant 0.000000e+00 : f32
    %broadcast_in_dim3A_96 = vector.broadcast %broadcast_in_dim3A_95 : f32 to vector<16xf32>
    %swap3A_97 = arith.constant 3 : i32
    %swap3A_98 = arith.index_cast %swap3A_97 : i32 to index
    %swap3A_99 = arith.constant 0 : index
    %swap3A_100 = tpu.vector_load %arg12[%swap3A_98, %swap3A_99] {strides = array<i32>} : memref<158x64xf32, #tpu.memory_space<vmem>>, vector<1x16xf32>,
    %swap3A_101 = vector.shape_cast %swap3A_100 : vector<1x16xf32> to vector<16xf32>
    %swap3A_102 = vector.shape_cast %broadcast_in_dim3A_96 : vector<16xf32> to vector<1x16xf32>
    tpu.vector_store %arg12[%swap3A_98, %swap3A_99], %swap3A_102 {strides = array<i32>} : memref<158x64xf32, #tpu.memory_space<vmem>>, vector<1x16xf32>,
    %broadcast_in_dim3A_103 = arith.constant 0.000000e+00 : f32
    %broadcast_in_dim3A_104 = vector.broadcast %broadcast_in_dim3A_103 : f32 to vector<16xf32>
    %swap3A_105 = arith.constant 3 : i32
    %swap3A_106 = arith.index_cast %swap3A_105 : i32 to index
    %swap3A_107 = arith.constant 16 : index
    %swap3A_108 = tpu.vector_load %arg12[%swap3A_106, %swap3A_107] {strides = array<i32>} : memref<158x64xf32, #tpu.memory_space<vmem>>, vector<1x16xf32>,
    %swap3A_109 = vector.shape_cast %swap3A_108 : vector<1x16xf32> to vector<16xf32>
    %swap3A_110 = vector.shape_cast %broadcast_in_dim3A_104 : vector<16xf32> to vector<1x16xf32>
    tpu.vector_store %arg12[%swap3A_106, %swap3A_107], %swap3A_110 {strides = array<i32>} : memref<158x64xf32, #tpu.memory_space<vmem>>, vector<1x16xf32>,
    %broadcast_in_dim3A_111 = arith.constant 0.000000e+00 : f32
    %broadcast_in_dim3A_112 = vector.broadcast %broadcast_in_dim3A_111 : f32 to vector<16xf32>
    %swap3A_113 = arith.constant 3 : i32
    %swap3A_114 = arith.index_cast %swap3A_113 : i32 to index
    %swap3A_115 = arith.constant 32 : index
    %swap3A_116 = tpu.vector_load %arg12[%swap3A_114, %swap3A_115] {strides = array<i32>} : memref<158x64xf32, #tpu.memory_space<vmem>>, vector<1x16xf32>,
    %swap3A_117 = vector.shape_cast %swap3A_116 : vector<1x16xf32> to vector<16xf32>
    %swap3A_118 = vector.shape_cast %broadcast_in_dim3A_112 : vector<16xf32> to vector<1x16xf32>
    tpu.vector_store %arg12[%swap3A_114, %swap3A_115], %swap3A_118 {strides = array<i32>} : memref<158x64xf32, #tpu.memory_space<vmem>>, vector<1x16xf32>,
    %broadcast_in_dim3A_119 = arith.constant 0.000000e+00 : f32
    %broadcast_in_dim3A_120 = vector.broadcast %broadcast_in_dim3A_119 : f32 to vector<16xf32>
    %swap3A_121 = arith.constant 3 : i32
    %swap3A_122 = arith.index_cast %swap3A_121 : i32 to index
    %swap3A_123 = arith.constant 48 : index
    %swap3A_124 = tpu.vector_load %arg12[%swap3A_122, %swap3A_123] {strides = array<i32>} : memref<158x64xf32, #tpu.memory_space<vmem>>, vector<1x16xf32>,
    %swap3A_125 = vector.shape_cast %swap3A_124 : vector<1x16xf32> to vector<16xf32>
    %swap3A_126 = vector.shape_cast %broadcast_in_dim3A_120 : vector<16xf32> to vector<1x16xf32>
    tpu.vector_store %arg12[%swap3A_122, %swap3A_123], %swap3A_126 {strides = array<i32>} : memref<158x64xf32, #tpu.memory_space<vmem>>, vector<1x16xf32>,
    %broadcast_in_dim3A_127 = arith.constant 0.000000e+00 : f32
    %broadcast_in_dim3A_128 = vector.broadcast %broadcast_in_dim3A_127 : f32 to vector<16xf32>
    %swap3A_129 = arith.constant 4 : i32
    %swap3A_130 = arith.index_cast %swap3A_129 : i32 to index
    %swap3A_131 = arith.constant 0 : index
    %swap3A_132 = tpu.vector_load %arg12[%swap3A_130, %swap3A_131] {strides = array<i32>} : memref<158x64xf32, #tpu.memory_space<vmem>>, vector<1x16xf32>,
    %swap3A_133 = vector.shape_cast %swap3A_132 : vector<1x16xf32> to vector<16xf32>
    %swap3A_134 = vector.shape_cast %broadcast_in_dim3A_128 : vector<16xf32> to vector<1x16xf32>
    tpu.vector_store %arg12[%swap3A_130, %swap3A_131], %swap3A_134 {strides = array<i32>} : memref<158x64xf32, #tpu.memory_space<vmem>>, vector<1x16xf32>,
    %broadcast_in_dim3A_135 = arith.constant 0.000000e+00 : f32
    %broadcast_in_dim3A_136 = vector.broadcast %broadcast_in_dim3A_135 : f32 to vector<16xf32>
    %swap3A_137 = arith.constant 4 : i32
    %swap3A_138 = arith.index_cast %swap3A_137 : i32 to index
    %swap3A_139 = arith.constant 16 : index
    %swap3A_140 = tpu.vector_load %arg12[%swap3A_138, %swap3A_139] {strides = array<i32>} : memref<158x64xf32, #tpu.memory_space<vmem>>, vector<1x16xf32>,
    %swap3A_141 = vector.shape_cast %swap3A_140 : vector<1x16xf32> to vector<16xf32>
    %swap3A_142 = vector.shape_cast %broadcast_in_dim3A_136 : vector<16xf32> to vector<1x16xf32>
    tpu.vector_store %arg12[%swap3A_138, %swap3A_139], %swap3A_142 {strides = array<i32>} : memref<158x64xf32, #tpu.memory_space<vmem>>, vector<1x16xf32>,
    %broadcast_in_dim3A_143 = arith.constant 0.000000e+00 : f32
    %broadcast_in_dim3A_144 = vector.broadcast %broadcast_in_dim3A_143 : f32 to vector<16xf32>
    %swap3A_145 = arith.constant 4 : i32
    %swap3A_146 = arith.index_cast %swap3A_145 : i32 to index
    %swap3A_147 = arith.constant 32 : index
    %swap3A_148 = tpu.vector_load %arg12[%swap3A_146, %swap3A_147] {strides = array<i32>} : memref<158x64xf32, #tpu.memory_space<vmem>>, vector<1x16xf32>,
    %swap3A_149 = vector.shape_cast %swap3A_148 : vector<1x16xf32> to vector<16xf32>
    %swap3A_150 = vector.shape_cast %broadcast_in_dim3A_144 : vector<16xf32> to vector<1x16xf32>
    tpu.vector_store %arg12[%swap3A_146, %swap3A_147], %swap3A_150 {strides = array<i32>} : memref<158x64xf32, #tpu.memory_space<vmem>>, vector<1x16xf32>,
    %broadcast_in_dim3A_151 = arith.constant 0.000000e+00 : f32
    %broadcast_in_dim3A_152 = vector.broadcast %broadcast_in_dim3A_151 : f32 to vector<16xf32>
    %swap3A_153 = arith.constant 4 : i32
    %swap3A_154 = arith.index_cast %swap3A_153 : i32 to index
    %swap3A_155 = arith.constant 48 : index
    %swap3A_156 = tpu.vector_load %arg12[%swap3A_154, %swap3A_155] {strides = array<i32>} : memref<158x64xf32, #tpu.memory_space<vmem>>, vector<1x16xf32>,
    %swap3A_157 = vector.shape_cast %swap3A_156 : vector<1x16xf32> to vector<16xf32>
    %swap3A_158 = vector.shape_cast %broadcast_in_dim3A_152 : vector<16xf32> to vector<1x16xf32>
    tpu.vector_store %arg12[%swap3A_154, %swap3A_155], %swap3A_158 {strides = array<i32>} : memref<158x64xf32, #tpu.memory_space<vmem>>, vector<1x16xf32>,
    %broadcast_in_dim3A_159 = arith.constant 0.000000e+00 : f32
    %broadcast_in_dim3A_160 = vector.broadcast %broadcast_in_dim3A_159 : f32 to vector<16xf32>
    %swap3A_161 = arith.constant 5 : i32
    %swap3A_162 = arith.index_cast %swap3A_161 : i32 to index
    %swap3A_163 = arith.constant 0 : index
    %swap3A_164 = tpu.vector_load %arg12[%swap3A_162, %swap3A_163] {strides = array<i32>} : memref<158x64xf32, #tpu.memory_space<vmem>>, vector<1x16xf32>,
    %swap3A_165 = vector.shape_cast %swap3A_164 : vector<1x16xf32> to vector<16xf32>
    %swap3A_166 = vector.shape_cast %broadcast_in_dim3A_160 : vector<16xf32> to vector<1x16xf32>
    tpu.vector_store %arg12[%swap3A_162, %swap3A_163], %swap3A_166 {strides = array<i32>} : memref<158x64xf32, #tpu.memory_space<vmem>>, vector<1x16xf32>,
    %broadcast_in_dim3A_167 = arith.constant 0.000000e+00 : f32
    %broadcast_in_dim3A_168 = vector.broadcast %broadcast_in_dim3A_167 : f32 to vector<16xf32>
    %swap3A_169 = arith.constant 5 : i32
    %swap3A_170 = arith.index_cast %swap3A_169 : i32 to index
    %swap3A_171 = arith.constant 16 : index
    %swap3A_172 = tpu.vector_load %arg12[%swap3A_170, %swap3A_171] {strides = array<i32>} : memref<158x64xf32, #tpu.memory_space<vmem>>, vector<1x16xf32>,
    %swap3A_173 = vector.shape_cast %swap3A_172 : vector<1x16xf32> to vector<16xf32>
    %swap3A_174 = vector.shape_cast %broadcast_in_dim3A_168 : vector<16xf32> to vector<1x16xf32>
    tpu.vector_store %arg12[%swap3A_170, %swap3A_171], %swap3A_174 {strides = array<i32>} : memref<158x64xf32, #tpu.memory_space<vmem>>, vector<1x16xf32>,
    %broadcast_in_dim3A_175 = arith.constant 0.000000e+00 : f32
    %broadcast_in_dim3A_176 = vector.broadcast %broadcast_in_dim3A_175 : f32 to vector<16xf32>
    %swap3A_177 = arith.constant 5 : i32
    %swap3A_178 = arith.index_cast %swap3A_177 : i32 to index
    %swap3A_179 = arith.constant 32 : index
    %swap3A_180 = tpu.vector_load %arg12[%swap3A_178, %swap3A_179] {strides = array<i32>} : memref<158x64xf32, #tpu.memory_space<vmem>>, vector<1x16xf32>,
    %swap3A_181 = vector.shape_cast %swap3A_180 : vector<1x16xf32> to vector<16xf32>
    %swap3A_182 = vector.shape_cast %broadcast_in_dim3A_176 : vector<16xf32> to vector<1x16xf32>
    tpu.vector_store %arg12[%swap3A_178, %swap3A_179], %swap3A_182 {strides = array<i32>} : memref<158x64xf32, #tpu.memory_space<vmem>>, vector<1x16xf32>,
    %broadcast_in_dim3A_183 = arith.constant 0.000000e+00 : f32
    %broadcast_in_dim3A_184 = vector.broadcast %broadcast_in_dim3A_183 : f32 to vector<16xf32>
    %swap3A_185 = arith.constant 5 : i32
    %swap3A_186 = arith.index_cast %swap3A_185 : i32 to index
    %swap3A_187 = arith.constant 48 : index
    %swap3A_188 = tpu.vector_load %arg12[%swap3A_186, %swap3A_187] {strides = array<i32>} : memref<158x64xf32, #tpu.memory_space<vmem>>, vector<1x16xf32>,
    %swap3A_189 = vector.shape_cast %swap3A_188 : vector<1x16xf32> to vector<16xf32>
    %swap3A_190 = vector.shape_cast %broadcast_in_dim3A_184 : vector<16xf32> to vector<1x16xf32>
    tpu.vector_store %arg12[%swap3A_186, %swap3A_187], %swap3A_190 {strides = array<i32>} : memref<158x64xf32, #tpu.memory_space<vmem>>, vector<1x16xf32>,
    %broadcast_in_dim3A_191 = arith.constant 0.000000e+00 : f32
    %broadcast_in_dim3A_192 = vector.broadcast %broadcast_in_dim3A_191 : f32 to vector<16xf32>
    %swap3A_193 = arith.constant 6 : i32
    %swap3A_194 = arith.index_cast %swap3A_193 : i32 to index
    %swap3A_195 = arith.constant 0 : index
    %swap3A_196 = tpu.vector_load %arg12[%swap3A_194, %swap3A_195] {strides = array<i32>} : memref<158x64xf32, #tpu.memory_space<vmem>>, vector<1x16xf32>,
    %swap3A_197 = vector.shape_cast %swap3A_196 : vector<1x16xf32> to vector<16xf32>
    %swap3A_198 = vector.shape_cast %broadcast_in_dim3A_192 : vector<16xf32> to vector<1x16xf32>
    tpu.vector_store %arg12[%swap3A_194, %swap3A_195], %swap3A_198 {strides = array<i32>} : memref<158x64xf32, #tpu.memory_space<vmem>>, vector<1x16xf32>,
    %broadcast_in_dim3A_199 = arith.constant 0.000000e+00 : f32
    %broadcast_in_dim3A_200 = vector.broadcast %broadcast_in_dim3A_199 : f32 to vector<16xf32>
    %swap3A_201 = arith.constant 6 : i32
    %swap3A_202 = arith.index_cast %swap3A_201 : i32 to index
    %swap3A_203 = arith.constant 16 : index
    %swap3A_204 = tpu.vector_load %arg12[%swap3A_202, %swap3A_203] {strides = array<i32>} : memref<158x64xf32, #tpu.memory_space<vmem>>, vector<1x16xf32>,
    %swap3A_205 = vector.shape_cast %swap3A_204 : vector<1x16xf32> to vector<16xf32>
    %swap3A_206 = vector.shape_cast %broadcast_in_dim3A_200 : vector<16xf32> to vector<1x16xf32>
    tpu.vector_store %arg12[%swap3A_202, %swap3A_203], %swap3A_206 {strides = array<i32>} : memref<158x64xf32, #tpu.memory_space<vmem>>, vector<1x16xf32>,
    %broadcast_in_dim3A_207 = arith.constant 0.000000e+00 : f32
    %broadcast_in_dim3A_208 = vector.broadcast %broadcast_in_dim3A_207 : f32 to vector<16xf32>
    %swap3A_209 = arith.constant 6 : i32
    %swap3A_210 = arith.index_cast %swap3A_209 : i32 to index
    %swap3A_211 = arith.constant 32 : index
    %swap3A_212 = tpu.vector_load %arg12[%swap3A_210, %swap3A_211] {strides = array<i32>} : memref<158x64xf32, #tpu.memory_space<vmem>>, vector<1x16xf32>,
    %swap3A_213 = vector.shape_cast %swap3A_212 : vector<1x16xf32> to vector<16xf32>
    %swap3A_214 = vector.shape_cast %broadcast_in_dim3A_208 : vector<16xf32> to vector<1x16xf32>
    tpu.vector_store %arg12[%swap3A_210, %swap3A_211], %swap3A_214 {strides = array<i32>} : memref<158x64xf32, #tpu.memory_space<vmem>>, vector<1x16xf32>,
    %broadcast_in_dim3A_215 = arith.constant 0.000000e+00 : f32
    %broadcast_in_dim3A_216 = vector.broadcast %broadcast_in_dim3A_215 : f32 to vector<16xf32>
    %swap3A_217 = arith.constant 6 : i32
    %swap3A_218 = arith.index_cast %swap3A_217 : i32 to index
    %swap3A_219 = arith.constant 48 : index
    %swap3A_220 = tpu.vector_load %arg12[%swap3A_218, %swap3A_219] {strides = array<i32>} : memref<158x64xf32, #tpu.memory_space<vmem>>, vector<1x16xf32>,
    %swap3A_221 = vector.shape_cast %swap3A_220 : vector<1x16xf32> to vector<16xf32>
    %swap3A_222 = vector.shape_cast %broadcast_in_dim3A_216 : vector<16xf32> to vector<1x16xf32>
    tpu.vector_store %arg12[%swap3A_218, %swap3A_219], %swap3A_222 {strides = array<i32>} : memref<158x64xf32, #tpu.memory_space<vmem>>, vector<1x16xf32>,
    %broadcast_in_dim3A_223 = arith.constant 0.000000e+00 : f32
    %broadcast_in_dim3A_224 = vector.broadcast %broadcast_in_dim3A_223 : f32 to vector<16xf32>
    %swap3A_225 = arith.constant 7 : i32
    %swap3A_226 = arith.index_cast %swap3A_225 : i32 to index
    %swap3A_227 = arith.constant 0 : index
    %swap3A_228 = tpu.vector_load %arg12[%swap3A_226, %swap3A_227] {strides = array<i32>} : memref<158x64xf32, #tpu.memory_space<vmem>>, vector<1x16xf32>,
    %swap3A_229 = vector.shape_cast %swap3A_228 : vector<1x16xf32> to vector<16xf32>
    %swap3A_230 = vector.shape_cast %broadcast_in_dim3A_224 : vector<16xf32> to vector<1x16xf32>
    tpu.vector_store %arg12[%swap3A_226, %swap3A_227], %swap3A_230 {strides = array<i32>} : memref<158x64xf32, #tpu.memory_space<vmem>>, vector<1x16xf32>,
    %broadcast_in_dim3A_231 = arith.constant 0.000000e+00 : f32
    %broadcast_in_dim3A_232 = vector.broadcast %broadcast_in_dim3A_231 : f32 to vector<16xf32>
    %swap3A_233 = arith.constant 7 : i32
    %swap3A_234 = arith.index_cast %swap3A_233 : i32 to index
    %swap3A_235 = arith.constant 16 : index
    %swap3A_236 = tpu.vector_load %arg12[%swap3A_234, %swap3A_235] {strides = array<i32>} : memref<158x64xf32, #tpu.memory_space<vmem>>, vector<1x16xf32>,
    %swap3A_237 = vector.shape_cast %swap3A_236 : vector<1x16xf32> to vector<16xf32>
    %swap3A_238 = vector.shape_cast %broadcast_in_dim3A_232 : vector<16xf32> to vector<1x16xf32>
    tpu.vector_store %arg12[%swap3A_234, %swap3A_235], %swap3A_238 {strides = array<i32>} : memref<158x64xf32, #tpu.memory_space<vmem>>, vector<1x16xf32>,
    %broadcast_in_dim3A_239 = arith.constant 0.000000e+00 : f32
    %broadcast_in_dim3A_240 = vector.broadcast %broadcast_in_dim3A_239 : f32 to vector<16xf32>
    %swap3A_241 = arith.constant 7 : i32
    %swap3A_242 = arith.index_cast %swap3A_241 : i32 to index
    %swap3A_243 = arith.constant 32 : index
    %swap3A_244 = tpu.vector_load %arg12[%swap3A_242, %swap3A_243] {strides = array<i32>} : memref<158x64xf32, #tpu.memory_space<vmem>>, vector<1x16xf32>,
    %swap3A_245 = vector.shape_cast %swap3A_244 : vector<1x16xf32> to vector<16xf32>
    %swap3A_246 = vector.shape_cast %broadcast_in_dim3A_240 : vector<16xf32> to vector<1x16xf32>
    tpu.vector_store %arg12[%swap3A_242, %swap3A_243], %swap3A_246 {strides = array<i32>} : memref<158x64xf32, #tpu.memory_space<vmem>>, vector<1x16xf32>,
    %broadcast_in_dim3A_247 = arith.constant 0.000000e+00 : f32
    %broadcast_in_dim3A_248 = vector.broadcast %broadcast_in_dim3A_247 : f32 to vector<16xf32>
    %swap3A_249 = arith.constant 7 : i32
    %swap3A_250 = arith.index_cast %swap3A_249 : i32 to index
    %swap3A_251 = arith.constant 48 : index
    %swap3A_252 = tpu.vector_load %arg12[%swap3A_250, %swap3A_251] {strides = array<i32>} : memref<158x64xf32, #tpu.memory_space<vmem>>, vector<1x16xf32>,
    %swap3A_253 = vector.shape_cast %swap3A_252 : vector<1x16xf32> to vector<16xf32>
    %swap3A_254 = vector.shape_cast %broadcast_in_dim3A_248 : vector<16xf32> to vector<1x16xf32>
    tpu.vector_store %arg12[%swap3A_250, %swap3A_251], %swap3A_254 {strides = array<i32>} : memref<158x64xf32, #tpu.memory_space<vmem>>, vector<1x16xf32>,
    %scan3A = arith.constant 0 : i32
    %scan3A_255 = arith.constant 0 : i32
    %scan3A_256 = arith.constant 79 : i32
    %scan3A_257 = arith.addi %scan3A_255, %scan3A_256 : i32
    %scan3A_258 = arith.constant 1 : i32
    scf.for %scan3A_375 = %scan3A_255 to %scan3A_257 step %scan3A_258  : i32 {
      %mul3A_376 = arith.constant 632 : i32
      %mul3A_377 = arith.muli %arg1, %mul3A_376 : i32
      %mul3A_378 = arith.constant 8 : i32
      %mul3A_379 = arith.muli %scan3A_375, %mul3A_378 : i32
      %add3A_380 = arith.addi %mul3A_377, %mul3A_379 : i32
      %dma_start3A_381 = arith.constant 0 : i32
      %dma_start3A_382 = arith.constant 0 : i32
      %dma_start3A_383 = tpu.memref_slice %arg12[%dma_start3A_381, %dma_start3A_382] : memref<158x64xf32, #tpu.memory_space<vmem>> -> memref<8x64xf32, #tpu.memory_space<vmem>>
      %dma_start3A_384 = arith.constant 0 : i32
      %dma_start3A_385 = tpu.memref_slice %arg13[%add3A_380, %dma_start3A_384] : memref<10112x64xf32, #tpu.memory_space<vmem_shared>> -> memref<8x64xf32, #tpu.memory_space<vmem_shared>>
      %dma_start3A_386 = arith.constant 0 : i32
      %dma_start3A_387 = tpu.memref_slice %arg13[%add3A_380, %dma_start3A_386] : memref<10112x64xf32, #tpu.memory_space<vmem_shared>> -> memref<8x64xf32, #tpu.memory_space<vmem_shared>>
      %dma_start3A_388 = arith.constant 0 : i32
      %dma_start3A_389 = arith.constant 0 : i32
      %dma_start3A_390 = tpu.memref_slice %arg12[%dma_start3A_388, %dma_start3A_389] : memref<158x64xf32, #tpu.memory_space<vmem>> -> memref<8x64xf32, #tpu.memory_space<vmem>>
      tpu.enqueue_dma source(%dma_start3A_390 : memref<8x64xf32, #tpu.memory_space<vmem>>) target(%dma_start3A_387 : memref<8x64xf32, #tpu.memory_space<vmem_shared>>) target_semaphore(%arg24 : memref<!tpu.dma_semaphore, #tpu.memory_space<semaphore_mem>>)
    }
    %scan3A_259 = arith.constant 79 : i32
    %mul3A = arith.constant 632 : i32
    %mul3A_260 = arith.muli %arg1, %mul3A : i32
    %mul3A_261 = arith.constant 64 : i32
    %mul3A_262 = arith.muli %arg0, %mul3A_261 : i32
    %mul3A_263 = arith.constant 632 : i32
    %mul3A_264 = arith.muli %arg1, %mul3A_263 : i32
    %dma_wait3A = arith.constant 0 : i32
    %dma_wait3A_265 = tpu.memref_slice %arg13[%mul3A_264, %dma_wait3A] : memref<10112x64xf32, #tpu.memory_space<vmem_shared>> -> memref<632x64xf32, #tpu.memory_space<vmem_shared>>
    %dma_wait3A_266 = tpu.memref_slice %arg4[%mul3A_260, %mul3A_262] : memref<10112x128xf32, #tpu.memory_space<hbm>> -> memref<632x64xf32, #tpu.memory_space<hbm>>
    tpu.wait_dma2 semaphore(%arg24 : memref<!tpu.dma_semaphore, #tpu.memory_space<semaphore_mem>>) src(%dma_wait3A_266 : memref<632x64xf32, #tpu.memory_space<hbm>>) dst(%dma_wait3A_265 : memref<632x64xf32, #tpu.memory_space<vmem_shared>>)
    %barrier3A = arith.constant 0 : index
    tpu.barrier barrier_id(%barrier3A)
    %dma_start3A = arith.constant 0 : i32
    %dma_start3A_267 = arith.constant 0 : i32
    %dma_start3A_268 = tpu.memref_slice %arg5[%dma_start3A, %dma_start3A_267] : memref<250x80xi32, #tpu.memory_space<vmem>> -> memref<1x80xi32, #tpu.memory_space<vmem>>
    %dma_start3A_269 = tpu.memref_squeeze %dma_start3A_268 : memref<1x80xi32, #tpu.memory_space<vmem>> -> memref<80xi32, #tpu.memory_space<vmem>>
    %dma_start3A_270 = arith.constant 0 : i32
    %dma_start3A_271 = arith.constant 0 : i32
    %dma_start3A_272 = tpu.memref_slice %arg3[%arg0, %dma_start3A_270, %dma_start3A_271] : memref<2x10000x64xf32, #tpu.memory_space<hbm>> -> memref<1x10000x64xf32, #tpu.memory_space<hbm>>
    %dma_start3A_273 = tpu.memref_squeeze %dma_start3A_272 : memref<1x10000x64xf32, #tpu.memory_space<hbm>> -> memref<10000x64xf32, #tpu.memory_space<hbm>>
    %dma_start3A_274 = arith.constant 0 : i32
    %dma_start3A_275 = arith.constant 0 : i32
    %dma_start3A_276 = tpu.memref_slice %dma_start3A_273[%dma_start3A_274, %dma_start3A_275] : memref<10000x64xf32, #tpu.memory_space<hbm>> -> memref<10000x64xf32, #tpu.memory_space<hbm>>
    tpu.enqueue_indirect_dma source(%dma_start3A_276 : memref<10000x64xf32, #tpu.memory_space<hbm>>) target(%arg7 : memref<80x64xf32, #tpu.memory_space<vmem>>) offsets(%dma_start3A_269 : memref<80xi32, #tpu.memory_space<vmem>>) semaphore(%arg14 : memref<!tpu.dma_semaphore, #tpu.memory_space<semaphore_mem>>)
    %dma_start3A_277 = arith.constant 1 : i32
    %dma_start3A_278 = arith.constant 0 : i32
    %dma_start3A_279 = tpu.memref_slice %arg5[%dma_start3A_277, %dma_start3A_278] : memref<250x80xi32, #tpu.memory_space<vmem>> -> memref<1x80xi32, #tpu.memory_space<vmem>>
    %dma_start3A_280 = tpu.memref_squeeze %dma_start3A_279 : memref<1x80xi32, #tpu.memory_space<vmem>> -> memref<80xi32, #tpu.memory_space<vmem>>
    %dma_start3A_281 = arith.constant 0 : i32
    %dma_start3A_282 = arith.constant 0 : i32
    %dma_start3A_283 = tpu.memref_slice %arg3[%arg0, %dma_start3A_281, %dma_start3A_282] : memref<2x10000x64xf32, #tpu.memory_space<hbm>> -> memref<1x10000x64xf32, #tpu.memory_space<hbm>>
    %dma_start3A_284 = tpu.memref_squeeze %dma_start3A_283 : memref<1x10000x64xf32, #tpu.memory_space<hbm>> -> memref<10000x64xf32, #tpu.memory_space<hbm>>
    %dma_start3A_285 = arith.constant 0 : i32
    %dma_start3A_286 = arith.constant 0 : i32
    %dma_start3A_287 = tpu.memref_slice %dma_start3A_284[%dma_start3A_285, %dma_start3A_286] : memref<10000x64xf32, #tpu.memory_space<hbm>> -> memref<10000x64xf32, #tpu.memory_space<hbm>>
    tpu.enqueue_indirect_dma source(%dma_start3A_287 : memref<10000x64xf32, #tpu.memory_space<hbm>>) target(%arg8 : memref<80x64xf32, #tpu.memory_space<vmem>>) offsets(%dma_start3A_280 : memref<80xi32, #tpu.memory_space<vmem>>) semaphore(%arg15 : memref<!tpu.dma_semaphore, #tpu.memory_space<semaphore_mem>>)
    %dma_start3A_288 = arith.constant 2 : i32
    %dma_start3A_289 = arith.constant 0 : i32
    %dma_start3A_290 = tpu.memref_slice %arg5[%dma_start3A_288, %dma_start3A_289] : memref<250x80xi32, #tpu.memory_space<vmem>> -> memref<1x80xi32, #tpu.memory_space<vmem>>
    %dma_start3A_291 = tpu.memref_squeeze %dma_start3A_290 : memref<1x80xi32, #tpu.memory_space<vmem>> -> memref<80xi32, #tpu.memory_space<vmem>>
    %dma_start3A_292 = arith.constant 0 : i32
    %dma_start3A_293 = arith.constant 0 : i32
    %dma_start3A_294 = tpu.memref_slice %arg3[%arg0, %dma_start3A_292, %dma_start3A_293] : memref<2x10000x64xf32, #tpu.memory_space<hbm>> -> memref<1x10000x64xf32, #tpu.memory_space<hbm>>
    %dma_start3A_295 = tpu.memref_squeeze %dma_start3A_294 : memref<1x10000x64xf32, #tpu.memory_space<hbm>> -> memref<10000x64xf32, #tpu.memory_space<hbm>>
    %dma_start3A_296 = arith.constant 0 : i32
    %dma_start3A_297 = arith.constant 0 : i32
    %dma_start3A_298 = tpu.memref_slice %dma_start3A_295[%dma_start3A_296, %dma_start3A_297] : memref<10000x64xf32, #tpu.memory_space<hbm>> -> memref<10000x64xf32, #tpu.memory_space<hbm>>
    tpu.enqueue_indirect_dma source(%dma_start3A_298 : memref<10000x64xf32, #tpu.memory_space<hbm>>) target(%arg9 : memref<80x64xf32, #tpu.memory_space<vmem>>) offsets(%dma_start3A_291 : memref<80xi32, #tpu.memory_space<vmem>>) semaphore(%arg16 : memref<!tpu.dma_semaphore, #tpu.memory_space<semaphore_mem>>)
    %dma_start3A_299 = arith.constant 3 : i32
    %dma_start3A_300 = arith.constant 0 : i32
    %dma_start3A_301 = tpu.memref_slice %arg5[%dma_start3A_299, %dma_start3A_300] : memref<250x80xi32, #tpu.memory_space<vmem>> -> memref<1x80xi32, #tpu.memory_space<vmem>>
    %dma_start3A_302 = tpu.memref_squeeze %dma_start3A_301 : memref<1x80xi32, #tpu.memory_space<vmem>> -> memref<80xi32, #tpu.memory_space<vmem>>
    %dma_start3A_303 = arith.constant 0 : i32
    %dma_start3A_304 = arith.constant 0 : i32
    %dma_start3A_305 = tpu.memref_slice %arg3[%arg0, %dma_start3A_303, %dma_start3A_304] : memref<2x10000x64xf32, #tpu.memory_space<hbm>> -> memref<1x10000x64xf32, #tpu.memory_space<hbm>>
    %dma_start3A_306 = tpu.memref_squeeze %dma_start3A_305 : memref<1x10000x64xf32, #tpu.memory_space<hbm>> -> memref<10000x64xf32, #tpu.memory_space<hbm>>
    %dma_start3A_307 = arith.constant 0 : i32
    %dma_start3A_308 = arith.constant 0 : i32
    %dma_start3A_309 = tpu.memref_slice %dma_start3A_306[%dma_start3A_307, %dma_start3A_308] : memref<10000x64xf32, #tpu.memory_space<hbm>> -> memref<10000x64xf32, #tpu.memory_space<hbm>>
    tpu.enqueue_indirect_dma source(%dma_start3A_309 : memref<10000x64xf32, #tpu.memory_space<hbm>>) target(%arg10 : memref<80x64xf32, #tpu.memory_space<vmem>>) offsets(%dma_start3A_302 : memref<80xi32, #tpu.memory_space<vmem>>) semaphore(%arg17 : memref<!tpu.dma_semaphore, #tpu.memory_space<semaphore_mem>>)
    %scan3A_310 = arith.constant 0 : i32
    %scan3A_311 = arith.constant 0 : i32
    %scan3A_312 = arith.constant 50 : i32
    %scan3A_313 = arith.addi %scan3A_311, %scan3A_312 : i32
    %scan3A_314 = arith.constant 1 : i32
    scf.for %scan3A_375 = %scan3A_311 to %scan3A_313 step %scan3A_314  : i32 {
      %mul3A_376 = arith.constant 5 : i32
      %mul3A_377 = arith.muli %scan3A_375, %mul3A_376 : i32
      %add3A_378 = arith.constant 0 : i32
      %add3A_379 = arith.addi %mul3A_377, %add3A_378 : i32
      %dma_wait3A_380 = arith.constant 0 : i32
      %dma_wait3A_381 = tpu.memref_slice %arg5[%add3A_379, %dma_wait3A_380] : memref<250x80xi32, #tpu.memory_space<vmem>> -> memref<1x80xi32, #tpu.memory_space<vmem>>
      %dma_wait3A_382 = tpu.memref_squeeze %dma_wait3A_381 : memref<1x80xi32, #tpu.memory_space<vmem>> -> memref<80xi32, #tpu.memory_space<vmem>>
      %dma_wait3A_383 = arith.constant 0 : i32
      %dma_wait3A_384 = arith.constant 0 : i32
      %dma_wait3A_385 = tpu.memref_slice %arg3[%arg0, %dma_wait3A_383, %dma_wait3A_384] : memref<2x10000x64xf32, #tpu.memory_space<hbm>> -> memref<1x10000x64xf32, #tpu.memory_space<hbm>>
      %dma_wait3A_386 = tpu.memref_squeeze %dma_wait3A_385 : memref<1x10000x64xf32, #tpu.memory_space<hbm>> -> memref<10000x64xf32, #tpu.memory_space<hbm>>
      %dma_wait3A_387 = arith.constant 0 : i32
      %dma_wait3A_388 = arith.constant 0 : i32
      %dma_wait3A_389 = tpu.memref_slice %dma_wait3A_386[%dma_wait3A_387, %dma_wait3A_388] : memref<10000x64xf32, #tpu.memory_space<hbm>> -> memref<10000x64xf32, #tpu.memory_space<hbm>>
      tpu.wait_indirect_dma semaphore(%arg14 : memref<!tpu.dma_semaphore, #tpu.memory_space<semaphore_mem>>) src(%dma_wait3A_389 : memref<10000x64xf32, #tpu.memory_space<hbm>>) dst(%arg7 : memref<80x64xf32, #tpu.memory_space<vmem>>)
      %dma_start3A_390 = arith.constant 0 : i32
      %dma_start3A_391 = tpu.memref_slice %arg6[%add3A_379, %dma_start3A_390] : memref<250x80xi32, #tpu.memory_space<vmem>> -> memref<1x80xi32, #tpu.memory_space<vmem>>
      %dma_start3A_392 = tpu.memref_squeeze %dma_start3A_391 : memref<1x80xi32, #tpu.memory_space<vmem>> -> memref<80xi32, #tpu.memory_space<vmem>>
      %dma_start3A_393 = arith.constant 0 : i32
      %dma_start3A_394 = arith.constant 0 : i32
      %dma_start3A_395 = tpu.memref_slice %arg13[%dma_start3A_393, %dma_start3A_394] : memref<10112x64xf32, #tpu.memory_space<vmem_shared>> -> memref<10112x64xf32, #tpu.memory_space<vmem_shared>>
      tpu.enqueue_indirect_dma source(%arg7 : memref<80x64xf32, #tpu.memory_space<vmem>>) target(%dma_start3A_395 : memref<10112x64xf32, #tpu.memory_space<vmem_shared>>) offsets(%dma_start3A_392 : memref<80xi32, #tpu.memory_space<vmem>>) semaphore(%arg19 : memref<!tpu.dma_semaphore, #tpu.memory_space<semaphore_mem>>) {add = true}
      %add3A_396 = arith.constant 4 : i32
      %add3A_397 = arith.addi %add3A_379, %add3A_396 : i32
      %gt3A = arith.constant 0 : i32
      %gt3A_398 = arith.cmpi sgt, %scan3A_375, %gt3A : i32
      %convert_element_type3A = arith.extui %gt3A_398 : i1 to i32
      %cond3A = arith.constant 0 : i32
      %cond3A_399 = arith.cmpi ne, %convert_element_type3A, %cond3A : i32
      scf.if %cond3A_399 {
        %sub3A = arith.constant 5 : i32
        %sub3A_511 = arith.subi %add3A_397, %sub3A : i32
        %dma_wait3A_512 = arith.constant 0 : i32
        %dma_wait3A_513 = tpu.memref_slice %arg6[%sub3A_511, %dma_wait3A_512] : memref<250x80xi32, #tpu.memory_space<vmem>> -> memref<1x80xi32, #tpu.memory_space<vmem>>
        %dma_wait3A_514 = tpu.memref_squeeze %dma_wait3A_513 : memref<1x80xi32, #tpu.memory_space<vmem>> -> memref<80xi32, #tpu.memory_space<vmem>>
        %dma_wait3A_515 = arith.constant 0 : i32
        %dma_wait3A_516 = arith.constant 0 : i32
        %dma_wait3A_517 = tpu.memref_slice %arg13[%dma_wait3A_515, %dma_wait3A_516] : memref<10112x64xf32, #tpu.memory_space<vmem_shared>> -> memref<10112x64xf32, #tpu.memory_space<vmem_shared>>
        tpu.wait_indirect_dma semaphore(%arg23 : memref<!tpu.dma_semaphore, #tpu.memory_space<semaphore_mem>>) src(%arg11 : memref<80x64xf32, #tpu.memory_space<vmem>>) dst(%dma_wait3A_517 : memref<10112x64xf32, #tpu.memory_space<vmem_shared>>)
        %dma_start3A_518 = arith.constant 0 : i32
        %dma_start3A_519 = tpu.memref_slice %arg5[%add3A_397, %dma_start3A_518] : memref<250x80xi32, #tpu.memory_space<vmem>> -> memref<1x80xi32, #tpu.memory_space<vmem>>
        %dma_start3A_520 = tpu.memref_squeeze %dma_start3A_519 : memref<1x80xi32, #tpu.memory_space<vmem>> -> memref<80xi32, #tpu.memory_space<vmem>>
        %dma_start3A_521 = arith.constant 0 : i32
        %dma_start3A_522 = arith.constant 0 : i32
        %dma_start3A_523 = tpu.memref_slice %arg3[%arg0, %dma_start3A_521, %dma_start3A_522] : memref<2x10000x64xf32, #tpu.memory_space<hbm>> -> memref<1x10000x64xf32, #tpu.memory_space<hbm>>
        %dma_start3A_524 = tpu.memref_squeeze %dma_start3A_523 : memref<1x10000x64xf32, #tpu.memory_space<hbm>> -> memref<10000x64xf32, #tpu.memory_space<hbm>>
        %dma_start3A_525 = arith.constant 0 : i32
        %dma_start3A_526 = arith.constant 0 : i32
        %dma_start3A_527 = tpu.memref_slice %dma_start3A_524[%dma_start3A_525, %dma_start3A_526] : memref<10000x64xf32, #tpu.memory_space<hbm>> -> memref<10000x64xf32, #tpu.memory_space<hbm>>
        tpu.enqueue_indirect_dma source(%dma_start3A_527 : memref<10000x64xf32, #tpu.memory_space<hbm>>) target(%arg11 : memref<80x64xf32, #tpu.memory_space<vmem>>) offsets(%dma_start3A_520 : memref<80xi32, #tpu.memory_space<vmem>>) semaphore(%arg18 : memref<!tpu.dma_semaphore, #tpu.memory_space<semaphore_mem>>)
      } else {
      }
      %eq3A = arith.constant 0 : i32
      %eq3A_400 = arith.cmpi eq, %scan3A_375, %eq3A : i32
      %convert_element_type3A_401 = arith.extui %eq3A_400 : i1 to i32
      %cond3A_402 = arith.constant 0 : i32
      %cond3A_403 = arith.cmpi ne, %convert_element_type3A_401, %cond3A_402 : i32
      scf.if %cond3A_403 {
        %dma_start3A_511 = arith.constant 0 : i32
        %dma_start3A_512 = tpu.memref_slice %arg5[%add3A_397, %dma_start3A_511] : memref<250x80xi32, #tpu.memory_space<vmem>> -> memref<1x80xi32, #tpu.memory_space<vmem>>
        %dma_start3A_513 = tpu.memref_squeeze %dma_start3A_512 : memref<1x80xi32, #tpu.memory_space<vmem>> -> memref<80xi32, #tpu.memory_space<vmem>>
        %dma_start3A_514 = arith.constant 0 : i32
        %dma_start3A_515 = arith.constant 0 : i32
        %dma_start3A_516 = tpu.memref_slice %arg3[%arg0, %dma_start3A_514, %dma_start3A_515] : memref<2x10000x64xf32, #tpu.memory_space<hbm>> -> memref<1x10000x64xf32, #tpu.memory_space<hbm>>
        %dma_start3A_517 = tpu.memref_squeeze %dma_start3A_516 : memref<1x10000x64xf32, #tpu.memory_space<hbm>> -> memref<10000x64xf32, #tpu.memory_space<hbm>>
        %dma_start3A_518 = arith.constant 0 : i32
        %dma_start3A_519 = arith.constant 0 : i32
        %dma_start3A_520 = tpu.memref_slice %dma_start3A_517[%dma_start3A_518, %dma_start3A_519] : memref<10000x64xf32, #tpu.memory_space<hbm>> -> memref<10000x64xf32, #tpu.memory_space<hbm>>
        tpu.enqueue_indirect_dma source(%dma_start3A_520 : memref<10000x64xf32, #tpu.memory_space<hbm>>) target(%arg11 : memref<80x64xf32, #tpu.memory_space<vmem>>) offsets(%dma_start3A_513 : memref<80xi32, #tpu.memory_space<vmem>>) semaphore(%arg18 : memref<!tpu.dma_semaphore, #tpu.memory_space<semaphore_mem>>)
      } else {
      }
      %mul3A_404 = arith.constant 5 : i32
      %mul3A_405 = arith.muli %scan3A_375, %mul3A_404 : i32
      %add3A_406 = arith.constant 1 : i32
      %add3A_407 = arith.addi %mul3A_405, %add3A_406 : i32
      %dma_wait3A_408 = arith.constant 0 : i32
      %dma_wait3A_409 = tpu.memref_slice %arg5[%add3A_407, %dma_wait3A_408] : memref<250x80xi32, #tpu.memory_space<vmem>> -> memref<1x80xi32, #tpu.memory_space<vmem>>
      %dma_wait3A_410 = tpu.memref_squeeze %dma_wait3A_409 : memref<1x80xi32, #tpu.memory_space<vmem>> -> memref<80xi32, #tpu.memory_space<vmem>>
      %dma_wait3A_411 = arith.constant 0 : i32
      %dma_wait3A_412 = arith.constant 0 : i32
      %dma_wait3A_413 = tpu.memref_slice %arg3[%arg0, %dma_wait3A_411, %dma_wait3A_412] : memref<2x10000x64xf32, #tpu.memory_space<hbm>> -> memref<1x10000x64xf32, #tpu.memory_space<hbm>>
      %dma_wait3A_414 = tpu.memref_squeeze %dma_wait3A_413 : memref<1x10000x64xf32, #tpu.memory_space<hbm>> -> memref<10000x64xf32, #tpu.memory_space<hbm>>
      %dma_wait3A_415 = arith.constant 0 : i32
      %dma_wait3A_416 = arith.constant 0 : i32
      %dma_wait3A_417 = tpu.memref_slice %dma_wait3A_414[%dma_wait3A_415, %dma_wait3A_416] : memref<10000x64xf32, #tpu.memory_space<hbm>> -> memref<10000x64xf32, #tpu.memory_space<hbm>>
      tpu.wait_indirect_dma semaphore(%arg15 : memref<!tpu.dma_semaphore, #tpu.memory_space<semaphore_mem>>) src(%dma_wait3A_417 : memref<10000x64xf32, #tpu.memory_space<hbm>>) dst(%arg8 : memref<80x64xf32, #tpu.memory_space<vmem>>)
      %dma_start3A_418 = arith.constant 0 : i32
      %dma_start3A_419 = tpu.memref_slice %arg6[%add3A_407, %dma_start3A_418] : memref<250x80xi32, #tpu.memory_space<vmem>> -> memref<1x80xi32, #tpu.memory_space<vmem>>
      %dma_start3A_420 = tpu.memref_squeeze %dma_start3A_419 : memref<1x80xi32, #tpu.memory_space<vmem>> -> memref<80xi32, #tpu.memory_space<vmem>>
      %dma_start3A_421 = arith.constant 0 : i32
      %dma_start3A_422 = arith.constant 0 : i32
      %dma_start3A_423 = tpu.memref_slice %arg13[%dma_start3A_421, %dma_start3A_422] : memref<10112x64xf32, #tpu.memory_space<vmem_shared>> -> memref<10112x64xf32, #tpu.memory_space<vmem_shared>>
      tpu.enqueue_indirect_dma source(%arg8 : memref<80x64xf32, #tpu.memory_space<vmem>>) target(%dma_start3A_423 : memref<10112x64xf32, #tpu.memory_space<vmem_shared>>) offsets(%dma_start3A_420 : memref<80xi32, #tpu.memory_space<vmem>>) semaphore(%arg20 : memref<!tpu.dma_semaphore, #tpu.memory_space<semaphore_mem>>) {add = true}
      %add3A_424 = arith.constant 4 : i32
      %add3A_425 = arith.addi %add3A_407, %add3A_424 : i32
      %lt3A = arith.constant 250 : i32
      %lt3A_426 = arith.cmpi slt, %add3A_425, %lt3A : i32
      %convert_element_type3A_427 = arith.extui %lt3A_426 : i1 to i32
      %cond3A_428 = arith.constant 0 : i32
      %cond3A_429 = arith.cmpi ne, %convert_element_type3A_427, %cond3A_428 : i32
      scf.if %cond3A_429 {
        %sub3A = arith.constant 5 : i32
        %sub3A_511 = arith.subi %add3A_425, %sub3A : i32
        %dma_wait3A_512 = arith.constant 0 : i32
        %dma_wait3A_513 = tpu.memref_slice %arg6[%sub3A_511, %dma_wait3A_512] : memref<250x80xi32, #tpu.memory_space<vmem>> -> memref<1x80xi32, #tpu.memory_space<vmem>>
        %dma_wait3A_514 = tpu.memref_squeeze %dma_wait3A_513 : memref<1x80xi32, #tpu.memory_space<vmem>> -> memref<80xi32, #tpu.memory_space<vmem>>
        %dma_wait3A_515 = arith.constant 0 : i32
        %dma_wait3A_516 = arith.constant 0 : i32
        %dma_wait3A_517 = tpu.memref_slice %arg13[%dma_wait3A_515, %dma_wait3A_516] : memref<10112x64xf32, #tpu.memory_space<vmem_shared>> -> memref<10112x64xf32, #tpu.memory_space<vmem_shared>>
        tpu.wait_indirect_dma semaphore(%arg19 : memref<!tpu.dma_semaphore, #tpu.memory_space<semaphore_mem>>) src(%arg7 : memref<80x64xf32, #tpu.memory_space<vmem>>) dst(%dma_wait3A_517 : memref<10112x64xf32, #tpu.memory_space<vmem_shared>>)
        %dma_start3A_518 = arith.constant 0 : i32
        %dma_start3A_519 = tpu.memref_slice %arg5[%add3A_425, %dma_start3A_518] : memref<250x80xi32, #tpu.memory_space<vmem>> -> memref<1x80xi32, #tpu.memory_space<vmem>>
        %dma_start3A_520 = tpu.memref_squeeze %dma_start3A_519 : memref<1x80xi32, #tpu.memory_space<vmem>> -> memref<80xi32, #tpu.memory_space<vmem>>
        %dma_start3A_521 = arith.constant 0 : i32
        %dma_start3A_522 = arith.constant 0 : i32
        %dma_start3A_523 = tpu.memref_slice %arg3[%arg0, %dma_start3A_521, %dma_start3A_522] : memref<2x10000x64xf32, #tpu.memory_space<hbm>> -> memref<1x10000x64xf32, #tpu.memory_space<hbm>>
        %dma_start3A_524 = tpu.memref_squeeze %dma_start3A_523 : memref<1x10000x64xf32, #tpu.memory_space<hbm>> -> memref<10000x64xf32, #tpu.memory_space<hbm>>
        %dma_start3A_525 = arith.constant 0 : i32
        %dma_start3A_526 = arith.constant 0 : i32
        %dma_start3A_527 = tpu.memref_slice %dma_start3A_524[%dma_start3A_525, %dma_start3A_526] : memref<10000x64xf32, #tpu.memory_space<hbm>> -> memref<10000x64xf32, #tpu.memory_space<hbm>>
        tpu.enqueue_indirect_dma source(%dma_start3A_527 : memref<10000x64xf32, #tpu.memory_space<hbm>>) target(%arg7 : memref<80x64xf32, #tpu.memory_space<vmem>>) offsets(%dma_start3A_520 : memref<80xi32, #tpu.memory_space<vmem>>) semaphore(%arg14 : memref<!tpu.dma_semaphore, #tpu.memory_space<semaphore_mem>>)
      } else {
      }
      %mul3A_430 = arith.constant 5 : i32
      %mul3A_431 = arith.muli %scan3A_375, %mul3A_430 : i32
      %add3A_432 = arith.constant 2 : i32
      %add3A_433 = arith.addi %mul3A_431, %add3A_432 : i32
      %dma_wait3A_434 = arith.constant 0 : i32
      %dma_wait3A_435 = tpu.memref_slice %arg5[%add3A_433, %dma_wait3A_434] : memref<250x80xi32, #tpu.memory_space<vmem>> -> memref<1x80xi32, #tpu.memory_space<vmem>>
      %dma_wait3A_436 = tpu.memref_squeeze %dma_wait3A_435 : memref<1x80xi32, #tpu.memory_space<vmem>> -> memref<80xi32, #tpu.memory_space<vmem>>
      %dma_wait3A_437 = arith.constant 0 : i32
      %dma_wait3A_438 = arith.constant 0 : i32
      %dma_wait3A_439 = tpu.memref_slice %arg3[%arg0, %dma_wait3A_437, %dma_wait3A_438] : memref<2x10000x64xf32, #tpu.memory_space<hbm>> -> memref<1x10000x64xf32, #tpu.memory_space<hbm>>
      %dma_wait3A_440 = tpu.memref_squeeze %dma_wait3A_439 : memref<1x10000x64xf32, #tpu.memory_space<hbm>> -> memref<10000x64xf32, #tpu.memory_space<hbm>>
      %dma_wait3A_441 = arith.constant 0 : i32
      %dma_wait3A_442 = arith.constant 0 : i32
      %dma_wait3A_443 = tpu.memref_slice %dma_wait3A_440[%dma_wait3A_441, %dma_wait3A_442] : memref<10000x64xf32, #tpu.memory_space<hbm>> -> memref<10000x64xf32, #tpu.memory_space<hbm>>
      tpu.wait_indirect_dma semaphore(%arg16 : memref<!tpu.dma_semaphore, #tpu.memory_space<semaphore_mem>>) src(%dma_wait3A_443 : memref<10000x64xf32, #tpu.memory_space<hbm>>) dst(%arg9 : memref<80x64xf32, #tpu.memory_space<vmem>>)
      %dma_start3A_444 = arith.constant 0 : i32
      %dma_start3A_445 = tpu.memref_slice %arg6[%add3A_433, %dma_start3A_444] : memref<250x80xi32, #tpu.memory_space<vmem>> -> memref<1x80xi32, #tpu.memory_space<vmem>>
      %dma_start3A_446 = tpu.memref_squeeze %dma_start3A_445 : memref<1x80xi32, #tpu.memory_space<vmem>> -> memref<80xi32, #tpu.memory_space<vmem>>
      %dma_start3A_447 = arith.constant 0 : i32
      %dma_start3A_448 = arith.constant 0 : i32
      %dma_start3A_449 = tpu.memref_slice %arg13[%dma_start3A_447, %dma_start3A_448] : memref<10112x64xf32, #tpu.memory_space<vmem_shared>> -> memref<10112x64xf32, #tpu.memory_space<vmem_shared>>
      tpu.enqueue_indirect_dma source(%arg9 : memref<80x64xf32, #tpu.memory_space<vmem>>) target(%dma_start3A_449 : memref<10112x64xf32, #tpu.memory_space<vmem_shared>>) offsets(%dma_start3A_446 : memref<80xi32, #tpu.memory_space<vmem>>) semaphore(%arg21 : memref<!tpu.dma_semaphore, #tpu.memory_space<semaphore_mem>>) {add = true}
      %add3A_450 = arith.constant 4 : i32
      %add3A_451 = arith.addi %add3A_433, %add3A_450 : i32
      %lt3A_452 = arith.constant 250 : i32
      %lt3A_453 = arith.cmpi slt, %add3A_451, %lt3A_452 : i32
      %convert_element_type3A_454 = arith.extui %lt3A_453 : i1 to i32
      %cond3A_455 = arith.constant 0 : i32
      %cond3A_456 = arith.cmpi ne, %convert_element_type3A_454, %cond3A_455 : i32
      scf.if %cond3A_456 {
        %sub3A = arith.constant 5 : i32
        %sub3A_511 = arith.subi %add3A_451, %sub3A : i32
        %dma_wait3A_512 = arith.constant 0 : i32
        %dma_wait3A_513 = tpu.memref_slice %arg6[%sub3A_511, %dma_wait3A_512] : memref<250x80xi32, #tpu.memory_space<vmem>> -> memref<1x80xi32, #tpu.memory_space<vmem>>
        %dma_wait3A_514 = tpu.memref_squeeze %dma_wait3A_513 : memref<1x80xi32, #tpu.memory_space<vmem>> -> memref<80xi32, #tpu.memory_space<vmem>>
        %dma_wait3A_515 = arith.constant 0 : i32
        %dma_wait3A_516 = arith.constant 0 : i32
        %dma_wait3A_517 = tpu.memref_slice %arg13[%dma_wait3A_515, %dma_wait3A_516] : memref<10112x64xf32, #tpu.memory_space<vmem_shared>> -> memref<10112x64xf32, #tpu.memory_space<vmem_shared>>
        tpu.wait_indirect_dma semaphore(%arg20 : memref<!tpu.dma_semaphore, #tpu.memory_space<semaphore_mem>>) src(%arg8 : memref<80x64xf32, #tpu.memory_space<vmem>>) dst(%dma_wait3A_517 : memref<10112x64xf32, #tpu.memory_space<vmem_shared>>)
        %dma_start3A_518 = arith.constant 0 : i32
        %dma_start3A_519 = tpu.memref_slice %arg5[%add3A_451, %dma_start3A_518] : memref<250x80xi32, #tpu.memory_space<vmem>> -> memref<1x80xi32, #tpu.memory_space<vmem>>
        %dma_start3A_520 = tpu.memref_squeeze %dma_start3A_519 : memref<1x80xi32, #tpu.memory_space<vmem>> -> memref<80xi32, #tpu.memory_space<vmem>>
        %dma_start3A_521 = arith.constant 0 : i32
        %dma_start3A_522 = arith.constant 0 : i32
        %dma_start3A_523 = tpu.memref_slice %arg3[%arg0, %dma_start3A_521, %dma_start3A_522] : memref<2x10000x64xf32, #tpu.memory_space<hbm>> -> memref<1x10000x64xf32, #tpu.memory_space<hbm>>
        %dma_start3A_524 = tpu.memref_squeeze %dma_start3A_523 : memref<1x10000x64xf32, #tpu.memory_space<hbm>> -> memref<10000x64xf32, #tpu.memory_space<hbm>>
        %dma_start3A_525 = arith.constant 0 : i32
        %dma_start3A_526 = arith.constant 0 : i32
        %dma_start3A_527 = tpu.memref_slice %dma_start3A_524[%dma_start3A_525, %dma_start3A_526] : memref<10000x64xf32, #tpu.memory_space<hbm>> -> memref<10000x64xf32, #tpu.memory_space<hbm>>
        tpu.enqueue_indirect_dma source(%dma_start3A_527 : memref<10000x64xf32, #tpu.memory_space<hbm>>) target(%arg8 : memref<80x64xf32, #tpu.memory_space<vmem>>) offsets(%dma_start3A_520 : memref<80xi32, #tpu.memory_space<vmem>>) semaphore(%arg15 : memref<!tpu.dma_semaphore, #tpu.memory_space<semaphore_mem>>)
      } else {
      }
      %mul3A_457 = arith.constant 5 : i32
      %mul3A_458 = arith.muli %scan3A_375, %mul3A_457 : i32
      %add3A_459 = arith.constant 3 : i32
      %add3A_460 = arith.addi %mul3A_458, %add3A_459 : i32
      %dma_wait3A_461 = arith.constant 0 : i32
      %dma_wait3A_462 = tpu.memref_slice %arg5[%add3A_460, %dma_wait3A_461] : memref<250x80xi32, #tpu.memory_space<vmem>> -> memref<1x80xi32, #tpu.memory_space<vmem>>
      %dma_wait3A_463 = tpu.memref_squeeze %dma_wait3A_462 : memref<1x80xi32, #tpu.memory_space<vmem>> -> memref<80xi32, #tpu.memory_space<vmem>>
      %dma_wait3A_464 = arith.constant 0 : i32
      %dma_wait3A_465 = arith.constant 0 : i32
      %dma_wait3A_466 = tpu.memref_slice %arg3[%arg0, %dma_wait3A_464, %dma_wait3A_465] : memref<2x10000x64xf32, #tpu.memory_space<hbm>> -> memref<1x10000x64xf32, #tpu.memory_space<hbm>>
      %dma_wait3A_467 = tpu.memref_squeeze %dma_wait3A_466 : memref<1x10000x64xf32, #tpu.memory_space<hbm>> -> memref<10000x64xf32, #tpu.memory_space<hbm>>
      %dma_wait3A_468 = arith.constant 0 : i32
      %dma_wait3A_469 = arith.constant 0 : i32
      %dma_wait3A_470 = tpu.memref_slice %dma_wait3A_467[%dma_wait3A_468, %dma_wait3A_469] : memref<10000x64xf32, #tpu.memory_space<hbm>> -> memref<10000x64xf32, #tpu.memory_space<hbm>>
      tpu.wait_indirect_dma semaphore(%arg17 : memref<!tpu.dma_semaphore, #tpu.memory_space<semaphore_mem>>) src(%dma_wait3A_470 : memref<10000x64xf32, #tpu.memory_space<hbm>>) dst(%arg10 : memref<80x64xf32, #tpu.memory_space<vmem>>)
      %dma_start3A_471 = arith.constant 0 : i32
      %dma_start3A_472 = tpu.memref_slice %arg6[%add3A_460, %dma_start3A_471] : memref<250x80xi32, #tpu.memory_space<vmem>> -> memref<1x80xi32, #tpu.memory_space<vmem>>
      %dma_start3A_473 = tpu.memref_squeeze %dma_start3A_472 : memref<1x80xi32, #tpu.memory_space<vmem>> -> memref<80xi32, #tpu.memory_space<vmem>>
      %dma_start3A_474 = arith.constant 0 : i32
      %dma_start3A_475 = arith.constant 0 : i32
      %dma_start3A_476 = tpu.memref_slice %arg13[%dma_start3A_474, %dma_start3A_475] : memref<10112x64xf32, #tpu.memory_space<vmem_shared>> -> memref<10112x64xf32, #tpu.memory_space<vmem_shared>>
      tpu.enqueue_indirect_dma source(%arg10 : memref<80x64xf32, #tpu.memory_space<vmem>>) target(%dma_start3A_476 : memref<10112x64xf32, #tpu.memory_space<vmem_shared>>) offsets(%dma_start3A_473 : memref<80xi32, #tpu.memory_space<vmem>>) semaphore(%arg22 : memref<!tpu.dma_semaphore, #tpu.memory_space<semaphore_mem>>) {add = true}
      %add3A_477 = arith.constant 4 : i32
      %add3A_478 = arith.addi %add3A_460, %add3A_477 : i32
      %lt3A_479 = arith.constant 250 : i32
      %lt3A_480 = arith.cmpi slt, %add3A_478, %lt3A_479 : i32
      %convert_element_type3A_481 = arith.extui %lt3A_480 : i1 to i32
      %cond3A_482 = arith.constant 0 : i32
      %cond3A_483 = arith.cmpi ne, %convert_element_type3A_481, %cond3A_482 : i32
      scf.if %cond3A_483 {
        %sub3A = arith.constant 5 : i32
        %sub3A_511 = arith.subi %add3A_478, %sub3A : i32
        %dma_wait3A_512 = arith.constant 0 : i32
        %dma_wait3A_513 = tpu.memref_slice %arg6[%sub3A_511, %dma_wait3A_512] : memref<250x80xi32, #tpu.memory_space<vmem>> -> memref<1x80xi32, #tpu.memory_space<vmem>>
        %dma_wait3A_514 = tpu.memref_squeeze %dma_wait3A_513 : memref<1x80xi32, #tpu.memory_space<vmem>> -> memref<80xi32, #tpu.memory_space<vmem>>
        %dma_wait3A_515 = arith.constant 0 : i32
        %dma_wait3A_516 = arith.constant 0 : i32
        %dma_wait3A_517 = tpu.memref_slice %arg13[%dma_wait3A_515, %dma_wait3A_516] : memref<10112x64xf32, #tpu.memory_space<vmem_shared>> -> memref<10112x64xf32, #tpu.memory_space<vmem_shared>>
        tpu.wait_indirect_dma semaphore(%arg21 : memref<!tpu.dma_semaphore, #tpu.memory_space<semaphore_mem>>) src(%arg9 : memref<80x64xf32, #tpu.memory_space<vmem>>) dst(%dma_wait3A_517 : memref<10112x64xf32, #tpu.memory_space<vmem_shared>>)
        %dma_start3A_518 = arith.constant 0 : i32
        %dma_start3A_519 = tpu.memref_slice %arg5[%add3A_478, %dma_start3A_518] : memref<250x80xi32, #tpu.memory_space<vmem>> -> memref<1x80xi32, #tpu.memory_space<vmem>>
        %dma_start3A_520 = tpu.memref_squeeze %dma_start3A_519 : memref<1x80xi32, #tpu.memory_space<vmem>> -> memref<80xi32, #tpu.memory_space<vmem>>
        %dma_start3A_521 = arith.constant 0 : i32
        %dma_start3A_522 = arith.constant 0 : i32
        %dma_start3A_523 = tpu.memref_slice %arg3[%arg0, %dma_start3A_521, %dma_start3A_522] : memref<2x10000x64xf32, #tpu.memory_space<hbm>> -> memref<1x10000x64xf32, #tpu.memory_space<hbm>>
        %dma_start3A_524 = tpu.memref_squeeze %dma_start3A_523 : memref<1x10000x64xf32, #tpu.memory_space<hbm>> -> memref<10000x64xf32, #tpu.memory_space<hbm>>
        %dma_start3A_525 = arith.constant 0 : i32
        %dma_start3A_526 = arith.constant 0 : i32
        %dma_start3A_527 = tpu.memref_slice %dma_start3A_524[%dma_start3A_525, %dma_start3A_526] : memref<10000x64xf32, #tpu.memory_space<hbm>> -> memref<10000x64xf32, #tpu.memory_space<hbm>>
        tpu.enqueue_indirect_dma source(%dma_start3A_527 : memref<10000x64xf32, #tpu.memory_space<hbm>>) target(%arg9 : memref<80x64xf32, #tpu.memory_space<vmem>>) offsets(%dma_start3A_520 : memref<80xi32, #tpu.memory_space<vmem>>) semaphore(%arg16 : memref<!tpu.dma_semaphore, #tpu.memory_space<semaphore_mem>>)
      } else {
      }
      %mul3A_484 = arith.constant 5 : i32
      %mul3A_485 = arith.muli %scan3A_375, %mul3A_484 : i32
      %add3A_486 = arith.constant 4 : i32
      %add3A_487 = arith.addi %mul3A_485, %add3A_486 : i32
      %dma_wait3A_488 = arith.constant 0 : i32
      %dma_wait3A_489 = tpu.memref_slice %arg5[%add3A_487, %dma_wait3A_488] : memref<250x80xi32, #tpu.memory_space<vmem>> -> memref<1x80xi32, #tpu.memory_space<vmem>>
      %dma_wait3A_490 = tpu.memref_squeeze %dma_wait3A_489 : memref<1x80xi32, #tpu.memory_space<vmem>> -> memref<80xi32, #tpu.memory_space<vmem>>
      %dma_wait3A_491 = arith.constant 0 : i32
      %dma_wait3A_492 = arith.constant 0 : i32
      %dma_wait3A_493 = tpu.memref_slice %arg3[%arg0, %dma_wait3A_491, %dma_wait3A_492] : memref<2x10000x64xf32, #tpu.memory_space<hbm>> -> memref<1x10000x64xf32, #tpu.memory_space<hbm>>
      %dma_wait3A_494 = tpu.memref_squeeze %dma_wait3A_493 : memref<1x10000x64xf32, #tpu.memory_space<hbm>> -> memref<10000x64xf32, #tpu.memory_space<hbm>>
      %dma_wait3A_495 = arith.constant 0 : i32
      %dma_wait3A_496 = arith.constant 0 : i32
      %dma_wait3A_497 = tpu.memref_slice %dma_wait3A_494[%dma_wait3A_495, %dma_wait3A_496] : memref<10000x64xf32, #tpu.memory_space<hbm>> -> memref<10000x64xf32, #tpu.memory_space<hbm>>
      tpu.wait_indirect_dma semaphore(%arg18 : memref<!tpu.dma_semaphore, #tpu.memory_space<semaphore_mem>>) src(%dma_wait3A_497 : memref<10000x64xf32, #tpu.memory_space<hbm>>) dst(%arg11 : memref<80x64xf32, #tpu.memory_space<vmem>>)
      %dma_start3A_498 = arith.constant 0 : i32
      %dma_start3A_499 = tpu.memref_slice %arg6[%add3A_487, %dma_start3A_498] : memref<250x80xi32, #tpu.memory_space<vmem>> -> memref<1x80xi32, #tpu.memory_space<vmem>>
      %dma_start3A_500 = tpu.memref_squeeze %dma_start3A_499 : memref<1x80xi32, #tpu.memory_space<vmem>> -> memref<80xi32, #tpu.memory_space<vmem>>
      %dma_start3A_501 = arith.constant 0 : i32
      %dma_start3A_502 = arith.constant 0 : i32
      %dma_start3A_503 = tpu.memref_slice %arg13[%dma_start3A_501, %dma_start3A_502] : memref<10112x64xf32, #tpu.memory_space<vmem_shared>> -> memref<10112x64xf32, #tpu.memory_space<vmem_shared>>
      tpu.enqueue_indirect_dma source(%arg11 : memref<80x64xf32, #tpu.memory_space<vmem>>) target(%dma_start3A_503 : memref<10112x64xf32, #tpu.memory_space<vmem_shared>>) offsets(%dma_start3A_500 : memref<80xi32, #tpu.memory_space<vmem>>) semaphore(%arg23 : memref<!tpu.dma_semaphore, #tpu.memory_space<semaphore_mem>>) {add = true}
      %add3A_504 = arith.constant 4 : i32
      %add3A_505 = arith.addi %add3A_487, %add3A_504 : i32
      %lt3A_506 = arith.constant 250 : i32
      %lt3A_507 = arith.cmpi slt, %add3A_505, %lt3A_506 : i32
      %convert_element_type3A_508 = arith.extui %lt3A_507 : i1 to i32
      %cond3A_509 = arith.constant 0 : i32
      %cond3A_510 = arith.cmpi ne, %convert_element_type3A_508, %cond3A_509 : i32
      scf.if %cond3A_510 {
        %sub3A = arith.constant 5 : i32
        %sub3A_511 = arith.subi %add3A_505, %sub3A : i32
        %dma_wait3A_512 = arith.constant 0 : i32
        %dma_wait3A_513 = tpu.memref_slice %arg6[%sub3A_511, %dma_wait3A_512] : memref<250x80xi32, #tpu.memory_space<vmem>> -> memref<1x80xi32, #tpu.memory_space<vmem>>
        %dma_wait3A_514 = tpu.memref_squeeze %dma_wait3A_513 : memref<1x80xi32, #tpu.memory_space<vmem>> -> memref<80xi32, #tpu.memory_space<vmem>>
        %dma_wait3A_515 = arith.constant 0 : i32
        %dma_wait3A_516 = arith.constant 0 : i32
        %dma_wait3A_517 = tpu.memref_slice %arg13[%dma_wait3A_515, %dma_wait3A_516] : memref<10112x64xf32, #tpu.memory_space<vmem_shared>> -> memref<10112x64xf32, #tpu.memory_space<vmem_shared>>
        tpu.wait_indirect_dma semaphore(%arg22 : memref<!tpu.dma_semaphore, #tpu.memory_space<semaphore_mem>>) src(%arg10 : memref<80x64xf32, #tpu.memory_space<vmem>>) dst(%dma_wait3A_517 : memref<10112x64xf32, #tpu.memory_space<vmem_shared>>)
        %dma_start3A_518 = arith.constant 0 : i32
        %dma_start3A_519 = tpu.memref_slice %arg5[%add3A_505, %dma_start3A_518] : memref<250x80xi32, #tpu.memory_space<vmem>> -> memref<1x80xi32, #tpu.memory_space<vmem>>
        %dma_start3A_520 = tpu.memref_squeeze %dma_start3A_519 : memref<1x80xi32, #tpu.memory_space<vmem>> -> memref<80xi32, #tpu.memory_space<vmem>>
        %dma_start3A_521 = arith.constant 0 : i32
        %dma_start3A_522 = arith.constant 0 : i32
        %dma_start3A_523 = tpu.memref_slice %arg3[%arg0, %dma_start3A_521, %dma_start3A_522] : memref<2x10000x64xf32, #tpu.memory_space<hbm>> -> memref<1x10000x64xf32, #tpu.memory_space<hbm>>
        %dma_start3A_524 = tpu.memref_squeeze %dma_start3A_523 : memref<1x10000x64xf32, #tpu.memory_space<hbm>> -> memref<10000x64xf32, #tpu.memory_space<hbm>>
        %dma_start3A_525 = arith.constant 0 : i32
        %dma_start3A_526 = arith.constant 0 : i32
        %dma_start3A_527 = tpu.memref_slice %dma_start3A_524[%dma_start3A_525, %dma_start3A_526] : memref<10000x64xf32, #tpu.memory_space<hbm>> -> memref<10000x64xf32, #tpu.memory_space<hbm>>
        tpu.enqueue_indirect_dma source(%dma_start3A_527 : memref<10000x64xf32, #tpu.memory_space<hbm>>) target(%arg10 : memref<80x64xf32, #tpu.memory_space<vmem>>) offsets(%dma_start3A_520 : memref<80xi32, #tpu.memory_space<vmem>>) semaphore(%arg17 : memref<!tpu.dma_semaphore, #tpu.memory_space<semaphore_mem>>)
      } else {
      }
    }
    %scan3A_315 = arith.constant 50 : i32
    %dma_wait3A_316 = arith.constant 245 : i32
    %dma_wait3A_317 = arith.constant 0 : i32
    %dma_wait3A_318 = tpu.memref_slice %arg6[%dma_wait3A_316, %dma_wait3A_317] : memref<250x80xi32, #tpu.memory_space<vmem>> -> memref<1x80xi32, #tpu.memory_space<vmem>>
    %dma_wait3A_319 = tpu.memref_squeeze %dma_wait3A_318 : memref<1x80xi32, #tpu.memory_space<vmem>> -> memref<80xi32, #tpu.memory_space<vmem>>
    %dma_wait3A_320 = arith.constant 0 : i32
    %dma_wait3A_321 = arith.constant 0 : i32
    %dma_wait3A_322 = tpu.memref_slice %arg13[%dma_wait3A_320, %dma_wait3A_321] : memref<10112x64xf32, #tpu.memory_space<vmem_shared>> -> memref<10112x64xf32, #tpu.memory_space<vmem_shared>>
    tpu.wait_indirect_dma semaphore(%arg19 : memref<!tpu.dma_semaphore, #tpu.memory_space<semaphore_mem>>) src(%arg7 : memref<80x64xf32, #tpu.memory_space<vmem>>) dst(%dma_wait3A_322 : memref<10112x64xf32, #tpu.memory_space<vmem_shared>>)
    %dma_wait3A_323 = arith.constant 246 : i32
    %dma_wait3A_324 = arith.constant 0 : i32
    %dma_wait3A_325 = tpu.memref_slice %arg6[%dma_wait3A_323, %dma_wait3A_324] : memref<250x80xi32, #tpu.memory_space<vmem>> -> memref<1x80xi32, #tpu.memory_space<vmem>>
    %dma_wait3A_326 = tpu.memref_squeeze %dma_wait3A_325 : memref<1x80xi32, #tpu.memory_space<vmem>> -> memref<80xi32, #tpu.memory_space<vmem>>
    %dma_wait3A_327 = arith.constant 0 : i32
    %dma_wait3A_328 = arith.constant 0 : i32
    %dma_wait3A_329 = tpu.memref_slice %arg13[%dma_wait3A_327, %dma_wait3A_328] : memref<10112x64xf32, #tpu.memory_space<vmem_shared>> -> memref<10112x64xf32, #tpu.memory_space<vmem_shared>>
    tpu.wait_indirect_dma semaphore(%arg20 : memref<!tpu.dma_semaphore, #tpu.memory_space<semaphore_mem>>) src(%arg8 : memref<80x64xf32, #tpu.memory_space<vmem>>) dst(%dma_wait3A_329 : memref<10112x64xf32, #tpu.memory_space<vmem_shared>>)
    %dma_wait3A_330 = arith.constant 247 : i32
    %dma_wait3A_331 = arith.constant 0 : i32
    %dma_wait3A_332 = tpu.memref_slice %arg6[%dma_wait3A_330, %dma_wait3A_331] : memref<250x80xi32, #tpu.memory_space<vmem>> -> memref<1x80xi32, #tpu.memory_space<vmem>>
    %dma_wait3A_333 = tpu.memref_squeeze %dma_wait3A_332 : memref<1x80xi32, #tpu.memory_space<vmem>> -> memref<80xi32, #tpu.memory_space<vmem>>
    %dma_wait3A_334 = arith.constant 0 : i32
    %dma_wait3A_335 = arith.constant 0 : i32
    %dma_wait3A_336 = tpu.memref_slice %arg13[%dma_wait3A_334, %dma_wait3A_335] : memref<10112x64xf32, #tpu.memory_space<vmem_shared>> -> memref<10112x64xf32, #tpu.memory_space<vmem_shared>>
    tpu.wait_indirect_dma semaphore(%arg21 : memref<!tpu.dma_semaphore, #tpu.memory_space<semaphore_mem>>) src(%arg9 : memref<80x64xf32, #tpu.memory_space<vmem>>) dst(%dma_wait3A_336 : memref<10112x64xf32, #tpu.memory_space<vmem_shared>>)
    %dma_wait3A_337 = arith.constant 248 : i32
    %dma_wait3A_338 = arith.constant 0 : i32
    %dma_wait3A_339 = tpu.memref_slice %arg6[%dma_wait3A_337, %dma_wait3A_338] : memref<250x80xi32, #tpu.memory_space<vmem>> -> memref<1x80xi32, #tpu.memory_space<vmem>>
    %dma_wait3A_340 = tpu.memref_squeeze %dma_wait3A_339 : memref<1x80xi32, #tpu.memory_space<vmem>> -> memref<80xi32, #tpu.memory_space<vmem>>
    %dma_wait3A_341 = arith.constant 0 : i32
    %dma_wait3A_342 = arith.constant 0 : i32
    %dma_wait3A_343 = tpu.memref_slice %arg13[%dma_wait3A_341, %dma_wait3A_342] : memref<10112x64xf32, #tpu.memory_space<vmem_shared>> -> memref<10112x64xf32, #tpu.memory_space<vmem_shared>>
    tpu.wait_indirect_dma semaphore(%arg22 : memref<!tpu.dma_semaphore, #tpu.memory_space<semaphore_mem>>) src(%arg10 : memref<80x64xf32, #tpu.memory_space<vmem>>) dst(%dma_wait3A_343 : memref<10112x64xf32, #tpu.memory_space<vmem_shared>>)
    %dma_wait3A_344 = arith.constant 249 : i32
    %dma_wait3A_345 = arith.constant 0 : i32
    %dma_wait3A_346 = tpu.memref_slice %arg6[%dma_wait3A_344, %dma_wait3A_345] : memref<250x80xi32, #tpu.memory_space<vmem>> -> memref<1x80xi32, #tpu.memory_space<vmem>>
    %dma_wait3A_347 = tpu.memref_squeeze %dma_wait3A_346 : memref<1x80xi32, #tpu.memory_space<vmem>> -> memref<80xi32, #tpu.memory_space<vmem>>
    %dma_wait3A_348 = arith.constant 0 : i32
    %dma_wait3A_349 = arith.constant 0 : i32
    %dma_wait3A_350 = tpu.memref_slice %arg13[%dma_wait3A_348, %dma_wait3A_349] : memref<10112x64xf32, #tpu.memory_space<vmem_shared>> -> memref<10112x64xf32, #tpu.memory_space<vmem_shared>>
    tpu.wait_indirect_dma semaphore(%arg23 : memref<!tpu.dma_semaphore, #tpu.memory_space<semaphore_mem>>) src(%arg11 : memref<80x64xf32, #tpu.memory_space<vmem>>) dst(%dma_wait3A_350 : memref<10112x64xf32, #tpu.memory_space<vmem_shared>>)
    %barrier3A_351 = arith.constant 0 : index
    tpu.barrier barrier_id(%barrier3A_351)
    %mul3A_352 = arith.constant 632 : i32
    %mul3A_353 = arith.muli %arg1, %mul3A_352 : i32
    %add3A = arith.constant 0 : i32
    %add3A_354 = arith.addi %mul3A_353, %add3A : i32
    "tpu.region"() ({
      %run_scoped3A_375 = tpu.sem_alloc : memref<!tpu.dma_semaphore, #tpu.memory_space<semaphore_mem>>
      %dma_start3A_376 = arith.constant 0 : i32
      %dma_start3A_377 = tpu.memref_slice %arg13[%add3A_354, %dma_start3A_376] : memref<10112x64xf32, #tpu.memory_space<vmem_shared>> -> memref<158x64xf32, #tpu.memory_space<vmem_shared>>
      %dma_start3A_378 = arith.constant 0 : i32
      %dma_start3A_379 = tpu.memref_slice %arg13[%add3A_354, %dma_start3A_378] : memref<10112x64xf32, #tpu.memory_space<vmem_shared>> -> memref<158x64xf32, #tpu.memory_space<vmem_shared>>
      tpu.enqueue_dma source(%dma_start3A_379 : memref<158x64xf32, #tpu.memory_space<vmem_shared>>) target(%arg12 : memref<158x64xf32, #tpu.memory_space<vmem>>) target_semaphore(%run_scoped3A_375 : memref<!tpu.dma_semaphore, #tpu.memory_space<semaphore_mem>>)
      %dma_wait3A_380 = arith.constant 0 : i32
      %dma_wait3A_381 = tpu.memref_slice %arg13[%add3A_354, %dma_wait3A_380] : memref<10112x64xf32, #tpu.memory_space<vmem_shared>> -> memref<158x64xf32, #tpu.memory_space<vmem_shared>>
      %dma_wait3A_382 = arith.constant 0 : i32
      %dma_wait3A_383 = tpu.memref_slice %arg13[%add3A_354, %dma_wait3A_382] : memref<10112x64xf32, #tpu.memory_space<vmem_shared>> -> memref<158x64xf32, #tpu.memory_space<vmem_shared>>
      tpu.wait_dma2 semaphore(%run_scoped3A_375 : memref<!tpu.dma_semaphore, #tpu.memory_space<semaphore_mem>>) src(%dma_wait3A_383 : memref<158x64xf32, #tpu.memory_space<vmem_shared>>) dst(%arg12 : memref<158x64xf32, #tpu.memory_space<vmem>>)
      tpu.yield
    }) : () -> ()
    %mul3A_355 = arith.constant 64 : i32
    %mul3A_356 = arith.muli %arg0, %mul3A_355 : i32
    "tpu.region"() ({
      %run_scoped3A_375 = tpu.sem_alloc : memref<!tpu.dma_semaphore, #tpu.memory_space<semaphore_mem>>
      %dma_start3A_376 = tpu.memref_slice %arg4[%add3A_354, %mul3A_356] : memref<10112x128xf32, #tpu.memory_space<hbm>> -> memref<158x64xf32, #tpu.memory_space<hbm>>
      %dma_start3A_377 = tpu.memref_slice %arg4[%add3A_354, %mul3A_356] : memref<10112x128xf32, #tpu.memory_space<hbm>> -> memref<158x64xf32, #tpu.memory_space<hbm>>
      tpu.enqueue_dma source(%arg12 : memref<158x64xf32, #tpu.memory_space<vmem>>) target(%dma_start3A_377 : memref<158x64xf32, #tpu.memory_space<hbm>>) target_semaphore(%run_scoped3A_375 : memref<!tpu.dma_semaphore, #tpu.memory_space<semaphore_mem>>)
      %dma_wait3A_378 = tpu.memref_slice %arg4[%add3A_354, %mul3A_356] : memref<10112x128xf32, #tpu.memory_space<hbm>> -> memref<158x64xf32, #tpu.memory_space<hbm>>
      %dma_wait3A_379 = tpu.memref_slice %arg4[%add3A_354, %mul3A_356] : memref<10112x128xf32, #tpu.memory_space<hbm>> -> memref<158x64xf32, #tpu.memory_space<hbm>>
      tpu.wait_dma2 semaphore(%run_scoped3A_375 : memref<!tpu.dma_semaphore, #tpu.memory_space<semaphore_mem>>) src(%arg12 : memref<158x64xf32, #tpu.memory_space<vmem>>) dst(%dma_wait3A_379 : memref<158x64xf32, #tpu.memory_space<hbm>>)
      tpu.yield
    }) : () -> ()
    %mul3A_357 = arith.constant 632 : i32
    %mul3A_358 = arith.muli %arg1, %mul3A_357 : i32
    %add3A_359 = arith.constant 158 : i32
    %add3A_360 = arith.addi %mul3A_358, %add3A_359 : i32
    "tpu.region"() ({
      %run_scoped3A_375 = tpu.sem_alloc : memref<!tpu.dma_semaphore, #tpu.memory_space<semaphore_mem>>
      %dma_start3A_376 = arith.constant 0 : i32
      %dma_start3A_377 = tpu.memref_slice %arg13[%add3A_360, %dma_start3A_376] : memref<10112x64xf32, #tpu.memory_space<vmem_shared>> -> memref<158x64xf32, #tpu.memory_space<vmem_shared>>
      %dma_start3A_378 = arith.constant 0 : i32
      %dma_start3A_379 = tpu.memref_slice %arg13[%add3A_360, %dma_start3A_378] : memref<10112x64xf32, #tpu.memory_space<vmem_shared>> -> memref<158x64xf32, #tpu.memory_space<vmem_shared>>
      tpu.enqueue_dma source(%dma_start3A_379 : memref<158x64xf32, #tpu.memory_space<vmem_shared>>) target(%arg12 : memref<158x64xf32, #tpu.memory_space<vmem>>) target_semaphore(%run_scoped3A_375 : memref<!tpu.dma_semaphore, #tpu.memory_space<semaphore_mem>>)
      %dma_wait3A_380 = arith.constant 0 : i32
      %dma_wait3A_381 = tpu.memref_slice %arg13[%add3A_360, %dma_wait3A_380] : memref<10112x64xf32, #tpu.memory_space<vmem_shared>> -> memref<158x64xf32, #tpu.memory_space<vmem_shared>>
      %dma_wait3A_382 = arith.constant 0 : i32
      %dma_wait3A_383 = tpu.memref_slice %arg13[%add3A_360, %dma_wait3A_382] : memref<10112x64xf32, #tpu.memory_space<vmem_shared>> -> memref<158x64xf32, #tpu.memory_space<vmem_shared>>
      tpu.wait_dma2 semaphore(%run_scoped3A_375 : memref<!tpu.dma_semaphore, #tpu.memory_space<semaphore_mem>>) src(%dma_wait3A_383 : memref<158x64xf32, #tpu.memory_space<vmem_shared>>) dst(%arg12 : memref<158x64xf32, #tpu.memory_space<vmem>>)
      tpu.yield
    }) : () -> ()
    %mul3A_361 = arith.constant 64 : i32
    %mul3A_362 = arith.muli %arg0, %mul3A_361 : i32
    "tpu.region"() ({
      %run_scoped3A_375 = tpu.sem_alloc : memref<!tpu.dma_semaphore, #tpu.memory_space<semaphore_mem>>
      %dma_start3A_376 = tpu.memref_slice %arg4[%add3A_360, %mul3A_362] : memref<10112x128xf32, #tpu.memory_space<hbm>> -> memref<158x64xf32, #tpu.memory_space<hbm>>
      %dma_start3A_377 = tpu.memref_slice %arg4[%add3A_360, %mul3A_362] : memref<10112x128xf32, #tpu.memory_space<hbm>> -> memref<158x64xf32, #tpu.memory_space<hbm>>
      tpu.enqueue_dma source(%arg12 : memref<158x64xf32, #tpu.memory_space<vmem>>) target(%dma_start3A_377 : memref<158x64xf32, #tpu.memory_space<hbm>>) target_semaphore(%run_scoped3A_375 : memref<!tpu.dma_semaphore, #tpu.memory_space<semaphore_mem>>)
      %dma_wait3A_378 = tpu.memref_slice %arg4[%add3A_360, %mul3A_362] : memref<10112x128xf32, #tpu.memory_space<hbm>> -> memref<158x64xf32, #tpu.memory_space<hbm>>
      %dma_wait3A_379 = tpu.memref_slice %arg4[%add3A_360, %mul3A_362] : memref<10112x128xf32, #tpu.memory_space<hbm>> -> memref<158x64xf32, #tpu.memory_space<hbm>>
      tpu.wait_dma2 semaphore(%run_scoped3A_375 : memref<!tpu.dma_semaphore, #tpu.memory_space<semaphore_mem>>) src(%arg12 : memref<158x64xf32, #tpu.memory_space<vmem>>) dst(%dma_wait3A_379 : memref<158x64xf32, #tpu.memory_space<hbm>>)
      tpu.yield
    }) : () -> ()
    %mul3A_363 = arith.constant 632 : i32
    %mul3A_364 = arith.muli %arg1, %mul3A_363 : i32
    %add3A_365 = arith.constant 316 : i32
    %add3A_366 = arith.addi %mul3A_364, %add3A_365 : i32
    "tpu.region"() ({
      %run_scoped3A_375 = tpu.sem_alloc : memref<!tpu.dma_semaphore, #tpu.memory_space<semaphore_mem>>
      %dma_start3A_376 = arith.constant 0 : i32
      %dma_start3A_377 = tpu.memref_slice %arg13[%add3A_366, %dma_start3A_376] : memref<10112x64xf32, #tpu.memory_space<vmem_shared>> -> memref<158x64xf32, #tpu.memory_space<vmem_shared>>
      %dma_start3A_378 = arith.constant 0 : i32
      %dma_start3A_379 = tpu.memref_slice %arg13[%add3A_366, %dma_start3A_378] : memref<10112x64xf32, #tpu.memory_space<vmem_shared>> -> memref<158x64xf32, #tpu.memory_space<vmem_shared>>
      tpu.enqueue_dma source(%dma_start3A_379 : memref<158x64xf32, #tpu.memory_space<vmem_shared>>) target(%arg12 : memref<158x64xf32, #tpu.memory_space<vmem>>) target_semaphore(%run_scoped3A_375 : memref<!tpu.dma_semaphore, #tpu.memory_space<semaphore_mem>>)
      %dma_wait3A_380 = arith.constant 0 : i32
      %dma_wait3A_381 = tpu.memref_slice %arg13[%add3A_366, %dma_wait3A_380] : memref<10112x64xf32, #tpu.memory_space<vmem_shared>> -> memref<158x64xf32, #tpu.memory_space<vmem_shared>>
      %dma_wait3A_382 = arith.constant 0 : i32
      %dma_wait3A_383 = tpu.memref_slice %arg13[%add3A_366, %dma_wait3A_382] : memref<10112x64xf32, #tpu.memory_space<vmem_shared>> -> memref<158x64xf32, #tpu.memory_space<vmem_shared>>
      tpu.wait_dma2 semaphore(%run_scoped3A_375 : memref<!tpu.dma_semaphore, #tpu.memory_space<semaphore_mem>>) src(%dma_wait3A_383 : memref<158x64xf32, #tpu.memory_space<vmem_shared>>) dst(%arg12 : memref<158x64xf32, #tpu.memory_space<vmem>>)
      tpu.yield
    }) : () -> ()
    %mul3A_367 = arith.constant 64 : i32
    %mul3A_368 = arith.muli %arg0, %mul3A_367 : i32
    "tpu.region"() ({
      %run_scoped3A_375 = tpu.sem_alloc : memref<!tpu.dma_semaphore, #tpu.memory_space<semaphore_mem>>
      %dma_start3A_376 = tpu.memref_slice %arg4[%add3A_366, %mul3A_368] : memref<10112x128xf32, #tpu.memory_space<hbm>> -> memref<158x64xf32, #tpu.memory_space<hbm>>
      %dma_start3A_377 = tpu.memref_slice %arg4[%add3A_366, %mul3A_368] : memref<10112x128xf32, #tpu.memory_space<hbm>> -> memref<158x64xf32, #tpu.memory_space<hbm>>
      tpu.enqueue_dma source(%arg12 : memref<158x64xf32, #tpu.memory_space<vmem>>) target(%dma_start3A_377 : memref<158x64xf32, #tpu.memory_space<hbm>>) target_semaphore(%run_scoped3A_375 : memref<!tpu.dma_semaphore, #tpu.memory_space<semaphore_mem>>)
      %dma_wait3A_378 = tpu.memref_slice %arg4[%add3A_366, %mul3A_368] : memref<10112x128xf32, #tpu.memory_space<hbm>> -> memref<158x64xf32, #tpu.memory_space<hbm>>
      %dma_wait3A_379 = tpu.memref_slice %arg4[%add3A_366, %mul3A_368] : memref<10112x128xf32, #tpu.memory_space<hbm>> -> memref<158x64xf32, #tpu.memory_space<hbm>>
      tpu.wait_dma2 semaphore(%run_scoped3A_375 : memref<!tpu.dma_semaphore, #tpu.memory_space<semaphore_mem>>) src(%arg12 : memref<158x64xf32, #tpu.memory_space<vmem>>) dst(%dma_wait3A_379 : memref<158x64xf32, #tpu.memory_space<hbm>>)
      tpu.yield
    }) : () -> ()
    %mul3A_369 = arith.constant 632 : i32
    %mul3A_370 = arith.muli %arg1, %mul3A_369 : i32
    %add3A_371 = arith.constant 474 : i32
    %add3A_372 = arith.addi %mul3A_370, %add3A_371 : i32
    "tpu.region"() ({
      %run_scoped3A_375 = tpu.sem_alloc : memref<!tpu.dma_semaphore, #tpu.memory_space<semaphore_mem>>
      %dma_start3A_376 = arith.constant 0 : i32
      %dma_start3A_377 = tpu.memref_slice %arg13[%add3A_372, %dma_start3A_376] : memref<10112x64xf32, #tpu.memory_space<vmem_shared>> -> memref<158x64xf32, #tpu.memory_space<vmem_shared>>
      %dma_start3A_378 = arith.constant 0 : i32
      %dma_start3A_379 = tpu.memref_slice %arg13[%add3A_372, %dma_start3A_378] : memref<10112x64xf32, #tpu.memory_space<vmem_shared>> -> memref<158x64xf32, #tpu.memory_space<vmem_shared>>
      tpu.enqueue_dma source(%dma_start3A_379 : memref<158x64xf32, #tpu.memory_space<vmem_shared>>) target(%arg12 : memref<158x64xf32, #tpu.memory_space<vmem>>) target_semaphore(%run_scoped3A_375 : memref<!tpu.dma_semaphore, #tpu.memory_space<semaphore_mem>>)
      %dma_wait3A_380 = arith.constant 0 : i32
      %dma_wait3A_381 = tpu.memref_slice %arg13[%add3A_372, %dma_wait3A_380] : memref<10112x64xf32, #tpu.memory_space<vmem_shared>> -> memref<158x64xf32, #tpu.memory_space<vmem_shared>>
      %dma_wait3A_382 = arith.constant 0 : i32
      %dma_wait3A_383 = tpu.memref_slice %arg13[%add3A_372, %dma_wait3A_382] : memref<10112x64xf32, #tpu.memory_space<vmem_shared>> -> memref<158x64xf32, #tpu.memory_space<vmem_shared>>
      tpu.wait_dma2 semaphore(%run_scoped3A_375 : memref<!tpu.dma_semaphore, #tpu.memory_space<semaphore_mem>>) src(%dma_wait3A_383 : memref<158x64xf32, #tpu.memory_space<vmem_shared>>) dst(%arg12 : memref<158x64xf32, #tpu.memory_space<vmem>>)
      tpu.yield
    }) : () -> ()
    %mul3A_373 = arith.constant 64 : i32
    %mul3A_374 = arith.muli %arg0, %mul3A_373 : i32
    "tpu.region"() ({
      %run_scoped3A_375 = tpu.sem_alloc : memref<!tpu.dma_semaphore, #tpu.memory_space<semaphore_mem>>
      %dma_start3A_376 = tpu.memref_slice %arg4[%add3A_372, %mul3A_374] : memref<10112x128xf32, #tpu.memory_space<hbm>> -> memref<158x64xf32, #tpu.memory_space<hbm>>
      %dma_start3A_377 = tpu.memref_slice %arg4[%add3A_372, %mul3A_374] : memref<10112x128xf32, #tpu.memory_space<hbm>> -> memref<158x64xf32, #tpu.memory_space<hbm>>
      tpu.enqueue_dma source(%arg12 : memref<158x64xf32, #tpu.memory_space<vmem>>) target(%dma_start3A_377 : memref<158x64xf32, #tpu.memory_space<hbm>>) target_semaphore(%run_scoped3A_375 : memref<!tpu.dma_semaphore, #tpu.memory_space<semaphore_mem>>)
      %dma_wait3A_378 = tpu.memref_slice %arg4[%add3A_372, %mul3A_374] : memref<10112x128xf32, #tpu.memory_space<hbm>> -> memref<158x64xf32, #tpu.memory_space<hbm>>
      %dma_wait3A_379 = tpu.memref_slice %arg4[%add3A_372, %mul3A_374] : memref<10112x128xf32, #tpu.memory_space<hbm>> -> memref<158x64xf32, #tpu.memory_space<hbm>>
      tpu.wait_dma2 semaphore(%run_scoped3A_375 : memref<!tpu.dma_semaphore, #tpu.memory_space<semaphore_mem>>) src(%arg12 : memref<158x64xf32, #tpu.memory_space<vmem>>) dst(%dma_wait3A_379 : memref<158x64xf32, #tpu.memory_space<hbm>>)
      tpu.yield
    }) : () -> ()
    return
  }
}

#map = affine_map<(d0, d1) -> (0, 0, 0, 0)>
#map1 = affine_map<(d0, d1) -> (0, 0, 0)>
#map2 = affine_map<(d0, d1) -> (0, 0)>
module attributes {stable_mosaic.version = 14 : i64} {
  func.func @_prop(%arg0: i32, %arg1: i32, %arg2: memref<2x16x250x80xi32, #tpu.memory_space<hbm>>, %arg3: memref<2x10000x24xf32, #tpu.memory_space<hbm>>, %arg4: memref<10112x48xf32, #tpu.memory_space<hbm>>, %arg5: memref<250x80xi32, #tpu.memory_space<vmem>>, %arg6: memref<250x80xi32, #tpu.memory_space<vmem>>, %arg7: memref<80x24xf32, #tpu.memory_space<vmem>>, %arg8: memref<80x24xf32, #tpu.memory_space<vmem>>, %arg9: memref<80x24xf32, #tpu.memory_space<vmem>>, %arg10: memref<80x24xf32, #tpu.memory_space<vmem>>, %arg11: memref<80x24xf32, #tpu.memory_space<vmem>>, %arg12: memref<158x24xf32, #tpu.memory_space<vmem>>, %arg13: memref<10112x24xf32, #tpu.memory_space<vmem_shared>>, %arg14: memref<!tpu.dma_semaphore, #tpu.memory_space<semaphore_mem>>, %arg15: memref<!tpu.dma_semaphore, #tpu.memory_space<semaphore_mem>>, %arg16: memref<!tpu.dma_semaphore, #tpu.memory_space<semaphore_mem>>, %arg17: memref<!tpu.dma_semaphore, #tpu.memory_space<semaphore_mem>>, %arg18: memref<!tpu.dma_semaphore, #tpu.memory_space<semaphore_mem>>, %arg19: memref<!tpu.dma_semaphore, #tpu.memory_space<semaphore_mem>>, %arg20: memref<!tpu.dma_semaphore, #tpu.memory_space<semaphore_mem>>, %arg21: memref<!tpu.dma_semaphore, #tpu.memory_space<semaphore_mem>>, %arg22: memref<!tpu.dma_semaphore, #tpu.memory_space<semaphore_mem>>, %arg23: memref<!tpu.dma_semaphore, #tpu.memory_space<semaphore_mem>>, %arg24: memref<!tpu.dma_semaphore, #tpu.memory_space<semaphore_mem>>) attributes {dimension_semantics = [#tpu.dimension_semantics<core_parallel>, #tpu.dimension_semantics<subcore_parallel>], iteration_bounds = array<i64: 2, 16>, scalar_prefetch = 0 : i64, scratch_operands = 20 : i64, tpu.core_type = #tpu.core_type<sc_vector_subcore>, window_params = [{transform_indices = #map}, {transform_indices = #map1}, {transform_indices = #map2}]} {
    %run_scoped3A = arith.constant 0 : i32
    "tpu.region"() ({
      %run_scoped3A_183 = tpu.sem_alloc : memref<!tpu.dma_semaphore, #tpu.memory_space<semaphore_mem>>
      %dma_start3A_184 = arith.constant 0 : i32
      %dma_start3A_185 = arith.constant 0 : i32
      %dma_start3A_186 = tpu.memref_slice %arg2[%run_scoped3A, %arg1, %dma_start3A_184, %dma_start3A_185] : memref<2x16x250x80xi32, #tpu.memory_space<hbm>> -> memref<1x1x250x80xi32, #tpu.memory_space<hbm>>
      %dma_start3A_187 = tpu.memref_squeeze %dma_start3A_186 : memref<1x1x250x80xi32, #tpu.memory_space<hbm>> -> memref<250x80xi32, #tpu.memory_space<hbm>>
      %dma_start3A_188 = arith.constant 0 : i32
      %dma_start3A_189 = arith.constant 0 : i32
      %dma_start3A_190 = tpu.memref_slice %arg2[%run_scoped3A, %arg1, %dma_start3A_188, %dma_start3A_189] : memref<2x16x250x80xi32, #tpu.memory_space<hbm>> -> memref<1x1x250x80xi32, #tpu.memory_space<hbm>>
      %dma_start3A_191 = tpu.memref_squeeze %dma_start3A_190 : memref<1x1x250x80xi32, #tpu.memory_space<hbm>> -> memref<250x80xi32, #tpu.memory_space<hbm>>
      tpu.enqueue_dma source(%dma_start3A_191 : memref<250x80xi32, #tpu.memory_space<hbm>>) target(%arg5 : memref<250x80xi32, #tpu.memory_space<vmem>>) target_semaphore(%run_scoped3A_183 : memref<!tpu.dma_semaphore, #tpu.memory_space<semaphore_mem>>)
      %dma_wait3A_192 = arith.constant 0 : i32
      %dma_wait3A_193 = arith.constant 0 : i32
      %dma_wait3A_194 = tpu.memref_slice %arg2[%run_scoped3A, %arg1, %dma_wait3A_192, %dma_wait3A_193] : memref<2x16x250x80xi32, #tpu.memory_space<hbm>> -> memref<1x1x250x80xi32, #tpu.memory_space<hbm>>
      %dma_wait3A_195 = tpu.memref_squeeze %dma_wait3A_194 : memref<1x1x250x80xi32, #tpu.memory_space<hbm>> -> memref<250x80xi32, #tpu.memory_space<hbm>>
      %dma_wait3A_196 = arith.constant 0 : i32
      %dma_wait3A_197 = arith.constant 0 : i32
      %dma_wait3A_198 = tpu.memref_slice %arg2[%run_scoped3A, %arg1, %dma_wait3A_196, %dma_wait3A_197] : memref<2x16x250x80xi32, #tpu.memory_space<hbm>> -> memref<1x1x250x80xi32, #tpu.memory_space<hbm>>
      %dma_wait3A_199 = tpu.memref_squeeze %dma_wait3A_198 : memref<1x1x250x80xi32, #tpu.memory_space<hbm>> -> memref<250x80xi32, #tpu.memory_space<hbm>>
      tpu.wait_dma2 semaphore(%run_scoped3A_183 : memref<!tpu.dma_semaphore, #tpu.memory_space<semaphore_mem>>) src(%dma_wait3A_199 : memref<250x80xi32, #tpu.memory_space<hbm>>) dst(%arg5 : memref<250x80xi32, #tpu.memory_space<vmem>>)
      tpu.yield
    }) : () -> ()
    %run_scoped3A_0 = arith.constant 1 : i32
    "tpu.region"() ({
      %run_scoped3A_183 = tpu.sem_alloc : memref<!tpu.dma_semaphore, #tpu.memory_space<semaphore_mem>>
      %dma_start3A_184 = arith.constant 0 : i32
      %dma_start3A_185 = arith.constant 0 : i32
      %dma_start3A_186 = tpu.memref_slice %arg2[%run_scoped3A_0, %arg1, %dma_start3A_184, %dma_start3A_185] : memref<2x16x250x80xi32, #tpu.memory_space<hbm>> -> memref<1x1x250x80xi32, #tpu.memory_space<hbm>>
      %dma_start3A_187 = tpu.memref_squeeze %dma_start3A_186 : memref<1x1x250x80xi32, #tpu.memory_space<hbm>> -> memref<250x80xi32, #tpu.memory_space<hbm>>
      %dma_start3A_188 = arith.constant 0 : i32
      %dma_start3A_189 = arith.constant 0 : i32
      %dma_start3A_190 = tpu.memref_slice %arg2[%run_scoped3A_0, %arg1, %dma_start3A_188, %dma_start3A_189] : memref<2x16x250x80xi32, #tpu.memory_space<hbm>> -> memref<1x1x250x80xi32, #tpu.memory_space<hbm>>
      %dma_start3A_191 = tpu.memref_squeeze %dma_start3A_190 : memref<1x1x250x80xi32, #tpu.memory_space<hbm>> -> memref<250x80xi32, #tpu.memory_space<hbm>>
      tpu.enqueue_dma source(%dma_start3A_191 : memref<250x80xi32, #tpu.memory_space<hbm>>) target(%arg6 : memref<250x80xi32, #tpu.memory_space<vmem>>) target_semaphore(%run_scoped3A_183 : memref<!tpu.dma_semaphore, #tpu.memory_space<semaphore_mem>>)
      %dma_wait3A_192 = arith.constant 0 : i32
      %dma_wait3A_193 = arith.constant 0 : i32
      %dma_wait3A_194 = tpu.memref_slice %arg2[%run_scoped3A_0, %arg1, %dma_wait3A_192, %dma_wait3A_193] : memref<2x16x250x80xi32, #tpu.memory_space<hbm>> -> memref<1x1x250x80xi32, #tpu.memory_space<hbm>>
      %dma_wait3A_195 = tpu.memref_squeeze %dma_wait3A_194 : memref<1x1x250x80xi32, #tpu.memory_space<hbm>> -> memref<250x80xi32, #tpu.memory_space<hbm>>
      %dma_wait3A_196 = arith.constant 0 : i32
      %dma_wait3A_197 = arith.constant 0 : i32
      %dma_wait3A_198 = tpu.memref_slice %arg2[%run_scoped3A_0, %arg1, %dma_wait3A_196, %dma_wait3A_197] : memref<2x16x250x80xi32, #tpu.memory_space<hbm>> -> memref<1x1x250x80xi32, #tpu.memory_space<hbm>>
      %dma_wait3A_199 = tpu.memref_squeeze %dma_wait3A_198 : memref<1x1x250x80xi32, #tpu.memory_space<hbm>> -> memref<250x80xi32, #tpu.memory_space<hbm>>
      tpu.wait_dma2 semaphore(%run_scoped3A_183 : memref<!tpu.dma_semaphore, #tpu.memory_space<semaphore_mem>>) src(%dma_wait3A_199 : memref<250x80xi32, #tpu.memory_space<hbm>>) dst(%arg6 : memref<250x80xi32, #tpu.memory_space<vmem>>)
      tpu.yield
    }) : () -> ()
    %broadcast_in_dim3A = arith.constant 0.000000e+00 : f32
    %broadcast_in_dim3A_1 = vector.broadcast %broadcast_in_dim3A : f32 to vector<16xf32>
    %swap3A = arith.constant 0 : i32
    %swap3A_2 = arith.index_cast %swap3A : i32 to index
    %swap3A_3 = arith.constant 0 : index
    %swap3A_4 = tpu.vector_load %arg12[%swap3A_2, %swap3A_3] {strides = array<i32>} : memref<158x24xf32, #tpu.memory_space<vmem>>, vector<1x16xf32>,
    %swap3A_5 = vector.shape_cast %swap3A_4 : vector<1x16xf32> to vector<16xf32>
    %swap3A_6 = vector.shape_cast %broadcast_in_dim3A_1 : vector<16xf32> to vector<1x16xf32>
    tpu.vector_store %arg12[%swap3A_2, %swap3A_3], %swap3A_6 {strides = array<i32>} : memref<158x24xf32, #tpu.memory_space<vmem>>, vector<1x16xf32>,
    %broadcast_in_dim3A_7 = arith.constant 0.000000e+00 : f32
    %broadcast_in_dim3A_8 = vector.broadcast %broadcast_in_dim3A_7 : f32 to vector<16xf32>
    %swap3A_9 = arith.constant 1 : i32
    %swap3A_10 = arith.index_cast %swap3A_9 : i32 to index
    %swap3A_11 = arith.constant 0 : index
    %swap3A_12 = tpu.vector_load %arg12[%swap3A_10, %swap3A_11] {strides = array<i32>} : memref<158x24xf32, #tpu.memory_space<vmem>>, vector<1x16xf32>,
    %swap3A_13 = vector.shape_cast %swap3A_12 : vector<1x16xf32> to vector<16xf32>
    %swap3A_14 = vector.shape_cast %broadcast_in_dim3A_8 : vector<16xf32> to vector<1x16xf32>
    tpu.vector_store %arg12[%swap3A_10, %swap3A_11], %swap3A_14 {strides = array<i32>} : memref<158x24xf32, #tpu.memory_space<vmem>>, vector<1x16xf32>,
    %broadcast_in_dim3A_15 = arith.constant 0.000000e+00 : f32
    %broadcast_in_dim3A_16 = vector.broadcast %broadcast_in_dim3A_15 : f32 to vector<16xf32>
    %swap3A_17 = arith.constant 2 : i32
    %swap3A_18 = arith.index_cast %swap3A_17 : i32 to index
    %swap3A_19 = arith.constant 0 : index
    %swap3A_20 = tpu.vector_load %arg12[%swap3A_18, %swap3A_19] {strides = array<i32>} : memref<158x24xf32, #tpu.memory_space<vmem>>, vector<1x16xf32>,
    %swap3A_21 = vector.shape_cast %swap3A_20 : vector<1x16xf32> to vector<16xf32>
    %swap3A_22 = vector.shape_cast %broadcast_in_dim3A_16 : vector<16xf32> to vector<1x16xf32>
    tpu.vector_store %arg12[%swap3A_18, %swap3A_19], %swap3A_22 {strides = array<i32>} : memref<158x24xf32, #tpu.memory_space<vmem>>, vector<1x16xf32>,
    %broadcast_in_dim3A_23 = arith.constant 0.000000e+00 : f32
    %broadcast_in_dim3A_24 = vector.broadcast %broadcast_in_dim3A_23 : f32 to vector<16xf32>
    %swap3A_25 = arith.constant 3 : i32
    %swap3A_26 = arith.index_cast %swap3A_25 : i32 to index
    %swap3A_27 = arith.constant 0 : index
    %swap3A_28 = tpu.vector_load %arg12[%swap3A_26, %swap3A_27] {strides = array<i32>} : memref<158x24xf32, #tpu.memory_space<vmem>>, vector<1x16xf32>,
    %swap3A_29 = vector.shape_cast %swap3A_28 : vector<1x16xf32> to vector<16xf32>
    %swap3A_30 = vector.shape_cast %broadcast_in_dim3A_24 : vector<16xf32> to vector<1x16xf32>
    tpu.vector_store %arg12[%swap3A_26, %swap3A_27], %swap3A_30 {strides = array<i32>} : memref<158x24xf32, #tpu.memory_space<vmem>>, vector<1x16xf32>,
    %broadcast_in_dim3A_31 = arith.constant 0.000000e+00 : f32
    %broadcast_in_dim3A_32 = vector.broadcast %broadcast_in_dim3A_31 : f32 to vector<16xf32>
    %swap3A_33 = arith.constant 4 : i32
    %swap3A_34 = arith.index_cast %swap3A_33 : i32 to index
    %swap3A_35 = arith.constant 0 : index
    %swap3A_36 = tpu.vector_load %arg12[%swap3A_34, %swap3A_35] {strides = array<i32>} : memref<158x24xf32, #tpu.memory_space<vmem>>, vector<1x16xf32>,
    %swap3A_37 = vector.shape_cast %swap3A_36 : vector<1x16xf32> to vector<16xf32>
    %swap3A_38 = vector.shape_cast %broadcast_in_dim3A_32 : vector<16xf32> to vector<1x16xf32>
    tpu.vector_store %arg12[%swap3A_34, %swap3A_35], %swap3A_38 {strides = array<i32>} : memref<158x24xf32, #tpu.memory_space<vmem>>, vector<1x16xf32>,
    %broadcast_in_dim3A_39 = arith.constant 0.000000e+00 : f32
    %broadcast_in_dim3A_40 = vector.broadcast %broadcast_in_dim3A_39 : f32 to vector<16xf32>
    %swap3A_41 = arith.constant 5 : i32
    %swap3A_42 = arith.index_cast %swap3A_41 : i32 to index
    %swap3A_43 = arith.constant 0 : index
    %swap3A_44 = tpu.vector_load %arg12[%swap3A_42, %swap3A_43] {strides = array<i32>} : memref<158x24xf32, #tpu.memory_space<vmem>>, vector<1x16xf32>,
    %swap3A_45 = vector.shape_cast %swap3A_44 : vector<1x16xf32> to vector<16xf32>
    %swap3A_46 = vector.shape_cast %broadcast_in_dim3A_40 : vector<16xf32> to vector<1x16xf32>
    tpu.vector_store %arg12[%swap3A_42, %swap3A_43], %swap3A_46 {strides = array<i32>} : memref<158x24xf32, #tpu.memory_space<vmem>>, vector<1x16xf32>,
    %broadcast_in_dim3A_47 = arith.constant 0.000000e+00 : f32
    %broadcast_in_dim3A_48 = vector.broadcast %broadcast_in_dim3A_47 : f32 to vector<16xf32>
    %swap3A_49 = arith.constant 6 : i32
    %swap3A_50 = arith.index_cast %swap3A_49 : i32 to index
    %swap3A_51 = arith.constant 0 : index
    %swap3A_52 = tpu.vector_load %arg12[%swap3A_50, %swap3A_51] {strides = array<i32>} : memref<158x24xf32, #tpu.memory_space<vmem>>, vector<1x16xf32>,
    %swap3A_53 = vector.shape_cast %swap3A_52 : vector<1x16xf32> to vector<16xf32>
    %swap3A_54 = vector.shape_cast %broadcast_in_dim3A_48 : vector<16xf32> to vector<1x16xf32>
    tpu.vector_store %arg12[%swap3A_50, %swap3A_51], %swap3A_54 {strides = array<i32>} : memref<158x24xf32, #tpu.memory_space<vmem>>, vector<1x16xf32>,
    %broadcast_in_dim3A_55 = arith.constant 0.000000e+00 : f32
    %broadcast_in_dim3A_56 = vector.broadcast %broadcast_in_dim3A_55 : f32 to vector<16xf32>
    %swap3A_57 = arith.constant 7 : i32
    %swap3A_58 = arith.index_cast %swap3A_57 : i32 to index
    %swap3A_59 = arith.constant 0 : index
    %swap3A_60 = tpu.vector_load %arg12[%swap3A_58, %swap3A_59] {strides = array<i32>} : memref<158x24xf32, #tpu.memory_space<vmem>>, vector<1x16xf32>,
    %swap3A_61 = vector.shape_cast %swap3A_60 : vector<1x16xf32> to vector<16xf32>
    %swap3A_62 = vector.shape_cast %broadcast_in_dim3A_56 : vector<16xf32> to vector<1x16xf32>
    tpu.vector_store %arg12[%swap3A_58, %swap3A_59], %swap3A_62 {strides = array<i32>} : memref<158x24xf32, #tpu.memory_space<vmem>>, vector<1x16xf32>,
    %scan3A = arith.constant 0 : i32
    %scan3A_63 = arith.constant 0 : i32
    %scan3A_64 = arith.constant 79 : i32
    %scan3A_65 = arith.addi %scan3A_63, %scan3A_64 : i32
    %scan3A_66 = arith.constant 1 : i32
    scf.for %scan3A_183 = %scan3A_63 to %scan3A_65 step %scan3A_66  : i32 {
      %mul3A_184 = arith.constant 632 : i32
      %mul3A_185 = arith.muli %arg1, %mul3A_184 : i32
      %mul3A_186 = arith.constant 8 : i32
      %mul3A_187 = arith.muli %scan3A_183, %mul3A_186 : i32
      %add3A_188 = arith.addi %mul3A_185, %mul3A_187 : i32
      %dma_start3A_189 = arith.constant 0 : i32
      %dma_start3A_190 = arith.constant 0 : i32
      %dma_start3A_191 = tpu.memref_slice %arg12[%dma_start3A_189, %dma_start3A_190] : memref<158x24xf32, #tpu.memory_space<vmem>> -> memref<8x24xf32, #tpu.memory_space<vmem>>
      %dma_start3A_192 = arith.constant 0 : i32
      %dma_start3A_193 = tpu.memref_slice %arg13[%add3A_188, %dma_start3A_192] : memref<10112x24xf32, #tpu.memory_space<vmem_shared>> -> memref<8x24xf32, #tpu.memory_space<vmem_shared>>
      %dma_start3A_194 = arith.constant 0 : i32
      %dma_start3A_195 = tpu.memref_slice %arg13[%add3A_188, %dma_start3A_194] : memref<10112x24xf32, #tpu.memory_space<vmem_shared>> -> memref<8x24xf32, #tpu.memory_space<vmem_shared>>
      %dma_start3A_196 = arith.constant 0 : i32
      %dma_start3A_197 = arith.constant 0 : i32
      %dma_start3A_198 = tpu.memref_slice %arg12[%dma_start3A_196, %dma_start3A_197] : memref<158x24xf32, #tpu.memory_space<vmem>> -> memref<8x24xf32, #tpu.memory_space<vmem>>
      tpu.enqueue_dma source(%dma_start3A_198 : memref<8x24xf32, #tpu.memory_space<vmem>>) target(%dma_start3A_195 : memref<8x24xf32, #tpu.memory_space<vmem_shared>>) target_semaphore(%arg24 : memref<!tpu.dma_semaphore, #tpu.memory_space<semaphore_mem>>)
    }
    %scan3A_67 = arith.constant 79 : i32
    %mul3A = arith.constant 632 : i32
    %mul3A_68 = arith.muli %arg1, %mul3A : i32
    %mul3A_69 = arith.constant 24 : i32
    %mul3A_70 = arith.muli %arg0, %mul3A_69 : i32
    %mul3A_71 = arith.constant 632 : i32
    %mul3A_72 = arith.muli %arg1, %mul3A_71 : i32
    %dma_wait3A = arith.constant 0 : i32
    %dma_wait3A_73 = tpu.memref_slice %arg13[%mul3A_72, %dma_wait3A] : memref<10112x24xf32, #tpu.memory_space<vmem_shared>> -> memref<632x24xf32, #tpu.memory_space<vmem_shared>>
    %dma_wait3A_74 = tpu.memref_slice %arg4[%mul3A_68, %mul3A_70] : memref<10112x48xf32, #tpu.memory_space<hbm>> -> memref<632x24xf32, #tpu.memory_space<hbm>>
    tpu.wait_dma2 semaphore(%arg24 : memref<!tpu.dma_semaphore, #tpu.memory_space<semaphore_mem>>) src(%dma_wait3A_74 : memref<632x24xf32, #tpu.memory_space<hbm>>) dst(%dma_wait3A_73 : memref<632x24xf32, #tpu.memory_space<vmem_shared>>)
    %barrier3A = arith.constant 0 : index
    tpu.barrier barrier_id(%barrier3A)
    %dma_start3A = arith.constant 0 : i32
    %dma_start3A_75 = arith.constant 0 : i32
    %dma_start3A_76 = tpu.memref_slice %arg5[%dma_start3A, %dma_start3A_75] : memref<250x80xi32, #tpu.memory_space<vmem>> -> memref<1x80xi32, #tpu.memory_space<vmem>>
    %dma_start3A_77 = tpu.memref_squeeze %dma_start3A_76 : memref<1x80xi32, #tpu.memory_space<vmem>> -> memref<80xi32, #tpu.memory_space<vmem>>
    %dma_start3A_78 = arith.constant 0 : i32
    %dma_start3A_79 = arith.constant 0 : i32
    %dma_start3A_80 = tpu.memref_slice %arg3[%arg0, %dma_start3A_78, %dma_start3A_79] : memref<2x10000x24xf32, #tpu.memory_space<hbm>> -> memref<1x10000x24xf32, #tpu.memory_space<hbm>>
    %dma_start3A_81 = tpu.memref_squeeze %dma_start3A_80 : memref<1x10000x24xf32, #tpu.memory_space<hbm>> -> memref<10000x24xf32, #tpu.memory_space<hbm>>
    %dma_start3A_82 = arith.constant 0 : i32
    %dma_start3A_83 = arith.constant 0 : i32
    %dma_start3A_84 = tpu.memref_slice %dma_start3A_81[%dma_start3A_82, %dma_start3A_83] : memref<10000x24xf32, #tpu.memory_space<hbm>> -> memref<10000x24xf32, #tpu.memory_space<hbm>>
    tpu.enqueue_indirect_dma source(%dma_start3A_84 : memref<10000x24xf32, #tpu.memory_space<hbm>>) target(%arg7 : memref<80x24xf32, #tpu.memory_space<vmem>>) offsets(%dma_start3A_77 : memref<80xi32, #tpu.memory_space<vmem>>) semaphore(%arg14 : memref<!tpu.dma_semaphore, #tpu.memory_space<semaphore_mem>>)
    %dma_start3A_85 = arith.constant 1 : i32
    %dma_start3A_86 = arith.constant 0 : i32
    %dma_start3A_87 = tpu.memref_slice %arg5[%dma_start3A_85, %dma_start3A_86] : memref<250x80xi32, #tpu.memory_space<vmem>> -> memref<1x80xi32, #tpu.memory_space<vmem>>
    %dma_start3A_88 = tpu.memref_squeeze %dma_start3A_87 : memref<1x80xi32, #tpu.memory_space<vmem>> -> memref<80xi32, #tpu.memory_space<vmem>>
    %dma_start3A_89 = arith.constant 0 : i32
    %dma_start3A_90 = arith.constant 0 : i32
    %dma_start3A_91 = tpu.memref_slice %arg3[%arg0, %dma_start3A_89, %dma_start3A_90] : memref<2x10000x24xf32, #tpu.memory_space<hbm>> -> memref<1x10000x24xf32, #tpu.memory_space<hbm>>
    %dma_start3A_92 = tpu.memref_squeeze %dma_start3A_91 : memref<1x10000x24xf32, #tpu.memory_space<hbm>> -> memref<10000x24xf32, #tpu.memory_space<hbm>>
    %dma_start3A_93 = arith.constant 0 : i32
    %dma_start3A_94 = arith.constant 0 : i32
    %dma_start3A_95 = tpu.memref_slice %dma_start3A_92[%dma_start3A_93, %dma_start3A_94] : memref<10000x24xf32, #tpu.memory_space<hbm>> -> memref<10000x24xf32, #tpu.memory_space<hbm>>
    tpu.enqueue_indirect_dma source(%dma_start3A_95 : memref<10000x24xf32, #tpu.memory_space<hbm>>) target(%arg8 : memref<80x24xf32, #tpu.memory_space<vmem>>) offsets(%dma_start3A_88 : memref<80xi32, #tpu.memory_space<vmem>>) semaphore(%arg15 : memref<!tpu.dma_semaphore, #tpu.memory_space<semaphore_mem>>)
    %dma_start3A_96 = arith.constant 2 : i32
    %dma_start3A_97 = arith.constant 0 : i32
    %dma_start3A_98 = tpu.memref_slice %arg5[%dma_start3A_96, %dma_start3A_97] : memref<250x80xi32, #tpu.memory_space<vmem>> -> memref<1x80xi32, #tpu.memory_space<vmem>>
    %dma_start3A_99 = tpu.memref_squeeze %dma_start3A_98 : memref<1x80xi32, #tpu.memory_space<vmem>> -> memref<80xi32, #tpu.memory_space<vmem>>
    %dma_start3A_100 = arith.constant 0 : i32
    %dma_start3A_101 = arith.constant 0 : i32
    %dma_start3A_102 = tpu.memref_slice %arg3[%arg0, %dma_start3A_100, %dma_start3A_101] : memref<2x10000x24xf32, #tpu.memory_space<hbm>> -> memref<1x10000x24xf32, #tpu.memory_space<hbm>>
    %dma_start3A_103 = tpu.memref_squeeze %dma_start3A_102 : memref<1x10000x24xf32, #tpu.memory_space<hbm>> -> memref<10000x24xf32, #tpu.memory_space<hbm>>
    %dma_start3A_104 = arith.constant 0 : i32
    %dma_start3A_105 = arith.constant 0 : i32
    %dma_start3A_106 = tpu.memref_slice %dma_start3A_103[%dma_start3A_104, %dma_start3A_105] : memref<10000x24xf32, #tpu.memory_space<hbm>> -> memref<10000x24xf32, #tpu.memory_space<hbm>>
    tpu.enqueue_indirect_dma source(%dma_start3A_106 : memref<10000x24xf32, #tpu.memory_space<hbm>>) target(%arg9 : memref<80x24xf32, #tpu.memory_space<vmem>>) offsets(%dma_start3A_99 : memref<80xi32, #tpu.memory_space<vmem>>) semaphore(%arg16 : memref<!tpu.dma_semaphore, #tpu.memory_space<semaphore_mem>>)
    %dma_start3A_107 = arith.constant 3 : i32
    %dma_start3A_108 = arith.constant 0 : i32
    %dma_start3A_109 = tpu.memref_slice %arg5[%dma_start3A_107, %dma_start3A_108] : memref<250x80xi32, #tpu.memory_space<vmem>> -> memref<1x80xi32, #tpu.memory_space<vmem>>
    %dma_start3A_110 = tpu.memref_squeeze %dma_start3A_109 : memref<1x80xi32, #tpu.memory_space<vmem>> -> memref<80xi32, #tpu.memory_space<vmem>>
    %dma_start3A_111 = arith.constant 0 : i32
    %dma_start3A_112 = arith.constant 0 : i32
    %dma_start3A_113 = tpu.memref_slice %arg3[%arg0, %dma_start3A_111, %dma_start3A_112] : memref<2x10000x24xf32, #tpu.memory_space<hbm>> -> memref<1x10000x24xf32, #tpu.memory_space<hbm>>
    %dma_start3A_114 = tpu.memref_squeeze %dma_start3A_113 : memref<1x10000x24xf32, #tpu.memory_space<hbm>> -> memref<10000x24xf32, #tpu.memory_space<hbm>>
    %dma_start3A_115 = arith.constant 0 : i32
    %dma_start3A_116 = arith.constant 0 : i32
    %dma_start3A_117 = tpu.memref_slice %dma_start3A_114[%dma_start3A_115, %dma_start3A_116] : memref<10000x24xf32, #tpu.memory_space<hbm>> -> memref<10000x24xf32, #tpu.memory_space<hbm>>
    tpu.enqueue_indirect_dma source(%dma_start3A_117 : memref<10000x24xf32, #tpu.memory_space<hbm>>) target(%arg10 : memref<80x24xf32, #tpu.memory_space<vmem>>) offsets(%dma_start3A_110 : memref<80xi32, #tpu.memory_space<vmem>>) semaphore(%arg17 : memref<!tpu.dma_semaphore, #tpu.memory_space<semaphore_mem>>)
    %scan3A_118 = arith.constant 0 : i32
    %scan3A_119 = arith.constant 0 : i32
    %scan3A_120 = arith.constant 50 : i32
    %scan3A_121 = arith.addi %scan3A_119, %scan3A_120 : i32
    %scan3A_122 = arith.constant 1 : i32
    scf.for %scan3A_183 = %scan3A_119 to %scan3A_121 step %scan3A_122  : i32 {
      %mul3A_184 = arith.constant 5 : i32
      %mul3A_185 = arith.muli %scan3A_183, %mul3A_184 : i32
      %add3A_186 = arith.constant 0 : i32
      %add3A_187 = arith.addi %mul3A_185, %add3A_186 : i32
      %dma_wait3A_188 = arith.constant 0 : i32
      %dma_wait3A_189 = tpu.memref_slice %arg5[%add3A_187, %dma_wait3A_188] : memref<250x80xi32, #tpu.memory_space<vmem>> -> memref<1x80xi32, #tpu.memory_space<vmem>>
      %dma_wait3A_190 = tpu.memref_squeeze %dma_wait3A_189 : memref<1x80xi32, #tpu.memory_space<vmem>> -> memref<80xi32, #tpu.memory_space<vmem>>
      %dma_wait3A_191 = arith.constant 0 : i32
      %dma_wait3A_192 = arith.constant 0 : i32
      %dma_wait3A_193 = tpu.memref_slice %arg3[%arg0, %dma_wait3A_191, %dma_wait3A_192] : memref<2x10000x24xf32, #tpu.memory_space<hbm>> -> memref<1x10000x24xf32, #tpu.memory_space<hbm>>
      %dma_wait3A_194 = tpu.memref_squeeze %dma_wait3A_193 : memref<1x10000x24xf32, #tpu.memory_space<hbm>> -> memref<10000x24xf32, #tpu.memory_space<hbm>>
      %dma_wait3A_195 = arith.constant 0 : i32
      %dma_wait3A_196 = arith.constant 0 : i32
      %dma_wait3A_197 = tpu.memref_slice %dma_wait3A_194[%dma_wait3A_195, %dma_wait3A_196] : memref<10000x24xf32, #tpu.memory_space<hbm>> -> memref<10000x24xf32, #tpu.memory_space<hbm>>
      tpu.wait_indirect_dma semaphore(%arg14 : memref<!tpu.dma_semaphore, #tpu.memory_space<semaphore_mem>>) src(%dma_wait3A_197 : memref<10000x24xf32, #tpu.memory_space<hbm>>) dst(%arg7 : memref<80x24xf32, #tpu.memory_space<vmem>>)
      %dma_start3A_198 = arith.constant 0 : i32
      %dma_start3A_199 = tpu.memref_slice %arg6[%add3A_187, %dma_start3A_198] : memref<250x80xi32, #tpu.memory_space<vmem>> -> memref<1x80xi32, #tpu.memory_space<vmem>>
      %dma_start3A_200 = tpu.memref_squeeze %dma_start3A_199 : memref<1x80xi32, #tpu.memory_space<vmem>> -> memref<80xi32, #tpu.memory_space<vmem>>
      %dma_start3A_201 = arith.constant 0 : i32
      %dma_start3A_202 = arith.constant 0 : i32
      %dma_start3A_203 = tpu.memref_slice %arg13[%dma_start3A_201, %dma_start3A_202] : memref<10112x24xf32, #tpu.memory_space<vmem_shared>> -> memref<10112x24xf32, #tpu.memory_space<vmem_shared>>
      tpu.enqueue_indirect_dma source(%arg7 : memref<80x24xf32, #tpu.memory_space<vmem>>) target(%dma_start3A_203 : memref<10112x24xf32, #tpu.memory_space<vmem_shared>>) offsets(%dma_start3A_200 : memref<80xi32, #tpu.memory_space<vmem>>) semaphore(%arg19 : memref<!tpu.dma_semaphore, #tpu.memory_space<semaphore_mem>>) {add = true}
      %add3A_204 = arith.constant 4 : i32
      %add3A_205 = arith.addi %add3A_187, %add3A_204 : i32
      %gt3A = arith.constant 0 : i32
      %gt3A_206 = arith.cmpi sgt, %scan3A_183, %gt3A : i32
      %convert_element_type3A = arith.extui %gt3A_206 : i1 to i32
      %cond3A = arith.constant 0 : i32
      %cond3A_207 = arith.cmpi ne, %convert_element_type3A, %cond3A : i32
      scf.if %cond3A_207 {
        %sub3A = arith.constant 5 : i32
        %sub3A_319 = arith.subi %add3A_205, %sub3A : i32
        %dma_wait3A_320 = arith.constant 0 : i32
        %dma_wait3A_321 = tpu.memref_slice %arg6[%sub3A_319, %dma_wait3A_320] : memref<250x80xi32, #tpu.memory_space<vmem>> -> memref<1x80xi32, #tpu.memory_space<vmem>>
        %dma_wait3A_322 = tpu.memref_squeeze %dma_wait3A_321 : memref<1x80xi32, #tpu.memory_space<vmem>> -> memref<80xi32, #tpu.memory_space<vmem>>
        %dma_wait3A_323 = arith.constant 0 : i32
        %dma_wait3A_324 = arith.constant 0 : i32
        %dma_wait3A_325 = tpu.memref_slice %arg13[%dma_wait3A_323, %dma_wait3A_324] : memref<10112x24xf32, #tpu.memory_space<vmem_shared>> -> memref<10112x24xf32, #tpu.memory_space<vmem_shared>>
        tpu.wait_indirect_dma semaphore(%arg23 : memref<!tpu.dma_semaphore, #tpu.memory_space<semaphore_mem>>) src(%arg11 : memref<80x24xf32, #tpu.memory_space<vmem>>) dst(%dma_wait3A_325 : memref<10112x24xf32, #tpu.memory_space<vmem_shared>>)
        %dma_start3A_326 = arith.constant 0 : i32
        %dma_start3A_327 = tpu.memref_slice %arg5[%add3A_205, %dma_start3A_326] : memref<250x80xi32, #tpu.memory_space<vmem>> -> memref<1x80xi32, #tpu.memory_space<vmem>>
        %dma_start3A_328 = tpu.memref_squeeze %dma_start3A_327 : memref<1x80xi32, #tpu.memory_space<vmem>> -> memref<80xi32, #tpu.memory_space<vmem>>
        %dma_start3A_329 = arith.constant 0 : i32
        %dma_start3A_330 = arith.constant 0 : i32
        %dma_start3A_331 = tpu.memref_slice %arg3[%arg0, %dma_start3A_329, %dma_start3A_330] : memref<2x10000x24xf32, #tpu.memory_space<hbm>> -> memref<1x10000x24xf32, #tpu.memory_space<hbm>>
        %dma_start3A_332 = tpu.memref_squeeze %dma_start3A_331 : memref<1x10000x24xf32, #tpu.memory_space<hbm>> -> memref<10000x24xf32, #tpu.memory_space<hbm>>
        %dma_start3A_333 = arith.constant 0 : i32
        %dma_start3A_334 = arith.constant 0 : i32
        %dma_start3A_335 = tpu.memref_slice %dma_start3A_332[%dma_start3A_333, %dma_start3A_334] : memref<10000x24xf32, #tpu.memory_space<hbm>> -> memref<10000x24xf32, #tpu.memory_space<hbm>>
        tpu.enqueue_indirect_dma source(%dma_start3A_335 : memref<10000x24xf32, #tpu.memory_space<hbm>>) target(%arg11 : memref<80x24xf32, #tpu.memory_space<vmem>>) offsets(%dma_start3A_328 : memref<80xi32, #tpu.memory_space<vmem>>) semaphore(%arg18 : memref<!tpu.dma_semaphore, #tpu.memory_space<semaphore_mem>>)
      } else {
      }
      %eq3A = arith.constant 0 : i32
      %eq3A_208 = arith.cmpi eq, %scan3A_183, %eq3A : i32
      %convert_element_type3A_209 = arith.extui %eq3A_208 : i1 to i32
      %cond3A_210 = arith.constant 0 : i32
      %cond3A_211 = arith.cmpi ne, %convert_element_type3A_209, %cond3A_210 : i32
      scf.if %cond3A_211 {
        %dma_start3A_319 = arith.constant 0 : i32
        %dma_start3A_320 = tpu.memref_slice %arg5[%add3A_205, %dma_start3A_319] : memref<250x80xi32, #tpu.memory_space<vmem>> -> memref<1x80xi32, #tpu.memory_space<vmem>>
        %dma_start3A_321 = tpu.memref_squeeze %dma_start3A_320 : memref<1x80xi32, #tpu.memory_space<vmem>> -> memref<80xi32, #tpu.memory_space<vmem>>
        %dma_start3A_322 = arith.constant 0 : i32
        %dma_start3A_323 = arith.constant 0 : i32
        %dma_start3A_324 = tpu.memref_slice %arg3[%arg0, %dma_start3A_322, %dma_start3A_323] : memref<2x10000x24xf32, #tpu.memory_space<hbm>> -> memref<1x10000x24xf32, #tpu.memory_space<hbm>>
        %dma_start3A_325 = tpu.memref_squeeze %dma_start3A_324 : memref<1x10000x24xf32, #tpu.memory_space<hbm>> -> memref<10000x24xf32, #tpu.memory_space<hbm>>
        %dma_start3A_326 = arith.constant 0 : i32
        %dma_start3A_327 = arith.constant 0 : i32
        %dma_start3A_328 = tpu.memref_slice %dma_start3A_325[%dma_start3A_326, %dma_start3A_327] : memref<10000x24xf32, #tpu.memory_space<hbm>> -> memref<10000x24xf32, #tpu.memory_space<hbm>>
        tpu.enqueue_indirect_dma source(%dma_start3A_328 : memref<10000x24xf32, #tpu.memory_space<hbm>>) target(%arg11 : memref<80x24xf32, #tpu.memory_space<vmem>>) offsets(%dma_start3A_321 : memref<80xi32, #tpu.memory_space<vmem>>) semaphore(%arg18 : memref<!tpu.dma_semaphore, #tpu.memory_space<semaphore_mem>>)
      } else {
      }
      %mul3A_212 = arith.constant 5 : i32
      %mul3A_213 = arith.muli %scan3A_183, %mul3A_212 : i32
      %add3A_214 = arith.constant 1 : i32
      %add3A_215 = arith.addi %mul3A_213, %add3A_214 : i32
      %dma_wait3A_216 = arith.constant 0 : i32
      %dma_wait3A_217 = tpu.memref_slice %arg5[%add3A_215, %dma_wait3A_216] : memref<250x80xi32, #tpu.memory_space<vmem>> -> memref<1x80xi32, #tpu.memory_space<vmem>>
      %dma_wait3A_218 = tpu.memref_squeeze %dma_wait3A_217 : memref<1x80xi32, #tpu.memory_space<vmem>> -> memref<80xi32, #tpu.memory_space<vmem>>
      %dma_wait3A_219 = arith.constant 0 : i32
      %dma_wait3A_220 = arith.constant 0 : i32
      %dma_wait3A_221 = tpu.memref_slice %arg3[%arg0, %dma_wait3A_219, %dma_wait3A_220] : memref<2x10000x24xf32, #tpu.memory_space<hbm>> -> memref<1x10000x24xf32, #tpu.memory_space<hbm>>
      %dma_wait3A_222 = tpu.memref_squeeze %dma_wait3A_221 : memref<1x10000x24xf32, #tpu.memory_space<hbm>> -> memref<10000x24xf32, #tpu.memory_space<hbm>>
      %dma_wait3A_223 = arith.constant 0 : i32
      %dma_wait3A_224 = arith.constant 0 : i32
      %dma_wait3A_225 = tpu.memref_slice %dma_wait3A_222[%dma_wait3A_223, %dma_wait3A_224] : memref<10000x24xf32, #tpu.memory_space<hbm>> -> memref<10000x24xf32, #tpu.memory_space<hbm>>
      tpu.wait_indirect_dma semaphore(%arg15 : memref<!tpu.dma_semaphore, #tpu.memory_space<semaphore_mem>>) src(%dma_wait3A_225 : memref<10000x24xf32, #tpu.memory_space<hbm>>) dst(%arg8 : memref<80x24xf32, #tpu.memory_space<vmem>>)
      %dma_start3A_226 = arith.constant 0 : i32
      %dma_start3A_227 = tpu.memref_slice %arg6[%add3A_215, %dma_start3A_226] : memref<250x80xi32, #tpu.memory_space<vmem>> -> memref<1x80xi32, #tpu.memory_space<vmem>>
      %dma_start3A_228 = tpu.memref_squeeze %dma_start3A_227 : memref<1x80xi32, #tpu.memory_space<vmem>> -> memref<80xi32, #tpu.memory_space<vmem>>
      %dma_start3A_229 = arith.constant 0 : i32
      %dma_start3A_230 = arith.constant 0 : i32
      %dma_start3A_231 = tpu.memref_slice %arg13[%dma_start3A_229, %dma_start3A_230] : memref<10112x24xf32, #tpu.memory_space<vmem_shared>> -> memref<10112x24xf32, #tpu.memory_space<vmem_shared>>
      tpu.enqueue_indirect_dma source(%arg8 : memref<80x24xf32, #tpu.memory_space<vmem>>) target(%dma_start3A_231 : memref<10112x24xf32, #tpu.memory_space<vmem_shared>>) offsets(%dma_start3A_228 : memref<80xi32, #tpu.memory_space<vmem>>) semaphore(%arg20 : memref<!tpu.dma_semaphore, #tpu.memory_space<semaphore_mem>>) {add = true}
      %add3A_232 = arith.constant 4 : i32
      %add3A_233 = arith.addi %add3A_215, %add3A_232 : i32
      %lt3A = arith.constant 250 : i32
      %lt3A_234 = arith.cmpi slt, %add3A_233, %lt3A : i32
      %convert_element_type3A_235 = arith.extui %lt3A_234 : i1 to i32
      %cond3A_236 = arith.constant 0 : i32
      %cond3A_237 = arith.cmpi ne, %convert_element_type3A_235, %cond3A_236 : i32
      scf.if %cond3A_237 {
        %sub3A = arith.constant 5 : i32
        %sub3A_319 = arith.subi %add3A_233, %sub3A : i32
        %dma_wait3A_320 = arith.constant 0 : i32
        %dma_wait3A_321 = tpu.memref_slice %arg6[%sub3A_319, %dma_wait3A_320] : memref<250x80xi32, #tpu.memory_space<vmem>> -> memref<1x80xi32, #tpu.memory_space<vmem>>
        %dma_wait3A_322 = tpu.memref_squeeze %dma_wait3A_321 : memref<1x80xi32, #tpu.memory_space<vmem>> -> memref<80xi32, #tpu.memory_space<vmem>>
        %dma_wait3A_323 = arith.constant 0 : i32
        %dma_wait3A_324 = arith.constant 0 : i32
        %dma_wait3A_325 = tpu.memref_slice %arg13[%dma_wait3A_323, %dma_wait3A_324] : memref<10112x24xf32, #tpu.memory_space<vmem_shared>> -> memref<10112x24xf32, #tpu.memory_space<vmem_shared>>
        tpu.wait_indirect_dma semaphore(%arg19 : memref<!tpu.dma_semaphore, #tpu.memory_space<semaphore_mem>>) src(%arg7 : memref<80x24xf32, #tpu.memory_space<vmem>>) dst(%dma_wait3A_325 : memref<10112x24xf32, #tpu.memory_space<vmem_shared>>)
        %dma_start3A_326 = arith.constant 0 : i32
        %dma_start3A_327 = tpu.memref_slice %arg5[%add3A_233, %dma_start3A_326] : memref<250x80xi32, #tpu.memory_space<vmem>> -> memref<1x80xi32, #tpu.memory_space<vmem>>
        %dma_start3A_328 = tpu.memref_squeeze %dma_start3A_327 : memref<1x80xi32, #tpu.memory_space<vmem>> -> memref<80xi32, #tpu.memory_space<vmem>>
        %dma_start3A_329 = arith.constant 0 : i32
        %dma_start3A_330 = arith.constant 0 : i32
        %dma_start3A_331 = tpu.memref_slice %arg3[%arg0, %dma_start3A_329, %dma_start3A_330] : memref<2x10000x24xf32, #tpu.memory_space<hbm>> -> memref<1x10000x24xf32, #tpu.memory_space<hbm>>
        %dma_start3A_332 = tpu.memref_squeeze %dma_start3A_331 : memref<1x10000x24xf32, #tpu.memory_space<hbm>> -> memref<10000x24xf32, #tpu.memory_space<hbm>>
        %dma_start3A_333 = arith.constant 0 : i32
        %dma_start3A_334 = arith.constant 0 : i32
        %dma_start3A_335 = tpu.memref_slice %dma_start3A_332[%dma_start3A_333, %dma_start3A_334] : memref<10000x24xf32, #tpu.memory_space<hbm>> -> memref<10000x24xf32, #tpu.memory_space<hbm>>
        tpu.enqueue_indirect_dma source(%dma_start3A_335 : memref<10000x24xf32, #tpu.memory_space<hbm>>) target(%arg7 : memref<80x24xf32, #tpu.memory_space<vmem>>) offsets(%dma_start3A_328 : memref<80xi32, #tpu.memory_space<vmem>>) semaphore(%arg14 : memref<!tpu.dma_semaphore, #tpu.memory_space<semaphore_mem>>)
      } else {
      }
      %mul3A_238 = arith.constant 5 : i32
      %mul3A_239 = arith.muli %scan3A_183, %mul3A_238 : i32
      %add3A_240 = arith.constant 2 : i32
      %add3A_241 = arith.addi %mul3A_239, %add3A_240 : i32
      %dma_wait3A_242 = arith.constant 0 : i32
      %dma_wait3A_243 = tpu.memref_slice %arg5[%add3A_241, %dma_wait3A_242] : memref<250x80xi32, #tpu.memory_space<vmem>> -> memref<1x80xi32, #tpu.memory_space<vmem>>
      %dma_wait3A_244 = tpu.memref_squeeze %dma_wait3A_243 : memref<1x80xi32, #tpu.memory_space<vmem>> -> memref<80xi32, #tpu.memory_space<vmem>>
      %dma_wait3A_245 = arith.constant 0 : i32
      %dma_wait3A_246 = arith.constant 0 : i32
      %dma_wait3A_247 = tpu.memref_slice %arg3[%arg0, %dma_wait3A_245, %dma_wait3A_246] : memref<2x10000x24xf32, #tpu.memory_space<hbm>> -> memref<1x10000x24xf32, #tpu.memory_space<hbm>>
      %dma_wait3A_248 = tpu.memref_squeeze %dma_wait3A_247 : memref<1x10000x24xf32, #tpu.memory_space<hbm>> -> memref<10000x24xf32, #tpu.memory_space<hbm>>
      %dma_wait3A_249 = arith.constant 0 : i32
      %dma_wait3A_250 = arith.constant 0 : i32
      %dma_wait3A_251 = tpu.memref_slice %dma_wait3A_248[%dma_wait3A_249, %dma_wait3A_250] : memref<10000x24xf32, #tpu.memory_space<hbm>> -> memref<10000x24xf32, #tpu.memory_space<hbm>>
      tpu.wait_indirect_dma semaphore(%arg16 : memref<!tpu.dma_semaphore, #tpu.memory_space<semaphore_mem>>) src(%dma_wait3A_251 : memref<10000x24xf32, #tpu.memory_space<hbm>>) dst(%arg9 : memref<80x24xf32, #tpu.memory_space<vmem>>)
      %dma_start3A_252 = arith.constant 0 : i32
      %dma_start3A_253 = tpu.memref_slice %arg6[%add3A_241, %dma_start3A_252] : memref<250x80xi32, #tpu.memory_space<vmem>> -> memref<1x80xi32, #tpu.memory_space<vmem>>
      %dma_start3A_254 = tpu.memref_squeeze %dma_start3A_253 : memref<1x80xi32, #tpu.memory_space<vmem>> -> memref<80xi32, #tpu.memory_space<vmem>>
      %dma_start3A_255 = arith.constant 0 : i32
      %dma_start3A_256 = arith.constant 0 : i32
      %dma_start3A_257 = tpu.memref_slice %arg13[%dma_start3A_255, %dma_start3A_256] : memref<10112x24xf32, #tpu.memory_space<vmem_shared>> -> memref<10112x24xf32, #tpu.memory_space<vmem_shared>>
      tpu.enqueue_indirect_dma source(%arg9 : memref<80x24xf32, #tpu.memory_space<vmem>>) target(%dma_start3A_257 : memref<10112x24xf32, #tpu.memory_space<vmem_shared>>) offsets(%dma_start3A_254 : memref<80xi32, #tpu.memory_space<vmem>>) semaphore(%arg21 : memref<!tpu.dma_semaphore, #tpu.memory_space<semaphore_mem>>) {add = true}
      %add3A_258 = arith.constant 4 : i32
      %add3A_259 = arith.addi %add3A_241, %add3A_258 : i32
      %lt3A_260 = arith.constant 250 : i32
      %lt3A_261 = arith.cmpi slt, %add3A_259, %lt3A_260 : i32
      %convert_element_type3A_262 = arith.extui %lt3A_261 : i1 to i32
      %cond3A_263 = arith.constant 0 : i32
      %cond3A_264 = arith.cmpi ne, %convert_element_type3A_262, %cond3A_263 : i32
      scf.if %cond3A_264 {
        %sub3A = arith.constant 5 : i32
        %sub3A_319 = arith.subi %add3A_259, %sub3A : i32
        %dma_wait3A_320 = arith.constant 0 : i32
        %dma_wait3A_321 = tpu.memref_slice %arg6[%sub3A_319, %dma_wait3A_320] : memref<250x80xi32, #tpu.memory_space<vmem>> -> memref<1x80xi32, #tpu.memory_space<vmem>>
        %dma_wait3A_322 = tpu.memref_squeeze %dma_wait3A_321 : memref<1x80xi32, #tpu.memory_space<vmem>> -> memref<80xi32, #tpu.memory_space<vmem>>
        %dma_wait3A_323 = arith.constant 0 : i32
        %dma_wait3A_324 = arith.constant 0 : i32
        %dma_wait3A_325 = tpu.memref_slice %arg13[%dma_wait3A_323, %dma_wait3A_324] : memref<10112x24xf32, #tpu.memory_space<vmem_shared>> -> memref<10112x24xf32, #tpu.memory_space<vmem_shared>>
        tpu.wait_indirect_dma semaphore(%arg20 : memref<!tpu.dma_semaphore, #tpu.memory_space<semaphore_mem>>) src(%arg8 : memref<80x24xf32, #tpu.memory_space<vmem>>) dst(%dma_wait3A_325 : memref<10112x24xf32, #tpu.memory_space<vmem_shared>>)
        %dma_start3A_326 = arith.constant 0 : i32
        %dma_start3A_327 = tpu.memref_slice %arg5[%add3A_259, %dma_start3A_326] : memref<250x80xi32, #tpu.memory_space<vmem>> -> memref<1x80xi32, #tpu.memory_space<vmem>>
        %dma_start3A_328 = tpu.memref_squeeze %dma_start3A_327 : memref<1x80xi32, #tpu.memory_space<vmem>> -> memref<80xi32, #tpu.memory_space<vmem>>
        %dma_start3A_329 = arith.constant 0 : i32
        %dma_start3A_330 = arith.constant 0 : i32
        %dma_start3A_331 = tpu.memref_slice %arg3[%arg0, %dma_start3A_329, %dma_start3A_330] : memref<2x10000x24xf32, #tpu.memory_space<hbm>> -> memref<1x10000x24xf32, #tpu.memory_space<hbm>>
        %dma_start3A_332 = tpu.memref_squeeze %dma_start3A_331 : memref<1x10000x24xf32, #tpu.memory_space<hbm>> -> memref<10000x24xf32, #tpu.memory_space<hbm>>
        %dma_start3A_333 = arith.constant 0 : i32
        %dma_start3A_334 = arith.constant 0 : i32
        %dma_start3A_335 = tpu.memref_slice %dma_start3A_332[%dma_start3A_333, %dma_start3A_334] : memref<10000x24xf32, #tpu.memory_space<hbm>> -> memref<10000x24xf32, #tpu.memory_space<hbm>>
        tpu.enqueue_indirect_dma source(%dma_start3A_335 : memref<10000x24xf32, #tpu.memory_space<hbm>>) target(%arg8 : memref<80x24xf32, #tpu.memory_space<vmem>>) offsets(%dma_start3A_328 : memref<80xi32, #tpu.memory_space<vmem>>) semaphore(%arg15 : memref<!tpu.dma_semaphore, #tpu.memory_space<semaphore_mem>>)
      } else {
      }
      %mul3A_265 = arith.constant 5 : i32
      %mul3A_266 = arith.muli %scan3A_183, %mul3A_265 : i32
      %add3A_267 = arith.constant 3 : i32
      %add3A_268 = arith.addi %mul3A_266, %add3A_267 : i32
      %dma_wait3A_269 = arith.constant 0 : i32
      %dma_wait3A_270 = tpu.memref_slice %arg5[%add3A_268, %dma_wait3A_269] : memref<250x80xi32, #tpu.memory_space<vmem>> -> memref<1x80xi32, #tpu.memory_space<vmem>>
      %dma_wait3A_271 = tpu.memref_squeeze %dma_wait3A_270 : memref<1x80xi32, #tpu.memory_space<vmem>> -> memref<80xi32, #tpu.memory_space<vmem>>
      %dma_wait3A_272 = arith.constant 0 : i32
      %dma_wait3A_273 = arith.constant 0 : i32
      %dma_wait3A_274 = tpu.memref_slice %arg3[%arg0, %dma_wait3A_272, %dma_wait3A_273] : memref<2x10000x24xf32, #tpu.memory_space<hbm>> -> memref<1x10000x24xf32, #tpu.memory_space<hbm>>
      %dma_wait3A_275 = tpu.memref_squeeze %dma_wait3A_274 : memref<1x10000x24xf32, #tpu.memory_space<hbm>> -> memref<10000x24xf32, #tpu.memory_space<hbm>>
      %dma_wait3A_276 = arith.constant 0 : i32
      %dma_wait3A_277 = arith.constant 0 : i32
      %dma_wait3A_278 = tpu.memref_slice %dma_wait3A_275[%dma_wait3A_276, %dma_wait3A_277] : memref<10000x24xf32, #tpu.memory_space<hbm>> -> memref<10000x24xf32, #tpu.memory_space<hbm>>
      tpu.wait_indirect_dma semaphore(%arg17 : memref<!tpu.dma_semaphore, #tpu.memory_space<semaphore_mem>>) src(%dma_wait3A_278 : memref<10000x24xf32, #tpu.memory_space<hbm>>) dst(%arg10 : memref<80x24xf32, #tpu.memory_space<vmem>>)
      %dma_start3A_279 = arith.constant 0 : i32
      %dma_start3A_280 = tpu.memref_slice %arg6[%add3A_268, %dma_start3A_279] : memref<250x80xi32, #tpu.memory_space<vmem>> -> memref<1x80xi32, #tpu.memory_space<vmem>>
      %dma_start3A_281 = tpu.memref_squeeze %dma_start3A_280 : memref<1x80xi32, #tpu.memory_space<vmem>> -> memref<80xi32, #tpu.memory_space<vmem>>
      %dma_start3A_282 = arith.constant 0 : i32
      %dma_start3A_283 = arith.constant 0 : i32
      %dma_start3A_284 = tpu.memref_slice %arg13[%dma_start3A_282, %dma_start3A_283] : memref<10112x24xf32, #tpu.memory_space<vmem_shared>> -> memref<10112x24xf32, #tpu.memory_space<vmem_shared>>
      tpu.enqueue_indirect_dma source(%arg10 : memref<80x24xf32, #tpu.memory_space<vmem>>) target(%dma_start3A_284 : memref<10112x24xf32, #tpu.memory_space<vmem_shared>>) offsets(%dma_start3A_281 : memref<80xi32, #tpu.memory_space<vmem>>) semaphore(%arg22 : memref<!tpu.dma_semaphore, #tpu.memory_space<semaphore_mem>>) {add = true}
      %add3A_285 = arith.constant 4 : i32
      %add3A_286 = arith.addi %add3A_268, %add3A_285 : i32
      %lt3A_287 = arith.constant 250 : i32
      %lt3A_288 = arith.cmpi slt, %add3A_286, %lt3A_287 : i32
      %convert_element_type3A_289 = arith.extui %lt3A_288 : i1 to i32
      %cond3A_290 = arith.constant 0 : i32
      %cond3A_291 = arith.cmpi ne, %convert_element_type3A_289, %cond3A_290 : i32
      scf.if %cond3A_291 {
        %sub3A = arith.constant 5 : i32
        %sub3A_319 = arith.subi %add3A_286, %sub3A : i32
        %dma_wait3A_320 = arith.constant 0 : i32
        %dma_wait3A_321 = tpu.memref_slice %arg6[%sub3A_319, %dma_wait3A_320] : memref<250x80xi32, #tpu.memory_space<vmem>> -> memref<1x80xi32, #tpu.memory_space<vmem>>
        %dma_wait3A_322 = tpu.memref_squeeze %dma_wait3A_321 : memref<1x80xi32, #tpu.memory_space<vmem>> -> memref<80xi32, #tpu.memory_space<vmem>>
        %dma_wait3A_323 = arith.constant 0 : i32
        %dma_wait3A_324 = arith.constant 0 : i32
        %dma_wait3A_325 = tpu.memref_slice %arg13[%dma_wait3A_323, %dma_wait3A_324] : memref<10112x24xf32, #tpu.memory_space<vmem_shared>> -> memref<10112x24xf32, #tpu.memory_space<vmem_shared>>
        tpu.wait_indirect_dma semaphore(%arg21 : memref<!tpu.dma_semaphore, #tpu.memory_space<semaphore_mem>>) src(%arg9 : memref<80x24xf32, #tpu.memory_space<vmem>>) dst(%dma_wait3A_325 : memref<10112x24xf32, #tpu.memory_space<vmem_shared>>)
        %dma_start3A_326 = arith.constant 0 : i32
        %dma_start3A_327 = tpu.memref_slice %arg5[%add3A_286, %dma_start3A_326] : memref<250x80xi32, #tpu.memory_space<vmem>> -> memref<1x80xi32, #tpu.memory_space<vmem>>
        %dma_start3A_328 = tpu.memref_squeeze %dma_start3A_327 : memref<1x80xi32, #tpu.memory_space<vmem>> -> memref<80xi32, #tpu.memory_space<vmem>>
        %dma_start3A_329 = arith.constant 0 : i32
        %dma_start3A_330 = arith.constant 0 : i32
        %dma_start3A_331 = tpu.memref_slice %arg3[%arg0, %dma_start3A_329, %dma_start3A_330] : memref<2x10000x24xf32, #tpu.memory_space<hbm>> -> memref<1x10000x24xf32, #tpu.memory_space<hbm>>
        %dma_start3A_332 = tpu.memref_squeeze %dma_start3A_331 : memref<1x10000x24xf32, #tpu.memory_space<hbm>> -> memref<10000x24xf32, #tpu.memory_space<hbm>>
        %dma_start3A_333 = arith.constant 0 : i32
        %dma_start3A_334 = arith.constant 0 : i32
        %dma_start3A_335 = tpu.memref_slice %dma_start3A_332[%dma_start3A_333, %dma_start3A_334] : memref<10000x24xf32, #tpu.memory_space<hbm>> -> memref<10000x24xf32, #tpu.memory_space<hbm>>
        tpu.enqueue_indirect_dma source(%dma_start3A_335 : memref<10000x24xf32, #tpu.memory_space<hbm>>) target(%arg9 : memref<80x24xf32, #tpu.memory_space<vmem>>) offsets(%dma_start3A_328 : memref<80xi32, #tpu.memory_space<vmem>>) semaphore(%arg16 : memref<!tpu.dma_semaphore, #tpu.memory_space<semaphore_mem>>)
      } else {
      }
      %mul3A_292 = arith.constant 5 : i32
      %mul3A_293 = arith.muli %scan3A_183, %mul3A_292 : i32
      %add3A_294 = arith.constant 4 : i32
      %add3A_295 = arith.addi %mul3A_293, %add3A_294 : i32
      %dma_wait3A_296 = arith.constant 0 : i32
      %dma_wait3A_297 = tpu.memref_slice %arg5[%add3A_295, %dma_wait3A_296] : memref<250x80xi32, #tpu.memory_space<vmem>> -> memref<1x80xi32, #tpu.memory_space<vmem>>
      %dma_wait3A_298 = tpu.memref_squeeze %dma_wait3A_297 : memref<1x80xi32, #tpu.memory_space<vmem>> -> memref<80xi32, #tpu.memory_space<vmem>>
      %dma_wait3A_299 = arith.constant 0 : i32
      %dma_wait3A_300 = arith.constant 0 : i32
      %dma_wait3A_301 = tpu.memref_slice %arg3[%arg0, %dma_wait3A_299, %dma_wait3A_300] : memref<2x10000x24xf32, #tpu.memory_space<hbm>> -> memref<1x10000x24xf32, #tpu.memory_space<hbm>>
      %dma_wait3A_302 = tpu.memref_squeeze %dma_wait3A_301 : memref<1x10000x24xf32, #tpu.memory_space<hbm>> -> memref<10000x24xf32, #tpu.memory_space<hbm>>
      %dma_wait3A_303 = arith.constant 0 : i32
      %dma_wait3A_304 = arith.constant 0 : i32
      %dma_wait3A_305 = tpu.memref_slice %dma_wait3A_302[%dma_wait3A_303, %dma_wait3A_304] : memref<10000x24xf32, #tpu.memory_space<hbm>> -> memref<10000x24xf32, #tpu.memory_space<hbm>>
      tpu.wait_indirect_dma semaphore(%arg18 : memref<!tpu.dma_semaphore, #tpu.memory_space<semaphore_mem>>) src(%dma_wait3A_305 : memref<10000x24xf32, #tpu.memory_space<hbm>>) dst(%arg11 : memref<80x24xf32, #tpu.memory_space<vmem>>)
      %dma_start3A_306 = arith.constant 0 : i32
      %dma_start3A_307 = tpu.memref_slice %arg6[%add3A_295, %dma_start3A_306] : memref<250x80xi32, #tpu.memory_space<vmem>> -> memref<1x80xi32, #tpu.memory_space<vmem>>
      %dma_start3A_308 = tpu.memref_squeeze %dma_start3A_307 : memref<1x80xi32, #tpu.memory_space<vmem>> -> memref<80xi32, #tpu.memory_space<vmem>>
      %dma_start3A_309 = arith.constant 0 : i32
      %dma_start3A_310 = arith.constant 0 : i32
      %dma_start3A_311 = tpu.memref_slice %arg13[%dma_start3A_309, %dma_start3A_310] : memref<10112x24xf32, #tpu.memory_space<vmem_shared>> -> memref<10112x24xf32, #tpu.memory_space<vmem_shared>>
      tpu.enqueue_indirect_dma source(%arg11 : memref<80x24xf32, #tpu.memory_space<vmem>>) target(%dma_start3A_311 : memref<10112x24xf32, #tpu.memory_space<vmem_shared>>) offsets(%dma_start3A_308 : memref<80xi32, #tpu.memory_space<vmem>>) semaphore(%arg23 : memref<!tpu.dma_semaphore, #tpu.memory_space<semaphore_mem>>) {add = true}
      %add3A_312 = arith.constant 4 : i32
      %add3A_313 = arith.addi %add3A_295, %add3A_312 : i32
      %lt3A_314 = arith.constant 250 : i32
      %lt3A_315 = arith.cmpi slt, %add3A_313, %lt3A_314 : i32
      %convert_element_type3A_316 = arith.extui %lt3A_315 : i1 to i32
      %cond3A_317 = arith.constant 0 : i32
      %cond3A_318 = arith.cmpi ne, %convert_element_type3A_316, %cond3A_317 : i32
      scf.if %cond3A_318 {
        %sub3A = arith.constant 5 : i32
        %sub3A_319 = arith.subi %add3A_313, %sub3A : i32
        %dma_wait3A_320 = arith.constant 0 : i32
        %dma_wait3A_321 = tpu.memref_slice %arg6[%sub3A_319, %dma_wait3A_320] : memref<250x80xi32, #tpu.memory_space<vmem>> -> memref<1x80xi32, #tpu.memory_space<vmem>>
        %dma_wait3A_322 = tpu.memref_squeeze %dma_wait3A_321 : memref<1x80xi32, #tpu.memory_space<vmem>> -> memref<80xi32, #tpu.memory_space<vmem>>
        %dma_wait3A_323 = arith.constant 0 : i32
        %dma_wait3A_324 = arith.constant 0 : i32
        %dma_wait3A_325 = tpu.memref_slice %arg13[%dma_wait3A_323, %dma_wait3A_324] : memref<10112x24xf32, #tpu.memory_space<vmem_shared>> -> memref<10112x24xf32, #tpu.memory_space<vmem_shared>>
        tpu.wait_indirect_dma semaphore(%arg22 : memref<!tpu.dma_semaphore, #tpu.memory_space<semaphore_mem>>) src(%arg10 : memref<80x24xf32, #tpu.memory_space<vmem>>) dst(%dma_wait3A_325 : memref<10112x24xf32, #tpu.memory_space<vmem_shared>>)
        %dma_start3A_326 = arith.constant 0 : i32
        %dma_start3A_327 = tpu.memref_slice %arg5[%add3A_313, %dma_start3A_326] : memref<250x80xi32, #tpu.memory_space<vmem>> -> memref<1x80xi32, #tpu.memory_space<vmem>>
        %dma_start3A_328 = tpu.memref_squeeze %dma_start3A_327 : memref<1x80xi32, #tpu.memory_space<vmem>> -> memref<80xi32, #tpu.memory_space<vmem>>
        %dma_start3A_329 = arith.constant 0 : i32
        %dma_start3A_330 = arith.constant 0 : i32
        %dma_start3A_331 = tpu.memref_slice %arg3[%arg0, %dma_start3A_329, %dma_start3A_330] : memref<2x10000x24xf32, #tpu.memory_space<hbm>> -> memref<1x10000x24xf32, #tpu.memory_space<hbm>>
        %dma_start3A_332 = tpu.memref_squeeze %dma_start3A_331 : memref<1x10000x24xf32, #tpu.memory_space<hbm>> -> memref<10000x24xf32, #tpu.memory_space<hbm>>
        %dma_start3A_333 = arith.constant 0 : i32
        %dma_start3A_334 = arith.constant 0 : i32
        %dma_start3A_335 = tpu.memref_slice %dma_start3A_332[%dma_start3A_333, %dma_start3A_334] : memref<10000x24xf32, #tpu.memory_space<hbm>> -> memref<10000x24xf32, #tpu.memory_space<hbm>>
        tpu.enqueue_indirect_dma source(%dma_start3A_335 : memref<10000x24xf32, #tpu.memory_space<hbm>>) target(%arg10 : memref<80x24xf32, #tpu.memory_space<vmem>>) offsets(%dma_start3A_328 : memref<80xi32, #tpu.memory_space<vmem>>) semaphore(%arg17 : memref<!tpu.dma_semaphore, #tpu.memory_space<semaphore_mem>>)
      } else {
      }
    }
    %scan3A_123 = arith.constant 50 : i32
    %dma_wait3A_124 = arith.constant 245 : i32
    %dma_wait3A_125 = arith.constant 0 : i32
    %dma_wait3A_126 = tpu.memref_slice %arg6[%dma_wait3A_124, %dma_wait3A_125] : memref<250x80xi32, #tpu.memory_space<vmem>> -> memref<1x80xi32, #tpu.memory_space<vmem>>
    %dma_wait3A_127 = tpu.memref_squeeze %dma_wait3A_126 : memref<1x80xi32, #tpu.memory_space<vmem>> -> memref<80xi32, #tpu.memory_space<vmem>>
    %dma_wait3A_128 = arith.constant 0 : i32
    %dma_wait3A_129 = arith.constant 0 : i32
    %dma_wait3A_130 = tpu.memref_slice %arg13[%dma_wait3A_128, %dma_wait3A_129] : memref<10112x24xf32, #tpu.memory_space<vmem_shared>> -> memref<10112x24xf32, #tpu.memory_space<vmem_shared>>
    tpu.wait_indirect_dma semaphore(%arg19 : memref<!tpu.dma_semaphore, #tpu.memory_space<semaphore_mem>>) src(%arg7 : memref<80x24xf32, #tpu.memory_space<vmem>>) dst(%dma_wait3A_130 : memref<10112x24xf32, #tpu.memory_space<vmem_shared>>)
    %dma_wait3A_131 = arith.constant 246 : i32
    %dma_wait3A_132 = arith.constant 0 : i32
    %dma_wait3A_133 = tpu.memref_slice %arg6[%dma_wait3A_131, %dma_wait3A_132] : memref<250x80xi32, #tpu.memory_space<vmem>> -> memref<1x80xi32, #tpu.memory_space<vmem>>
    %dma_wait3A_134 = tpu.memref_squeeze %dma_wait3A_133 : memref<1x80xi32, #tpu.memory_space<vmem>> -> memref<80xi32, #tpu.memory_space<vmem>>
    %dma_wait3A_135 = arith.constant 0 : i32
    %dma_wait3A_136 = arith.constant 0 : i32
    %dma_wait3A_137 = tpu.memref_slice %arg13[%dma_wait3A_135, %dma_wait3A_136] : memref<10112x24xf32, #tpu.memory_space<vmem_shared>> -> memref<10112x24xf32, #tpu.memory_space<vmem_shared>>
    tpu.wait_indirect_dma semaphore(%arg20 : memref<!tpu.dma_semaphore, #tpu.memory_space<semaphore_mem>>) src(%arg8 : memref<80x24xf32, #tpu.memory_space<vmem>>) dst(%dma_wait3A_137 : memref<10112x24xf32, #tpu.memory_space<vmem_shared>>)
    %dma_wait3A_138 = arith.constant 247 : i32
    %dma_wait3A_139 = arith.constant 0 : i32
    %dma_wait3A_140 = tpu.memref_slice %arg6[%dma_wait3A_138, %dma_wait3A_139] : memref<250x80xi32, #tpu.memory_space<vmem>> -> memref<1x80xi32, #tpu.memory_space<vmem>>
    %dma_wait3A_141 = tpu.memref_squeeze %dma_wait3A_140 : memref<1x80xi32, #tpu.memory_space<vmem>> -> memref<80xi32, #tpu.memory_space<vmem>>
    %dma_wait3A_142 = arith.constant 0 : i32
    %dma_wait3A_143 = arith.constant 0 : i32
    %dma_wait3A_144 = tpu.memref_slice %arg13[%dma_wait3A_142, %dma_wait3A_143] : memref<10112x24xf32, #tpu.memory_space<vmem_shared>> -> memref<10112x24xf32, #tpu.memory_space<vmem_shared>>
    tpu.wait_indirect_dma semaphore(%arg21 : memref<!tpu.dma_semaphore, #tpu.memory_space<semaphore_mem>>) src(%arg9 : memref<80x24xf32, #tpu.memory_space<vmem>>) dst(%dma_wait3A_144 : memref<10112x24xf32, #tpu.memory_space<vmem_shared>>)
    %dma_wait3A_145 = arith.constant 248 : i32
    %dma_wait3A_146 = arith.constant 0 : i32
    %dma_wait3A_147 = tpu.memref_slice %arg6[%dma_wait3A_145, %dma_wait3A_146] : memref<250x80xi32, #tpu.memory_space<vmem>> -> memref<1x80xi32, #tpu.memory_space<vmem>>
    %dma_wait3A_148 = tpu.memref_squeeze %dma_wait3A_147 : memref<1x80xi32, #tpu.memory_space<vmem>> -> memref<80xi32, #tpu.memory_space<vmem>>
    %dma_wait3A_149 = arith.constant 0 : i32
    %dma_wait3A_150 = arith.constant 0 : i32
    %dma_wait3A_151 = tpu.memref_slice %arg13[%dma_wait3A_149, %dma_wait3A_150] : memref<10112x24xf32, #tpu.memory_space<vmem_shared>> -> memref<10112x24xf32, #tpu.memory_space<vmem_shared>>
    tpu.wait_indirect_dma semaphore(%arg22 : memref<!tpu.dma_semaphore, #tpu.memory_space<semaphore_mem>>) src(%arg10 : memref<80x24xf32, #tpu.memory_space<vmem>>) dst(%dma_wait3A_151 : memref<10112x24xf32, #tpu.memory_space<vmem_shared>>)
    %dma_wait3A_152 = arith.constant 249 : i32
    %dma_wait3A_153 = arith.constant 0 : i32
    %dma_wait3A_154 = tpu.memref_slice %arg6[%dma_wait3A_152, %dma_wait3A_153] : memref<250x80xi32, #tpu.memory_space<vmem>> -> memref<1x80xi32, #tpu.memory_space<vmem>>
    %dma_wait3A_155 = tpu.memref_squeeze %dma_wait3A_154 : memref<1x80xi32, #tpu.memory_space<vmem>> -> memref<80xi32, #tpu.memory_space<vmem>>
    %dma_wait3A_156 = arith.constant 0 : i32
    %dma_wait3A_157 = arith.constant 0 : i32
    %dma_wait3A_158 = tpu.memref_slice %arg13[%dma_wait3A_156, %dma_wait3A_157] : memref<10112x24xf32, #tpu.memory_space<vmem_shared>> -> memref<10112x24xf32, #tpu.memory_space<vmem_shared>>
    tpu.wait_indirect_dma semaphore(%arg23 : memref<!tpu.dma_semaphore, #tpu.memory_space<semaphore_mem>>) src(%arg11 : memref<80x24xf32, #tpu.memory_space<vmem>>) dst(%dma_wait3A_158 : memref<10112x24xf32, #tpu.memory_space<vmem_shared>>)
    %barrier3A_159 = arith.constant 0 : index
    tpu.barrier barrier_id(%barrier3A_159)
    %mul3A_160 = arith.constant 632 : i32
    %mul3A_161 = arith.muli %arg1, %mul3A_160 : i32
    %add3A = arith.constant 0 : i32
    %add3A_162 = arith.addi %mul3A_161, %add3A : i32
    "tpu.region"() ({
      %run_scoped3A_183 = tpu.sem_alloc : memref<!tpu.dma_semaphore, #tpu.memory_space<semaphore_mem>>
      %dma_start3A_184 = arith.constant 0 : i32
      %dma_start3A_185 = tpu.memref_slice %arg13[%add3A_162, %dma_start3A_184] : memref<10112x24xf32, #tpu.memory_space<vmem_shared>> -> memref<158x24xf32, #tpu.memory_space<vmem_shared>>
      %dma_start3A_186 = arith.constant 0 : i32
      %dma_start3A_187 = tpu.memref_slice %arg13[%add3A_162, %dma_start3A_186] : memref<10112x24xf32, #tpu.memory_space<vmem_shared>> -> memref<158x24xf32, #tpu.memory_space<vmem_shared>>
      tpu.enqueue_dma source(%dma_start3A_187 : memref<158x24xf32, #tpu.memory_space<vmem_shared>>) target(%arg12 : memref<158x24xf32, #tpu.memory_space<vmem>>) target_semaphore(%run_scoped3A_183 : memref<!tpu.dma_semaphore, #tpu.memory_space<semaphore_mem>>)
      %dma_wait3A_188 = arith.constant 0 : i32
      %dma_wait3A_189 = tpu.memref_slice %arg13[%add3A_162, %dma_wait3A_188] : memref<10112x24xf32, #tpu.memory_space<vmem_shared>> -> memref<158x24xf32, #tpu.memory_space<vmem_shared>>
      %dma_wait3A_190 = arith.constant 0 : i32
      %dma_wait3A_191 = tpu.memref_slice %arg13[%add3A_162, %dma_wait3A_190] : memref<10112x24xf32, #tpu.memory_space<vmem_shared>> -> memref<158x24xf32, #tpu.memory_space<vmem_shared>>
      tpu.wait_dma2 semaphore(%run_scoped3A_183 : memref<!tpu.dma_semaphore, #tpu.memory_space<semaphore_mem>>) src(%dma_wait3A_191 : memref<158x24xf32, #tpu.memory_space<vmem_shared>>) dst(%arg12 : memref<158x24xf32, #tpu.memory_space<vmem>>)
      tpu.yield
    }) : () -> ()
    %mul3A_163 = arith.constant 24 : i32
    %mul3A_164 = arith.muli %arg0, %mul3A_163 : i32
    "tpu.region"() ({
      %run_scoped3A_183 = tpu.sem_alloc : memref<!tpu.dma_semaphore, #tpu.memory_space<semaphore_mem>>
      %dma_start3A_184 = tpu.memref_slice %arg4[%add3A_162, %mul3A_164] : memref<10112x48xf32, #tpu.memory_space<hbm>> -> memref<158x24xf32, #tpu.memory_space<hbm>>
      %dma_start3A_185 = tpu.memref_slice %arg4[%add3A_162, %mul3A_164] : memref<10112x48xf32, #tpu.memory_space<hbm>> -> memref<158x24xf32, #tpu.memory_space<hbm>>
      tpu.enqueue_dma source(%arg12 : memref<158x24xf32, #tpu.memory_space<vmem>>) target(%dma_start3A_185 : memref<158x24xf32, #tpu.memory_space<hbm>>) target_semaphore(%run_scoped3A_183 : memref<!tpu.dma_semaphore, #tpu.memory_space<semaphore_mem>>)
      %dma_wait3A_186 = tpu.memref_slice %arg4[%add3A_162, %mul3A_164] : memref<10112x48xf32, #tpu.memory_space<hbm>> -> memref<158x24xf32, #tpu.memory_space<hbm>>
      %dma_wait3A_187 = tpu.memref_slice %arg4[%add3A_162, %mul3A_164] : memref<10112x48xf32, #tpu.memory_space<hbm>> -> memref<158x24xf32, #tpu.memory_space<hbm>>
      tpu.wait_dma2 semaphore(%run_scoped3A_183 : memref<!tpu.dma_semaphore, #tpu.memory_space<semaphore_mem>>) src(%arg12 : memref<158x24xf32, #tpu.memory_space<vmem>>) dst(%dma_wait3A_187 : memref<158x24xf32, #tpu.memory_space<hbm>>)
      tpu.yield
    }) : () -> ()
    %mul3A_165 = arith.constant 632 : i32
    %mul3A_166 = arith.muli %arg1, %mul3A_165 : i32
    %add3A_167 = arith.constant 158 : i32
    %add3A_168 = arith.addi %mul3A_166, %add3A_167 : i32
    "tpu.region"() ({
      %run_scoped3A_183 = tpu.sem_alloc : memref<!tpu.dma_semaphore, #tpu.memory_space<semaphore_mem>>
      %dma_start3A_184 = arith.constant 0 : i32
      %dma_start3A_185 = tpu.memref_slice %arg13[%add3A_168, %dma_start3A_184] : memref<10112x24xf32, #tpu.memory_space<vmem_shared>> -> memref<158x24xf32, #tpu.memory_space<vmem_shared>>
      %dma_start3A_186 = arith.constant 0 : i32
      %dma_start3A_187 = tpu.memref_slice %arg13[%add3A_168, %dma_start3A_186] : memref<10112x24xf32, #tpu.memory_space<vmem_shared>> -> memref<158x24xf32, #tpu.memory_space<vmem_shared>>
      tpu.enqueue_dma source(%dma_start3A_187 : memref<158x24xf32, #tpu.memory_space<vmem_shared>>) target(%arg12 : memref<158x24xf32, #tpu.memory_space<vmem>>) target_semaphore(%run_scoped3A_183 : memref<!tpu.dma_semaphore, #tpu.memory_space<semaphore_mem>>)
      %dma_wait3A_188 = arith.constant 0 : i32
      %dma_wait3A_189 = tpu.memref_slice %arg13[%add3A_168, %dma_wait3A_188] : memref<10112x24xf32, #tpu.memory_space<vmem_shared>> -> memref<158x24xf32, #tpu.memory_space<vmem_shared>>
      %dma_wait3A_190 = arith.constant 0 : i32
      %dma_wait3A_191 = tpu.memref_slice %arg13[%add3A_168, %dma_wait3A_190] : memref<10112x24xf32, #tpu.memory_space<vmem_shared>> -> memref<158x24xf32, #tpu.memory_space<vmem_shared>>
      tpu.wait_dma2 semaphore(%run_scoped3A_183 : memref<!tpu.dma_semaphore, #tpu.memory_space<semaphore_mem>>) src(%dma_wait3A_191 : memref<158x24xf32, #tpu.memory_space<vmem_shared>>) dst(%arg12 : memref<158x24xf32, #tpu.memory_space<vmem>>)
      tpu.yield
    }) : () -> ()
    %mul3A_169 = arith.constant 24 : i32
    %mul3A_170 = arith.muli %arg0, %mul3A_169 : i32
    "tpu.region"() ({
      %run_scoped3A_183 = tpu.sem_alloc : memref<!tpu.dma_semaphore, #tpu.memory_space<semaphore_mem>>
      %dma_start3A_184 = tpu.memref_slice %arg4[%add3A_168, %mul3A_170] : memref<10112x48xf32, #tpu.memory_space<hbm>> -> memref<158x24xf32, #tpu.memory_space<hbm>>
      %dma_start3A_185 = tpu.memref_slice %arg4[%add3A_168, %mul3A_170] : memref<10112x48xf32, #tpu.memory_space<hbm>> -> memref<158x24xf32, #tpu.memory_space<hbm>>
      tpu.enqueue_dma source(%arg12 : memref<158x24xf32, #tpu.memory_space<vmem>>) target(%dma_start3A_185 : memref<158x24xf32, #tpu.memory_space<hbm>>) target_semaphore(%run_scoped3A_183 : memref<!tpu.dma_semaphore, #tpu.memory_space<semaphore_mem>>)
      %dma_wait3A_186 = tpu.memref_slice %arg4[%add3A_168, %mul3A_170] : memref<10112x48xf32, #tpu.memory_space<hbm>> -> memref<158x24xf32, #tpu.memory_space<hbm>>
      %dma_wait3A_187 = tpu.memref_slice %arg4[%add3A_168, %mul3A_170] : memref<10112x48xf32, #tpu.memory_space<hbm>> -> memref<158x24xf32, #tpu.memory_space<hbm>>
      tpu.wait_dma2 semaphore(%run_scoped3A_183 : memref<!tpu.dma_semaphore, #tpu.memory_space<semaphore_mem>>) src(%arg12 : memref<158x24xf32, #tpu.memory_space<vmem>>) dst(%dma_wait3A_187 : memref<158x24xf32, #tpu.memory_space<hbm>>)
      tpu.yield
    }) : () -> ()
    %mul3A_171 = arith.constant 632 : i32
    %mul3A_172 = arith.muli %arg1, %mul3A_171 : i32
    %add3A_173 = arith.constant 316 : i32
    %add3A_174 = arith.addi %mul3A_172, %add3A_173 : i32
    "tpu.region"() ({
      %run_scoped3A_183 = tpu.sem_alloc : memref<!tpu.dma_semaphore, #tpu.memory_space<semaphore_mem>>
      %dma_start3A_184 = arith.constant 0 : i32
      %dma_start3A_185 = tpu.memref_slice %arg13[%add3A_174, %dma_start3A_184] : memref<10112x24xf32, #tpu.memory_space<vmem_shared>> -> memref<158x24xf32, #tpu.memory_space<vmem_shared>>
      %dma_start3A_186 = arith.constant 0 : i32
      %dma_start3A_187 = tpu.memref_slice %arg13[%add3A_174, %dma_start3A_186] : memref<10112x24xf32, #tpu.memory_space<vmem_shared>> -> memref<158x24xf32, #tpu.memory_space<vmem_shared>>
      tpu.enqueue_dma source(%dma_start3A_187 : memref<158x24xf32, #tpu.memory_space<vmem_shared>>) target(%arg12 : memref<158x24xf32, #tpu.memory_space<vmem>>) target_semaphore(%run_scoped3A_183 : memref<!tpu.dma_semaphore, #tpu.memory_space<semaphore_mem>>)
      %dma_wait3A_188 = arith.constant 0 : i32
      %dma_wait3A_189 = tpu.memref_slice %arg13[%add3A_174, %dma_wait3A_188] : memref<10112x24xf32, #tpu.memory_space<vmem_shared>> -> memref<158x24xf32, #tpu.memory_space<vmem_shared>>
      %dma_wait3A_190 = arith.constant 0 : i32
      %dma_wait3A_191 = tpu.memref_slice %arg13[%add3A_174, %dma_wait3A_190] : memref<10112x24xf32, #tpu.memory_space<vmem_shared>> -> memref<158x24xf32, #tpu.memory_space<vmem_shared>>
      tpu.wait_dma2 semaphore(%run_scoped3A_183 : memref<!tpu.dma_semaphore, #tpu.memory_space<semaphore_mem>>) src(%dma_wait3A_191 : memref<158x24xf32, #tpu.memory_space<vmem_shared>>) dst(%arg12 : memref<158x24xf32, #tpu.memory_space<vmem>>)
      tpu.yield
    }) : () -> ()
    %mul3A_175 = arith.constant 24 : i32
    %mul3A_176 = arith.muli %arg0, %mul3A_175 : i32
    "tpu.region"() ({
      %run_scoped3A_183 = tpu.sem_alloc : memref<!tpu.dma_semaphore, #tpu.memory_space<semaphore_mem>>
      %dma_start3A_184 = tpu.memref_slice %arg4[%add3A_174, %mul3A_176] : memref<10112x48xf32, #tpu.memory_space<hbm>> -> memref<158x24xf32, #tpu.memory_space<hbm>>
      %dma_start3A_185 = tpu.memref_slice %arg4[%add3A_174, %mul3A_176] : memref<10112x48xf32, #tpu.memory_space<hbm>> -> memref<158x24xf32, #tpu.memory_space<hbm>>
      tpu.enqueue_dma source(%arg12 : memref<158x24xf32, #tpu.memory_space<vmem>>) target(%dma_start3A_185 : memref<158x24xf32, #tpu.memory_space<hbm>>) target_semaphore(%run_scoped3A_183 : memref<!tpu.dma_semaphore, #tpu.memory_space<semaphore_mem>>)
      %dma_wait3A_186 = tpu.memref_slice %arg4[%add3A_174, %mul3A_176] : memref<10112x48xf32, #tpu.memory_space<hbm>> -> memref<158x24xf32, #tpu.memory_space<hbm>>
      %dma_wait3A_187 = tpu.memref_slice %arg4[%add3A_174, %mul3A_176] : memref<10112x48xf32, #tpu.memory_space<hbm>> -> memref<158x24xf32, #tpu.memory_space<hbm>>
      tpu.wait_dma2 semaphore(%run_scoped3A_183 : memref<!tpu.dma_semaphore, #tpu.memory_space<semaphore_mem>>) src(%arg12 : memref<158x24xf32, #tpu.memory_space<vmem>>) dst(%dma_wait3A_187 : memref<158x24xf32, #tpu.memory_space<hbm>>)
      tpu.yield
    }) : () -> ()
    %mul3A_177 = arith.constant 632 : i32
    %mul3A_178 = arith.muli %arg1, %mul3A_177 : i32
    %add3A_179 = arith.constant 474 : i32
    %add3A_180 = arith.addi %mul3A_178, %add3A_179 : i32
    "tpu.region"() ({
      %run_scoped3A_183 = tpu.sem_alloc : memref<!tpu.dma_semaphore, #tpu.memory_space<semaphore_mem>>
      %dma_start3A_184 = arith.constant 0 : i32
      %dma_start3A_185 = tpu.memref_slice %arg13[%add3A_180, %dma_start3A_184] : memref<10112x24xf32, #tpu.memory_space<vmem_shared>> -> memref<158x24xf32, #tpu.memory_space<vmem_shared>>
      %dma_start3A_186 = arith.constant 0 : i32
      %dma_start3A_187 = tpu.memref_slice %arg13[%add3A_180, %dma_start3A_186] : memref<10112x24xf32, #tpu.memory_space<vmem_shared>> -> memref<158x24xf32, #tpu.memory_space<vmem_shared>>
      tpu.enqueue_dma source(%dma_start3A_187 : memref<158x24xf32, #tpu.memory_space<vmem_shared>>) target(%arg12 : memref<158x24xf32, #tpu.memory_space<vmem>>) target_semaphore(%run_scoped3A_183 : memref<!tpu.dma_semaphore, #tpu.memory_space<semaphore_mem>>)
      %dma_wait3A_188 = arith.constant 0 : i32
      %dma_wait3A_189 = tpu.memref_slice %arg13[%add3A_180, %dma_wait3A_188] : memref<10112x24xf32, #tpu.memory_space<vmem_shared>> -> memref<158x24xf32, #tpu.memory_space<vmem_shared>>
      %dma_wait3A_190 = arith.constant 0 : i32
      %dma_wait3A_191 = tpu.memref_slice %arg13[%add3A_180, %dma_wait3A_190] : memref<10112x24xf32, #tpu.memory_space<vmem_shared>> -> memref<158x24xf32, #tpu.memory_space<vmem_shared>>
      tpu.wait_dma2 semaphore(%run_scoped3A_183 : memref<!tpu.dma_semaphore, #tpu.memory_space<semaphore_mem>>) src(%dma_wait3A_191 : memref<158x24xf32, #tpu.memory_space<vmem_shared>>) dst(%arg12 : memref<158x24xf32, #tpu.memory_space<vmem>>)
      tpu.yield
    }) : () -> ()
    %mul3A_181 = arith.constant 24 : i32
    %mul3A_182 = arith.muli %arg0, %mul3A_181 : i32
    "tpu.region"() ({
      %run_scoped3A_183 = tpu.sem_alloc : memref<!tpu.dma_semaphore, #tpu.memory_space<semaphore_mem>>
      %dma_start3A_184 = tpu.memref_slice %arg4[%add3A_180, %mul3A_182] : memref<10112x48xf32, #tpu.memory_space<hbm>> -> memref<158x24xf32, #tpu.memory_space<hbm>>
      %dma_start3A_185 = tpu.memref_slice %arg4[%add3A_180, %mul3A_182] : memref<10112x48xf32, #tpu.memory_space<hbm>> -> memref<158x24xf32, #tpu.memory_space<hbm>>
      tpu.enqueue_dma source(%arg12 : memref<158x24xf32, #tpu.memory_space<vmem>>) target(%dma_start3A_185 : memref<158x24xf32, #tpu.memory_space<hbm>>) target_semaphore(%run_scoped3A_183 : memref<!tpu.dma_semaphore, #tpu.memory_space<semaphore_mem>>)
      %dma_wait3A_186 = tpu.memref_slice %arg4[%add3A_180, %mul3A_182] : memref<10112x48xf32, #tpu.memory_space<hbm>> -> memref<158x24xf32, #tpu.memory_space<hbm>>
      %dma_wait3A_187 = tpu.memref_slice %arg4[%add3A_180, %mul3A_182] : memref<10112x48xf32, #tpu.memory_space<hbm>> -> memref<158x24xf32, #tpu.memory_space<hbm>>
      tpu.wait_dma2 semaphore(%run_scoped3A_183 : memref<!tpu.dma_semaphore, #tpu.memory_space<semaphore_mem>>) src(%arg12 : memref<158x24xf32, #tpu.memory_space<vmem>>) dst(%dma_wait3A_187 : memref<158x24xf32, #tpu.memory_space<hbm>>)
      tpu.yield
    }) : () -> ()
    return
  }
}

module attributes {stable_mosaic.version = 14 : i64} {
  func.func @_tc1_body(%arg0: i32, %arg1: memref<2000x2xf32, #tpu.memory_space<vmem>>, %arg2: memref<2000x128xf32, #tpu.memory_space<vmem>>, %arg3: memref<128x128xf32, #tpu.memory_space<vmem>>, %arg4: memref<2000x1xf32, #tpu.memory_space<vmem>>, %arg5: memref<2x2000x64xf32, #tpu.memory_space<vmem>>) attributes {dimension_semantics = [#tpu.dimension_semantics<arbitrary>], iteration_bounds = array<i64: 5>, scalar_prefetch = 0 : i64, scratch_operands = 0 : i64, tpu.core_type = #tpu.core_type<tc>, window_params = [{transform_indices = @transform_0, window_bounds = array<i64: 2000, 2>}, {transform_indices = @transform_1, window_bounds = array<i64: 2000, 128>}, {pipeline_mode = #tpu.pipeline_mode<synchronous>, transform_indices = @transform_2, window_bounds = array<i64: 128, 128>}, {transform_indices = @transform_3, window_bounds = array<i64: 2000, 1>}, {transform_indices = @transform_4, window_bounds = array<i64: 2, 2000, 64>}]} {
    %get3A = arith.constant 0 : index
    %get3A_0 = arith.constant 0 : index
    %get3A_1 = vector.load %arg1[%get3A, %get3A_0] : memref<2000x2xf32, #tpu.memory_space<vmem>>, vector<2000x1xf32>
    %get3A_2 = arith.constant 0 : index
    %get3A_3 = arith.constant 1 : index
    %get3A_4 = vector.load %arg1[%get3A_2, %get3A_3] : memref<2000x2xf32, #tpu.memory_space<vmem>>, vector<2000x1xf32>
    %add3A = arith.addf %get3A_1, %get3A_4 : vector<2000x1xf32>
    %add3A_5 = arith.constant 1.000000e+00 : f32
    %add3A_6 = vector.broadcast %add3A_5 : f32 to vector<2000x1xf32>
    %add3A_7 = arith.addf %add3A, %add3A_6 : vector<2000x1xf32>
    %rsqrt3A = math.rsqrt %add3A_7 : vector<2000x1xf32>
    %swap3A = arith.constant 0 : index
    %swap3A_8 = arith.constant 0 : index
    %swap3A_9 = vector.load %arg4[%swap3A, %swap3A_8] : memref<2000x1xf32, #tpu.memory_space<vmem>>, vector<2000x1xf32>
    tpu.vector_store %arg4[%swap3A, %swap3A_8], %rsqrt3A {strides = array<i32>} : memref<2000x1xf32, #tpu.memory_space<vmem>>, vector<2000x1xf32>,
    %get3A_10 = arith.constant 0 : index
    %get3A_11 = arith.constant 0 : index
    %get3A_12 = vector.load %arg2[%get3A_10, %get3A_11] : memref<2000x128xf32, #tpu.memory_space<vmem>>, vector<2000x128xf32>
    %get3A_13 = arith.constant 0 : index
    %get3A_14 = arith.constant 0 : index
    %get3A_15 = vector.load %arg3[%get3A_13, %get3A_14] : memref<128x128xf32, #tpu.memory_space<vmem>>, vector<128x128xf32>
    %dot_general3A = arith.constant dense<0.000000e+00> : vector<2000x128xf32>
    %dot_general3A_16 = tpu.matmul %get3A_12, %get3A_15, %dot_general3A {dimension_numbers = #tpu.dot_dimension_numbers<[1], [0], [0], [1], [0, 0, 1, 1], [], []>, transpose_lhs_hint = false} : vector<2000x128xf32>, vector<128x128xf32>, vector<2000x128xf32> -> vector<2000x128xf32>
    %mul3A = vector.broadcast %rsqrt3A : vector<2000x1xf32> to vector<2000x128xf32>
    %mul3A_17 = arith.mulf %mul3A, %dot_general3A_16 : vector<2000x128xf32>
    %slice3A = vector.extract_strided_slice %mul3A_17 {offsets = [0, 0], sizes = [2000, 64], strides = [1, 1]} : vector<2000x128xf32> to vector<2000x64xf32>
    %swap3A_18 = arith.constant 0 : index
    %swap3A_19 = arith.constant 0 : index
    %swap3A_20 = arith.constant 0 : index
    %swap3A_21 = vector.load %arg5[%swap3A_18, %swap3A_19, %swap3A_20] : memref<2x2000x64xf32, #tpu.memory_space<vmem>>, vector<1x2000x64xf32>
    %swap3A_22 = vector.shape_cast %swap3A_21 : vector<1x2000x64xf32> to vector<2000x64xf32>
    %swap3A_23 = vector.shape_cast %slice3A : vector<2000x64xf32> to vector<1x2000x64xf32>
    tpu.vector_store %arg5[%swap3A_18, %swap3A_19, %swap3A_20], %swap3A_23 {strides = array<i32>} : memref<2x2000x64xf32, #tpu.memory_space<vmem>>, vector<1x2000x64xf32>,
    %slice3A_24 = vector.extract_strided_slice %mul3A_17 {offsets = [0, 64], sizes = [2000, 64], strides = [1, 1]} : vector<2000x128xf32> to vector<2000x64xf32>
    %swap3A_25 = arith.constant 1 : index
    %swap3A_26 = arith.constant 0 : index
    %swap3A_27 = arith.constant 0 : index
    %swap3A_28 = vector.load %arg5[%swap3A_25, %swap3A_26, %swap3A_27] : memref<2x2000x64xf32, #tpu.memory_space<vmem>>, vector<1x2000x64xf32>
    %swap3A_29 = vector.shape_cast %swap3A_28 : vector<1x2000x64xf32> to vector<2000x64xf32>
    %swap3A_30 = vector.shape_cast %slice3A_24 : vector<2000x64xf32> to vector<1x2000x64xf32>
    tpu.vector_store %arg5[%swap3A_25, %swap3A_26, %swap3A_27], %swap3A_30 {strides = array<i32>} : memref<2x2000x64xf32, #tpu.memory_space<vmem>>, vector<1x2000x64xf32>,
    return
  }
  func.func @transform_0(%arg0: i32) -> (i32, i32) {
    %c0_i32 = arith.constant 0 : i32
    %c0_i32_0 = arith.constant 0 : i32
    return %arg0, %c0_i32 : i32, i32
  }
  func.func @transform_1(%arg0: i32) -> (i32, i32) {
    %c0_i32 = arith.constant 0 : i32
    %c0_i32_0 = arith.constant 0 : i32
    return %arg0, %c0_i32 : i32, i32
  }
  func.func @transform_2(%arg0: i32) -> (i32, i32) {
    %c0_i32 = arith.constant 0 : i32
    %c0_i32_0 = arith.constant 0 : i32
    %c0_i32_1 = arith.constant 0 : i32
    return %c0_i32, %c0_i32_0 : i32, i32
  }
  func.func @transform_3(%arg0: i32) -> (i32, i32) {
    %c0_i32 = arith.constant 0 : i32
    %c0_i32_0 = arith.constant 0 : i32
    return %arg0, %c0_i32 : i32, i32
  }
  func.func @transform_4(%arg0: i32) -> (i32, i32, i32) {
    %c0_i32 = arith.constant 0 : i32
    %c0_i32_0 = arith.constant 0 : i32
    %c0_i32_1 = arith.constant 0 : i32
    return %c0_i32, %arg0, %c0_i32_0 : i32, i32, i32
  }
}

module attributes {stable_mosaic.version = 14 : i64} {
  func.func @_tc_mid_body(%arg0: i32, %arg1: memref<2000x128xf32, #tpu.memory_space<vmem>>, %arg2: memref<2x2000x64xf32, #tpu.memory_space<vmem>>, %arg3: memref<2000x1xf32, #tpu.memory_space<vmem>>, %arg4: memref<1x128xf32, #tpu.memory_space<vmem>>, %arg5: memref<128x128xf32, #tpu.memory_space<vmem>>, %arg6: memref<2x2000x64xf32, #tpu.memory_space<vmem>>) attributes {dimension_semantics = [#tpu.dimension_semantics<arbitrary>], iteration_bounds = array<i64: 5>, scalar_prefetch = 0 : i64, scratch_operands = 0 : i64, tpu.core_type = #tpu.core_type<tc>, window_params = [{transform_indices = @transform_0, window_bounds = array<i64: 2000, 128>}, {transform_indices = @transform_1, window_bounds = array<i64: 2, 2000, 64>}, {transform_indices = @transform_2, window_bounds = array<i64: 2000, 1>}, {pipeline_mode = #tpu.pipeline_mode<synchronous>, transform_indices = @transform_3, window_bounds = array<i64: 1, 128>}, {pipeline_mode = #tpu.pipeline_mode<synchronous>, transform_indices = @transform_4, window_bounds = array<i64: 128, 128>}, {transform_indices = @transform_5, window_bounds = array<i64: 2, 2000, 64>}]} {
    %get3A = arith.constant 0 : index
    %get3A_0 = arith.constant 0 : index
    %get3A_1 = vector.load %arg3[%get3A, %get3A_0] : memref<2000x1xf32, #tpu.memory_space<vmem>>, vector<2000x1xf32>
    %get3A_2 = arith.constant 0 : index
    %get3A_3 = arith.constant 0 : index
    %get3A_4 = arith.constant 0 : index
    %get3A_5 = vector.load %arg2[%get3A_2, %get3A_3, %get3A_4] : memref<2x2000x64xf32, #tpu.memory_space<vmem>>, vector<1x2000x64xf32>
    %get3A_6 = vector.shape_cast %get3A_5 : vector<1x2000x64xf32> to vector<2000x64xf32>
    %get3A_7 = arith.constant 1 : index
    %get3A_8 = arith.constant 0 : index
    %get3A_9 = arith.constant 0 : index
    %get3A_10 = vector.load %arg2[%get3A_7, %get3A_8, %get3A_9] : memref<2x2000x64xf32, #tpu.memory_space<vmem>>, vector<1x2000x64xf32>
    %get3A_11 = vector.shape_cast %get3A_10 : vector<1x2000x64xf32> to vector<2000x64xf32>
    %concatenate3A = tpu.concatenate %get3A_6, %get3A_11 in 1 : vector<2000x64xf32>, vector<2000x64xf32> -> vector<2000x128xf32>
    %get3A_12 = arith.constant 0 : index
    %get3A_13 = arith.constant 0 : index
    %get3A_14 = vector.load %arg1[%get3A_12, %get3A_13] : memref<2000x128xf32, #tpu.memory_space<vmem>>, vector<2000x128xf32>
    %add3A = arith.addf %get3A_14, %concatenate3A : vector<2000x128xf32>
    %mul3A = vector.broadcast %get3A_1 : vector<2000x1xf32> to vector<2000x128xf32>
    %mul3A_15 = arith.mulf %mul3A, %add3A : vector<2000x128xf32>
    %get3A_16 = arith.constant 0 : index
    %get3A_17 = arith.constant 0 : index
    %get3A_18 = vector.load %arg4[%get3A_16, %get3A_17] : memref<1x128xf32, #tpu.memory_space<vmem>>, vector<1x128xf32>
    %add3A_19 = vector.broadcast %get3A_18 : vector<1x128xf32> to vector<2000x128xf32>
    %add3A_20 = arith.addf %mul3A_15, %add3A_19 : vector<2000x128xf32>
    %max3A = arith.constant 0.000000e+00 : f32
    %max3A_21 = vector.broadcast %max3A : f32 to vector<2000x128xf32>
    %max3A_22 = arith.maximumf %add3A_20, %max3A_21 : vector<2000x128xf32>
    %get3A_23 = arith.constant 0 : index
    %get3A_24 = arith.constant 0 : index
    %get3A_25 = vector.load %arg5[%get3A_23, %get3A_24] : memref<128x128xf32, #tpu.memory_space<vmem>>, vector<128x128xf32>
    %dot_general3A = arith.constant dense<0.000000e+00> : vector<2000x128xf32>
    %dot_general3A_26 = tpu.matmul %max3A_22, %get3A_25, %dot_general3A {dimension_numbers = #tpu.dot_dimension_numbers<[1], [0], [0], [1], [0, 0, 1, 1], [], []>, transpose_lhs_hint = false} : vector<2000x128xf32>, vector<128x128xf32>, vector<2000x128xf32> -> vector<2000x128xf32>
    %mul3A_27 = vector.broadcast %get3A_1 : vector<2000x1xf32> to vector<2000x128xf32>
    %mul3A_28 = arith.mulf %mul3A_27, %dot_general3A_26 : vector<2000x128xf32>
    %slice3A = vector.extract_strided_slice %mul3A_28 {offsets = [0, 0], sizes = [2000, 64], strides = [1, 1]} : vector<2000x128xf32> to vector<2000x64xf32>
    %swap3A = arith.constant 0 : index
    %swap3A_29 = arith.constant 0 : index
    %swap3A_30 = arith.constant 0 : index
    %swap3A_31 = vector.load %arg6[%swap3A, %swap3A_29, %swap3A_30] : memref<2x2000x64xf32, #tpu.memory_space<vmem>>, vector<1x2000x64xf32>
    %swap3A_32 = vector.shape_cast %swap3A_31 : vector<1x2000x64xf32> to vector<2000x64xf32>
    %swap3A_33 = vector.shape_cast %slice3A : vector<2000x64xf32> to vector<1x2000x64xf32>
    tpu.vector_store %arg6[%swap3A, %swap3A_29, %swap3A_30], %swap3A_33 {strides = array<i32>} : memref<2x2000x64xf32, #tpu.memory_space<vmem>>, vector<1x2000x64xf32>,
    %slice3A_34 = vector.extract_strided_slice %mul3A_28 {offsets = [0, 64], sizes = [2000, 64], strides = [1, 1]} : vector<2000x128xf32> to vector<2000x64xf32>
    %swap3A_35 = arith.constant 1 : index
    %swap3A_36 = arith.constant 0 : index
    %swap3A_37 = arith.constant 0 : index
    %swap3A_38 = vector.load %arg6[%swap3A_35, %swap3A_36, %swap3A_37] : memref<2x2000x64xf32, #tpu.memory_space<vmem>>, vector<1x2000x64xf32>
    %swap3A_39 = vector.shape_cast %swap3A_38 : vector<1x2000x64xf32> to vector<2000x64xf32>
    %swap3A_40 = vector.shape_cast %slice3A_34 : vector<2000x64xf32> to vector<1x2000x64xf32>
    tpu.vector_store %arg6[%swap3A_35, %swap3A_36, %swap3A_37], %swap3A_40 {strides = array<i32>} : memref<2x2000x64xf32, #tpu.memory_space<vmem>>, vector<1x2000x64xf32>,
    return
  }
  func.func @transform_0(%arg0: i32) -> (i32, i32) {
    %c0_i32 = arith.constant 0 : i32
    %c0_i32_0 = arith.constant 0 : i32
    return %arg0, %c0_i32 : i32, i32
  }
  func.func @transform_1(%arg0: i32) -> (i32, i32, i32) {
    %c0_i32 = arith.constant 0 : i32
    %c0_i32_0 = arith.constant 0 : i32
    %c0_i32_1 = arith.constant 0 : i32
    return %c0_i32, %arg0, %c0_i32_0 : i32, i32, i32
  }
  func.func @transform_2(%arg0: i32) -> (i32, i32) {
    %c0_i32 = arith.constant 0 : i32
    %c0_i32_0 = arith.constant 0 : i32
    return %arg0, %c0_i32 : i32, i32
  }
  func.func @transform_3(%arg0: i32) -> (i32, i32) {
    %c0_i32 = arith.constant 0 : i32
    %c0_i32_0 = arith.constant 0 : i32
    %c0_i32_1 = arith.constant 0 : i32
    return %c0_i32, %c0_i32_0 : i32, i32
  }
  func.func @transform_4(%arg0: i32) -> (i32, i32) {
    %c0_i32 = arith.constant 0 : i32
    %c0_i32_0 = arith.constant 0 : i32
    %c0_i32_1 = arith.constant 0 : i32
    return %c0_i32, %c0_i32_0 : i32, i32
  }
  func.func @transform_5(%arg0: i32) -> (i32, i32, i32) {
    %c0_i32 = arith.constant 0 : i32
    %c0_i32_0 = arith.constant 0 : i32
    %c0_i32_1 = arith.constant 0 : i32
    return %c0_i32, %arg0, %c0_i32_0 : i32, i32, i32
  }
}

module attributes {stable_mosaic.version = 14 : i64} {
  func.func @_tc_mid_body(%arg0: i32, %arg1: memref<2000x128xf32, #tpu.memory_space<vmem>>, %arg2: memref<2x2000x64xf32, #tpu.memory_space<vmem>>, %arg3: memref<2000x1xf32, #tpu.memory_space<vmem>>, %arg4: memref<1x128xf32, #tpu.memory_space<vmem>>, %arg5: memref<128x48xf32, #tpu.memory_space<vmem>>, %arg6: memref<2x2000x24xf32, #tpu.memory_space<vmem>>) attributes {dimension_semantics = [#tpu.dimension_semantics<arbitrary>], iteration_bounds = array<i64: 5>, scalar_prefetch = 0 : i64, scratch_operands = 0 : i64, tpu.core_type = #tpu.core_type<tc>, window_params = [{transform_indices = @transform_0, window_bounds = array<i64: 2000, 128>}, {transform_indices = @transform_1, window_bounds = array<i64: 2, 2000, 64>}, {transform_indices = @transform_2, window_bounds = array<i64: 2000, 1>}, {pipeline_mode = #tpu.pipeline_mode<synchronous>, transform_indices = @transform_3, window_bounds = array<i64: 1, 128>}, {pipeline_mode = #tpu.pipeline_mode<synchronous>, transform_indices = @transform_4, window_bounds = array<i64: 128, 48>}, {transform_indices = @transform_5, window_bounds = array<i64: 2, 2000, 24>}]} {
    %get3A = arith.constant 0 : index
    %get3A_0 = arith.constant 0 : index
    %get3A_1 = vector.load %arg3[%get3A, %get3A_0] : memref<2000x1xf32, #tpu.memory_space<vmem>>, vector<2000x1xf32>
    %get3A_2 = arith.constant 0 : index
    %get3A_3 = arith.constant 0 : index
    %get3A_4 = arith.constant 0 : index
    %get3A_5 = vector.load %arg2[%get3A_2, %get3A_3, %get3A_4] : memref<2x2000x64xf32, #tpu.memory_space<vmem>>, vector<1x2000x64xf32>
    %get3A_6 = vector.shape_cast %get3A_5 : vector<1x2000x64xf32> to vector<2000x64xf32>
    %get3A_7 = arith.constant 1 : index
    %get3A_8 = arith.constant 0 : index
    %get3A_9 = arith.constant 0 : index
    %get3A_10 = vector.load %arg2[%get3A_7, %get3A_8, %get3A_9] : memref<2x2000x64xf32, #tpu.memory_space<vmem>>, vector<1x2000x64xf32>
    %get3A_11 = vector.shape_cast %get3A_10 : vector<1x2000x64xf32> to vector<2000x64xf32>
    %concatenate3A = tpu.concatenate %get3A_6, %get3A_11 in 1 : vector<2000x64xf32>, vector<2000x64xf32> -> vector<2000x128xf32>
    %get3A_12 = arith.constant 0 : index
    %get3A_13 = arith.constant 0 : index
    %get3A_14 = vector.load %arg1[%get3A_12, %get3A_13] : memref<2000x128xf32, #tpu.memory_space<vmem>>, vector<2000x128xf32>
    %add3A = arith.addf %get3A_14, %concatenate3A : vector<2000x128xf32>
    %mul3A = vector.broadcast %get3A_1 : vector<2000x1xf32> to vector<2000x128xf32>
    %mul3A_15 = arith.mulf %mul3A, %add3A : vector<2000x128xf32>
    %get3A_16 = arith.constant 0 : index
    %get3A_17 = arith.constant 0 : index
    %get3A_18 = vector.load %arg4[%get3A_16, %get3A_17] : memref<1x128xf32, #tpu.memory_space<vmem>>, vector<1x128xf32>
    %add3A_19 = vector.broadcast %get3A_18 : vector<1x128xf32> to vector<2000x128xf32>
    %add3A_20 = arith.addf %mul3A_15, %add3A_19 : vector<2000x128xf32>
    %max3A = arith.constant 0.000000e+00 : f32
    %max3A_21 = vector.broadcast %max3A : f32 to vector<2000x128xf32>
    %max3A_22 = arith.maximumf %add3A_20, %max3A_21 : vector<2000x128xf32>
    %get3A_23 = arith.constant 0 : index
    %get3A_24 = arith.constant 0 : index
    %get3A_25 = vector.load %arg5[%get3A_23, %get3A_24] : memref<128x48xf32, #tpu.memory_space<vmem>>, vector<128x48xf32>
    %dot_general3A = arith.constant dense<0.000000e+00> : vector<2000x48xf32>
    %dot_general3A_26 = tpu.matmul %max3A_22, %get3A_25, %dot_general3A {dimension_numbers = #tpu.dot_dimension_numbers<[1], [0], [0], [1], [0, 0, 1, 1], [], []>, transpose_lhs_hint = false} : vector<2000x128xf32>, vector<128x48xf32>, vector<2000x48xf32> -> vector<2000x48xf32>
    %mul3A_27 = vector.broadcast %get3A_1 : vector<2000x1xf32> to vector<2000x48xf32>
    %mul3A_28 = arith.mulf %mul3A_27, %dot_general3A_26 : vector<2000x48xf32>
    %slice3A = vector.extract_strided_slice %mul3A_28 {offsets = [0, 0], sizes = [2000, 24], strides = [1, 1]} : vector<2000x48xf32> to vector<2000x24xf32>
    %swap3A = arith.constant 0 : index
    %swap3A_29 = arith.constant 0 : index
    %swap3A_30 = arith.constant 0 : index
    %swap3A_31 = vector.load %arg6[%swap3A, %swap3A_29, %swap3A_30] : memref<2x2000x24xf32, #tpu.memory_space<vmem>>, vector<1x2000x24xf32>
    %swap3A_32 = vector.shape_cast %swap3A_31 : vector<1x2000x24xf32> to vector<2000x24xf32>
    %swap3A_33 = vector.shape_cast %slice3A : vector<2000x24xf32> to vector<1x2000x24xf32>
    tpu.vector_store %arg6[%swap3A, %swap3A_29, %swap3A_30], %swap3A_33 {strides = array<i32>} : memref<2x2000x24xf32, #tpu.memory_space<vmem>>, vector<1x2000x24xf32>,
    %slice3A_34 = vector.extract_strided_slice %mul3A_28 {offsets = [0, 24], sizes = [2000, 24], strides = [1, 1]} : vector<2000x48xf32> to vector<2000x24xf32>
    %swap3A_35 = arith.constant 1 : index
    %swap3A_36 = arith.constant 0 : index
    %swap3A_37 = arith.constant 0 : index
    %swap3A_38 = vector.load %arg6[%swap3A_35, %swap3A_36, %swap3A_37] : memref<2x2000x24xf32, #tpu.memory_space<vmem>>, vector<1x2000x24xf32>
    %swap3A_39 = vector.shape_cast %swap3A_38 : vector<1x2000x24xf32> to vector<2000x24xf32>
    %swap3A_40 = vector.shape_cast %slice3A_34 : vector<2000x24xf32> to vector<1x2000x24xf32>
    tpu.vector_store %arg6[%swap3A_35, %swap3A_36, %swap3A_37], %swap3A_40 {strides = array<i32>} : memref<2x2000x24xf32, #tpu.memory_space<vmem>>, vector<1x2000x24xf32>,
    return
  }
  func.func @transform_0(%arg0: i32) -> (i32, i32) {
    %c0_i32 = arith.constant 0 : i32
    %c0_i32_0 = arith.constant 0 : i32
    return %arg0, %c0_i32 : i32, i32
  }
  func.func @transform_1(%arg0: i32) -> (i32, i32, i32) {
    %c0_i32 = arith.constant 0 : i32
    %c0_i32_0 = arith.constant 0 : i32
    %c0_i32_1 = arith.constant 0 : i32
    return %c0_i32, %arg0, %c0_i32_0 : i32, i32, i32
  }
  func.func @transform_2(%arg0: i32) -> (i32, i32) {
    %c0_i32 = arith.constant 0 : i32
    %c0_i32_0 = arith.constant 0 : i32
    return %arg0, %c0_i32 : i32, i32
  }
  func.func @transform_3(%arg0: i32) -> (i32, i32) {
    %c0_i32 = arith.constant 0 : i32
    %c0_i32_0 = arith.constant 0 : i32
    %c0_i32_1 = arith.constant 0 : i32
    return %c0_i32, %c0_i32_0 : i32, i32
  }
  func.func @transform_4(%arg0: i32) -> (i32, i32) {
    %c0_i32 = arith.constant 0 : i32
    %c0_i32_0 = arith.constant 0 : i32
    %c0_i32_1 = arith.constant 0 : i32
    return %c0_i32, %c0_i32_0 : i32, i32
  }
  func.func @transform_5(%arg0: i32) -> (i32, i32, i32) {
    %c0_i32 = arith.constant 0 : i32
    %c0_i32_0 = arith.constant 0 : i32
    %c0_i32_1 = arith.constant 0 : i32
    return %c0_i32, %arg0, %c0_i32_0 : i32, i32, i32
  }
}

module attributes {stable_mosaic.version = 14 : i64} {
  func.func @_tc_out_body(%arg0: i32, %arg1: memref<2000x48xf32, #tpu.memory_space<vmem>>, %arg2: memref<2x2000x24xf32, #tpu.memory_space<vmem>>, %arg3: memref<2000x1xf32, #tpu.memory_space<vmem>>, %arg4: memref<1x48xf32, #tpu.memory_space<vmem>>, %arg5: memref<2000x40xf32, #tpu.memory_space<vmem>>) attributes {dimension_semantics = [#tpu.dimension_semantics<arbitrary>], iteration_bounds = array<i64: 5>, scalar_prefetch = 0 : i64, scratch_operands = 0 : i64, tpu.core_type = #tpu.core_type<tc>, window_params = [{transform_indices = @transform_0, window_bounds = array<i64: 2000, 48>}, {transform_indices = @transform_1, window_bounds = array<i64: 2, 2000, 24>}, {transform_indices = @transform_2, window_bounds = array<i64: 2000, 1>}, {pipeline_mode = #tpu.pipeline_mode<synchronous>, transform_indices = @transform_3, window_bounds = array<i64: 1, 48>}, {transform_indices = @transform_4, window_bounds = array<i64: 2000, 40>}]} {
    %get3A = arith.constant 0 : index
    %get3A_0 = arith.constant 0 : index
    %get3A_1 = arith.constant 0 : index
    %get3A_2 = vector.load %arg2[%get3A, %get3A_0, %get3A_1] : memref<2x2000x24xf32, #tpu.memory_space<vmem>>, vector<1x2000x24xf32>
    %get3A_3 = vector.shape_cast %get3A_2 : vector<1x2000x24xf32> to vector<2000x24xf32>
    %get3A_4 = arith.constant 1 : index
    %get3A_5 = arith.constant 0 : index
    %get3A_6 = arith.constant 0 : index
    %get3A_7 = vector.load %arg2[%get3A_4, %get3A_5, %get3A_6] : memref<2x2000x24xf32, #tpu.memory_space<vmem>>, vector<1x2000x24xf32>
    %get3A_8 = vector.shape_cast %get3A_7 : vector<1x2000x24xf32> to vector<2000x24xf32>
    %concatenate3A = tpu.concatenate %get3A_3, %get3A_8 in 1 : vector<2000x24xf32>, vector<2000x24xf32> -> vector<2000x48xf32>
    %get3A_9 = arith.constant 0 : index
    %get3A_10 = arith.constant 0 : index
    %get3A_11 = vector.load %arg3[%get3A_9, %get3A_10] : memref<2000x1xf32, #tpu.memory_space<vmem>>, vector<2000x1xf32>
    %get3A_12 = arith.constant 0 : index
    %get3A_13 = arith.constant 0 : index
    %get3A_14 = vector.load %arg1[%get3A_12, %get3A_13] : memref<2000x48xf32, #tpu.memory_space<vmem>>, vector<2000x48xf32>
    %add3A = arith.addf %get3A_14, %concatenate3A : vector<2000x48xf32>
    %mul3A = vector.broadcast %get3A_11 : vector<2000x1xf32> to vector<2000x48xf32>
    %mul3A_15 = arith.mulf %mul3A, %add3A : vector<2000x48xf32>
    %get3A_16 = arith.constant 0 : index
    %get3A_17 = arith.constant 0 : index
    %get3A_18 = vector.load %arg4[%get3A_16, %get3A_17] : memref<1x48xf32, #tpu.memory_space<vmem>>, vector<1x48xf32>
    %add3A_19 = vector.broadcast %get3A_18 : vector<1x48xf32> to vector<2000x48xf32>
    %add3A_20 = arith.addf %mul3A_15, %add3A_19 : vector<2000x48xf32>
    %iota3A = tpu.iota {dimensions = array<i32: 1>} : vector<2000x48xi32>
    %lt3A = arith.constant 40 : i32
    %lt3A_21 = vector.broadcast %lt3A : i32 to vector<2000x48xi32>
    %lt3A_22 = arith.cmpi slt, %iota3A, %lt3A_21 : vector<2000x48xi32>
    %jit3A = arith.constant 0xFF800000 : f32
    %broadcast_in_dim3A = vector.broadcast %jit3A : f32 to vector<2000x48xf32>
    %select_n3A = arith.select %lt3A_22, %add3A_20, %broadcast_in_dim3A : vector<2000x48xi1>, vector<2000x48xf32>
    %reduce_max3A = arith.constant dense<0xFF800000> : vector<2000xf32>
    %reduce_max3A_23 = vector.multi_reduction <maximumf>, %select_n3A, %reduce_max3A [1] : vector<2000x48xf32> to vector<2000xf32>
    %broadcast_in_dim3A_24 = vector.shape_cast %reduce_max3A_23 : vector<2000xf32> to vector<2000x1xf32>
    %sub3A = vector.broadcast %broadcast_in_dim3A_24 : vector<2000x1xf32> to vector<2000x48xf32>
    %sub3A_25 = arith.subf %select_n3A, %sub3A : vector<2000x48xf32>
    %exp3A = math.exp %sub3A_25 : vector<2000x48xf32>
    %reduce_sum3A = arith.constant dense<0.000000e+00> : vector<2000xf32>
    %reduce_sum3A_26 = vector.multi_reduction <add>, %exp3A, %reduce_sum3A [1] : vector<2000x48xf32> to vector<2000xf32>
    %broadcast_in_dim3A_27 = vector.shape_cast %reduce_sum3A_26 : vector<2000xf32> to vector<2000x1xf32>
    %log3A = math.log %broadcast_in_dim3A_27 : vector<2000x1xf32>
    %sub3A_28 = vector.broadcast %log3A : vector<2000x1xf32> to vector<2000x48xf32>
    %sub3A_29 = arith.subf %sub3A_25, %sub3A_28 : vector<2000x48xf32>
    %slice3A = vector.extract_strided_slice %sub3A_29 {offsets = [0, 0], sizes = [2000, 40], strides = [1, 1]} : vector<2000x48xf32> to vector<2000x40xf32>
    %swap3A = arith.constant 0 : index
    %swap3A_30 = arith.constant 0 : index
    %swap3A_31 = vector.load %arg5[%swap3A, %swap3A_30] : memref<2000x40xf32, #tpu.memory_space<vmem>>, vector<2000x40xf32>
    tpu.vector_store %arg5[%swap3A, %swap3A_30], %slice3A {strides = array<i32>} : memref<2000x40xf32, #tpu.memory_space<vmem>>, vector<2000x40xf32>,
    return
  }
  func.func @transform_0(%arg0: i32) -> (i32, i32) {
    %c0_i32 = arith.constant 0 : i32
    %c0_i32_0 = arith.constant 0 : i32
    return %arg0, %c0_i32 : i32, i32
  }
  func.func @transform_1(%arg0: i32) -> (i32, i32, i32) {
    %c0_i32 = arith.constant 0 : i32
    %c0_i32_0 = arith.constant 0 : i32
    %c0_i32_1 = arith.constant 0 : i32
    return %c0_i32, %arg0, %c0_i32_0 : i32, i32, i32
  }
  func.func @transform_2(%arg0: i32) -> (i32, i32) {
    %c0_i32 = arith.constant 0 : i32
    %c0_i32_0 = arith.constant 0 : i32
    return %arg0, %c0_i32 : i32, i32
  }
  func.func @transform_3(%arg0: i32) -> (i32, i32) {
    %c0_i32 = arith.constant 0 : i32
    %c0_i32_0 = arith.constant 0 : i32
    %c0_i32_1 = arith.constant 0 : i32
    return %c0_i32, %c0_i32_0 : i32, i32
  }
  func.func @transform_4(%arg0: i32) -> (i32, i32) {
    %c0_i32 = arith.constant 0 : i32
    %c0_i32_0 = arith.constant 0 : i32
    return %arg0, %c0_i32 : i32, i32
  }
}

</mosaic_0001>

<sc_bundles>
// kernel: kernel.10.cloned.1.call-start
scs
__scs_entry_jumppad:
0x0: {  	(pc) =	sbr.rel $0x88, $3  }
0x1: {  	(tag) =	ssettag $0x0;
	lr =	simm.s32 $0x1  }
0x2: {  	[smem:$0x3F99] =	sst lr;
	_ =	strace $0xD0000000  }
0x3: {  	_ = 	snop  }
0x4: {  	_ = 	snop  }
0x5: {  	_ = 	snop  }
0x6: {  	_ = 	snop  }
0x7: {  	_ = 	snop  }
__scs_overlays_trampoline_lowered:
0x8: {  	[smem:$0x3FA8] =	sst s0  }
0x9: {  	[smem:$0x3FA9] =	sst s1  }
0xa: {  	[smem:$0x3FAA] =	sst s2  }
0xb: {  	[smem:$0x3FAB] =	sst s3  }
0xc: {  	[smem:$0x3FAC] =	sst s4  }
0xd: {  	[smem:$0x3FAD] =	sst s5  }
0xe: {  	[smem:$0x3FAE] =	sst s6  }
0xf: {  	[smem:$0x3FAF] =	sst s7  }
0x10: {  	[smem:$0x3FB0] =	sst s8  }
0x11: {  	[smem:$0x3FB1] =	sst s9;
	s0 =	simm.s32 @!p0 $0x0  }
0x12: {  	s1 =	sld [smem:$0x3F97];
	s0 =	simm.s32 @p0 $0x1  }
0x13: {  	[smem:$0x3FB2] =	sst s0;
	s0 =	simm.s32 @!p1 $0x0  }
0x14: {  	s2 =	sld [smem:$0x3F96];
	s0 =	simm.s32 @p1 $0x1  }
0x15: {  	[smem:$0x3FB3] =	sst s0;
	s0 =	simm.s32 @!p2 $0x0  }
0x16: {  	s3 =	sld [smem:$0x3FDB];
	s0 =	simm.s32 @p2 $0x1  }
0x17: {  	s4 =	simm.s32 $0x1BF5;
	[smem:$0x3FB5] =	sst s0  }
0x18: {  	s0 =	sld [smem:$0x3F98];
	_ =	swait.ge [sflag:s4], $0x0  }
0x19: {  	s7 =	sld [smem:$0x3F99]  }
0x1a: {  	s8 =	sadd.s32 $0xFFFFE003, lr  }
0x1b: {  	s9 =	sadd.s32 $0xFFFFFEF7, lr;
	s5 =	simm.s32 $0xFFFFFFFF;
	p2 =	slt.u32 s8, $0xFFFFF086  }
0x1c: {  	p1 =	slt.u32 s9, $0xF7A;
	s5 =	simm.s32 @!p2 $0x0  }
0x1d: {  	s5 =	simm.s32 @p1 $0x1;
	p0 =	seq.s32 s7, s2  }
0x1e: {  	s7 =	smul.u32 @!p0 $0xF7A, s2;
	p2 =	seq.s32 @!p0 s5, $0x0  }
0x1f: {  	s9 =	smul.u32 $0xF7A, s1;
	s8 =	simm.s32 @!p0 $0x1BF5;
	p2 =	por !p2, p0  }
0x20: {  	[sflag:s8] =	ssyncset.s32 @!p0 $0xFFFFF086;
	s6 =	sadd.s32 @!p0 s3, s7;
	s7 =	simm.s32 @!p0 $0x108  }
0x21: {  	s3 =	sadd.s32 s3, s9;
	s6 =	sadd.s32 @!p0 $0x88, s6;
	s7 =	simm.s32 @p2 $0x1082  }
0x22: {  	[simem:s7], [sflag:s8] =	dma.local @!p0 [hbm:s6], $0xF7A  }
0x23: {  	s9 =	sor.u32 $0xD0000000, s2;
	s6 =	simm.s32 $0x108;
	_ =	swait.ge @!p0 [sflag:s8], $0x0  }
0x24: {  	s3 =	sadd.s32 $0x88, s3;
	s6 =	simm.s32 @!p1 $0x1082;
	[sflag:s4] =	ssyncset.s32 $0xFFFFF086  }
0x25: {  	[simem:s6], [sflag:s4] =	dma.local [hbm:s3], $0xF7A  }
0x26: {  	[smem:$0x3F99] =	sst s1;
	(tag) =	ssettag s2;
	_ =	strace s9  }
0x27: {  	s1 =	sld [smem:$0x3FA9]  }
0x28: {  	s2 =	sld [smem:$0x3FAA]  }
0x29: {  	s4 =	sld [smem:$0x3FAC]  }
0x2a: {  	p0 =	seq.s32 s5, $0x0;
	s5 =	sld [smem:$0x3FAD]  }
0x2b: {  	s6 =	sld [smem:$0x3FAE]  }
0x2c: {  	s7 =	sld [smem:$0x3FAF]  }
0x2d: {  	s3 =	simm.s32 $0x108;
	s8 =	sld [smem:$0x3FB0]  }
0x2e: {  	s3 =	simm.s32 @!p0 $0x1082;
	s9 =	sld [smem:$0x3FB1]  }
0x2f: {  	lr =	sadd.s32 s0, s3;
	s0 =	sld [smem:$0x3FA8]  }
0x30: {  	s3 =	sld [smem:$0x3FAB]  }
0x31: {  	[smem:$0x3FB4] =	sst s10  }
0x32: {  	s10 =	sld [smem:$0x3FB2];
	_ =	sdelay $0x3  }
0x33: {  	p0 =	seq.s32 s10, $0x1;
	s10 =	sld [smem:$0x3FB4];
	_ =	sdelay $0x3  }
0x34: {  	[smem:$0x3FB4] =	sst s10  }
0x35: {  	s10 =	sld [smem:$0x3FB3];
	_ =	sdelay $0x3  }
0x36: {  	p1 =	seq.s32 s10, $0x1;
	s10 =	sld [smem:$0x3FB4];
	_ =	sdelay $0x3  }
0x37: {  	[smem:$0x3FB4] =	sst s10  }
0x38: {  	s10 =	sld [smem:$0x3FB5]  }
0x39: {  	_ = 	snop;
	(pc) =	sbr.ind lr, $3  }
0x3a: {  	_ = 	snop  }
0x3b: {  	_ = 	snop  }
0x3c: {  	p2 =	seq.s32 s10, $0x1;
	s10 =	sld [smem:$0x3FB4]  }
0x3d: {  	_ =	shalt  }
0x3e: {  	_ =	shalt  }
0x3f: {  	_ =	shalt  }
0x40: {  	_ =	shalt  }
0x41: {  	_ =	shalt  }
0x42: {  	_ =	shalt  }
0x43: {  	_ =	shalt  }
0x44: {  	_ =	shalt  }
0x45: {  	_ =	shalt  }
0x46: {  	_ =	shalt  }
0x47: {  	_ =	shalt  }
0x48: {  	_ =	shalt  }
0x49: {  	_ =	shalt  }
0x4a: {  	_ =	shalt  }
0x4b: {  	_ =	shalt  }
0x4c: {  	_ =	shalt  }
0x4d: {  	_ =	shalt  }
0x4e: {  	_ =	shalt  }
0x4f: {  	_ =	shalt  }
0x50: {  	_ =	shalt  }
0x51: {  	_ =	shalt  }
0x52: {  	_ =	shalt  }
0x53: {  	_ =	shalt  }
0x54: {  	_ =	shalt  }
0x55: {  	_ =	shalt  }
0x56: {  	_ =	shalt  }
0x57: {  	_ =	shalt  }
0x58: {  	_ =	shalt  }
0x59: {  	_ =	shalt  }
0x5a: {  	_ =	shalt  }
0x5b: {  	_ =	shalt  }
0x5c: {  	_ =	shalt  }
0x5d: {  	_ =	shalt  }
0x5e: {  	_ =	shalt  }
0x5f: {  	_ =	shalt  }
0x60: {  	_ =	shalt  }
0x61: {  	_ =	shalt  }
0x62: {  	_ =	shalt  }
0x63: {  	_ =	shalt  }
0x64: {  	_ =	shalt  }
0x65: {  	_ =	shalt  }
0x66: {  	_ =	shalt  }
0x67: {  	_ =	shalt  }
0x68: {  	_ =	shalt  }
0x69: {  	_ =	shalt  }
0x6a: {  	_ =	shalt  }
0x6b: {  	_ =	shalt  }
0x6c: {  	_ =	shalt  }
0x6d: {  	_ =	shalt  }
0x6e: {  	_ =	shalt  }
0x6f: {  	_ =	shalt  }
0x70: {  	_ =	shalt  }
0x71: {  	_ =	shalt  }
0x72: {  	_ =	shalt  }
0x73: {  	_ =	shalt  }
0x74: {  	_ =	shalt  }
0x75: {  	_ =	shalt  }
0x76: {  	_ =	shalt  }
0x77: {  	_ =	shalt  }
0x78: {  	_ =	shalt  }
0x79: {  	_ =	shalt  }
0x7a: {  	_ =	shalt  }
0x7b: {  	_ =	shalt  }
0x7c: {  	_ =	shalt  }
0x7d: {  	_ =	shalt  }
0x7e: {  	_ =	shalt  }
0x7f: {  	_ =	shalt  }
0x80: {  	_ =	shalt  }
0x81: {  	_ =	shalt  }
0x82: {  	_ =	shalt  }
0x83: {  	_ =	shalt  }
0x84: {  	_ =	shalt  }
0x85: {  	_ =	shalt  }
0x86: {  	_ =	shalt  }
0x87: {  	_ =	shalt  }
.Lfunc_end0:
.L_simem_size_0:
called_computation_lowered:
.L_overlay_start_0:
0x88: {  	s2 =	sld [smem:$0x3FD9]  }
0x89: {  	s3 =	sld [smem:$0x3FFE];
	_ =	sdelay $0x1  }
0x8a: {  	s1 =	srdreg.scid  }
0x8b: {  	s0 =	sand.u32 $0x1, s1  }
0x8c: {  	s17 =	sshll.u32 s0, $0xA;
	s2 =	sadd.s32 s3, s2  }
0x8d: {  	s2 =	sadd.s32 s2, s17  }
0x8e: {  	[smem:$0x3FC0] =	sst s2  }
0x8f: {  	_ = 	snop  }
0x90: {  	s2 =	sld [smem:$0x3FD0];
	(tm) =	ssettm $0x1  }
0x91: {  	s18 =	sld [smem:$0x3FFB];
	_ =	sdelay $0x3  }
0x92: {  	_ =	strace s18  }
0x93: {  	s3 =	sld [smem:$0x3FFC];
	_ =	sdelay $0x3  }
0x94: {  	_ =	strace s3  }
0x95: {  	s3 =	sld [smem:$0x3FFD];
	_ =	sdelay $0x3  }
0x96: {  	_ =	strace s3  }
0x97: {  	_ =	strace $0x8FFFFFFF  }
0x98: {  	s19 =	sld [smem:$0x3FDB];
	_ =	sdelay $0x1  }
0x99: {  	s4 =	simm.s32 $_scs_section_size  }
0x9a: {  	s5 =	simm.s32 $_size__tile_overlayer_lowered;
	s6 =	simm.s32 $_tile_overlayer_lowered  }
0x9b: {  	s22 =	simm.s32 $0x1BFF;
	s21 =	sshll.u32 s6, $0x1;
	s3 =	sadd.s32 s4, s19  }
0x9c: {  	s7 =	simm.s32 $0x0;
	s20 =	sshll.u32 s5, $0x1;
	s5 =	sadd.s32 s21, s3  }
0x9d: {  	[timem:s7], [sflag:s22] =	dma.local [hbm:s5], s20  }
0x9e: {  	_ =	swait.ge [sflag:s22], s20  }
0x9f: {  	s4 =	ssub.s32 $0x0, s20;
	[sflag:s22] =	ssyncset.done $0x0  }
0xa0: {  	[sflag:s22] =	ssyncadd.s32 s4;
	_ =	sdelay $0x1  }
0xa1: {  	s23 =	simm.s32 $0x1B8B  }
0xa2: {  	_ =	swait.ge [sflag:s23], $0x1  }
0xa3: {  	[sflag:s23] =	ssyncset.done $0x0  }
0xa4: {  	s25 =	simm.s32 $0x1B8E;
	s24 =	sld [smem:$0x3FFE];
	[sflag:s23] =	ssyncadd.s32 $0xFFFFFFFF  }
0xa5: {  	s26 =	simm.s32 $execute0_lowered;
	[smem:$0x3FD2] =	sst s25  }
0xa6: {  	s5 =	sshll.u32 s26, $0x1;
	_ =	strace $0x80000046;
	[dreg:$0x1] =	wrdreg $0xFFFFFFFF  }
0xa7: {  	s28 =	simm.s32 $_size_execute0_lowered;
	s3 =	sadd.s32 s3, s5;
	[dreg:$0x0] =	wrdreg $0x0  }
0xa8: {  	s5 =	sshll.u32 s28, $0x1;
	[dreg:$0x2] =	wrdreg s3  }
0xa9: {  	[dreg:$0x3] =	wrdreg s5  }
0xaa: {  	[dreg:$0x4] =	wrdreg $0xC0  }
0xab: {  	_ =	task [dreg:s7], $0x5FFFF  }
0xac: {  	[dreg:$0x1] =	wrdreg $0xFFFFFFFF  }
0xad: {  	[dreg:$0x0] =	wrdreg $0x60  }
0xae: {  	[dreg:$0x2] =	wrdreg s24  }
0xaf: {  	[dreg:$0x3] =	wrdreg s2  }
0xb0: {  	[dreg:$0x4] =	wrdreg $0x29E00  }
0xb1: {  	[dreg:$0x5] =	wrdreg $0x9  }
0xb2: {  	_ =	task.clear_ibuf [dreg:s7], $0x6FFFF;
	_ =	strace $0x90000046  }
0xb3: {  	s29 =	simm.s32 $0x9;
	_ =	strace $0x80000048  }
0xb4: {  	_ =	swait.ge [sflag:s29], $0x1  }
0xb5: {  	[sflag:s29] =	ssyncadd.s32 $0xFFFFFFFF  }
0xb6: {  	_ =	strace $0x90000048  }
0xb7: {  	_ =	sfence  }
0xb8: {  	s30 =	sld [smem:$0x0];
	_ =	sdelay $0x2  }
0xb9: {  	s31 =	sshll.u32 s1, $0xD;
	s1 =	sshrl.u32 s1, $0x2  }
0xba: {  	s3 =	sand.u32 $0x4000, s31;
	s1 =	sadd.s32 s1, s30  }
0xbb: {  	s0 =	sor.u32 s3, s0;
	s1 =	sshll.u32 s1, $0x11  }
0xbc: {  	s0 =	sor.u32 s1, s0  }
0xbd: {  	s0 =	sadd.s32 $0x8F2B, s0  }
0xbe: {  	[sflag:s0] =	ssyncadd.remote.s32 $0x1  }
0xbf: {  	_ =	sfence.sel $0xFFFF  }
0xc0: {  	[dreg:$0x0] =	wrdreg $0xFFFFFFFF;
	(pc) =	sbr.abs _section_cstart, $3  }
0xc1: {  	[dreg:$0x1] =	wrdreg $0xFFFFFFFF  }
0xc2: {  	_ =	task.clear_ibuf [dreg:s7], $0x2FFFF;
	_ =	strace $0x9FFFFFFF  }
0xc3: {  	(tm) =	ssettm $0x7FFFFFFF  }
tec
execute0_lowered:
.L_overlay_start_1:
0x0: {  	(tag) =	ssettag $0x1  }
0x1: {  	s4 =	rddreg [dreg:$0x0]  }
0x2: {  	s1 =	srdreg.scid;
	s6 =	rddreg [dreg:$0x1]  }
0x3: {  	s0 =	stileid.u32;
	s2 =	rddreg [dreg:$0x2]  }
0x4: {  	s3 =	simm.s32 $0x0;
	s11 =	simm.s32 $0x2710;
	s7 =	smul.u32 $0x4E20, s0  }
0x5: {  	s12 =	simm.s32 $0x1;
	s5 =	sand.u32 $0x1, s1;
	s9 =	smul.u32 $0x278, s0  }
0x6: {  	s13 =	simm.s32 $0x0;
	s1 =	rddreg [dreg:$0x3];
	s8 =	smul.u32 $0x2710, s5  }
0x7: {  	[smem:$0x7FF] =	sst s3;
	s29 =	smul.u32 $0x2780, s5;
	s5 =	ssub.s32 $0x2, s5  }
0x8: {  	_ =	strace $0x80000047;
	s10 =	sshrl.u32 s5, $0x1;
	s7 =	sadd.s32 s7, s8  }
0x9: {  	s30 =	sadd.s32 s9, s29;
	s31 =	ssub.s32 s5, s10;
	s5 =	sadd.s32 s9, s2  }
0xa: {  	s8 =	simm.s32 $0x2;
	s9 =	simm.s32 $0x2760;
	s7 =	sshrl.u32 s7, $0x3  }
0xb: {  	s10 =	simm.s32 $0x50;
	s4 =	sadd.s32 s4, s7;
	s7 =	sshrl.u32 s30, $0x3  }
0xc: {  	v0 =	vimm.f32 $0.0e+00;
	v1 =	vimm.f32 $1.000000000e+00;
	s4 =	sadd.s32 $0xCA40, s4;
	s6 =	sadd.s32 s6, s7;
	s7 =	smax.u32 s31, $0x1  }
.LBB2_1:
0xd: {  	[tilespmem:s3], [sflag:$0x2] =	stream.linear.gather [hbm4b:s4+s3], $0x2710, $0x38;
	[tilespmem:$0x2C58] =	vst v63  }
0xe: {  	_ =	swait.ge [sflag:s8], $0x2710  }
0xf: {  	[sflag:s8] =	ssyncset.done $0x0  }
0x10: {  	[sflag:s8] =	ssyncadd.s32 $0xFFFFD8F0  }
0x11: {  	[tilespmem:$0x2760] =	vst v0  }
0x12: {  	[tilespmem:$0x2770] =	vst v0  }
0x13: {  	[tilespmem:$0x2780] =	vst v0  }
0x14: {  	[tilespmem:$0x2790] =	vst v0  }
0x15: {  	[tilespmem:$0x27A0] =	vst v0  }
0x16: {  	[tilespmem:$0x27B0] =	vst v0  }
0x17: {  	[tilespmem:$0x27C0] =	vst v0  }
0x18: {  	[tilespmem:$0x27D0] =	vst v0  }
0x19: {  	[tilespmem:$0x27E0] =	vst v0  }
0x1a: {  	[tilespmem:$0x27F0] =	vst v0  }
0x1b: {  	[tilespmem:$0x2800] =	vst v0  }
0x1c: {  	[tilespmem:$0x2810] =	vst v0  }
0x1d: {  	[tilespmem:$0x2820] =	vst v0  }
0x1e: {  	[tilespmem:$0x2830] =	vst v0  }
0x1f: {  	[tilespmem:$0x2840] =	vst v0  }
0x20: {  	[tilespmem:$0x2850] =	vst v0  }
0x21: {  	[tilespmem:$0x2860] =	vst v0  }
0x22: {  	[tilespmem:$0x2870] =	vst v0  }
0x23: {  	[tilespmem:$0x2880] =	vst v0  }
0x24: {  	[tilespmem:$0x2890] =	vst v0  }
0x25: {  	[tilespmem:$0x28A0] =	vst v0  }
0x26: {  	[tilespmem:$0x28B0] =	vst v0  }
0x27: {  	[tilespmem:$0x28C0] =	vst v0  }
0x28: {  	[tilespmem:$0x28D0] =	vst v0  }
0x29: {  	[tilespmem:$0x28E0] =	vst v0  }
0x2a: {  	[tilespmem:$0x28F0] =	vst v0  }
0x2b: {  	[tilespmem:$0x2900] =	vst v0  }
0x2c: {  	[tilespmem:$0x2910] =	vst v0  }
0x2d: {  	[tilespmem:$0x2920] =	vst v0  }
0x2e: {  	[tilespmem:$0x2930] =	vst v0  }
0x2f: {  	[tilespmem:$0x2940] =	vst v0  }
0x30: {  	[tilespmem:$0x2950] =	vst v0  }
0x31: {  	[tilespmem:$0x2960] =	vst v0  }
0x32: {  	[tilespmem:$0x2970] =	vst v0  }
0x33: {  	[tilespmem:$0x2980] =	vst v0  }
0x34: {  	[tilespmem:$0x2990] =	vst v0  }
0x35: {  	[tilespmem:$0x29A0] =	vst v0  }
0x36: {  	[tilespmem:$0x29B0] =	vst v0  }
0x37: {  	[tilespmem:$0x29C0] =	vst v0  }
0x38: {  	[tilespmem:$0x29D0] =	vst v0  }
0x39: {  	[tilespmem:$0x2710] =	vst v1  }
0x3a: {  	[tilespmem:$0x2720] =	vst v1  }
0x3b: {  	[tilespmem:$0x2730] =	vst v1  }
0x3c: {  	[tilespmem:$0x2740] =	vst v1  }
0x3d: {  	[tilespmem:$0x2750] =	vst v1  }
0x3e: {  	[spmem:s5] =	stream.linear.scatter [tilespmem:s9], [sflag:$0x2], $0x278, $0x38;
	[tilespmem:$0x2C58] =	vst v63  }
0x3f: {  	_ =	swait.ge [sflag:s8], $0x278  }
0x40: {  	[sflag:s8] =	ssyncset.done $0x0  }
0x41: {  	[sflag:s8] =	ssyncadd.s32 $0xFFFFFD88  }
0x42: {  	s14 =	simm.s32 $0x0;
	[bflag:$0x0] =	sbarrier.arrive $0xFFFF  }
.LBB2_2:
0x43: {  	p0 =	sne.s32 s14, $0x9B00  }
.Ltmp0:
0x44: {  	_ = 	snop;
	(pc) =	sbr.rel @p0 .LBB2_2-.Ltmp0, $3  }
0x45: {  	_ =	sdelay $0x1  }
0x46: {  	s15 =	sshra.s32 s14, $0x2;
	s14 =	sadd.s32 $0x140, s14  }
0x47: {  	[spmem:s2] =	stream.indirect.scatter.add.f32 [tilespmem:s11], [sflag:$0x1], $0x1, s15, s10, $0xb8;
	[tilespmem:$0x2C58] =	vst v63  }
0x48: {  	_ =	swait.ge [sflag:s12], $0x50  }
0x49: {  	s14 =	simm.s32 $0x7C;
	[sflag:s12] =	ssyncset.done $0x0  }
.LBB2_4:
0x4a: {  	p0 =	sne.s32 s14, $0x1;
	s14 =	sadd.s32 $0xFFFFFFFF, s14;
	[sflag:s12] =	ssyncadd.s32 $0xFFFFFFB0  }
.Ltmp1:
0x4b: {  	(pc) =	sbr.rel @p0 .LBB2_4-.Ltmp1, $3  }
0x4c: {  	_ =	sdelay $0x1  }
0x4d: {  	_ =	swait.ge [sflag:s12], $0x50  }
0x4e: {  	[sflag:s12] =	ssyncset.done $0x0  }
0x4f: {  	[sflag:s12] =	ssyncadd.s32 $0xFFFFFFB0  }
0x50: {  	[bflag:$0x0] =	sbarrier.arrive $0xFFFF  }
0x51: {  	[tilespmem:s9], [sflag:$0x2] =	stream.linear.gather [spmem:s5], $0x278, $0x38;
	[tilespmem:$0x2C58] =	vst v63  }
0x52: {  	s13 =	sadd.s32 $0x1, s13;
	_ =	swait.ge [sflag:s8], $0x278  }
0x53: {  	p0 =	sne.s32 s13, s7;
	[sflag:s8] =	ssyncset.done $0x0  }
.Ltmp2:
0x54: {  	[sflag:s8] =	ssyncadd.s32 $0xFFFFFD88;
	(pc) =	sbr.rel @p0 .LBB2_1-.Ltmp2, $4  }
0x55: {  	[hbm4b:s6+s3] =	stream.linear.scatter [tilespmem:s9], [sflag:$0x2], $0x278, $0x38;
	[tilespmem:$0x2C58] =	vst v63  }
0x56: {  	_ =	swait.ge [sflag:s8], $0x278  }
0x57: {  	[sflag:s8] =	ssyncset.done $0x0  }
0x58: {  	[sflag:s8] =	ssyncadd.s32 $0xFFFFFD88  }
0x59: {  	_ =	sfence.sel $0x180000  }
0x5a: {  	[bflag:$0x0] =	sbarrier.arrive $0xFFFF  }
0x5b: {  	p0 =	sne.s32 s0, $0x0;
	_ =	strace $0x90000047  }
0x5c: {  	s0 =	sadd.s32 @!p0 $0x100000, s1;
	[bflag:$0x2] =	sbarrier.arrive $0xFFFF  }
0x5d: {  	[sflag:s0] =	ssyncadd.tile.s32 @!p0 $0x1;
	_ =	shalt  }
.Lfunc_end2:
_tile_overlayer_lowered:
.L_overlay_start_2:
0x5e: {  	(tag) =	ssettag $0x2  }
0x5f: {  	s0 =	rddreg [dreg:$0x0];
	s2 =	stileid.u32  }
0x60: {  	s1 =	rddreg [dreg:$0x1];
	p0 =	sne.s32 s2, $0x0  }
0x61: {  	s3 =	rddreg [dreg:$0x2];
	[bflag:$0x3] =	sbarrier.arrive $0xFFFF;
	s2 =	simm.s32 @!p0 $0x1C02  }
0x62: {  	[timem:s3], [sflag:s2] =	dma.local @!p0 [hbm:s0], s1  }
0x63: {  	s0 =	simm.s32 @!p0 $0x2  }
0x64: {  	_ =	swait.ge @!p0 [sflag:s0], s1  }
0x65: {  	s1 =	ssub.s32 @!p0 $0x0, s1;
	[sflag:s0] =	ssyncset.done @!p0 $0x0  }
0x66: {  	[sflag:s0] =	ssyncadd.s32 @!p0 s1  }
0x67: {  	[bflag:$0x3] =	sbarrier.arrive $0xFFFF  }
0x68: {  	_ =	shalt  }

// kernel: kernel.13.cloned.1.call-start
scs
__scs_entry_jumppad:
0x0: {  	(pc) =	sbr.rel $0x88, $3  }
0x1: {  	(tag) =	ssettag $0x0;
	lr =	simm.s32 $0x1  }
0x2: {  	[smem:$0x3F99] =	sst lr;
	_ =	strace $0xD0000000  }
0x3: {  	_ = 	snop  }
0x4: {  	_ = 	snop  }
0x5: {  	_ = 	snop  }
0x6: {  	_ = 	snop  }
0x7: {  	_ = 	snop  }
__scs_overlays_trampoline_lowered:
0x8: {  	[smem:$0x3FA8] =	sst s0  }
0x9: {  	[smem:$0x3FA9] =	sst s1  }
0xa: {  	[smem:$0x3FAA] =	sst s2  }
0xb: {  	[smem:$0x3FAB] =	sst s3  }
0xc: {  	[smem:$0x3FAC] =	sst s4  }
0xd: {  	[smem:$0x3FAD] =	sst s5  }
0xe: {  	[smem:$0x3FAE] =	sst s6  }
0xf: {  	[smem:$0x3FAF] =	sst s7  }
0x10: {  	[smem:$0x3FB0] =	sst s8  }
0x11: {  	[smem:$0x3FB1] =	sst s9;
	s0 =	simm.s32 @!p0 $0x0  }
0x12: {  	s1 =	sld [smem:$0x3F97];
	s0 =	simm.s32 @p0 $0x1  }
0x13: {  	[smem:$0x3FB2] =	sst s0;
	s0 =	simm.s32 @!p1 $0x0  }
0x14: {  	s2 =	sld [smem:$0x3F96];
	s0 =	simm.s32 @p1 $0x1  }
0x15: {  	[smem:$0x3FB3] =	sst s0;
	s0 =	simm.s32 @!p2 $0x0  }
0x16: {  	s3 =	sld [smem:$0x3FDB];
	s0 =	simm.s32 @p2 $0x1  }
0x17: {  	s4 =	simm.s32 $0x1BF5;
	[smem:$0x3FB5] =	sst s0  }
0x18: {  	s0 =	sld [smem:$0x3F98];
	_ =	swait.ge [sflag:s4], $0x0  }
0x19: {  	s7 =	sld [smem:$0x3F99]  }
0x1a: {  	s8 =	sadd.s32 $0xFFFFE003, lr  }
0x1b: {  	s9 =	sadd.s32 $0xFFFFFEF7, lr;
	s5 =	simm.s32 $0xFFFFFFFF;
	p2 =	slt.u32 s8, $0xFFFFF086  }
0x1c: {  	p1 =	slt.u32 s9, $0xF7A;
	s5 =	simm.s32 @!p2 $0x0  }
0x1d: {  	s5 =	simm.s32 @p1 $0x1;
	p0 =	seq.s32 s7, s2  }
0x1e: {  	s7 =	smul.u32 @!p0 $0xF7A, s2;
	p2 =	seq.s32 @!p0 s5, $0x0  }
0x1f: {  	s9 =	smul.u32 $0xF7A, s1;
	s8 =	simm.s32 @!p0 $0x1BF5;
	p2 =	por !p2, p0  }
0x20: {  	[sflag:s8] =	ssyncset.s32 @!p0 $0xFFFFF086;
	s6 =	sadd.s32 @!p0 s3, s7;
	s7 =	simm.s32 @!p0 $0x108  }
0x21: {  	s3 =	sadd.s32 s3, s9;
	s6 =	sadd.s32 @!p0 $0x88, s6;
	s7 =	simm.s32 @p2 $0x1082  }
0x22: {  	[simem:s7], [sflag:s8] =	dma.local @!p0 [hbm:s6], $0xF7A  }
0x23: {  	s9 =	sor.u32 $0xD0000000, s2;
	s6 =	simm.s32 $0x108;
	_ =	swait.ge @!p0 [sflag:s8], $0x0  }
0x24: {  	s3 =	sadd.s32 $0x88, s3;
	s6 =	simm.s32 @!p1 $0x1082;
	[sflag:s4] =	ssyncset.s32 $0xFFFFF086  }
0x25: {  	[simem:s6], [sflag:s4] =	dma.local [hbm:s3], $0xF7A  }
0x26: {  	[smem:$0x3F99] =	sst s1;
	(tag) =	ssettag s2;
	_ =	strace s9  }
0x27: {  	s1 =	sld [smem:$0x3FA9]  }
0x28: {  	s2 =	sld [smem:$0x3FAA]  }
0x29: {  	s4 =	sld [smem:$0x3FAC]  }
0x2a: {  	p0 =	seq.s32 s5, $0x0;
	s5 =	sld [smem:$0x3FAD]  }
0x2b: {  	s6 =	sld [smem:$0x3FAE]  }
0x2c: {  	s7 =	sld [smem:$0x3FAF]  }
0x2d: {  	s3 =	simm.s32 $0x108;
	s8 =	sld [smem:$0x3FB0]  }
0x2e: {  	s3 =	simm.s32 @!p0 $0x1082;
	s9 =	sld [smem:$0x3FB1]  }
0x2f: {  	lr =	sadd.s32 s0, s3;
	s0 =	sld [smem:$0x3FA8]  }
0x30: {  	s3 =	sld [smem:$0x3FAB]  }
0x31: {  	[smem:$0x3FB4] =	sst s10  }
0x32: {  	s10 =	sld [smem:$0x3FB2];
	_ =	sdelay $0x3  }
0x33: {  	p0 =	seq.s32 s10, $0x1;
	s10 =	sld [smem:$0x3FB4];
	_ =	sdelay $0x3  }
0x34: {  	[smem:$0x3FB4] =	sst s10  }
0x35: {  	s10 =	sld [smem:$0x3FB3];
	_ =	sdelay $0x3  }
0x36: {  	p1 =	seq.s32 s10, $0x1;
	s10 =	sld [smem:$0x3FB4];
	_ =	sdelay $0x3  }
0x37: {  	[smem:$0x3FB4] =	sst s10  }
0x38: {  	s10 =	sld [smem:$0x3FB5]  }
0x39: {  	_ = 	snop;
	(pc) =	sbr.ind lr, $3  }
0x3a: {  	_ = 	snop  }
0x3b: {  	_ = 	snop  }
0x3c: {  	p2 =	seq.s32 s10, $0x1;
	s10 =	sld [smem:$0x3FB4]  }
0x3d: {  	_ =	shalt  }
0x3e: {  	_ =	shalt  }
0x3f: {  	_ =	shalt  }
0x40: {  	_ =	shalt  }
0x41: {  	_ =	shalt  }
0x42: {  	_ =	shalt  }
0x43: {  	_ =	shalt  }
0x44: {  	_ =	shalt  }
0x45: {  	_ =	shalt  }
0x46: {  	_ =	shalt  }
0x47: {  	_ =	shalt  }
0x48: {  	_ =	shalt  }
0x49: {  	_ =	shalt  }
0x4a: {  	_ =	shalt  }
0x4b: {  	_ =	shalt  }
0x4c: {  	_ =	shalt  }
0x4d: {  	_ =	shalt  }
0x4e: {  	_ =	shalt  }
0x4f: {  	_ =	shalt  }
0x50: {  	_ =	shalt  }
0x51: {  	_ =	shalt  }
0x52: {  	_ =	shalt  }
0x53: {  	_ =	shalt  }
0x54: {  	_ =	shalt  }
0x55: {  	_ =	shalt  }
0x56: {  	_ =	shalt  }
0x57: {  	_ =	shalt  }
0x58: {  	_ =	shalt  }
0x59: {  	_ =	shalt  }
0x5a: {  	_ =	shalt  }
0x5b: {  	_ =	shalt  }
0x5c: {  	_ =	shalt  }
0x5d: {  	_ =	shalt  }
0x5e: {  	_ =	shalt  }
0x5f: {  	_ =	shalt  }
0x60: {  	_ =	shalt  }
0x61: {  	_ =	shalt  }
0x62: {  	_ =	shalt  }
0x63: {  	_ =	shalt  }
0x64: {  	_ =	shalt  }
0x65: {  	_ =	shalt  }
0x66: {  	_ =	shalt  }
0x67: {  	_ =	shalt  }
0x68: {  	_ =	shalt  }
0x69: {  	_ =	shalt  }
0x6a: {  	_ =	shalt  }
0x6b: {  	_ =	shalt  }
0x6c: {  	_ =	shalt  }
0x6d: {  	_ =	shalt  }
0x6e: {  	_ =	shalt  }
0x6f: {  	_ =	shalt  }
0x70: {  	_ =	shalt  }
0x71: {  	_ =	shalt  }
0x72: {  	_ =	shalt  }
0x73: {  	_ =	shalt  }
0x74: {  	_ =	shalt  }
0x75: {  	_ =	shalt  }
0x76: {  	_ =	shalt  }
0x77: {  	_ =	shalt  }
0x78: {  	_ =	shalt  }
0x79: {  	_ =	shalt  }
0x7a: {  	_ =	shalt  }
0x7b: {  	_ =	shalt  }
0x7c: {  	_ =	shalt  }
0x7d: {  	_ =	shalt  }
0x7e: {  	_ =	shalt  }
0x7f: {  	_ =	shalt  }
0x80: {  	_ =	shalt  }
0x81: {  	_ =	shalt  }
0x82: {  	_ =	shalt  }
0x83: {  	_ =	shalt  }
0x84: {  	_ =	shalt  }
0x85: {  	_ =	shalt  }
0x86: {  	_ =	shalt  }
0x87: {  	_ =	shalt  }
.Lfunc_end0:
.L_simem_size_0:
called_computation.1_lowered:
.L_overlay_start_0:
0x88: {  	s2 =	sld [smem:$0x3FD9]  }
0x89: {  	s3 =	sld [smem:$0x3FFE];
	_ =	sdelay $0x1  }
0x8a: {  	s1 =	srdreg.scid  }
0x8b: {  	s0 =	sand.u32 $0x1, s1  }
0x8c: {  	s16 =	sshll.u32 s0, $0xA;
	s2 =	sadd.s32 s3, s2  }
0x8d: {  	s2 =	sadd.s32 s2, s16  }
0x8e: {  	[smem:$0x3FC0] =	sst s2  }
0x8f: {  	_ = 	snop  }
0x90: {  	(tm) =	ssettm $0x1  }
0x91: {  	s17 =	sld [smem:$0x3FFB];
	_ =	sdelay $0x3  }
0x92: {  	_ =	strace s17  }
0x93: {  	s2 =	sld [smem:$0x3FFC];
	_ =	sdelay $0x3  }
0x94: {  	_ =	strace s2  }
0x95: {  	s2 =	sld [smem:$0x3FFD];
	_ =	sdelay $0x3  }
0x96: {  	_ =	strace s2  }
0x97: {  	_ =	strace $0x8FFFFFFF  }
0x98: {  	s18 =	sld [smem:$0x3FDB];
	_ =	sdelay $0x1  }
0x99: {  	s19 =	simm.s32 $_scs_section_size  }
0x9a: {  	s4 =	simm.s32 $_size__tile_overlayer_lowered;
	s5 =	simm.s32 $_tile_overlayer_lowered  }
0x9b: {  	s22 =	simm.s32 $0x1BFF;
	s21 =	sshll.u32 s5, $0x1;
	s2 =	sadd.s32 s19, s18  }
0x9c: {  	s6 =	simm.s32 $0x0;
	s20 =	sshll.u32 s4, $0x1;
	s4 =	sadd.s32 s21, s2  }
0x9d: {  	[timem:s6], [sflag:s22] =	dma.local [hbm:s4], s20  }
0x9e: {  	_ =	swait.ge [sflag:s22], s20  }
0x9f: {  	s3 =	ssub.s32 $0x0, s20;
	[sflag:s22] =	ssyncset.done $0x0  }
0xa0: {  	[sflag:s22] =	ssyncadd.s32 s3;
	_ =	sdelay $0x1  }
0xa1: {  	s23 =	simm.s32 $0x1B8B  }
0xa2: {  	_ =	swait.ge [sflag:s23], $0x1  }
0xa3: {  	[sflag:s23] =	ssyncset.done $0x0  }
0xa4: {  	s25 =	simm.s32 $0x1B8E;
	s24 =	sld [smem:$0x3FFE];
	[sflag:s23] =	ssyncadd.s32 $0xFFFFFFFF  }
0xa5: {  	s26 =	simm.s32 $execute0_lowered;
	[smem:$0x3FD2] =	sst s25  }
0xa6: {  	s4 =	sshll.u32 s26, $0x1;
	_ =	strace $0x80000049;
	[dreg:$0x1] =	wrdreg $0xFFFFFFFF  }
0xa7: {  	s28 =	simm.s32 $_size_execute0_lowered;
	s2 =	sadd.s32 s2, s4;
	[dreg:$0x0] =	wrdreg $0x0  }
0xa8: {  	s4 =	sshll.u32 s28, $0x1;
	[dreg:$0x2] =	wrdreg s2  }
0xa9: {  	[dreg:$0x3] =	wrdreg s4  }
0xaa: {  	[dreg:$0x4] =	wrdreg $0xC0  }
0xab: {  	_ =	task [dreg:s6], $0x5FFFF  }
0xac: {  	[dreg:$0x1] =	wrdreg $0xFFFFFFFF  }
0xad: {  	[dreg:$0x0] =	wrdreg $0x60  }
0xae: {  	[dreg:$0x2] =	wrdreg s24  }
0xaf: {  	[dreg:$0x3] =	wrdreg $0x127C00  }
0xb0: {  	[dreg:$0x4] =	wrdreg $0x9  }
0xb1: {  	_ =	task.clear_ibuf [dreg:s6], $0x5FFFF;
	_ =	strace $0x90000049  }
0xb2: {  	s29 =	simm.s32 $0x9;
	_ =	strace $0x8000004B  }
0xb3: {  	_ =	swait.ge [sflag:s29], $0x1  }
0xb4: {  	[sflag:s29] =	ssyncadd.s32 $0xFFFFFFFF  }
0xb5: {  	_ =	strace $0x9000004B  }
0xb6: {  	_ =	sfence  }
0xb7: {  	s30 =	sld [smem:$0x0];
	_ =	sdelay $0x2  }
0xb8: {  	s31 =	sshll.u32 s1, $0xD;
	s1 =	sshrl.u32 s1, $0x2  }
0xb9: {  	s3 =	sand.u32 $0x4000, s31;
	s1 =	sadd.s32 s1, s30  }
0xba: {  	s0 =	sor.u32 s3, s0;
	s1 =	sshll.u32 s1, $0x11  }
0xbb: {  	s0 =	sor.u32 s1, s0  }
0xbc: {  	s0 =	sadd.s32 $0x8F2B, s0  }
0xbd: {  	[sflag:s0] =	ssyncadd.remote.s32 $0x1  }
0xbe: {  	_ =	sfence.sel $0xFFFF  }
0xbf: {  	[dreg:$0x0] =	wrdreg $0xFFFFFFFF;
	(pc) =	sbr.abs _section_cstart, $3  }
0xc0: {  	[dreg:$0x1] =	wrdreg $0xFFFFFFFF  }
0xc1: {  	_ =	task.clear_ibuf [dreg:s6], $0x2FFFF;
	_ =	strace $0x9FFFFFFF  }
0xc2: {  	(tm) =	ssettm $0x7FFFFFFF  }
0xc3: {  	_ =	shalt  }
tec
execute0_lowered:
.L_overlay_start_1:
0x0: {  	(tag) =	ssettag $0x1  }
0x1: {  	s0 =	rddreg [dreg:$0x0]  }
0x2: {  	s2 =	rddreg [dreg:$0x1]  }
0x3: {  	s9 =	stileid.u32;
	s3 =	srdreg.scid  }
0x4: {  	s4 =	simm.s32 $0x0;
	s28 =	simm.s32 $0x1;
	s1 =	smul.u32 $0x4E20, s9  }
0x5: {  	s30 =	simm.s32 $0xEC40;
	s31 =	simm.s32 $0x2;
	s7 =	smul.u32 $0x27800, s9  }
0x6: {  	s29 =	simm.s32 $0x4;
	s3 =	sand.u32 $0x1, s3;
	s8 =	smul.u32 $0x278, s9  }
0x7: {  	[smem:$0x7FF] =	sst s4;
	s15 =	smul.u32 $0x13C00, s9;
	s9 =	simm.s32 $0x80  }
0x8: {  	s13 =	smul.u32 $0x13880, s3;
	_ =	strace $0x8000004A;
	s5 =	ssub.s32 $0x2, s3  }
0x9: {  	s3 =	sshll.u32 s3, $0x6;
	s1 =	sshrl.u32 s1, $0x3;
	s6 =	sshrl.u32 s5, $0x1  }
0xa: {  	s16 =	sshrl.u32 s7, $0x2;
	s17 =	sadd.s32 $0x9E, s8;
	s21 =	sadd.s32 $0x13C, s8  }
0xb: {  	s8 =	sadd.s32 $0x1DA, s8;
	s1 =	sadd.s32 s1, s0;
	s4 =	sadd.s32 s13, s0  }
0xc: {  	s0 =	sadd.s32 $0x8BC00, s0;
	s5 =	ssub.s32 s5, s6;
	s6 =	sadd.s32 s16, s2  }
0xd: {  	s10 =	sshll.u32 s17, $0x7;
	s19 =	sshll.u32 s17, $0x6;
	s22 =	sshll.u32 s21, $0x6  }
0xe: {  	s23 =	sshll.u32 s8, $0x7;
	s8 =	sshll.u32 s8, $0x6;
	s16 =	simm.s32 $0xC  }
0xf: {  	s13 =	simm.s32 $0x4E20;
	s14 =	sadd.s32 $0x2E00, s1;
	s1 =	sadd.s32 $0xCA40, s1  }
0x10: {  	s7 =	sadd.s32 $0x64A00, s4;
	s18 =	sor.u32 s3, s10;
	s24 =	sadd.s32 s8, s2  }
0x11: {  	s26 =	smax.u32 s5, $0x1;
	s5 =	simm.s32 $0xA;
	[dreg:$0x3] =	wrdreg s14  }
0x12: {  	s8 =	simm.s32 $0x40;
	s10 =	simm.s32 $0x0;
	[dreg:$0x4] =	wrdreg s1  }
0x13: {  	s1 =	sor.u32 s3, s15;
	s4 =	sshrl.u32 s18, $0x3;
	[dreg:$0xa] =	wrdreg s24  }
0x14: {  	[dreg:$0xc] =	wrdreg s26;
	s18 =	simm.s32 $0x10040;
	s24 =	simm.s32 $0xC440  }
0x15: {  	s26 =	simm.s32 $0xD840;
	s1 =	sshrl.u32 s1, $0x3;
	s20 =	sadd.s32 s0, s4  }
0x16: {  	s4 =	sadd.s32 s22, s2;
	s22 =	simm.s32 $0xB040;
	[dreg:$0x7] =	wrdreg s20  }
0x17: {  	s1 =	sadd.s32 s0, s1;
	[dreg:$0x8] =	wrdreg s4;
	s20 =	simm.s32 $0x50  }
0x18: {  	s4 =	simm.s32 $0x9;
	[dreg:$0x5] =	wrdreg s1;
	s1 =	sadd.s32 s19, s2  }
0x19: {  	s19 =	simm.s32 $0xB;
	[dreg:$0x6] =	wrdreg s1;
	s1 =	sshll.u32 s21, $0x7  }
.Ltmp0:
0x1a: {  	s21 =	simm.s32 $0x9C40;
	s1 =	sor.u32 s3, s1;
	(pc) =	sbr.rel .LBB2_1-.Ltmp0, $4  }
0x1b: {  	s3 =	sor.u32 s3, s23;
	s23 =	simm.s32 $0x8;
	s1 =	sshrl.u32 s1, $0x3  }
0x1c: {  	s25 =	sshrl.u32 s3, $0x3;
	s3 =	simm.s32 $0x5;
	s1 =	sadd.s32 s0, s1  }
0x1d: {  	s0 =	sadd.s32 s0, s25;
	s25 =	simm.s32 $0x3;
	[dreg:$0x9] =	wrdreg s1  }
0x1e: {  	v0 =	vimm.f32 $0.0e+00;
	[dreg:$0xb] =	wrdreg s0;
	s0 =	simm.s32 $0x6;
	s1 =	simm.s32 $0x7  }
.LBB2_6:
0x1f: {  	_ =	swait.ge [sflag:s3], $0x1400  }
0x20: {  	[sflag:s3] =	ssyncset.done $0x0  }
0x21: {  	[sflag:s3] =	ssyncadd.s32 $0xFFFFEC00  }
0x22: {  	[spmem:s2] =	stream.indirect.scatter.add.f32 [tilespmem:s30], [sflag:$0xA], $0x40, s13, s20, $0xb8;
	[tilespmem:$0x1C5C0] =	vst v63  }
0x23: {  	_ =	swait.ge [sflag:s0], $0x1400  }
0x24: {  	[sflag:s0] =	ssyncset.done $0x0  }
0x25: {  	[sflag:s0] =	ssyncadd.s32 $0xFFFFEC00  }
0x26: {  	_ =	swait.ge [sflag:s1], $0x1400  }
0x27: {  	[sflag:s1] =	ssyncset.done $0x0  }
0x28: {  	[sflag:s1] =	ssyncadd.s32 $0xFFFFEC00  }
0x29: {  	_ =	swait.ge [sflag:s23], $0x1400  }
0x2a: {  	[sflag:s23] =	ssyncset.done $0x0  }
0x2b: {  	[sflag:s23] =	ssyncadd.s32 $0xFFFFEC00  }
0x2c: {  	_ =	swait.ge [sflag:s4], $0x1400  }
0x2d: {  	[sflag:s4] =	ssyncset.done $0x0  }
0x2e: {  	[sflag:s4] =	ssyncadd.s32 $0xFFFFEC00  }
0x2f: {  	_ =	swait.ge [sflag:s5], $0x1400  }
0x30: {  	[sflag:s5] =	ssyncset.done $0x0  }
0x31: {  	[sflag:s5] =	ssyncadd.s32 $0xFFFFEC00  }
0x32: {  	[bflag:$0x0] =	sbarrier.arrive $0xFFFF  }
0x33: {  	[tilespmem:s18], [sflag:$0xC] =	stream.linear.gather [spmem:s6], $0x2780, $0x38;
	[tilespmem:$0x1C5C0] =	vst v63  }
0x34: {  	_ =	swait.ge [sflag:s16], $0x2780  }
0x35: {  	[sflag:s16] =	ssyncset.done $0x0  }
0x36: {  	s11 =	rddreg [dreg:$0x5];
	[sflag:s16] =	ssyncadd.s32 $0xFFFFD880  }
0x37: {  	[hbm4b:s11+s8] =	stream.strided.scatter [tilespmem:s18], [sflag:$0xC], $0x2780, s9, s8, $0x38;
	[tilespmem:$0x1C5C0] =	vst v63  }
0x38: {  	_ =	swait.ge [sflag:s16], $0x2780  }
0x39: {  	[sflag:s16] =	ssyncset.done $0x0  }
0x3a: {  	s15 =	rddreg [dreg:$0x6];
	[sflag:s16] =	ssyncadd.s32 $0xFFFFD880  }
0x3b: {  	[tilespmem:s18], [sflag:$0xC] =	stream.linear.gather [spmem:s15], $0x2780, $0x38;
	[tilespmem:$0x1C5C0] =	vst v63  }
0x3c: {  	_ =	swait.ge [sflag:s16], $0x2780  }
0x3d: {  	[sflag:s16] =	ssyncset.done $0x0  }
0x3e: {  	s17 =	rddreg [dreg:$0x7];
	[sflag:s16] =	ssyncadd.s32 $0xFFFFD880  }
0x3f: {  	[hbm4b:s17+s8] =	stream.strided.scatter [tilespmem:s18], [sflag:$0xC], $0x2780, s9, s8, $0x38;
	[tilespmem:$0x1C5C0] =	vst v63  }
0x40: {  	_ =	swait.ge [sflag:s16], $0x2780  }
0x41: {  	[sflag:s16] =	ssyncset.done $0x0  }
0x42: {  	s12 =	rddreg [dreg:$0x8];
	[sflag:s16] =	ssyncadd.s32 $0xFFFFD880  }
0x43: {  	[tilespmem:s18], [sflag:$0xC] =	stream.linear.gather [spmem:s12], $0x2780, $0x38;
	[tilespmem:$0x1C5C0] =	vst v63  }
0x44: {  	_ =	swait.ge [sflag:s16], $0x2780  }
0x45: {  	[sflag:s16] =	ssyncset.done $0x0  }
0x46: {  	s13 =	rddreg [dreg:$0x9];
	[sflag:s16] =	ssyncadd.s32 $0xFFFFD880  }
0x47: {  	[hbm4b:s13+s8] =	stream.strided.scatter [tilespmem:s18], [sflag:$0xC], $0x2780, s9, s8, $0x38;
	[tilespmem:$0x1C5C0] =	vst v63  }
0x48: {  	_ =	swait.ge [sflag:s16], $0x2780  }
0x49: {  	[sflag:s16] =	ssyncset.done $0x0  }
0x4a: {  	s14 =	rddreg [dreg:$0xa];
	[sflag:s16] =	ssyncadd.s32 $0xFFFFD880  }
0x4b: {  	[tilespmem:s18], [sflag:$0xC] =	stream.linear.gather [spmem:s14], $0x2780, $0x38;
	[tilespmem:$0x1C5C0] =	vst v63  }
0x4c: {  	_ =	swait.ge [sflag:s16], $0x2780  }
0x4d: {  	[sflag:s16] =	ssyncset.done $0x0  }
0x4e: {  	s15 =	rddreg [dreg:$0xb];
	[sflag:s16] =	ssyncadd.s32 $0xFFFFD880  }
0x4f: {  	[hbm4b:s15+s8] =	stream.strided.scatter [tilespmem:s18], [sflag:$0xC], $0x2780, s9, s8, $0x38;
	[tilespmem:$0x1C5C0] =	vst v63  }
0x50: {  	_ =	swait.ge [sflag:s16], $0x2780  }
0x51: {  	s10 =	sadd.s32 $0x1, s10;
	s17 =	rddreg [dreg:$0xc]  }
0x52: {  	p0 =	sne.s32 s10, s17  }
.Ltmp1:
0x53: {  	_ = 	snop;
	(pc) =	sbr.rel @!p0 .LBB2_7-.Ltmp1, $3  }
0x54: {  	_ =	sdelay $0x1  }
0x55: {  	[sflag:s16] =	ssyncset.done $0x0  }
0x56: {  	s13 =	simm.s32 $0x4E20;
	[sflag:s16] =	ssyncadd.s32 $0xFFFFD880  }
.LBB2_1:
0x57: {  	s11 =	simm.s32 $0x0;
	s12 =	rddreg [dreg:$0x3]  }
0x58: {  	[tilespmem:s11], [sflag:$0xC] =	stream.linear.gather [hbm4b:s12+s11], $0x4E20, $0x38;
	[tilespmem:$0x1C5C0] =	vst v63  }
0x59: {  	_ =	swait.ge [sflag:s16], $0x4E20  }
0x5a: {  	[sflag:s16] =	ssyncset.done $0x0  }
0x5b: {  	s17 =	rddreg [dreg:$0x4];
	[sflag:s16] =	ssyncadd.s32 $0xFFFFB1E0  }
0x5c: {  	[tilespmem:s13], [sflag:$0xC] =	stream.linear.gather [hbm4b:s17+s11], $0x4E20, $0x38;
	[tilespmem:$0x1C5C0] =	vst v63  }
0x5d: {  	_ =	swait.ge [sflag:s16], $0x4E20  }
0x5e: {  	[sflag:s16] =	ssyncset.done $0x0  }
0x5f: {  	[sflag:s16] =	ssyncadd.s32 $0xFFFFB1E0  }
0x60: {  	[tilespmem:$0x10040] =	vst v0  }
0x61: {  	[tilespmem:$0x10050] =	vst v0  }
0x62: {  	[tilespmem:$0x10060] =	vst v0  }
0x63: {  	[tilespmem:$0x10070] =	vst v0  }
0x64: {  	[tilespmem:$0x10080] =	vst v0  }
0x65: {  	[tilespmem:$0x10090] =	vst v0  }
0x66: {  	[tilespmem:$0x100A0] =	vst v0  }
0x67: {  	[tilespmem:$0x100B0] =	vst v0  }
0x68: {  	[tilespmem:$0x100C0] =	vst v0  }
0x69: {  	[tilespmem:$0x100D0] =	vst v0  }
0x6a: {  	[tilespmem:$0x100E0] =	vst v0  }
0x6b: {  	[tilespmem:$0x100F0] =	vst v0  }
0x6c: {  	[tilespmem:$0x10100] =	vst v0  }
0x6d: {  	[tilespmem:$0x10110] =	vst v0  }
0x6e: {  	[tilespmem:$0x10120] =	vst v0  }
0x6f: {  	[tilespmem:$0x10130] =	vst v0  }
0x70: {  	[tilespmem:$0x10140] =	vst v0  }
0x71: {  	[tilespmem:$0x10150] =	vst v0  }
0x72: {  	[tilespmem:$0x10160] =	vst v0  }
0x73: {  	[tilespmem:$0x10170] =	vst v0  }
0x74: {  	[tilespmem:$0x10180] =	vst v0  }
0x75: {  	[tilespmem:$0x10190] =	vst v0  }
0x76: {  	[tilespmem:$0x101A0] =	vst v0  }
0x77: {  	[tilespmem:$0x101B0] =	vst v0  }
0x78: {  	[tilespmem:$0x101C0] =	vst v0  }
0x79: {  	[tilespmem:$0x101D0] =	vst v0  }
0x7a: {  	[tilespmem:$0x101E0] =	vst v0  }
0x7b: {  	[tilespmem:$0x101F0] =	vst v0  }
0x7c: {  	[tilespmem:$0x10200] =	vst v0  }
0x7d: {  	[tilespmem:$0x10210] =	vst v0  }
0x7e: {  	[tilespmem:$0x10220] =	vst v0  }
0x7f: {  	s12 =	sadd.s32 $0x0, s6;
	s11 =	simm.s32 $0x800;
	[tilespmem:$0x10230] =	vst v0  }
.LBB2_2:
0x80: {  	[spmem:s12] =	stream.linear.scatter [tilespmem:s18], [sflag:$0xB], $0x200, $0x38;
	[tilespmem:$0x1C5C0] =	vst v63  }
0x81: {  	s12 =	smov.u32 s11;
	p0 =	sne.s32 s11, $0x27000  }
.Ltmp2:
0x82: {  	s11 =	sadd.s32 $0x800, s11;
	(pc) =	sbr.rel @p0 .LBB2_2-.Ltmp2, $3  }
0x83: {  	_ =	sdelay $0x1  }
0x84: {  	s12 =	sshra.s32 s12, $0x2  }
0x85: {  	s12 =	sadd.s32 s12, s6  }
0x86: {  	[spmem:s12] =	stream.linear.scatter [tilespmem:s18], [sflag:$0xB], $0x200, $0x38;
	[tilespmem:$0x1C5C0] =	vst v63  }
0x87: {  	_ =	swait.ge [sflag:s19], $0x13C0  }
0x88: {  	[sflag:s19] =	ssyncset.done $0x0  }
0x89: {  	[sflag:s19] =	ssyncadd.s32 $0xFFFFEC40  }
0x8a: {  	s11 =	simm.s32 $0x0;
	[bflag:$0x0] =	sbarrier.arrive $0xFFFF  }
0x8b: {  	[tilespmem:s21], [sflag:$0x1] =	stream.indirect.gather [hbm4b:s7+s20], $0x40, s11, s20, $0xb8;
	[tilespmem:$0x1C5C0] =	vst v63  }
0x8c: {  	_ = 	snop  }
0x8d: {  	[tilespmem:s22], [sflag:$0x2] =	stream.indirect.gather [hbm4b:s7+s20], $0x40, s20, s20, $0xb8;
	[tilespmem:$0x1C5C0] =	vst v63  }
0x8e: {  	s14 =	simm.s32 $0xA0  }
0x8f: {  	[tilespmem:s24], [sflag:$0x3] =	stream.indirect.gather [hbm4b:s7+s20], $0x40, s14, s20, $0xb8;
	[tilespmem:$0x1C5C0] =	vst v63  }
0x90: {  	s15 =	simm.s32 $0xF0  }
0x91: {  	[tilespmem:s26], [sflag:$0x4] =	stream.indirect.gather [hbm4b:s7+s20], $0x40, s15, s20, $0xb8;
	[tilespmem:$0x1C5C0] =	vst v63  }
0x92: {  	_ =	swait.ge [sflag:s28], $0x1400  }
0x93: {  	[sflag:s28] =	ssyncset.done $0x0  }
0x94: {  	[sflag:s28] =	ssyncadd.s32 $0xFFFFEC00  }
0x95: {  	[spmem:s2] =	stream.indirect.scatter.add.f32 [tilespmem:s21], [sflag:$0x6], $0x40, s13, s20, $0xb8;
	[tilespmem:$0x1C5C0] =	vst v63  }
0x96: {  	s17 =	simm.s32 $0x140  }
0x97: {  	[tilespmem:s30], [sflag:$0x5] =	stream.indirect.gather [hbm4b:s7+s20], $0x40, s17, s20, $0xb8;
	[tilespmem:$0x1C5C0] =	vst v63  }
0x98: {  	_ =	swait.ge [sflag:s31], $0x1400  }
0x99: {  	[sflag:s31] =	ssyncset.done $0x0  }
0x9a: {  	s13 =	simm.s32 $0x4E70;
	[sflag:s31] =	ssyncadd.s32 $0xFFFFEC00  }
0x9b: {  	[spmem:s2] =	stream.indirect.scatter.add.f32 [tilespmem:s22], [sflag:$0x7], $0x40, s13, s20, $0xb8;
	[tilespmem:$0x1C5C0] =	vst v63  }
0x9c: {  	_ =	swait.ge [sflag:s0], $0x1400  }
0x9d: {  	[sflag:s0] =	ssyncset.done $0x0  }
0x9e: {  	s14 =	simm.s32 $0x190;
	[sflag:s0] =	ssyncadd.s32 $0xFFFFEC00  }
0x9f: {  	[tilespmem:s21], [sflag:$0x1] =	stream.indirect.gather [hbm4b:s7+s20], $0x40, s14, s20, $0xb8;
	[tilespmem:$0x1C5C0] =	vst v63  }
0xa0: {  	_ =	swait.ge [sflag:s25], $0x1400  }
0xa1: {  	[sflag:s25] =	ssyncset.done $0x0  }
0xa2: {  	s15 =	simm.s32 $0x4EC0;
	[sflag:s25] =	ssyncadd.s32 $0xFFFFEC00  }
0xa3: {  	[spmem:s2] =	stream.indirect.scatter.add.f32 [tilespmem:s24], [sflag:$0x8], $0x40, s15, s20, $0xb8;
	[tilespmem:$0x1C5C0] =	vst v63  }
0xa4: {  	_ =	swait.ge [sflag:s1], $0x1400  }
0xa5: {  	[sflag:s1] =	ssyncset.done $0x0  }
0xa6: {  	s17 =	simm.s32 $0x1E0;
	[sflag:s1] =	ssyncadd.s32 $0xFFFFEC00  }
0xa7: {  	[tilespmem:s22], [sflag:$0x2] =	stream.indirect.gather [hbm4b:s7+s20], $0x40, s17, s20, $0xb8;
	[tilespmem:$0x1C5C0] =	vst v63  }
0xa8: {  	_ =	swait.ge [sflag:s29], $0x1400  }
0xa9: {  	[sflag:s29] =	ssyncset.done $0x0  }
0xaa: {  	s13 =	simm.s32 $0x4F10;
	[sflag:s29] =	ssyncadd.s32 $0xFFFFEC00  }
0xab: {  	[spmem:s2] =	stream.indirect.scatter.add.f32 [tilespmem:s26], [sflag:$0x9], $0x40, s13, s20, $0xb8;
	[tilespmem:$0x1C5C0] =	vst v63  }
0xac: {  	_ =	swait.ge [sflag:s23], $0x1400  }
0xad: {  	[sflag:s23] =	ssyncset.done $0x0  }
0xae: {  	s14 =	simm.s32 $0x230;
	[sflag:s23] =	ssyncadd.s32 $0xFFFFEC00  }
0xaf: {  	[tilespmem:s24], [sflag:$0x3] =	stream.indirect.gather [hbm4b:s7+s20], $0x40, s14, s20, $0xb8;
	[tilespmem:$0x1C5C0] =	vst v63  }
0xb0: {  	_ =	swait.ge [sflag:s3], $0x1400  }
0xb1: {  	[sflag:s3] =	ssyncset.done $0x0  }
0xb2: {  	s15 =	simm.s32 $0x4F60;
	[sflag:s3] =	ssyncadd.s32 $0xFFFFEC00  }
0xb3: {  	[spmem:s2] =	stream.indirect.scatter.add.f32 [tilespmem:s30], [sflag:$0xA], $0x40, s15, s20, $0xb8;
	[tilespmem:$0x1C5C0] =	vst v63  }
0xb4: {  	_ =	swait.ge [sflag:s4], $0x1400  }
0xb5: {  	[sflag:s4] =	ssyncset.done $0x0  }
0xb6: {  	s17 =	simm.s32 $0x280;
	[sflag:s4] =	ssyncadd.s32 $0xFFFFEC00  }
0xb7: {  	[tilespmem:s26], [sflag:$0x4] =	stream.indirect.gather [hbm4b:s7+s20], $0x40, s17, s20, $0xb8;
	[tilespmem:$0x1C5C0] =	vst v63  }
.LBB2_4:
0xb8: {  	_ =	swait.ge [sflag:s28], $0x1400  }
0xb9: {  	s12 =	sshra.s32 s11, $0x2;
	[sflag:s28] =	ssyncset.done $0x0  }
0xba: {  	s13 =	sadd.s32 $0x4FB0, s12;
	[sflag:s28] =	ssyncadd.s32 $0xFFFFEC00  }
0xbb: {  	[spmem:s2] =	stream.indirect.scatter.add.f32 [tilespmem:s21], [sflag:$0x6], $0x40, s13, s20, $0xb8;
	[tilespmem:$0x1C5C0] =	vst v63  }
0xbc: {  	_ =	swait.ge [sflag:s5], $0x1400  }
0xbd: {  	[sflag:s5] =	ssyncset.done $0x0  }
0xbe: {  	s14 =	sadd.s32 $0x2D0, s12;
	[sflag:s5] =	ssyncadd.s32 $0xFFFFEC00  }
0xbf: {  	[tilespmem:s30], [sflag:$0x5] =	stream.indirect.gather [hbm4b:s7+s20], $0x40, s14, s20, $0xb8;
	[tilespmem:$0x1C5C0] =	vst v63  }
0xc0: {  	_ =	swait.ge [sflag:s31], $0x1400  }
0xc1: {  	p0 =	seq.s32 s11, $0x12C00;
	[sflag:s31] =	ssyncset.done $0x0  }
0xc2: {  	s15 =	sadd.s32 $0x5000, s12;
	s13 =	simm.s32 @p0 $0x3;
	[sflag:s31] =	ssyncadd.s32 $0xFFFFEC00  }
0xc3: {  	[spmem:s2] =	stream.indirect.scatter.add.f32 [tilespmem:s22], [sflag:$0x7], $0x40, s15, s20, $0xb8;
	[tilespmem:$0x1C5C0] =	vst v63  }
0xc4: {  	_ =	swait.ge @p0 [sflag:s13], $0x1400  }
0xc5: {  	[sflag:s13] =	ssyncset.done @p0 $0x0  }
0xc6: {  	[sflag:s13] =	ssyncadd.s32 @p0 $0xFFFFEC00;
	s13 =	sshra.s32 @p0 s11, $0x2  }
0xc7: {  	s17 =	simm.s32 @p0 $0x50;
	s14 =	simm.s32 @p0 $0xC440;
	s13 =	sadd.s32 @p0 $0x5050, s13  }
0xc8: {  	[spmem:s2] =	stream.indirect.scatter.add.f32 @p0 [tilespmem:s14], [sflag:$0x8], $0x40, s13, s17, $0xb8;
	[tilespmem:$0x1C5C0] =	vst v63  }
0xc9: {  	s13 =	simm.s32 @!p0 $0x6  }
0xca: {  	_ =	swait.ge @!p0 [sflag:s13], $0x1400  }
0xcb: {  	[sflag:s13] =	ssyncset.done @!p0 $0x0  }
0xcc: {  	[sflag:s13] =	ssyncadd.s32 @!p0 $0xFFFFEC00;
	s13 =	sshra.s32 @!p0 s11, $0x2  }
0xcd: {  	s15 =	simm.s32 @!p0 $0x9C40;
	s17 =	simm.s32 @!p0 $0x50;
	s14 =	sadd.s32 @!p0 $0x320, s13  }
0xce: {  	[tilespmem:s15], [sflag:$0x1] =	stream.indirect.gather @!p0 [hbm4b:s7+s17], $0x40, s14, s17, $0xb8;
	[tilespmem:$0x1C5C0] =	vst v63  }
0xcf: {  	s14 =	simm.s32 @!p0 $0x3  }
0xd0: {  	_ =	swait.ge @!p0 [sflag:s14], $0x1400  }
0xd1: {  	[sflag:s14] =	ssyncset.done @!p0 $0x0  }
0xd2: {  	s15 =	simm.s32 @!p0 $0xC440;
	[sflag:s14] =	ssyncadd.s32 @!p0 $0xFFFFEC00;
	s14 =	sadd.s32 @!p0 $0x5050, s13  }
0xd3: {  	[spmem:s2] =	stream.indirect.scatter.add.f32 @!p0 [tilespmem:s15], [sflag:$0x8], $0x40, s14, s17, $0xb8;
	[tilespmem:$0x1C5C0] =	vst v63  }
0xd4: {  	s14 =	simm.s32 @!p0 $0x7  }
0xd5: {  	_ =	swait.ge @!p0 [sflag:s14], $0x1400  }
0xd6: {  	[sflag:s14] =	ssyncset.done @!p0 $0x0  }
0xd7: {  	s13 =	sadd.s32 @!p0 $0x370, s13;
	[sflag:s14] =	ssyncadd.s32 @!p0 $0xFFFFEC00;
	s14 =	simm.s32 @!p0 $0xB040  }
0xd8: {  	[tilespmem:s14], [sflag:$0x2] =	stream.indirect.gather @!p0 [hbm4b:s7+s17], $0x40, s13, s17, $0xb8;
	[tilespmem:$0x1C5C0] =	vst v63  }
.Ltmp3:
0xd9: {  	_ = 	snop;
	(pc) =	sbr.rel @p0 .LBB2_6-.Ltmp3, $4  }
0xda: {  	_ =	swait.ge [sflag:s29], $0x1400  }
0xdb: {  	[sflag:s29] =	ssyncset.done $0x0  }
0xdc: {  	s17 =	sadd.s32 $0x50A0, s12;
	s13 =	sadd.s32 $0x50F0, s12;
	[sflag:s29] =	ssyncadd.s32 $0xFFFFEC00  }
0xdd: {  	[spmem:s2] =	stream.indirect.scatter.add.f32 [tilespmem:s26], [sflag:$0x9], $0x40, s17, s20, $0xb8;
	[tilespmem:$0x1C5C0] =	vst v63  }
0xde: {  	_ =	swait.ge [sflag:s23], $0x1400  }
0xdf: {  	[sflag:s23] =	ssyncset.done $0x0  }
0xe0: {  	s14 =	sadd.s32 $0x3C0, s12;
	[sflag:s23] =	ssyncadd.s32 $0xFFFFEC00  }
0xe1: {  	[tilespmem:s24], [sflag:$0x3] =	stream.indirect.gather [hbm4b:s7+s20], $0x40, s14, s20, $0xb8;
	[tilespmem:$0x1C5C0] =	vst v63  }
0xe2: {  	_ =	swait.ge [sflag:s3], $0x1400  }
0xe3: {  	[sflag:s3] =	ssyncset.done $0x0  }
0xe4: {  	[sflag:s3] =	ssyncadd.s32 $0xFFFFEC00  }
0xe5: {  	[spmem:s2] =	stream.indirect.scatter.add.f32 [tilespmem:s30], [sflag:$0xA], $0x40, s13, s20, $0xb8;
	[tilespmem:$0x1C5C0] =	vst v63  }
.Ltmp4:
0xe6: {  	_ = 	snop;
	(pc) =	sbr.rel .LBB2_4-.Ltmp4, $4  }
0xe7: {  	_ =	swait.ge [sflag:s4], $0x1400  }
0xe8: {  	[sflag:s4] =	ssyncset.done $0x0  }
0xe9: {  	s17 =	sadd.s32 $0x410, s12;
	s11 =	sadd.s32 $0x640, s11;
	[sflag:s4] =	ssyncadd.s32 $0xFFFFEC00  }
0xea: {  	[tilespmem:s26], [sflag:$0x4] =	stream.indirect.gather [hbm4b:s7+s20], $0x40, s17, s20, $0xb8;
	[tilespmem:$0x1C5C0] =	vst v63  }
.LBB2_7:
0xeb: {  	_ =	sfence.sel $0x180000  }
0xec: {  	[bflag:$0x0] =	sbarrier.arrive $0xFFFF  }
0xed: {  	_ =	strace $0x9000004A  }
0xee: {  	s0 =	stileid.u32;
	[bflag:$0x2] =	sbarrier.arrive $0xFFFF  }
0xef: {  	p0 =	sne.s32 s0, $0x0;
	s0 =	rddreg [dreg:$0x2]  }
0xf0: {  	s0 =	sadd.s32 @!p0 $0x100000, s0  }
0xf1: {  	[sflag:s0] =	ssyncadd.tile.s32 @!p0 $0x1;
	_ =	shalt  }
.Lfunc_end2:
_tile_overlayer_lowered:
.L_overlay_start_2:
0xf2: {  	(tag) =	ssettag $0x2  }
0xf3: {  	s0 =	rddreg [dreg:$0x0];
	s2 =	stileid.u32  }
0xf4: {  	s1 =	rddreg [dreg:$0x1];
	p0 =	sne.s32 s2, $0x0  }
0xf5: {  	s3 =	rddreg [dreg:$0x2];
	[bflag:$0x3] =	sbarrier.arrive $0xFFFF;
	s2 =	simm.s32 @!p0 $0x1C0C  }
0xf6: {  	[timem:s3], [sflag:s2] =	dma.local @!p0 [hbm:s0], s1  }
0xf7: {  	s0 =	simm.s32 @!p0 $0xC  }
0xf8: {  	_ =	swait.ge @!p0 [sflag:s0], s1  }
0xf9: {  	s1 =	ssub.s32 @!p0 $0x0, s1;
	[sflag:s0] =	ssyncset.done @!p0 $0x0  }
0xfa: {  	[sflag:s0] =	ssyncadd.s32 @!p0 s1  }
0xfb: {  	[bflag:$0x3] =	sbarrier.arrive $0xFFFF  }
0xfc: {  	_ =	shalt  }

// kernel: kernel.16.cloned.1.call-start
scs
__scs_entry_jumppad:
0x0: {  	(pc) =	sbr.rel $0x88, $3  }
0x1: {  	(tag) =	ssettag $0x0;
	lr =	simm.s32 $0x1  }
0x2: {  	[smem:$0x3F99] =	sst lr;
	_ =	strace $0xD0000000  }
0x3: {  	_ = 	snop  }
0x4: {  	_ = 	snop  }
0x5: {  	_ = 	snop  }
0x6: {  	_ = 	snop  }
0x7: {  	_ = 	snop  }
__scs_overlays_trampoline_lowered:
0x8: {  	[smem:$0x3FA8] =	sst s0  }
0x9: {  	[smem:$0x3FA9] =	sst s1  }
0xa: {  	[smem:$0x3FAA] =	sst s2  }
0xb: {  	[smem:$0x3FAB] =	sst s3  }
0xc: {  	[smem:$0x3FAC] =	sst s4  }
0xd: {  	[smem:$0x3FAD] =	sst s5  }
0xe: {  	[smem:$0x3FAE] =	sst s6  }
0xf: {  	[smem:$0x3FAF] =	sst s7  }
0x10: {  	[smem:$0x3FB0] =	sst s8  }
0x11: {  	[smem:$0x3FB1] =	sst s9;
	s0 =	simm.s32 @!p0 $0x0  }
0x12: {  	s1 =	sld [smem:$0x3F97];
	s0 =	simm.s32 @p0 $0x1  }
0x13: {  	[smem:$0x3FB2] =	sst s0;
	s0 =	simm.s32 @!p1 $0x0  }
0x14: {  	s2 =	sld [smem:$0x3F96];
	s0 =	simm.s32 @p1 $0x1  }
0x15: {  	[smem:$0x3FB3] =	sst s0;
	s0 =	simm.s32 @!p2 $0x0  }
0x16: {  	s3 =	sld [smem:$0x3FDB];
	s0 =	simm.s32 @p2 $0x1  }
0x17: {  	s4 =	simm.s32 $0x1BF5;
	[smem:$0x3FB5] =	sst s0  }
0x18: {  	s0 =	sld [smem:$0x3F98];
	_ =	swait.ge [sflag:s4], $0x0  }
0x19: {  	s7 =	sld [smem:$0x3F99]  }
0x1a: {  	s8 =	sadd.s32 $0xFFFFE003, lr  }
0x1b: {  	s9 =	sadd.s32 $0xFFFFFEF7, lr;
	s5 =	simm.s32 $0xFFFFFFFF;
	p2 =	slt.u32 s8, $0xFFFFF086  }
0x1c: {  	p1 =	slt.u32 s9, $0xF7A;
	s5 =	simm.s32 @!p2 $0x0  }
0x1d: {  	s5 =	simm.s32 @p1 $0x1;
	p0 =	seq.s32 s7, s2  }
0x1e: {  	s7 =	smul.u32 @!p0 $0xF7A, s2;
	p2 =	seq.s32 @!p0 s5, $0x0  }
0x1f: {  	s9 =	smul.u32 $0xF7A, s1;
	s8 =	simm.s32 @!p0 $0x1BF5;
	p2 =	por !p2, p0  }
0x20: {  	[sflag:s8] =	ssyncset.s32 @!p0 $0xFFFFF086;
	s6 =	sadd.s32 @!p0 s3, s7;
	s7 =	simm.s32 @!p0 $0x108  }
0x21: {  	s3 =	sadd.s32 s3, s9;
	s6 =	sadd.s32 @!p0 $0x88, s6;
	s7 =	simm.s32 @p2 $0x1082  }
0x22: {  	[simem:s7], [sflag:s8] =	dma.local @!p0 [hbm:s6], $0xF7A  }
0x23: {  	s9 =	sor.u32 $0xD0000000, s2;
	s6 =	simm.s32 $0x108;
	_ =	swait.ge @!p0 [sflag:s8], $0x0  }
0x24: {  	s3 =	sadd.s32 $0x88, s3;
	s6 =	simm.s32 @!p1 $0x1082;
	[sflag:s4] =	ssyncset.s32 $0xFFFFF086  }
0x25: {  	[simem:s6], [sflag:s4] =	dma.local [hbm:s3], $0xF7A  }
0x26: {  	[smem:$0x3F99] =	sst s1;
	(tag) =	ssettag s2;
	_ =	strace s9  }
0x27: {  	s1 =	sld [smem:$0x3FA9]  }
0x28: {  	s2 =	sld [smem:$0x3FAA]  }
0x29: {  	s4 =	sld [smem:$0x3FAC]  }
0x2a: {  	p0 =	seq.s32 s5, $0x0;
	s5 =	sld [smem:$0x3FAD]  }
0x2b: {  	s6 =	sld [smem:$0x3FAE]  }
0x2c: {  	s7 =	sld [smem:$0x3FAF]  }
0x2d: {  	s3 =	simm.s32 $0x108;
	s8 =	sld [smem:$0x3FB0]  }
0x2e: {  	s3 =	simm.s32 @!p0 $0x1082;
	s9 =	sld [smem:$0x3FB1]  }
0x2f: {  	lr =	sadd.s32 s0, s3;
	s0 =	sld [smem:$0x3FA8]  }
0x30: {  	s3 =	sld [smem:$0x3FAB]  }
0x31: {  	[smem:$0x3FB4] =	sst s10  }
0x32: {  	s10 =	sld [smem:$0x3FB2];
	_ =	sdelay $0x3  }
0x33: {  	p0 =	seq.s32 s10, $0x1;
	s10 =	sld [smem:$0x3FB4];
	_ =	sdelay $0x3  }
0x34: {  	[smem:$0x3FB4] =	sst s10  }
0x35: {  	s10 =	sld [smem:$0x3FB3];
	_ =	sdelay $0x3  }
0x36: {  	p1 =	seq.s32 s10, $0x1;
	s10 =	sld [smem:$0x3FB4];
	_ =	sdelay $0x3  }
0x37: {  	[smem:$0x3FB4] =	sst s10  }
0x38: {  	s10 =	sld [smem:$0x3FB5]  }
0x39: {  	_ = 	snop;
	(pc) =	sbr.ind lr, $3  }
0x3a: {  	_ = 	snop  }
0x3b: {  	_ = 	snop  }
0x3c: {  	p2 =	seq.s32 s10, $0x1;
	s10 =	sld [smem:$0x3FB4]  }
0x3d: {  	_ =	shalt  }
0x3e: {  	_ =	shalt  }
0x3f: {  	_ =	shalt  }
0x40: {  	_ =	shalt  }
0x41: {  	_ =	shalt  }
0x42: {  	_ =	shalt  }
0x43: {  	_ =	shalt  }
0x44: {  	_ =	shalt  }
0x45: {  	_ =	shalt  }
0x46: {  	_ =	shalt  }
0x47: {  	_ =	shalt  }
0x48: {  	_ =	shalt  }
0x49: {  	_ =	shalt  }
0x4a: {  	_ =	shalt  }
0x4b: {  	_ =	shalt  }
0x4c: {  	_ =	shalt  }
0x4d: {  	_ =	shalt  }
0x4e: {  	_ =	shalt  }
0x4f: {  	_ =	shalt  }
0x50: {  	_ =	shalt  }
0x51: {  	_ =	shalt  }
0x52: {  	_ =	shalt  }
0x53: {  	_ =	shalt  }
0x54: {  	_ =	shalt  }
0x55: {  	_ =	shalt  }
0x56: {  	_ =	shalt  }
0x57: {  	_ =	shalt  }
0x58: {  	_ =	shalt  }
0x59: {  	_ =	shalt  }
0x5a: {  	_ =	shalt  }
0x5b: {  	_ =	shalt  }
0x5c: {  	_ =	shalt  }
0x5d: {  	_ =	shalt  }
0x5e: {  	_ =	shalt  }
0x5f: {  	_ =	shalt  }
0x60: {  	_ =	shalt  }
0x61: {  	_ =	shalt  }
0x62: {  	_ =	shalt  }
0x63: {  	_ =	shalt  }
0x64: {  	_ =	shalt  }
0x65: {  	_ =	shalt  }
0x66: {  	_ =	shalt  }
0x67: {  	_ =	shalt  }
0x68: {  	_ =	shalt  }
0x69: {  	_ =	shalt  }
0x6a: {  	_ =	shalt  }
0x6b: {  	_ =	shalt  }
0x6c: {  	_ =	shalt  }
0x6d: {  	_ =	shalt  }
0x6e: {  	_ =	shalt  }
0x6f: {  	_ =	shalt  }
0x70: {  	_ =	shalt  }
0x71: {  	_ =	shalt  }
0x72: {  	_ =	shalt  }
0x73: {  	_ =	shalt  }
0x74: {  	_ =	shalt  }
0x75: {  	_ =	shalt  }
0x76: {  	_ =	shalt  }
0x77: {  	_ =	shalt  }
0x78: {  	_ =	shalt  }
0x79: {  	_ =	shalt  }
0x7a: {  	_ =	shalt  }
0x7b: {  	_ =	shalt  }
0x7c: {  	_ =	shalt  }
0x7d: {  	_ =	shalt  }
0x7e: {  	_ =	shalt  }
0x7f: {  	_ =	shalt  }
0x80: {  	_ =	shalt  }
0x81: {  	_ =	shalt  }
0x82: {  	_ =	shalt  }
0x83: {  	_ =	shalt  }
0x84: {  	_ =	shalt  }
0x85: {  	_ =	shalt  }
0x86: {  	_ =	shalt  }
0x87: {  	_ =	shalt  }
.Lfunc_end0:
.L_simem_size_0:
called_computation.2_lowered:
.L_overlay_start_0:
0x88: {  	s2 =	sld [smem:$0x3FD9]  }
0x89: {  	s3 =	sld [smem:$0x3FFE];
	_ =	sdelay $0x1  }
0x8a: {  	s1 =	srdreg.scid  }
0x8b: {  	s0 =	sand.u32 $0x1, s1  }
0x8c: {  	s16 =	sshll.u32 s0, $0xA;
	s2 =	sadd.s32 s3, s2  }
0x8d: {  	s2 =	sadd.s32 s2, s16  }
0x8e: {  	[smem:$0x3FC0] =	sst s2  }
0x8f: {  	_ = 	snop  }
0x90: {  	(tm) =	ssettm $0x1  }
0x91: {  	s17 =	sld [smem:$0x3FFB];
	_ =	sdelay $0x3  }
0x92: {  	_ =	strace s17  }
0x93: {  	s2 =	sld [smem:$0x3FFC];
	_ =	sdelay $0x3  }
0x94: {  	_ =	strace s2  }
0x95: {  	s2 =	sld [smem:$0x3FFD];
	_ =	sdelay $0x3  }
0x96: {  	_ =	strace s2  }
0x97: {  	_ =	strace $0x8FFFFFFF  }
0x98: {  	s18 =	sld [smem:$0x3FDB];
	_ =	sdelay $0x1  }
0x99: {  	s19 =	simm.s32 $_scs_section_size  }
0x9a: {  	s4 =	simm.s32 $_size__tile_overlayer_lowered;
	s5 =	simm.s32 $_tile_overlayer_lowered  }
0x9b: {  	s22 =	simm.s32 $0x1BFF;
	s21 =	sshll.u32 s5, $0x1;
	s2 =	sadd.s32 s19, s18  }
0x9c: {  	s6 =	simm.s32 $0x0;
	s20 =	sshll.u32 s4, $0x1;
	s4 =	sadd.s32 s21, s2  }
0x9d: {  	[timem:s6], [sflag:s22] =	dma.local [hbm:s4], s20  }
0x9e: {  	_ =	swait.ge [sflag:s22], s20  }
0x9f: {  	s3 =	ssub.s32 $0x0, s20;
	[sflag:s22] =	ssyncset.done $0x0  }
0xa0: {  	[sflag:s22] =	ssyncadd.s32 s3;
	_ =	sdelay $0x1  }
0xa1: {  	s23 =	simm.s32 $0x1B8B  }
0xa2: {  	_ =	swait.ge [sflag:s23], $0x1  }
0xa3: {  	[sflag:s23] =	ssyncset.done $0x0  }
0xa4: {  	s25 =	simm.s32 $0x1B8E;
	s24 =	sld [smem:$0x3FFE];
	[sflag:s23] =	ssyncadd.s32 $0xFFFFFFFF  }
0xa5: {  	s26 =	simm.s32 $execute0_lowered;
	[smem:$0x3FD2] =	sst s25  }
0xa6: {  	s4 =	sshll.u32 s26, $0x1;
	_ =	strace $0x8000004C;
	[dreg:$0x1] =	wrdreg $0xFFFFFFFF  }
0xa7: {  	s28 =	simm.s32 $_size_execute0_lowered;
	s2 =	sadd.s32 s2, s4;
	[dreg:$0x0] =	wrdreg $0x0  }
0xa8: {  	s4 =	sshll.u32 s28, $0x1;
	[dreg:$0x2] =	wrdreg s2  }
0xa9: {  	[dreg:$0x3] =	wrdreg s4  }
0xaa: {  	[dreg:$0x4] =	wrdreg $0xC0  }
0xab: {  	_ =	task [dreg:s6], $0x5FFFF  }
0xac: {  	[dreg:$0x1] =	wrdreg $0xFFFFFFFF  }
0xad: {  	[dreg:$0x0] =	wrdreg $0x60  }
0xae: {  	[dreg:$0x2] =	wrdreg s24  }
0xaf: {  	[dreg:$0x3] =	wrdreg $0x127C00  }
0xb0: {  	[dreg:$0x4] =	wrdreg $0x9  }
0xb1: {  	_ =	task.clear_ibuf [dreg:s6], $0x5FFFF;
	_ =	strace $0x9000004C  }
0xb2: {  	s29 =	simm.s32 $0x9;
	_ =	strace $0x8000004E  }
0xb3: {  	_ =	swait.ge [sflag:s29], $0x1  }
0xb4: {  	[sflag:s29] =	ssyncadd.s32 $0xFFFFFFFF  }
0xb5: {  	_ =	strace $0x9000004E  }
0xb6: {  	_ =	sfence  }
0xb7: {  	s30 =	sld [smem:$0x0];
	_ =	sdelay $0x2  }
0xb8: {  	s31 =	sshll.u32 s1, $0xD;
	s1 =	sshrl.u32 s1, $0x2  }
0xb9: {  	s3 =	sand.u32 $0x4000, s31;
	s1 =	sadd.s32 s1, s30  }
0xba: {  	s0 =	sor.u32 s3, s0;
	s1 =	sshll.u32 s1, $0x11  }
0xbb: {  	s0 =	sor.u32 s1, s0  }
0xbc: {  	s0 =	sadd.s32 $0x8F2B, s0  }
0xbd: {  	[sflag:s0] =	ssyncadd.remote.s32 $0x1  }
0xbe: {  	_ =	sfence.sel $0xFFFF  }
0xbf: {  	[dreg:$0x0] =	wrdreg $0xFFFFFFFF;
	(pc) =	sbr.abs _section_cstart, $3  }
0xc0: {  	[dreg:$0x1] =	wrdreg $0xFFFFFFFF  }
0xc1: {  	_ =	task.clear_ibuf [dreg:s6], $0x2FFFF;
	_ =	strace $0x9FFFFFFF  }
0xc2: {  	(tm) =	ssettm $0x7FFFFFFF  }
0xc3: {  	_ =	shalt  }
tec
execute0_lowered:
.L_overlay_start_1:
0x0: {  	(tag) =	ssettag $0x1  }
0x1: {  	s0 =	rddreg [dreg:$0x0]  }
0x2: {  	s2 =	rddreg [dreg:$0x1]  }
0x3: {  	s9 =	stileid.u32;
	s3 =	srdreg.scid  }
0x4: {  	s4 =	simm.s32 $0x0;
	s28 =	simm.s32 $0x1;
	s1 =	smul.u32 $0x4E20, s9  }
0x5: {  	s30 =	simm.s32 $0xEC40;
	s31 =	simm.s32 $0x2;
	s7 =	smul.u32 $0x27800, s9  }
0x6: {  	s29 =	simm.s32 $0x4;
	s3 =	sand.u32 $0x1, s3;
	s8 =	smul.u32 $0x278, s9  }
0x7: {  	[smem:$0x7FF] =	sst s4;
	s15 =	smul.u32 $0x13C00, s9;
	s9 =	simm.s32 $0x80  }
0x8: {  	s13 =	smul.u32 $0x13880, s3;
	_ =	strace $0x8000004D;
	s5 =	ssub.s32 $0x2, s3  }
0x9: {  	s3 =	sshll.u32 s3, $0x6;
	s1 =	sshrl.u32 s1, $0x3;
	s6 =	sshrl.u32 s5, $0x1  }
0xa: {  	s16 =	sshrl.u32 s7, $0x2;
	s17 =	sadd.s32 $0x9E, s8;
	s21 =	sadd.s32 $0x13C, s8  }
0xb: {  	s8 =	sadd.s32 $0x1DA, s8;
	s1 =	sadd.s32 s1, s0;
	s4 =	sadd.s32 s13, s0  }
0xc: {  	s0 =	sadd.s32 $0x8BC00, s0;
	s5 =	ssub.s32 s5, s6;
	s6 =	sadd.s32 s16, s2  }
0xd: {  	s10 =	sshll.u32 s17, $0x7;
	s19 =	sshll.u32 s17, $0x6;
	s22 =	sshll.u32 s21, $0x6  }
0xe: {  	s23 =	sshll.u32 s8, $0x7;
	s8 =	sshll.u32 s8, $0x6;
	s16 =	simm.s32 $0xC  }
0xf: {  	s13 =	simm.s32 $0x4E20;
	s14 =	sadd.s32 $0x2E00, s1;
	s1 =	sadd.s32 $0xCA40, s1  }
0x10: {  	s7 =	sadd.s32 $0x64A00, s4;
	s18 =	sor.u32 s3, s10;
	s24 =	sadd.s32 s8, s2  }
0x11: {  	s26 =	smax.u32 s5, $0x1;
	s5 =	simm.s32 $0xA;
	[dreg:$0x3] =	wrdreg s14  }
0x12: {  	s8 =	simm.s32 $0x40;
	s10 =	simm.s32 $0x0;
	[dreg:$0x4] =	wrdreg s1  }
0x13: {  	s1 =	sor.u32 s3, s15;
	s4 =	sshrl.u32 s18, $0x3;
	[dreg:$0xa] =	wrdreg s24  }
0x14: {  	[dreg:$0xc] =	wrdreg s26;
	s18 =	simm.s32 $0x10040;
	s24 =	simm.s32 $0xC440  }
0x15: {  	s26 =	simm.s32 $0xD840;
	s1 =	sshrl.u32 s1, $0x3;
	s20 =	sadd.s32 s0, s4  }
0x16: {  	s4 =	sadd.s32 s22, s2;
	s22 =	simm.s32 $0xB040;
	[dreg:$0x7] =	wrdreg s20  }
0x17: {  	s1 =	sadd.s32 s0, s1;
	[dreg:$0x8] =	wrdreg s4;
	s20 =	simm.s32 $0x50  }
0x18: {  	s4 =	simm.s32 $0x9;
	[dreg:$0x5] =	wrdreg s1;
	s1 =	sadd.s32 s19, s2  }
0x19: {  	s19 =	simm.s32 $0xB;
	[dreg:$0x6] =	wrdreg s1;
	s1 =	sshll.u32 s21, $0x7  }
.Ltmp0:
0x1a: {  	s21 =	simm.s32 $0x9C40;
	s1 =	sor.u32 s3, s1;
	(pc) =	sbr.rel .LBB2_1-.Ltmp0, $4  }
0x1b: {  	s3 =	sor.u32 s3, s23;
	s23 =	simm.s32 $0x8;
	s1 =	sshrl.u32 s1, $0x3  }
0x1c: {  	s25 =	sshrl.u32 s3, $0x3;
	s3 =	simm.s32 $0x5;
	s1 =	sadd.s32 s0, s1  }
0x1d: {  	s0 =	sadd.s32 s0, s25;
	s25 =	simm.s32 $0x3;
	[dreg:$0x9] =	wrdreg s1  }
0x1e: {  	v0 =	vimm.f32 $0.0e+00;
	[dreg:$0xb] =	wrdreg s0;
	s0 =	simm.s32 $0x6;
	s1 =	simm.s32 $0x7  }
.LBB2_6:
0x1f: {  	_ =	swait.ge [sflag:s3], $0x1400  }
0x20: {  	[sflag:s3] =	ssyncset.done $0x0  }
0x21: {  	[sflag:s3] =	ssyncadd.s32 $0xFFFFEC00  }
0x22: {  	[spmem:s2] =	stream.indirect.scatter.add.f32 [tilespmem:s30], [sflag:$0xA], $0x40, s13, s20, $0xb8;
	[tilespmem:$0x1C5C0] =	vst v63  }
0x23: {  	_ =	swait.ge [sflag:s0], $0x1400  }
0x24: {  	[sflag:s0] =	ssyncset.done $0x0  }
0x25: {  	[sflag:s0] =	ssyncadd.s32 $0xFFFFEC00  }
0x26: {  	_ =	swait.ge [sflag:s1], $0x1400  }
0x27: {  	[sflag:s1] =	ssyncset.done $0x0  }
0x28: {  	[sflag:s1] =	ssyncadd.s32 $0xFFFFEC00  }
0x29: {  	_ =	swait.ge [sflag:s23], $0x1400  }
0x2a: {  	[sflag:s23] =	ssyncset.done $0x0  }
0x2b: {  	[sflag:s23] =	ssyncadd.s32 $0xFFFFEC00  }
0x2c: {  	_ =	swait.ge [sflag:s4], $0x1400  }
0x2d: {  	[sflag:s4] =	ssyncset.done $0x0  }
0x2e: {  	[sflag:s4] =	ssyncadd.s32 $0xFFFFEC00  }
0x2f: {  	_ =	swait.ge [sflag:s5], $0x1400  }
0x30: {  	[sflag:s5] =	ssyncset.done $0x0  }
0x31: {  	[sflag:s5] =	ssyncadd.s32 $0xFFFFEC00  }
0x32: {  	[bflag:$0x0] =	sbarrier.arrive $0xFFFF  }
0x33: {  	[tilespmem:s18], [sflag:$0xC] =	stream.linear.gather [spmem:s6], $0x2780, $0x38;
	[tilespmem:$0x1C5C0] =	vst v63  }
0x34: {  	_ =	swait.ge [sflag:s16], $0x2780  }
0x35: {  	[sflag:s16] =	ssyncset.done $0x0  }
0x36: {  	s11 =	rddreg [dreg:$0x5];
	[sflag:s16] =	ssyncadd.s32 $0xFFFFD880  }
0x37: {  	[hbm4b:s11+s8] =	stream.strided.scatter [tilespmem:s18], [sflag:$0xC], $0x2780, s9, s8, $0x38;
	[tilespmem:$0x1C5C0] =	vst v63  }
0x38: {  	_ =	swait.ge [sflag:s16], $0x2780  }
0x39: {  	[sflag:s16] =	ssyncset.done $0x0  }
0x3a: {  	s15 =	rddreg [dreg:$0x6];
	[sflag:s16] =	ssyncadd.s32 $0xFFFFD880  }
0x3b: {  	[tilespmem:s18], [sflag:$0xC] =	stream.linear.gather [spmem:s15], $0x2780, $0x38;
	[tilespmem:$0x1C5C0] =	vst v63  }
0x3c: {  	_ =	swait.ge [sflag:s16], $0x2780  }
0x3d: {  	[sflag:s16] =	ssyncset.done $0x0  }
0x3e: {  	s17 =	rddreg [dreg:$0x7];
	[sflag:s16] =	ssyncadd.s32 $0xFFFFD880  }
0x3f: {  	[hbm4b:s17+s8] =	stream.strided.scatter [tilespmem:s18], [sflag:$0xC], $0x2780, s9, s8, $0x38;
	[tilespmem:$0x1C5C0] =	vst v63  }
0x40: {  	_ =	swait.ge [sflag:s16], $0x2780  }
0x41: {  	[sflag:s16] =	ssyncset.done $0x0  }
0x42: {  	s12 =	rddreg [dreg:$0x8];
	[sflag:s16] =	ssyncadd.s32 $0xFFFFD880  }
0x43: {  	[tilespmem:s18], [sflag:$0xC] =	stream.linear.gather [spmem:s12], $0x2780, $0x38;
	[tilespmem:$0x1C5C0] =	vst v63  }
0x44: {  	_ =	swait.ge [sflag:s16], $0x2780  }
0x45: {  	[sflag:s16] =	ssyncset.done $0x0  }
0x46: {  	s13 =	rddreg [dreg:$0x9];
	[sflag:s16] =	ssyncadd.s32 $0xFFFFD880  }
0x47: {  	[hbm4b:s13+s8] =	stream.strided.scatter [tilespmem:s18], [sflag:$0xC], $0x2780, s9, s8, $0x38;
	[tilespmem:$0x1C5C0] =	vst v63  }
0x48: {  	_ =	swait.ge [sflag:s16], $0x2780  }
0x49: {  	[sflag:s16] =	ssyncset.done $0x0  }
0x4a: {  	s14 =	rddreg [dreg:$0xa];
	[sflag:s16] =	ssyncadd.s32 $0xFFFFD880  }
0x4b: {  	[tilespmem:s18], [sflag:$0xC] =	stream.linear.gather [spmem:s14], $0x2780, $0x38;
	[tilespmem:$0x1C5C0] =	vst v63  }
0x4c: {  	_ =	swait.ge [sflag:s16], $0x2780  }
0x4d: {  	[sflag:s16] =	ssyncset.done $0x0  }
0x4e: {  	s15 =	rddreg [dreg:$0xb];
	[sflag:s16] =	ssyncadd.s32 $0xFFFFD880  }
0x4f: {  	[hbm4b:s15+s8] =	stream.strided.scatter [tilespmem:s18], [sflag:$0xC], $0x2780, s9, s8, $0x38;
	[tilespmem:$0x1C5C0] =	vst v63  }
0x50: {  	_ =	swait.ge [sflag:s16], $0x2780  }
0x51: {  	s10 =	sadd.s32 $0x1, s10;
	s17 =	rddreg [dreg:$0xc]  }
0x52: {  	p0 =	sne.s32 s10, s17  }
.Ltmp1:
0x53: {  	_ = 	snop;
	(pc) =	sbr.rel @!p0 .LBB2_7-.Ltmp1, $3  }
0x54: {  	_ =	sdelay $0x1  }
0x55: {  	[sflag:s16] =	ssyncset.done $0x0  }
0x56: {  	s13 =	simm.s32 $0x4E20;
	[sflag:s16] =	ssyncadd.s32 $0xFFFFD880  }
.LBB2_1:
0x57: {  	s11 =	simm.s32 $0x0;
	s12 =	rddreg [dreg:$0x3]  }
0x58: {  	[tilespmem:s11], [sflag:$0xC] =	stream.linear.gather [hbm4b:s12+s11], $0x4E20, $0x38;
	[tilespmem:$0x1C5C0] =	vst v63  }
0x59: {  	_ =	swait.ge [sflag:s16], $0x4E20  }
0x5a: {  	[sflag:s16] =	ssyncset.done $0x0  }
0x5b: {  	s17 =	rddreg [dreg:$0x4];
	[sflag:s16] =	ssyncadd.s32 $0xFFFFB1E0  }
0x5c: {  	[tilespmem:s13], [sflag:$0xC] =	stream.linear.gather [hbm4b:s17+s11], $0x4E20, $0x38;
	[tilespmem:$0x1C5C0] =	vst v63  }
0x5d: {  	_ =	swait.ge [sflag:s16], $0x4E20  }
0x5e: {  	[sflag:s16] =	ssyncset.done $0x0  }
0x5f: {  	[sflag:s16] =	ssyncadd.s32 $0xFFFFB1E0  }
0x60: {  	[tilespmem:$0x10040] =	vst v0  }
0x61: {  	[tilespmem:$0x10050] =	vst v0  }
0x62: {  	[tilespmem:$0x10060] =	vst v0  }
0x63: {  	[tilespmem:$0x10070] =	vst v0  }
0x64: {  	[tilespmem:$0x10080] =	vst v0  }
0x65: {  	[tilespmem:$0x10090] =	vst v0  }
0x66: {  	[tilespmem:$0x100A0] =	vst v0  }
0x67: {  	[tilespmem:$0x100B0] =	vst v0  }
0x68: {  	[tilespmem:$0x100C0] =	vst v0  }
0x69: {  	[tilespmem:$0x100D0] =	vst v0  }
0x6a: {  	[tilespmem:$0x100E0] =	vst v0  }
0x6b: {  	[tilespmem:$0x100F0] =	vst v0  }
0x6c: {  	[tilespmem:$0x10100] =	vst v0  }
0x6d: {  	[tilespmem:$0x10110] =	vst v0  }
0x6e: {  	[tilespmem:$0x10120] =	vst v0  }
0x6f: {  	[tilespmem:$0x10130] =	vst v0  }
0x70: {  	[tilespmem:$0x10140] =	vst v0  }
0x71: {  	[tilespmem:$0x10150] =	vst v0  }
0x72: {  	[tilespmem:$0x10160] =	vst v0  }
0x73: {  	[tilespmem:$0x10170] =	vst v0  }
0x74: {  	[tilespmem:$0x10180] =	vst v0  }
0x75: {  	[tilespmem:$0x10190] =	vst v0  }
0x76: {  	[tilespmem:$0x101A0] =	vst v0  }
0x77: {  	[tilespmem:$0x101B0] =	vst v0  }
0x78: {  	[tilespmem:$0x101C0] =	vst v0  }
0x79: {  	[tilespmem:$0x101D0] =	vst v0  }
0x7a: {  	[tilespmem:$0x101E0] =	vst v0  }
0x7b: {  	[tilespmem:$0x101F0] =	vst v0  }
0x7c: {  	[tilespmem:$0x10200] =	vst v0  }
0x7d: {  	[tilespmem:$0x10210] =	vst v0  }
0x7e: {  	[tilespmem:$0x10220] =	vst v0  }
0x7f: {  	s12 =	sadd.s32 $0x0, s6;
	s11 =	simm.s32 $0x800;
	[tilespmem:$0x10230] =	vst v0  }
.LBB2_2:
0x80: {  	[spmem:s12] =	stream.linear.scatter [tilespmem:s18], [sflag:$0xB], $0x200, $0x38;
	[tilespmem:$0x1C5C0] =	vst v63  }
0x81: {  	s12 =	smov.u32 s11;
	p0 =	sne.s32 s11, $0x27000  }
.Ltmp2:
0x82: {  	s11 =	sadd.s32 $0x800, s11;
	(pc) =	sbr.rel @p0 .LBB2_2-.Ltmp2, $3  }
0x83: {  	_ =	sdelay $0x1  }
0x84: {  	s12 =	sshra.s32 s12, $0x2  }
0x85: {  	s12 =	sadd.s32 s12, s6  }
0x86: {  	[spmem:s12] =	stream.linear.scatter [tilespmem:s18], [sflag:$0xB], $0x200, $0x38;
	[tilespmem:$0x1C5C0] =	vst v63  }
0x87: {  	_ =	swait.ge [sflag:s19], $0x13C0  }
0x88: {  	[sflag:s19] =	ssyncset.done $0x0  }
0x89: {  	[sflag:s19] =	ssyncadd.s32 $0xFFFFEC40  }
0x8a: {  	s11 =	simm.s32 $0x0;
	[bflag:$0x0] =	sbarrier.arrive $0xFFFF  }
0x8b: {  	[tilespmem:s21], [sflag:$0x1] =	stream.indirect.gather [hbm4b:s7+s20], $0x40, s11, s20, $0xb8;
	[tilespmem:$0x1C5C0] =	vst v63  }
0x8c: {  	_ = 	snop  }
0x8d: {  	[tilespmem:s22], [sflag:$0x2] =	stream.indirect.gather [hbm4b:s7+s20], $0x40, s20, s20, $0xb8;
	[tilespmem:$0x1C5C0] =	vst v63  }
0x8e: {  	s14 =	simm.s32 $0xA0  }
0x8f: {  	[tilespmem:s24], [sflag:$0x3] =	stream.indirect.gather [hbm4b:s7+s20], $0x40, s14, s20, $0xb8;
	[tilespmem:$0x1C5C0] =	vst v63  }
0x90: {  	s15 =	simm.s32 $0xF0  }
0x91: {  	[tilespmem:s26], [sflag:$0x4] =	stream.indirect.gather [hbm4b:s7+s20], $0x40, s15, s20, $0xb8;
	[tilespmem:$0x1C5C0] =	vst v63  }
0x92: {  	_ =	swait.ge [sflag:s28], $0x1400  }
0x93: {  	[sflag:s28] =	ssyncset.done $0x0  }
0x94: {  	[sflag:s28] =	ssyncadd.s32 $0xFFFFEC00  }
0x95: {  	[spmem:s2] =	stream.indirect.scatter.add.f32 [tilespmem:s21], [sflag:$0x6], $0x40, s13, s20, $0xb8;
	[tilespmem:$0x1C5C0] =	vst v63  }
0x96: {  	s17 =	simm.s32 $0x140  }
0x97: {  	[tilespmem:s30], [sflag:$0x5] =	stream.indirect.gather [hbm4b:s7+s20], $0x40, s17, s20, $0xb8;
	[tilespmem:$0x1C5C0] =	vst v63  }
0x98: {  	_ =	swait.ge [sflag:s31], $0x1400  }
0x99: {  	[sflag:s31] =	ssyncset.done $0x0  }
0x9a: {  	s13 =	simm.s32 $0x4E70;
	[sflag:s31] =	ssyncadd.s32 $0xFFFFEC00  }
0x9b: {  	[spmem:s2] =	stream.indirect.scatter.add.f32 [tilespmem:s22], [sflag:$0x7], $0x40, s13, s20, $0xb8;
	[tilespmem:$0x1C5C0] =	vst v63  }
0x9c: {  	_ =	swait.ge [sflag:s0], $0x1400  }
0x9d: {  	[sflag:s0] =	ssyncset.done $0x0  }
0x9e: {  	s14 =	simm.s32 $0x190;
	[sflag:s0] =	ssyncadd.s32 $0xFFFFEC00  }
0x9f: {  	[tilespmem:s21], [sflag:$0x1] =	stream.indirect.gather [hbm4b:s7+s20], $0x40, s14, s20, $0xb8;
	[tilespmem:$0x1C5C0] =	vst v63  }
0xa0: {  	_ =	swait.ge [sflag:s25], $0x1400  }
0xa1: {  	[sflag:s25] =	ssyncset.done $0x0  }
0xa2: {  	s15 =	simm.s32 $0x4EC0;
	[sflag:s25] =	ssyncadd.s32 $0xFFFFEC00  }
0xa3: {  	[spmem:s2] =	stream.indirect.scatter.add.f32 [tilespmem:s24], [sflag:$0x8], $0x40, s15, s20, $0xb8;
	[tilespmem:$0x1C5C0] =	vst v63  }
0xa4: {  	_ =	swait.ge [sflag:s1], $0x1400  }
0xa5: {  	[sflag:s1] =	ssyncset.done $0x0  }
0xa6: {  	s17 =	simm.s32 $0x1E0;
	[sflag:s1] =	ssyncadd.s32 $0xFFFFEC00  }
0xa7: {  	[tilespmem:s22], [sflag:$0x2] =	stream.indirect.gather [hbm4b:s7+s20], $0x40, s17, s20, $0xb8;
	[tilespmem:$0x1C5C0] =	vst v63  }
0xa8: {  	_ =	swait.ge [sflag:s29], $0x1400  }
0xa9: {  	[sflag:s29] =	ssyncset.done $0x0  }
0xaa: {  	s13 =	simm.s32 $0x4F10;
	[sflag:s29] =	ssyncadd.s32 $0xFFFFEC00  }
0xab: {  	[spmem:s2] =	stream.indirect.scatter.add.f32 [tilespmem:s26], [sflag:$0x9], $0x40, s13, s20, $0xb8;
	[tilespmem:$0x1C5C0] =	vst v63  }
0xac: {  	_ =	swait.ge [sflag:s23], $0x1400  }
0xad: {  	[sflag:s23] =	ssyncset.done $0x0  }
0xae: {  	s14 =	simm.s32 $0x230;
	[sflag:s23] =	ssyncadd.s32 $0xFFFFEC00  }
0xaf: {  	[tilespmem:s24], [sflag:$0x3] =	stream.indirect.gather [hbm4b:s7+s20], $0x40, s14, s20, $0xb8;
	[tilespmem:$0x1C5C0] =	vst v63  }
0xb0: {  	_ =	swait.ge [sflag:s3], $0x1400  }
0xb1: {  	[sflag:s3] =	ssyncset.done $0x0  }
0xb2: {  	s15 =	simm.s32 $0x4F60;
	[sflag:s3] =	ssyncadd.s32 $0xFFFFEC00  }
0xb3: {  	[spmem:s2] =	stream.indirect.scatter.add.f32 [tilespmem:s30], [sflag:$0xA], $0x40, s15, s20, $0xb8;
	[tilespmem:$0x1C5C0] =	vst v63  }
0xb4: {  	_ =	swait.ge [sflag:s4], $0x1400  }
0xb5: {  	[sflag:s4] =	ssyncset.done $0x0  }
0xb6: {  	s17 =	simm.s32 $0x280;
	[sflag:s4] =	ssyncadd.s32 $0xFFFFEC00  }
0xb7: {  	[tilespmem:s26], [sflag:$0x4] =	stream.indirect.gather [hbm4b:s7+s20], $0x40, s17, s20, $0xb8;
	[tilespmem:$0x1C5C0] =	vst v63  }
.LBB2_4:
0xb8: {  	_ =	swait.ge [sflag:s28], $0x1400  }
0xb9: {  	s12 =	sshra.s32 s11, $0x2;
	[sflag:s28] =	ssyncset.done $0x0  }
0xba: {  	s13 =	sadd.s32 $0x4FB0, s12;
	[sflag:s28] =	ssyncadd.s32 $0xFFFFEC00  }
0xbb: {  	[spmem:s2] =	stream.indirect.scatter.add.f32 [tilespmem:s21], [sflag:$0x6], $0x40, s13, s20, $0xb8;
	[tilespmem:$0x1C5C0] =	vst v63  }
0xbc: {  	_ =	swait.ge [sflag:s5], $0x1400  }
0xbd: {  	[sflag:s5] =	ssyncset.done $0x0  }
0xbe: {  	s14 =	sadd.s32 $0x2D0, s12;
	[sflag:s5] =	ssyncadd.s32 $0xFFFFEC00  }
0xbf: {  	[tilespmem:s30], [sflag:$0x5] =	stream.indirect.gather [hbm4b:s7+s20], $0x40, s14, s20, $0xb8;
	[tilespmem:$0x1C5C0] =	vst v63  }
0xc0: {  	_ =	swait.ge [sflag:s31], $0x1400  }
0xc1: {  	p0 =	seq.s32 s11, $0x12C00;
	[sflag:s31] =	ssyncset.done $0x0  }
0xc2: {  	s15 =	sadd.s32 $0x5000, s12;
	s13 =	simm.s32 @p0 $0x3;
	[sflag:s31] =	ssyncadd.s32 $0xFFFFEC00  }
0xc3: {  	[spmem:s2] =	stream.indirect.scatter.add.f32 [tilespmem:s22], [sflag:$0x7], $0x40, s15, s20, $0xb8;
	[tilespmem:$0x1C5C0] =	vst v63  }
0xc4: {  	_ =	swait.ge @p0 [sflag:s13], $0x1400  }
0xc5: {  	[sflag:s13] =	ssyncset.done @p0 $0x0  }
0xc6: {  	[sflag:s13] =	ssyncadd.s32 @p0 $0xFFFFEC00;
	s13 =	sshra.s32 @p0 s11, $0x2  }
0xc7: {  	s17 =	simm.s32 @p0 $0x50;
	s14 =	simm.s32 @p0 $0xC440;
	s13 =	sadd.s32 @p0 $0x5050, s13  }
0xc8: {  	[spmem:s2] =	stream.indirect.scatter.add.f32 @p0 [tilespmem:s14], [sflag:$0x8], $0x40, s13, s17, $0xb8;
	[tilespmem:$0x1C5C0] =	vst v63  }
0xc9: {  	s13 =	simm.s32 @!p0 $0x6  }
0xca: {  	_ =	swait.ge @!p0 [sflag:s13], $0x1400  }
0xcb: {  	[sflag:s13] =	ssyncset.done @!p0 $0x0  }
0xcc: {  	[sflag:s13] =	ssyncadd.s32 @!p0 $0xFFFFEC00;
	s13 =	sshra.s32 @!p0 s11, $0x2  }
0xcd: {  	s15 =	simm.s32 @!p0 $0x9C40;
	s17 =	simm.s32 @!p0 $0x50;
	s14 =	sadd.s32 @!p0 $0x320, s13  }
0xce: {  	[tilespmem:s15], [sflag:$0x1] =	stream.indirect.gather @!p0 [hbm4b:s7+s17], $0x40, s14, s17, $0xb8;
	[tilespmem:$0x1C5C0] =	vst v63  }
0xcf: {  	s14 =	simm.s32 @!p0 $0x3  }
0xd0: {  	_ =	swait.ge @!p0 [sflag:s14], $0x1400  }
0xd1: {  	[sflag:s14] =	ssyncset.done @!p0 $0x0  }
0xd2: {  	s15 =	simm.s32 @!p0 $0xC440;
	[sflag:s14] =	ssyncadd.s32 @!p0 $0xFFFFEC00;
	s14 =	sadd.s32 @!p0 $0x5050, s13  }
0xd3: {  	[spmem:s2] =	stream.indirect.scatter.add.f32 @!p0 [tilespmem:s15], [sflag:$0x8], $0x40, s14, s17, $0xb8;
	[tilespmem:$0x1C5C0] =	vst v63  }
0xd4: {  	s14 =	simm.s32 @!p0 $0x7  }
0xd5: {  	_ =	swait.ge @!p0 [sflag:s14], $0x1400  }
0xd6: {  	[sflag:s14] =	ssyncset.done @!p0 $0x0  }
0xd7: {  	s13 =	sadd.s32 @!p0 $0x370, s13;
	[sflag:s14] =	ssyncadd.s32 @!p0 $0xFFFFEC00;
	s14 =	simm.s32 @!p0 $0xB040  }
0xd8: {  	[tilespmem:s14], [sflag:$0x2] =	stream.indirect.gather @!p0 [hbm4b:s7+s17], $0x40, s13, s17, $0xb8;
	[tilespmem:$0x1C5C0] =	vst v63  }
.Ltmp3:
0xd9: {  	_ = 	snop;
	(pc) =	sbr.rel @p0 .LBB2_6-.Ltmp3, $4  }
0xda: {  	_ =	swait.ge [sflag:s29], $0x1400  }
0xdb: {  	[sflag:s29] =	ssyncset.done $0x0  }
0xdc: {  	s17 =	sadd.s32 $0x50A0, s12;
	s13 =	sadd.s32 $0x50F0, s12;
	[sflag:s29] =	ssyncadd.s32 $0xFFFFEC00  }
0xdd: {  	[spmem:s2] =	stream.indirect.scatter.add.f32 [tilespmem:s26], [sflag:$0x9], $0x40, s17, s20, $0xb8;
	[tilespmem:$0x1C5C0] =	vst v63  }
0xde: {  	_ =	swait.ge [sflag:s23], $0x1400  }
0xdf: {  	[sflag:s23] =	ssyncset.done $0x0  }
0xe0: {  	s14 =	sadd.s32 $0x3C0, s12;
	[sflag:s23] =	ssyncadd.s32 $0xFFFFEC00  }
0xe1: {  	[tilespmem:s24], [sflag:$0x3] =	stream.indirect.gather [hbm4b:s7+s20], $0x40, s14, s20, $0xb8;
	[tilespmem:$0x1C5C0] =	vst v63  }
0xe2: {  	_ =	swait.ge [sflag:s3], $0x1400  }
0xe3: {  	[sflag:s3] =	ssyncset.done $0x0  }
0xe4: {  	[sflag:s3] =	ssyncadd.s32 $0xFFFFEC00  }
0xe5: {  	[spmem:s2] =	stream.indirect.scatter.add.f32 [tilespmem:s30], [sflag:$0xA], $0x40, s13, s20, $0xb8;
	[tilespmem:$0x1C5C0] =	vst v63  }
.Ltmp4:
0xe6: {  	_ = 	snop;
	(pc) =	sbr.rel .LBB2_4-.Ltmp4, $4  }
0xe7: {  	_ =	swait.ge [sflag:s4], $0x1400  }
0xe8: {  	[sflag:s4] =	ssyncset.done $0x0  }
0xe9: {  	s17 =	sadd.s32 $0x410, s12;
	s11 =	sadd.s32 $0x640, s11;
	[sflag:s4] =	ssyncadd.s32 $0xFFFFEC00  }
0xea: {  	[tilespmem:s26], [sflag:$0x4] =	stream.indirect.gather [hbm4b:s7+s20], $0x40, s17, s20, $0xb8;
	[tilespmem:$0x1C5C0] =	vst v63  }
.LBB2_7:
0xeb: {  	_ =	sfence.sel $0x180000  }
0xec: {  	[bflag:$0x0] =	sbarrier.arrive $0xFFFF  }
0xed: {  	_ =	strace $0x9000004D  }
0xee: {  	s0 =	stileid.u32;
	[bflag:$0x2] =	sbarrier.arrive $0xFFFF  }
0xef: {  	p0 =	sne.s32 s0, $0x0;
	s0 =	rddreg [dreg:$0x2]  }
0xf0: {  	s0 =	sadd.s32 @!p0 $0x100000, s0  }
0xf1: {  	[sflag:s0] =	ssyncadd.tile.s32 @!p0 $0x1;
	_ =	shalt  }
.Lfunc_end2:
_tile_overlayer_lowered:
.L_overlay_start_2:
0xf2: {  	(tag) =	ssettag $0x2  }
0xf3: {  	s0 =	rddreg [dreg:$0x0];
	s2 =	stileid.u32  }
0xf4: {  	s1 =	rddreg [dreg:$0x1];
	p0 =	sne.s32 s2, $0x0  }
0xf5: {  	s3 =	rddreg [dreg:$0x2];
	[bflag:$0x3] =	sbarrier.arrive $0xFFFF;
	s2 =	simm.s32 @!p0 $0x1C0C  }
0xf6: {  	[timem:s3], [sflag:s2] =	dma.local @!p0 [hbm:s0], s1  }
0xf7: {  	s0 =	simm.s32 @!p0 $0xC  }
0xf8: {  	_ =	swait.ge @!p0 [sflag:s0], s1  }
0xf9: {  	s1 =	ssub.s32 @!p0 $0x0, s1;
	[sflag:s0] =	ssyncset.done @!p0 $0x0  }
0xfa: {  	[sflag:s0] =	ssyncadd.s32 @!p0 s1  }
0xfb: {  	[bflag:$0x3] =	sbarrier.arrive $0xFFFF  }
0xfc: {  	_ =	shalt  }

// kernel: kernel.19.cloned.1.call-start
scs
__scs_entry_jumppad:
0x0: {  	(pc) =	sbr.rel $0x88, $3  }
0x1: {  	(tag) =	ssettag $0x0;
	lr =	simm.s32 $0x1  }
0x2: {  	[smem:$0x3F99] =	sst lr;
	_ =	strace $0xD0000000  }
0x3: {  	_ = 	snop  }
0x4: {  	_ = 	snop  }
0x5: {  	_ = 	snop  }
0x6: {  	_ = 	snop  }
0x7: {  	_ = 	snop  }
__scs_overlays_trampoline_lowered:
0x8: {  	[smem:$0x3FA8] =	sst s0  }
0x9: {  	[smem:$0x3FA9] =	sst s1  }
0xa: {  	[smem:$0x3FAA] =	sst s2  }
0xb: {  	[smem:$0x3FAB] =	sst s3  }
0xc: {  	[smem:$0x3FAC] =	sst s4  }
0xd: {  	[smem:$0x3FAD] =	sst s5  }
0xe: {  	[smem:$0x3FAE] =	sst s6  }
0xf: {  	[smem:$0x3FAF] =	sst s7  }
0x10: {  	[smem:$0x3FB0] =	sst s8  }
0x11: {  	[smem:$0x3FB1] =	sst s9;
	s0 =	simm.s32 @!p0 $0x0  }
0x12: {  	s1 =	sld [smem:$0x3F97];
	s0 =	simm.s32 @p0 $0x1  }
0x13: {  	[smem:$0x3FB2] =	sst s0;
	s0 =	simm.s32 @!p1 $0x0  }
0x14: {  	s2 =	sld [smem:$0x3F96];
	s0 =	simm.s32 @p1 $0x1  }
0x15: {  	[smem:$0x3FB3] =	sst s0;
	s0 =	simm.s32 @!p2 $0x0  }
0x16: {  	s3 =	sld [smem:$0x3FDB];
	s0 =	simm.s32 @p2 $0x1  }
0x17: {  	s4 =	simm.s32 $0x1BF5;
	[smem:$0x3FB5] =	sst s0  }
0x18: {  	s0 =	sld [smem:$0x3F98];
	_ =	swait.ge [sflag:s4], $0x0  }
0x19: {  	s7 =	sld [smem:$0x3F99]  }
0x1a: {  	s8 =	sadd.s32 $0xFFFFE003, lr  }
0x1b: {  	s9 =	sadd.s32 $0xFFFFFEF7, lr;
	s5 =	simm.s32 $0xFFFFFFFF;
	p2 =	slt.u32 s8, $0xFFFFF086  }
0x1c: {  	p1 =	slt.u32 s9, $0xF7A;
	s5 =	simm.s32 @!p2 $0x0  }
0x1d: {  	s5 =	simm.s32 @p1 $0x1;
	p0 =	seq.s32 s7, s2  }
0x1e: {  	s7 =	smul.u32 @!p0 $0xF7A, s2;
	p2 =	seq.s32 @!p0 s5, $0x0  }
0x1f: {  	s9 =	smul.u32 $0xF7A, s1;
	s8 =	simm.s32 @!p0 $0x1BF5;
	p2 =	por !p2, p0  }
0x20: {  	[sflag:s8] =	ssyncset.s32 @!p0 $0xFFFFF086;
	s6 =	sadd.s32 @!p0 s3, s7;
	s7 =	simm.s32 @!p0 $0x108  }
0x21: {  	s3 =	sadd.s32 s3, s9;
	s6 =	sadd.s32 @!p0 $0x88, s6;
	s7 =	simm.s32 @p2 $0x1082  }
0x22: {  	[simem:s7], [sflag:s8] =	dma.local @!p0 [hbm:s6], $0xF7A  }
0x23: {  	s9 =	sor.u32 $0xD0000000, s2;
	s6 =	simm.s32 $0x108;
	_ =	swait.ge @!p0 [sflag:s8], $0x0  }
0x24: {  	s3 =	sadd.s32 $0x88, s3;
	s6 =	simm.s32 @!p1 $0x1082;
	[sflag:s4] =	ssyncset.s32 $0xFFFFF086  }
0x25: {  	[simem:s6], [sflag:s4] =	dma.local [hbm:s3], $0xF7A  }
0x26: {  	[smem:$0x3F99] =	sst s1;
	(tag) =	ssettag s2;
	_ =	strace s9  }
0x27: {  	s1 =	sld [smem:$0x3FA9]  }
0x28: {  	s2 =	sld [smem:$0x3FAA]  }
0x29: {  	s4 =	sld [smem:$0x3FAC]  }
0x2a: {  	p0 =	seq.s32 s5, $0x0;
	s5 =	sld [smem:$0x3FAD]  }
0x2b: {  	s6 =	sld [smem:$0x3FAE]  }
0x2c: {  	s7 =	sld [smem:$0x3FAF]  }
0x2d: {  	s3 =	simm.s32 $0x108;
	s8 =	sld [smem:$0x3FB0]  }
0x2e: {  	s3 =	simm.s32 @!p0 $0x1082;
	s9 =	sld [smem:$0x3FB1]  }
0x2f: {  	lr =	sadd.s32 s0, s3;
	s0 =	sld [smem:$0x3FA8]  }
0x30: {  	s3 =	sld [smem:$0x3FAB]  }
0x31: {  	[smem:$0x3FB4] =	sst s10  }
0x32: {  	s10 =	sld [smem:$0x3FB2];
	_ =	sdelay $0x3  }
0x33: {  	p0 =	seq.s32 s10, $0x1;
	s10 =	sld [smem:$0x3FB4];
	_ =	sdelay $0x3  }
0x34: {  	[smem:$0x3FB4] =	sst s10  }
0x35: {  	s10 =	sld [smem:$0x3FB3];
	_ =	sdelay $0x3  }
0x36: {  	p1 =	seq.s32 s10, $0x1;
	s10 =	sld [smem:$0x3FB4];
	_ =	sdelay $0x3  }
0x37: {  	[smem:$0x3FB4] =	sst s10  }
0x38: {  	s10 =	sld [smem:$0x3FB5]  }
0x39: {  	_ = 	snop;
	(pc) =	sbr.ind lr, $3  }
0x3a: {  	_ = 	snop  }
0x3b: {  	_ = 	snop  }
0x3c: {  	p2 =	seq.s32 s10, $0x1;
	s10 =	sld [smem:$0x3FB4]  }
0x3d: {  	_ =	shalt  }
0x3e: {  	_ =	shalt  }
0x3f: {  	_ =	shalt  }
0x40: {  	_ =	shalt  }
0x41: {  	_ =	shalt  }
0x42: {  	_ =	shalt  }
0x43: {  	_ =	shalt  }
0x44: {  	_ =	shalt  }
0x45: {  	_ =	shalt  }
0x46: {  	_ =	shalt  }
0x47: {  	_ =	shalt  }
0x48: {  	_ =	shalt  }
0x49: {  	_ =	shalt  }
0x4a: {  	_ =	shalt  }
0x4b: {  	_ =	shalt  }
0x4c: {  	_ =	shalt  }
0x4d: {  	_ =	shalt  }
0x4e: {  	_ =	shalt  }
0x4f: {  	_ =	shalt  }
0x50: {  	_ =	shalt  }
0x51: {  	_ =	shalt  }
0x52: {  	_ =	shalt  }
0x53: {  	_ =	shalt  }
0x54: {  	_ =	shalt  }
0x55: {  	_ =	shalt  }
0x56: {  	_ =	shalt  }
0x57: {  	_ =	shalt  }
0x58: {  	_ =	shalt  }
0x59: {  	_ =	shalt  }
0x5a: {  	_ =	shalt  }
0x5b: {  	_ =	shalt  }
0x5c: {  	_ =	shalt  }
0x5d: {  	_ =	shalt  }
0x5e: {  	_ =	shalt  }
0x5f: {  	_ =	shalt  }
0x60: {  	_ =	shalt  }
0x61: {  	_ =	shalt  }
0x62: {  	_ =	shalt  }
0x63: {  	_ =	shalt  }
0x64: {  	_ =	shalt  }
0x65: {  	_ =	shalt  }
0x66: {  	_ =	shalt  }
0x67: {  	_ =	shalt  }
0x68: {  	_ =	shalt  }
0x69: {  	_ =	shalt  }
0x6a: {  	_ =	shalt  }
0x6b: {  	_ =	shalt  }
0x6c: {  	_ =	shalt  }
0x6d: {  	_ =	shalt  }
0x6e: {  	_ =	shalt  }
0x6f: {  	_ =	shalt  }
0x70: {  	_ =	shalt  }
0x71: {  	_ =	shalt  }
0x72: {  	_ =	shalt  }
0x73: {  	_ =	shalt  }
0x74: {  	_ =	shalt  }
0x75: {  	_ =	shalt  }
0x76: {  	_ =	shalt  }
0x77: {  	_ =	shalt  }
0x78: {  	_ =	shalt  }
0x79: {  	_ =	shalt  }
0x7a: {  	_ =	shalt  }
0x7b: {  	_ =	shalt  }
0x7c: {  	_ =	shalt  }
0x7d: {  	_ =	shalt  }
0x7e: {  	_ =	shalt  }
0x7f: {  	_ =	shalt  }
0x80: {  	_ =	shalt  }
0x81: {  	_ =	shalt  }
0x82: {  	_ =	shalt  }
0x83: {  	_ =	shalt  }
0x84: {  	_ =	shalt  }
0x85: {  	_ =	shalt  }
0x86: {  	_ =	shalt  }
0x87: {  	_ =	shalt  }
.Lfunc_end0:
.L_simem_size_0:
called_computation.3_lowered:
.L_overlay_start_0:
0x88: {  	s2 =	sld [smem:$0x3FD9]  }
0x89: {  	s3 =	sld [smem:$0x3FFE];
	_ =	sdelay $0x1  }
0x8a: {  	s1 =	srdreg.scid  }
0x8b: {  	s0 =	sand.u32 $0x1, s1  }
0x8c: {  	s16 =	sshll.u32 s0, $0xA;
	s2 =	sadd.s32 s3, s2  }
0x8d: {  	s2 =	sadd.s32 s2, s16  }
0x8e: {  	[smem:$0x3FC0] =	sst s2  }
0x8f: {  	_ = 	snop  }
0x90: {  	(tm) =	ssettm $0x1  }
0x91: {  	s17 =	sld [smem:$0x3FFB];
	_ =	sdelay $0x3  }
0x92: {  	_ =	strace s17  }
0x93: {  	s2 =	sld [smem:$0x3FFC];
	_ =	sdelay $0x3  }
0x94: {  	_ =	strace s2  }
0x95: {  	s2 =	sld [smem:$0x3FFD];
	_ =	sdelay $0x3  }
0x96: {  	_ =	strace s2  }
0x97: {  	_ =	strace $0x8FFFFFFF  }
0x98: {  	s18 =	sld [smem:$0x3FDB];
	_ =	sdelay $0x1  }
0x99: {  	s19 =	simm.s32 $_scs_section_size  }
0x9a: {  	s4 =	simm.s32 $_size__tile_overlayer_lowered;
	s5 =	simm.s32 $_tile_overlayer_lowered  }
0x9b: {  	s22 =	simm.s32 $0x1BFF;
	s21 =	sshll.u32 s5, $0x1;
	s2 =	sadd.s32 s19, s18  }
0x9c: {  	s6 =	simm.s32 $0x0;
	s20 =	sshll.u32 s4, $0x1;
	s4 =	sadd.s32 s21, s2  }
0x9d: {  	[timem:s6], [sflag:s22] =	dma.local [hbm:s4], s20  }
0x9e: {  	_ =	swait.ge [sflag:s22], s20  }
0x9f: {  	s3 =	ssub.s32 $0x0, s20;
	[sflag:s22] =	ssyncset.done $0x0  }
0xa0: {  	[sflag:s22] =	ssyncadd.s32 s3;
	_ =	sdelay $0x1  }
0xa1: {  	s23 =	simm.s32 $0x1B8B  }
0xa2: {  	_ =	swait.ge [sflag:s23], $0x1  }
0xa3: {  	[sflag:s23] =	ssyncset.done $0x0  }
0xa4: {  	s25 =	simm.s32 $0x1B8E;
	s24 =	sld [smem:$0x3FFE];
	[sflag:s23] =	ssyncadd.s32 $0xFFFFFFFF  }
0xa5: {  	s26 =	simm.s32 $execute0_lowered;
	[smem:$0x3FD2] =	sst s25  }
0xa6: {  	s4 =	sshll.u32 s26, $0x1;
	_ =	strace $0x8000004F;
	[dreg:$0x1] =	wrdreg $0xFFFFFFFF  }
0xa7: {  	s28 =	simm.s32 $_size_execute0_lowered;
	s2 =	sadd.s32 s2, s4;
	[dreg:$0x0] =	wrdreg $0x0  }
0xa8: {  	s4 =	sshll.u32 s28, $0x1;
	[dreg:$0x2] =	wrdreg s2  }
0xa9: {  	[dreg:$0x3] =	wrdreg s4  }
0xaa: {  	[dreg:$0x4] =	wrdreg $0xC0  }
0xab: {  	_ =	task [dreg:s6], $0x5FFFF  }
0xac: {  	[dreg:$0x1] =	wrdreg $0xFFFFFFFF  }
0xad: {  	[dreg:$0x0] =	wrdreg $0x60  }
0xae: {  	[dreg:$0x2] =	wrdreg s24  }
0xaf: {  	[dreg:$0x3] =	wrdreg $0xD0900  }
0xb0: {  	[dreg:$0x4] =	wrdreg $0x9  }
0xb1: {  	_ =	task.clear_ibuf [dreg:s6], $0x5FFFF;
	_ =	strace $0x9000004F  }
0xb2: {  	s29 =	simm.s32 $0x9;
	_ =	strace $0x80000051  }
0xb3: {  	_ =	swait.ge [sflag:s29], $0x1  }
0xb4: {  	[sflag:s29] =	ssyncadd.s32 $0xFFFFFFFF  }
0xb5: {  	_ =	strace $0x90000051  }
0xb6: {  	_ =	sfence  }
0xb7: {  	s30 =	sld [smem:$0x0];
	_ =	sdelay $0x2  }
0xb8: {  	s31 =	sshll.u32 s1, $0xD;
	s1 =	sshrl.u32 s1, $0x2  }
0xb9: {  	s3 =	sand.u32 $0x4000, s31;
	s1 =	sadd.s32 s1, s30  }
0xba: {  	s0 =	sor.u32 s3, s0;
	s1 =	sshll.u32 s1, $0x11  }
0xbb: {  	s0 =	sor.u32 s1, s0  }
0xbc: {  	s0 =	sadd.s32 $0x8F2B, s0  }
0xbd: {  	[sflag:s0] =	ssyncadd.remote.s32 $0x1  }
0xbe: {  	_ =	sfence.sel $0xFFFF  }
0xbf: {  	[dreg:$0x0] =	wrdreg $0xFFFFFFFF;
	(pc) =	sbr.abs _section_cstart, $3  }
0xc0: {  	[dreg:$0x1] =	wrdreg $0xFFFFFFFF  }
0xc1: {  	_ =	task.clear_ibuf [dreg:s6], $0x2FFFF;
	_ =	strace $0x9FFFFFFF  }
0xc2: {  	(tm) =	ssettm $0x7FFFFFFF  }
0xc3: {  	_ =	shalt  }
tec
execute0_lowered:
.L_overlay_start_1:
0x0: {  	(tag) =	ssettag $0x1  }
0x1: {  	s0 =	rddreg [dreg:$0x0]  }
0x2: {  	s2 =	rddreg [dreg:$0x1];
	s8 =	stileid.u32  }
0x3: {  	s3 =	srdreg.scid;
	s4 =	simm.s32 $0x0;
	s1 =	smul.u32 $0x4E20, s8  }
0x4: {  	s13 =	simm.s32 $0x4E20;
	s28 =	simm.s32 $0x1;
	s6 =	smul.u32 $0x278, s8  }
0x5: {  	s30 =	simm.s32 $0xBA40;
	s31 =	simm.s32 $0x2;
	s17 =	smul.u32 $0x7680, s8  }
0x6: {  	s3 =	sand.u32 $0x1, s3;
	[smem:$0x7FF] =	sst s4;
	s18 =	smul.u32 $0xED00, s8  }
0x7: {  	s29 =	simm.s32 $0x4;
	s15 =	smul.u32 $0x7530, s3;
	_ =	strace $0x80000050  }
0x8: {  	s5 =	ssub.s32 $0x2, s3;
	s3 =	smul.u32 $0x18, s3;
	s1 =	sshrl.u32 s1, $0x3  }
0x9: {  	s7 =	sshrl.u32 s5, $0x1;
	s19 =	sadd.s32 $0x9E, s6;
	s21 =	sshrl.u32 s18, $0x2  }
0xa: {  	s22 =	sadd.s32 $0x7680, s18;
	s1 =	sadd.s32 s1, s0;
	s4 =	sadd.s32 s15, s0  }
0xb: {  	s0 =	sadd.s32 $0x73600, s0;
	s5 =	ssub.s32 s5, s7;
	s9 =	smul.u32 $0x30, s19  }
0xc: {  	s20 =	sor.u32 s3, s17;
	s8 =	smul.u32 $0x60, s19;
	s7 =	sadd.s32 s21, s2  }
0xd: {  	s23 =	sshrl.u32 s22, $0x2;
	s19 =	simm.s32 $0xB;
	s21 =	simm.s32 $0x9C40  }
0xe: {  	s22 =	simm.s32 $0xA3C0;
	s16 =	sadd.s32 $0x2E00, s1;
	s1 =	sadd.s32 $0xCA40, s1  }
0xf: {  	s6 =	sadd.s32 $0x64A00, s4;
	s10 =	sshrl.u32 s20, $0x3;
	s24 =	sadd.s32 $0x3B40, s20  }
0x10: {  	s4 =	sadd.s32 $0x58E0, s20;
	s26 =	smax.u32 s5, $0x1;
	[dreg:$0x3] =	wrdreg s16  }
0x11: {  	s20 =	simm.s32 $0x50;
	s5 =	simm.s32 $0xA;
	[dreg:$0x4] =	wrdreg s1  }
0x12: {  	s10 =	sadd.s32 s0, s10;
	s3 =	sor.u32 s3, s9;
	s8 =	sshrl.u32 s8, $0x2  }
0x13: {  	s1 =	sadd.s32 $0xB1C0, s18;
	s25 =	sshrl.u32 s4, $0x3;
	[dreg:$0xc] =	wrdreg s26  }
0x14: {  	s16 =	simm.s32 $0xC;
	s18 =	simm.s32 $0xC1C0;
	s26 =	simm.s32 $0xB2C0  }
0x15: {  	s4 =	simm.s32 $0x9;
	s9 =	simm.s32 $0x30;
	[dreg:$0x5] =	wrdreg s10  }
0x16: {  	s3 =	sshrl.u32 s3, $0x3;
	s8 =	sadd.s32 s8, s2;
	s1 =	sshrl.u32 s1, $0x2  }
0x17: {  	s10 =	simm.s32 $0x0;
	[dreg:$0x6] =	wrdreg s8;
	s3 =	sadd.s32 s0, s3  }
0x18: {  	s1 =	sadd.s32 s1, s2;
	s8 =	simm.s32 $0x18;
	[dreg:$0x7] =	wrdreg s3  }
.Ltmp0:
0x19: {  	s3 =	sadd.s32 s23, s2;
	[dreg:$0xa] =	wrdreg s1;
	(pc) =	sbr.rel .LBB2_1-.Ltmp0, $4  }
0x1a: {  	s1 =	simm.s32 $0x7;
	[dreg:$0x8] =	wrdreg s3;
	s3 =	sshrl.u32 s24, $0x3  }
0x1b: {  	s23 =	simm.s32 $0x8;
	s24 =	simm.s32 $0xAB40;
	s3 =	sadd.s32 s0, s3  }
0x1c: {  	s0 =	sadd.s32 s0, s25;
	s25 =	simm.s32 $0x3;
	[dreg:$0x9] =	wrdreg s3  }
0x1d: {  	v0 =	vimm.f32 $0.0e+00;
	[dreg:$0xb] =	wrdreg s0;
	s0 =	simm.s32 $0x6;
	s3 =	simm.s32 $0x5  }
.LBB2_6:
0x1e: {  	_ =	swait.ge [sflag:s3], $0x780  }
0x1f: {  	[sflag:s3] =	ssyncset.done $0x0  }
0x20: {  	[sflag:s3] =	ssyncadd.s32 $0xFFFFF880  }
0x21: {  	[spmem:s2] =	stream.indirect.scatter.add.f32 [tilespmem:s30], [sflag:$0xA], $0x18, s13, s20, $0xb8;
	[tilespmem:$0x10BD0] =	vst v63  }
0x22: {  	_ =	swait.ge [sflag:s0], $0x780  }
0x23: {  	[sflag:s0] =	ssyncset.done $0x0  }
0x24: {  	[sflag:s0] =	ssyncadd.s32 $0xFFFFF880  }
0x25: {  	_ =	swait.ge [sflag:s1], $0x780  }
0x26: {  	[sflag:s1] =	ssyncset.done $0x0  }
0x27: {  	[sflag:s1] =	ssyncadd.s32 $0xFFFFF880  }
0x28: {  	_ =	swait.ge [sflag:s23], $0x780  }
0x29: {  	[sflag:s23] =	ssyncset.done $0x0  }
0x2a: {  	[sflag:s23] =	ssyncadd.s32 $0xFFFFF880  }
0x2b: {  	_ =	swait.ge [sflag:s4], $0x780  }
0x2c: {  	[sflag:s4] =	ssyncset.done $0x0  }
0x2d: {  	[sflag:s4] =	ssyncadd.s32 $0xFFFFF880  }
0x2e: {  	_ =	swait.ge [sflag:s5], $0x780  }
0x2f: {  	[sflag:s5] =	ssyncset.done $0x0  }
0x30: {  	[sflag:s5] =	ssyncadd.s32 $0xFFFFF880  }
0x31: {  	[bflag:$0x0] =	sbarrier.arrive $0xFFFF  }
0x32: {  	[tilespmem:s18], [sflag:$0xC] =	stream.linear.gather [spmem:s7], $0xED0, $0x38;
	[tilespmem:$0x10BD0] =	vst v63  }
0x33: {  	_ =	swait.ge [sflag:s16], $0xED0  }
0x34: {  	[sflag:s16] =	ssyncset.done $0x0  }
0x35: {  	s11 =	rddreg [dreg:$0x5];
	[sflag:s16] =	ssyncadd.s32 $0xFFFFF130  }
0x36: {  	[hbm4b:s11+s8] =	stream.strided.scatter [tilespmem:s18], [sflag:$0xC], $0xED0, s9, s8, $0x38;
	[tilespmem:$0x10BD0] =	vst v63  }
0x37: {  	_ =	swait.ge [sflag:s16], $0xED0  }
0x38: {  	[sflag:s16] =	ssyncset.done $0x0  }
0x39: {  	s15 =	rddreg [dreg:$0x6];
	[sflag:s16] =	ssyncadd.s32 $0xFFFFF130  }
0x3a: {  	[tilespmem:s18], [sflag:$0xC] =	stream.linear.gather [spmem:s15], $0xED0, $0x38;
	[tilespmem:$0x10BD0] =	vst v63  }
0x3b: {  	_ =	swait.ge [sflag:s16], $0xED0  }
0x3c: {  	[sflag:s16] =	ssyncset.done $0x0  }
0x3d: {  	s17 =	rddreg [dreg:$0x7];
	[sflag:s16] =	ssyncadd.s32 $0xFFFFF130  }
0x3e: {  	[hbm4b:s17+s8] =	stream.strided.scatter [tilespmem:s18], [sflag:$0xC], $0xED0, s9, s8, $0x38;
	[tilespmem:$0x10BD0] =	vst v63  }
0x3f: {  	_ =	swait.ge [sflag:s16], $0xED0  }
0x40: {  	[sflag:s16] =	ssyncset.done $0x0  }
0x41: {  	s12 =	rddreg [dreg:$0x8];
	[sflag:s16] =	ssyncadd.s32 $0xFFFFF130  }
0x42: {  	[tilespmem:s18], [sflag:$0xC] =	stream.linear.gather [spmem:s12], $0xED0, $0x38;
	[tilespmem:$0x10BD0] =	vst v63  }
0x43: {  	_ =	swait.ge [sflag:s16], $0xED0  }
0x44: {  	[sflag:s16] =	ssyncset.done $0x0  }
0x45: {  	s13 =	rddreg [dreg:$0x9];
	[sflag:s16] =	ssyncadd.s32 $0xFFFFF130  }
0x46: {  	[hbm4b:s13+s8] =	stream.strided.scatter [tilespmem:s18], [sflag:$0xC], $0xED0, s9, s8, $0x38;
	[tilespmem:$0x10BD0] =	vst v63  }
0x47: {  	_ =	swait.ge [sflag:s16], $0xED0  }
0x48: {  	[sflag:s16] =	ssyncset.done $0x0  }
0x49: {  	s14 =	rddreg [dreg:$0xa];
	[sflag:s16] =	ssyncadd.s32 $0xFFFFF130  }
0x4a: {  	[tilespmem:s18], [sflag:$0xC] =	stream.linear.gather [spmem:s14], $0xED0, $0x38;
	[tilespmem:$0x10BD0] =	vst v63  }
0x4b: {  	_ =	swait.ge [sflag:s16], $0xED0  }
0x4c: {  	[sflag:s16] =	ssyncset.done $0x0  }
0x4d: {  	s15 =	rddreg [dreg:$0xb];
	[sflag:s16] =	ssyncadd.s32 $0xFFFFF130  }
0x4e: {  	[hbm4b:s15+s8] =	stream.strided.scatter [tilespmem:s18], [sflag:$0xC], $0xED0, s9, s8, $0x38;
	[tilespmem:$0x10BD0] =	vst v63  }
0x4f: {  	_ =	swait.ge [sflag:s16], $0xED0  }
0x50: {  	s10 =	sadd.s32 $0x1, s10;
	s17 =	rddreg [dreg:$0xc]  }
0x51: {  	p0 =	sne.s32 s10, s17  }
.Ltmp1:
0x52: {  	_ = 	snop;
	(pc) =	sbr.rel @!p0 .LBB2_7-.Ltmp1, $3  }
0x53: {  	_ =	sdelay $0x1  }
0x54: {  	[sflag:s16] =	ssyncset.done $0x0  }
0x55: {  	s13 =	simm.s32 $0x4E20;
	[sflag:s16] =	ssyncadd.s32 $0xFFFFF130  }
.LBB2_1:
0x56: {  	s11 =	simm.s32 $0x0;
	s12 =	rddreg [dreg:$0x3]  }
0x57: {  	[tilespmem:s11], [sflag:$0xC] =	stream.linear.gather [hbm4b:s12+s11], $0x4E20, $0x38;
	[tilespmem:$0x10BD0] =	vst v63  }
0x58: {  	_ =	swait.ge [sflag:s16], $0x4E20  }
0x59: {  	[sflag:s16] =	ssyncset.done $0x0  }
0x5a: {  	s17 =	rddreg [dreg:$0x4];
	[sflag:s16] =	ssyncadd.s32 $0xFFFFB1E0  }
0x5b: {  	[tilespmem:s13], [sflag:$0xC] =	stream.linear.gather [hbm4b:s17+s11], $0x4E20, $0x38;
	[tilespmem:$0x10BD0] =	vst v63  }
0x5c: {  	_ =	swait.ge [sflag:s16], $0x4E20  }
0x5d: {  	[sflag:s16] =	ssyncset.done $0x0  }
0x5e: {  	[sflag:s16] =	ssyncadd.s32 $0xFFFFB1E0  }
0x5f: {  	[tilespmem:$0xC1C0] =	vst v0  }
0x60: {  	[tilespmem:$0xC1D8] =	vst v0  }
0x61: {  	[tilespmem:$0xC1F0] =	vst v0  }
0x62: {  	[tilespmem:$0xC208] =	vst v0  }
0x63: {  	[tilespmem:$0xC220] =	vst v0  }
0x64: {  	[tilespmem:$0xC238] =	vst v0  }
0x65: {  	[tilespmem:$0xC250] =	vst v0  }
0x66: {  	s12 =	sadd.s32 $0x0, s7;
	s11 =	simm.s32 $0x300;
	[tilespmem:$0xC268] =	vst v0  }
.LBB2_2:
0x67: {  	[spmem:s12] =	stream.linear.scatter [tilespmem:s18], [sflag:$0xB], $0xC0, $0x38;
	[tilespmem:$0x10BD0] =	vst v63  }
0x68: {  	s12 =	smov.u32 s11;
	p0 =	sne.s32 s11, $0xEA00  }
.Ltmp2:
0x69: {  	s11 =	sadd.s32 $0x300, s11;
	(pc) =	sbr.rel @p0 .LBB2_2-.Ltmp2, $3  }
0x6a: {  	_ =	sdelay $0x1  }
0x6b: {  	s12 =	sshra.s32 s12, $0x2  }
0x6c: {  	s12 =	sadd.s32 s12, s7  }
0x6d: {  	[spmem:s12] =	stream.linear.scatter [tilespmem:s18], [sflag:$0xB], $0xC0, $0x38;
	[tilespmem:$0x10BD0] =	vst v63  }
0x6e: {  	_ =	swait.ge [sflag:s19], $0x768  }
0x6f: {  	[sflag:s19] =	ssyncset.done $0x0  }
0x70: {  	[sflag:s19] =	ssyncadd.s32 $0xFFFFF898  }
0x71: {  	s11 =	simm.s32 $0x0;
	[bflag:$0x0] =	sbarrier.arrive $0xFFFF  }
0x72: {  	[tilespmem:s21], [sflag:$0x1] =	stream.indirect.gather [hbm4b:s6+s20], $0x18, s11, s20, $0xb8;
	[tilespmem:$0x10BD0] =	vst v63  }
0x73: {  	_ = 	snop  }
0x74: {  	[tilespmem:s22], [sflag:$0x2] =	stream.indirect.gather [hbm4b:s6+s20], $0x18, s20, s20, $0xb8;
	[tilespmem:$0x10BD0] =	vst v63  }
0x75: {  	s14 =	simm.s32 $0xA0  }
0x76: {  	[tilespmem:s24], [sflag:$0x3] =	stream.indirect.gather [hbm4b:s6+s20], $0x18, s14, s20, $0xb8;
	[tilespmem:$0x10BD0] =	vst v63  }
0x77: {  	s15 =	simm.s32 $0xF0  }
0x78: {  	[tilespmem:s26], [sflag:$0x4] =	stream.indirect.gather [hbm4b:s6+s20], $0x18, s15, s20, $0xb8;
	[tilespmem:$0x10BD0] =	vst v63  }
0x79: {  	_ =	swait.ge [sflag:s28], $0x780  }
0x7a: {  	[sflag:s28] =	ssyncset.done $0x0  }
0x7b: {  	[sflag:s28] =	ssyncadd.s32 $0xFFFFF880  }
0x7c: {  	[spmem:s2] =	stream.indirect.scatter.add.f32 [tilespmem:s21], [sflag:$0x6], $0x18, s13, s20, $0xb8;
	[tilespmem:$0x10BD0] =	vst v63  }
0x7d: {  	s17 =	simm.s32 $0x140  }
0x7e: {  	[tilespmem:s30], [sflag:$0x5] =	stream.indirect.gather [hbm4b:s6+s20], $0x18, s17, s20, $0xb8;
	[tilespmem:$0x10BD0] =	vst v63  }
0x7f: {  	_ =	swait.ge [sflag:s31], $0x780  }
0x80: {  	[sflag:s31] =	ssyncset.done $0x0  }
0x81: {  	s13 =	simm.s32 $0x4E70;
	[sflag:s31] =	ssyncadd.s32 $0xFFFFF880  }
0x82: {  	[spmem:s2] =	stream.indirect.scatter.add.f32 [tilespmem:s22], [sflag:$0x7], $0x18, s13, s20, $0xb8;
	[tilespmem:$0x10BD0] =	vst v63  }
0x83: {  	_ =	swait.ge [sflag:s0], $0x780  }
0x84: {  	[sflag:s0] =	ssyncset.done $0x0  }
0x85: {  	s14 =	simm.s32 $0x190;
	[sflag:s0] =	ssyncadd.s32 $0xFFFFF880  }
0x86: {  	[tilespmem:s21], [sflag:$0x1] =	stream.indirect.gather [hbm4b:s6+s20], $0x18, s14, s20, $0xb8;
	[tilespmem:$0x10BD0] =	vst v63  }
0x87: {  	_ =	swait.ge [sflag:s25], $0x780  }
0x88: {  	[sflag:s25] =	ssyncset.done $0x0  }
0x89: {  	s15 =	simm.s32 $0x4EC0;
	[sflag:s25] =	ssyncadd.s32 $0xFFFFF880  }
0x8a: {  	[spmem:s2] =	stream.indirect.scatter.add.f32 [tilespmem:s24], [sflag:$0x8], $0x18, s15, s20, $0xb8;
	[tilespmem:$0x10BD0] =	vst v63  }
0x8b: {  	_ =	swait.ge [sflag:s1], $0x780  }
0x8c: {  	[sflag:s1] =	ssyncset.done $0x0  }
0x8d: {  	s17 =	simm.s32 $0x1E0;
	[sflag:s1] =	ssyncadd.s32 $0xFFFFF880  }
0x8e: {  	[tilespmem:s22], [sflag:$0x2] =	stream.indirect.gather [hbm4b:s6+s20], $0x18, s17, s20, $0xb8;
	[tilespmem:$0x10BD0] =	vst v63  }
0x8f: {  	_ =	swait.ge [sflag:s29], $0x780  }
0x90: {  	[sflag:s29] =	ssyncset.done $0x0  }
0x91: {  	s13 =	simm.s32 $0x4F10;
	[sflag:s29] =	ssyncadd.s32 $0xFFFFF880  }
0x92: {  	[spmem:s2] =	stream.indirect.scatter.add.f32 [tilespmem:s26], [sflag:$0x9], $0x18, s13, s20, $0xb8;
	[tilespmem:$0x10BD0] =	vst v63  }
0x93: {  	_ =	swait.ge [sflag:s23], $0x780  }
0x94: {  	[sflag:s23] =	ssyncset.done $0x0  }
0x95: {  	s14 =	simm.s32 $0x230;
	[sflag:s23] =	ssyncadd.s32 $0xFFFFF880  }
0x96: {  	[tilespmem:s24], [sflag:$0x3] =	stream.indirect.gather [hbm4b:s6+s20], $0x18, s14, s20, $0xb8;
	[tilespmem:$0x10BD0] =	vst v63  }
0x97: {  	_ =	swait.ge [sflag:s3], $0x780  }
0x98: {  	[sflag:s3] =	ssyncset.done $0x0  }
0x99: {  	s15 =	simm.s32 $0x4F60;
	[sflag:s3] =	ssyncadd.s32 $0xFFFFF880  }
0x9a: {  	[spmem:s2] =	stream.indirect.scatter.add.f32 [tilespmem:s30], [sflag:$0xA], $0x18, s15, s20, $0xb8;
	[tilespmem:$0x10BD0] =	vst v63  }
0x9b: {  	_ =	swait.ge [sflag:s4], $0x780  }
0x9c: {  	[sflag:s4] =	ssyncset.done $0x0  }
0x9d: {  	s17 =	simm.s32 $0x280;
	[sflag:s4] =	ssyncadd.s32 $0xFFFFF880  }
0x9e: {  	[tilespmem:s26], [sflag:$0x4] =	stream.indirect.gather [hbm4b:s6+s20], $0x18, s17, s20, $0xb8;
	[tilespmem:$0x10BD0] =	vst v63  }
.LBB2_4:
0x9f: {  	_ =	swait.ge [sflag:s28], $0x780  }
0xa0: {  	s12 =	sshra.s32 s11, $0x2;
	[sflag:s28] =	ssyncset.done $0x0  }
0xa1: {  	s13 =	sadd.s32 $0x4FB0, s12;
	[sflag:s28] =	ssyncadd.s32 $0xFFFFF880  }
0xa2: {  	[spmem:s2] =	stream.indirect.scatter.add.f32 [tilespmem:s21], [sflag:$0x6], $0x18, s13, s20, $0xb8;
	[tilespmem:$0x10BD0] =	vst v63  }
0xa3: {  	_ =	swait.ge [sflag:s5], $0x780  }
0xa4: {  	[sflag:s5] =	ssyncset.done $0x0  }
0xa5: {  	s14 =	sadd.s32 $0x2D0, s12;
	[sflag:s5] =	ssyncadd.s32 $0xFFFFF880  }
0xa6: {  	[tilespmem:s30], [sflag:$0x5] =	stream.indirect.gather [hbm4b:s6+s20], $0x18, s14, s20, $0xb8;
	[tilespmem:$0x10BD0] =	vst v63  }
0xa7: {  	_ =	swait.ge [sflag:s31], $0x780  }
0xa8: {  	p0 =	seq.s32 s11, $0x12C00;
	[sflag:s31] =	ssyncset.done $0x0  }
0xa9: {  	s15 =	sadd.s32 $0x5000, s12;
	s13 =	simm.s32 @p0 $0x3;
	[sflag:s31] =	ssyncadd.s32 $0xFFFFF880  }
0xaa: {  	[spmem:s2] =	stream.indirect.scatter.add.f32 [tilespmem:s22], [sflag:$0x7], $0x18, s15, s20, $0xb8;
	[tilespmem:$0x10BD0] =	vst v63  }
0xab: {  	_ =	swait.ge @p0 [sflag:s13], $0x780  }
0xac: {  	[sflag:s13] =	ssyncset.done @p0 $0x0  }
0xad: {  	[sflag:s13] =	ssyncadd.s32 @p0 $0xFFFFF880;
	s13 =	sshra.s32 @p0 s11, $0x2  }
0xae: {  	s17 =	simm.s32 @p0 $0x50;
	s14 =	simm.s32 @p0 $0xAB40;
	s13 =	sadd.s32 @p0 $0x5050, s13  }
0xaf: {  	[spmem:s2] =	stream.indirect.scatter.add.f32 @p0 [tilespmem:s14], [sflag:$0x8], $0x18, s13, s17, $0xb8;
	[tilespmem:$0x10BD0] =	vst v63  }
0xb0: {  	s13 =	simm.s32 @!p0 $0x6  }
0xb1: {  	_ =	swait.ge @!p0 [sflag:s13], $0x780  }
0xb2: {  	[sflag:s13] =	ssyncset.done @!p0 $0x0  }
0xb3: {  	[sflag:s13] =	ssyncadd.s32 @!p0 $0xFFFFF880;
	s13 =	sshra.s32 @!p0 s11, $0x2  }
0xb4: {  	s15 =	simm.s32 @!p0 $0x9C40;
	s17 =	simm.s32 @!p0 $0x50;
	s14 =	sadd.s32 @!p0 $0x320, s13  }
0xb5: {  	[tilespmem:s15], [sflag:$0x1] =	stream.indirect.gather @!p0 [hbm4b:s6+s17], $0x18, s14, s17, $0xb8;
	[tilespmem:$0x10BD0] =	vst v63  }
0xb6: {  	s14 =	simm.s32 @!p0 $0x3  }
0xb7: {  	_ =	swait.ge @!p0 [sflag:s14], $0x780  }
0xb8: {  	[sflag:s14] =	ssyncset.done @!p0 $0x0  }
0xb9: {  	s15 =	simm.s32 @!p0 $0xAB40;
	[sflag:s14] =	ssyncadd.s32 @!p0 $0xFFFFF880;
	s14 =	sadd.s32 @!p0 $0x5050, s13  }
0xba: {  	[spmem:s2] =	stream.indirect.scatter.add.f32 @!p0 [tilespmem:s15], [sflag:$0x8], $0x18, s14, s17, $0xb8;
	[tilespmem:$0x10BD0] =	vst v63  }
0xbb: {  	s14 =	simm.s32 @!p0 $0x7  }
0xbc: {  	_ =	swait.ge @!p0 [sflag:s14], $0x780  }
0xbd: {  	[sflag:s14] =	ssyncset.done @!p0 $0x0  }
0xbe: {  	s13 =	sadd.s32 @!p0 $0x370, s13;
	[sflag:s14] =	ssyncadd.s32 @!p0 $0xFFFFF880;
	s14 =	simm.s32 @!p0 $0xA3C0  }
0xbf: {  	[tilespmem:s14], [sflag:$0x2] =	stream.indirect.gather @!p0 [hbm4b:s6+s17], $0x18, s13, s17, $0xb8;
	[tilespmem:$0x10BD0] =	vst v63  }
.Ltmp3:
0xc0: {  	_ = 	snop;
	(pc) =	sbr.rel @p0 .LBB2_6-.Ltmp3, $4  }
0xc1: {  	_ =	swait.ge [sflag:s29], $0x780  }
0xc2: {  	[sflag:s29] =	ssyncset.done $0x0  }
0xc3: {  	s17 =	sadd.s32 $0x50A0, s12;
	s13 =	sadd.s32 $0x50F0, s12;
	[sflag:s29] =	ssyncadd.s32 $0xFFFFF880  }
0xc4: {  	[spmem:s2] =	stream.indirect.scatter.add.f32 [tilespmem:s26], [sflag:$0x9], $0x18, s17, s20, $0xb8;
	[tilespmem:$0x10BD0] =	vst v63  }
0xc5: {  	_ =	swait.ge [sflag:s23], $0x780  }
0xc6: {  	[sflag:s23] =	ssyncset.done $0x0  }
0xc7: {  	s14 =	sadd.s32 $0x3C0, s12;
	[sflag:s23] =	ssyncadd.s32 $0xFFFFF880  }
0xc8: {  	[tilespmem:s24], [sflag:$0x3] =	stream.indirect.gather [hbm4b:s6+s20], $0x18, s14, s20, $0xb8;
	[tilespmem:$0x10BD0] =	vst v63  }
0xc9: {  	_ =	swait.ge [sflag:s3], $0x780  }
0xca: {  	[sflag:s3] =	ssyncset.done $0x0  }
0xcb: {  	[sflag:s3] =	ssyncadd.s32 $0xFFFFF880  }
0xcc: {  	[spmem:s2] =	stream.indirect.scatter.add.f32 [tilespmem:s30], [sflag:$0xA], $0x18, s13, s20, $0xb8;
	[tilespmem:$0x10BD0] =	vst v63  }
.Ltmp4:
0xcd: {  	_ = 	snop;
	(pc) =	sbr.rel .LBB2_4-.Ltmp4, $4  }
0xce: {  	_ =	swait.ge [sflag:s4], $0x780  }
0xcf: {  	[sflag:s4] =	ssyncset.done $0x0  }
0xd0: {  	s17 =	sadd.s32 $0x410, s12;
	s11 =	sadd.s32 $0x640, s11;
	[sflag:s4] =	ssyncadd.s32 $0xFFFFF880  }
0xd1: {  	[tilespmem:s26], [sflag:$0x4] =	stream.indirect.gather [hbm4b:s6+s20], $0x18, s17, s20, $0xb8;
	[tilespmem:$0x10BD0] =	vst v63  }
.LBB2_7:
0xd2: {  	_ =	sfence.sel $0x180000  }
0xd3: {  	[bflag:$0x0] =	sbarrier.arrive $0xFFFF  }
0xd4: {  	_ =	strace $0x90000050  }
0xd5: {  	s0 =	stileid.u32;
	[bflag:$0x2] =	sbarrier.arrive $0xFFFF  }
0xd6: {  	p0 =	sne.s32 s0, $0x0;
	s0 =	rddreg [dreg:$0x2]  }
0xd7: {  	s0 =	sadd.s32 @!p0 $0x100000, s0  }
0xd8: {  	[sflag:s0] =	ssyncadd.tile.s32 @!p0 $0x1;
	_ =	shalt  }
.Lfunc_end2:
_tile_overlayer_lowered:
.L_overlay_start_2:
0xd9: {  	(tag) =	ssettag $0x2  }
0xda: {  	s0 =	rddreg [dreg:$0x0];
	s2 =	stileid.u32  }
0xdb: {  	s1 =	rddreg [dreg:$0x1];
	p0 =	sne.s32 s2, $0x0  }
0xdc: {  	s3 =	rddreg [dreg:$0x2];
	[bflag:$0x3] =	sbarrier.arrive $0xFFFF;
	s2 =	simm.s32 @!p0 $0x1C0C  }
0xdd: {  	[timem:s3], [sflag:s2] =	dma.local @!p0 [hbm:s0], s1  }
0xde: {  	s0 =	simm.s32 @!p0 $0xC  }
0xdf: {  	_ =	swait.ge @!p0 [sflag:s0], s1  }
0xe0: {  	s1 =	ssub.s32 @!p0 $0x0, s1;
	[sflag:s0] =	ssyncset.done @!p0 $0x0  }
0xe1: {  	[sflag:s0] =	ssyncadd.s32 @!p0 s1  }
0xe2: {  	[bflag:$0x3] =	sbarrier.arrive $0xFFFF  }
0xe3: {  	_ =	shalt  }

</sc_bundles>
